<compile_context>
chip_gen: v7x
topology: tpu7x:2x2x1
jax: 0.10.2.dev20260603
libtpu: 0.0.44.dev20260713+nightly
codegen_flags: <defaults>
</compile_context>

<pallas_src>
import functools

import jax
import jax.numpy as jnp
from jax import lax
from jax.experimental import pallas as pl
from jax.experimental.pallas import tpu as pltpu
from jax.experimental.pallas import tpu_sc as plsc

N = 10000
D = 128
E = 320000
NUM_LAYERS = 3

NC, NS = 2, 16
N_TILES = NC * NS
CH = 64
NBUF = 4
GCH = 32
CPT = 160
E_PAD = N_TILES * CPT * CH
N_CHUNKS = E_PAD // CH
N_PAD = 10112
DUMP_ROW = N
ZROWS = N_PAD // NS

_HI = jax.lax.Precision.HIGHEST


def _sc_agg_body(x_hbm, src_hbm, dst_hbm, z_hbm, out_hbm,
                 srcv, dstv, bufs, gsems, ssems, agg):
    cid = lax.axis_index("c")
    sid = lax.axis_index("s")
    tile = cid * NS + sid

    pltpu.sync_copy(z_hbm, agg.at[pl.ds(sid * ZROWS, ZROWS)])
    plsc.subcore_barrier()

    def gather(j, b):
        pltpu.async_copy(x_hbm.at[srcv.at[j]], bufs[b], gsems[b])

    def wait_gather(j, b):
        pltpu.make_async_copy(x_hbm.at[srcv.at[j]], bufs[b], gsems[b]).wait()

    def scatter(j, b):
        pltpu.async_copy(bufs[b], agg.at[dstv.at[j]], ssems[b], add=True)

    def wait_scatter(j, b):
        pltpu.make_async_copy(bufs[b], agg.at[dstv.at[j]], ssems[b]).wait()

    @pl.loop(0, 1)
    def _(g):
        base = pl.multiple_of(tile * CPT + g * GCH, 8)
        pltpu.sync_copy(src_hbm.at[pl.ds(base, GCH)], srcv)
        pltpu.sync_copy(dst_hbm.at[pl.ds(base, GCH)], dstv)

        for b in range(NBUF):
            gather(b, b)

        @pl.loop(0, GCH // NBUF - 1)
        def _(jq):
            j = jq * NBUF
            for b in range(NBUF):
                wait_gather(j + b, b)
                scatter(j + b, b)
            for b in range(NBUF):
                wait_scatter(j + b, b)
                gather(j + NBUF + b, b)

        jl = GCH - NBUF
        for b in range(NBUF):
            wait_gather(jl + b, b)
            scatter(jl + b, b)
        for b in range(NBUF):
            wait_scatter(jl + b, b)

    plsc.subcore_barrier()
    pltpu.sync_copy(agg.at[pl.ds(sid * ZROWS, ZROWS)],
                    out_hbm.at[cid, pl.ds(sid * ZROWS, ZROWS)])


@functools.lru_cache(maxsize=None)
def _make_sc_aggregate():
    return pl.kernel(
        _sc_agg_body,
        out_type=jax.ShapeDtypeStruct((NC, N_PAD, D), jnp.float32),
        mesh=plsc.VectorSubcoreMesh(core_axis_name="c", subcore_axis_name="s",
                                    num_cores=NC, num_subcores=NS),
        scratch_types=[
            pltpu.VMEM((GCH, CH), jnp.int32),
            pltpu.VMEM((GCH, CH), jnp.int32),
            [pltpu.VMEM((CH, D), jnp.float32)] * NBUF,
            [pltpu.SemaphoreType.DMA] * NBUF,
            [pltpu.SemaphoreType.DMA] * NBUF,
            pltpu.VMEM_SHARED((N_PAD, D), jnp.float32),
        ],
    )


def _sc_aggregate(*args):
    return _make_sc_aggregate()(*args)


def _roll(v, shift):
    return pltpu.roll(v, shift % 128, axis=1)


def _bitonic128(v):
    lane = lax.broadcasted_iota(jnp.int32, v.shape, 1)
    k = 2
    while k <= 128:
        j = k // 2
        while j >= 1:
            upper = (lane & j) != 0
            pa = jnp.where(upper, _roll(v, j), _roll(v, -j))
            keep_min = jnp.logical_not(upper) == ((lane & k) == 0)
            v = jnp.where(keep_min, jnp.minimum(v, pa), jnp.maximum(v, pa))
            j //= 2
        k *= 2
    return v


def _tc_layer_body(x_ref, n_ref, wm_ref, ws_ref, g_ref, b_ref,
                   wh_ref, bh_ref, o_ref, o2_ref, *, residual, head):
    ns = n_ref[0] + n_ref[1]
    t = lax.dot(ns, wm_ref[...], precision=_HI,
                preferred_element_type=jnp.float32)
    h = _bitonic128(t)
    h = h + lax.dot(x_ref[...], ws_ref[...], precision=_HI,
                    preferred_element_type=jnp.float32)
    mu = jnp.mean(h, axis=-1, keepdims=True)
    c = h - mu
    var = jnp.mean(c * c, axis=-1, keepdims=True)
    h = c * lax.rsqrt(var + 1e-5) * g_ref[...] + b_ref[...]
    if residual:
        h = h + x_ref[...]
    o2_ref[...] = h
    if head:
        h = lax.dot(h, wh_ref[...], precision=_HI,
                    preferred_element_type=jnp.float32) + bh_ref[...]
    o_ref[...] = h


def _tc_layer(x, n, wm, ws, g, b, wh, bh, *, residual, head, block_rows=1000):
    grid = N // block_rows
    full = lambda i: (0, 0)
    return pl.pallas_call(
        functools.partial(_tc_layer_body, residual=residual, head=head),
        grid=(grid,),
        in_specs=[
            pl.BlockSpec((block_rows, D), lambda i: (i, 0)),
            pl.BlockSpec((NC, block_rows, D), lambda i: (0, i, 0)),
            pl.BlockSpec((D, D), full),
            pl.BlockSpec((D, D), full),
            pl.BlockSpec((1, D), full),
            pl.BlockSpec((1, D), full),
            pl.BlockSpec((D, D), full),
            pl.BlockSpec((1, D), full),
        ],
        out_specs=[pl.BlockSpec((block_rows, D), lambda i: (i, 0)),
                   pl.BlockSpec((block_rows, D), lambda i: (i, 0))],
        out_shape=[jax.ShapeDtypeStruct((N, D), jnp.float32),
                   jax.ShapeDtypeStruct((N, D), jnp.float32)],
    )(x, n, wm, ws, g, b, wh, bh)


def kernel(x, edge_index, Wm, Ws, gamma, beta, W_head, b_head):
    src = edge_index[0].astype(jnp.int32)
    dst = edge_index[1].astype(jnp.int32)
    pad = E_PAD - E
    src_p = jnp.concatenate([src, jnp.zeros((pad,), jnp.int32)]).reshape(N_CHUNKS, CH)
    dump = DUMP_ROW + jnp.arange(pad, dtype=jnp.int32) % (N_PAD - N)
    dst_p = jnp.concatenate([dst, dump]).reshape(N_CHUNKS, CH)
    z = jnp.zeros((ZROWS, D), jnp.float32)
    g2 = gamma.reshape(NUM_LAYERS, 1, D)
    b2 = beta.reshape(NUM_LAYERS, 1, D)
    bh2 = b_head.reshape(1, D)

    h = x
    for i in range(NUM_LAYERS):
        npart = _sc_aggregate(h, src_p, dst_p, z)
        h, _ = _tc_layer(h, npart, Wm[i], Ws[i], g2[i], b2[i], W_head, bh2,
                         residual=(i > 0), head=(i == NUM_LAYERS - 1))
    return h

# --- scband reference (transcript-rebuilt; emitter-appended) ---
"""Pipeline reference for scband-sort-mpnn-2748779070263 (READ-ONLY COPY).

The authoritative reference and input builder live on the scoring server;
editing this copy changes nothing except your own understanding.
"""

import jax, jax.numpy as jnp
import numpy as np

N_NODES = 10000
N_EDGES = 320000
D = 128
NUM_LAYERS = 3


def setup_inputs(seed: int = 0) -> dict:
    key = jax.random.key(seed)
    ks = jax.random.split(key, 8)
    x = jax.random.normal(ks[0], (N_NODES, D), dtype=jnp.float32)
    edge_index = jax.random.randint(ks[1], (2, N_EDGES), 0, N_NODES, dtype=jnp.int64)
    # learned parameters: per-layer message and self weights, layernorm affine, head
    Wm = jax.random.normal(ks[2], (NUM_LAYERS, D, D), dtype=jnp.float32) * (1.0 / np.sqrt(D))
    Ws = jax.random.normal(ks[3], (NUM_LAYERS, D, D), dtype=jnp.float32) * (1.0 / np.sqrt(D))
    gamma = jnp.ones((NUM_LAYERS, D), dtype=jnp.float32)
    beta = jnp.zeros((NUM_LAYERS, D), dtype=jnp.float32)
    W_head = jax.random.normal(ks[4], (D, D), dtype=jnp.float32) * (1.0 / np.sqrt(D))
    b_head = jnp.zeros((D,), dtype=jnp.float32)
    return {"x": x, "edge_index": edge_index, "Wm": Wm, "Ws": Ws,
            "gamma": gamma, "beta": beta, "W_head": W_head, "b_head": b_head}


def _layer_norm(h, g, b, eps=1e-5):
    mu = jnp.mean(h, axis=-1, keepdims=True)
    var = jnp.var(h, axis=-1, keepdims=True)
    return (h - mu) * jax.lax.rsqrt(var + eps) * g + b


def reference(x, edge_index, Wm, Ws, gamma, beta, W_head, b_head):
    # SortMPNN with blank_vector_method='zero', residual=True, dropout=0 (eval),
    # norm='layer', combine=LinearCombination, node-level head.
    src = edge_index[0]
    dst = edge_index[1]
    for i in range(NUM_LAYERS):
        blank_vec = jnp.zeros((D,), dtype=x.dtype)  # zero blank vector each layer
        # SortConv: linear message, gather by src, scatter-add by dst,
        # blank vector augments each neighborhood, sort as the non-linearity.
        msg = (x @ Wm[i])[src]
        agg = jax.ops.segment_sum(msg, dst, num_segments=N_NODES)
        agg = agg + blank_vec[None, :]
        h = jnp.sort(agg, axis=-1)
        h = x @ Ws[i] + h  # linear combination with self representation
        h = _layer_norm(h, gamma[i], beta[i])
        if i > 0:  # skip connections (applied for i > 0 as in forward)
            h = h + x
        x = h
    out = x @ W_head + b_head  # post_mp node head
    return out

if __name__ == "__main__":
    import jax
    _d = setup_inputs()
    print(jax.jit(kernel)(*tuple(_d.values())))

</pallas_src>

<mosaic_0001>
#map = affine_map<(d0, d1) -> (0, 0)>
#map1 = affine_map<(d0, d1) -> (0, 0, 0)>
module attributes {stable_mosaic.version = 14 : i64} {
  func.func @_sc_agg_body(%arg0: i32, %arg1: i32, %arg2: memref<10000x128xf32, #tpu.memory_space<hbm>>, %arg3: memref<5120x64xi32, #tpu.memory_space<hbm>>, %arg4: memref<5120x64xi32, #tpu.memory_space<hbm>>, %arg5: memref<632x128xf32, #tpu.memory_space<hbm>>, %arg6: memref<2x10112x128xf32, #tpu.memory_space<hbm>>, %arg7: memref<32x64xi32, #tpu.memory_space<vmem>>, %arg8: memref<32x64xi32, #tpu.memory_space<vmem>>, %arg9: memref<64x128xf32, #tpu.memory_space<vmem>>, %arg10: memref<64x128xf32, #tpu.memory_space<vmem>>, %arg11: memref<64x128xf32, #tpu.memory_space<vmem>>, %arg12: memref<64x128xf32, #tpu.memory_space<vmem>>, %arg13: memref<!tpu.dma_semaphore, #tpu.memory_space<semaphore_mem>>, %arg14: memref<!tpu.dma_semaphore, #tpu.memory_space<semaphore_mem>>, %arg15: memref<!tpu.dma_semaphore, #tpu.memory_space<semaphore_mem>>, %arg16: memref<!tpu.dma_semaphore, #tpu.memory_space<semaphore_mem>>, %arg17: memref<!tpu.dma_semaphore, #tpu.memory_space<semaphore_mem>>, %arg18: memref<!tpu.dma_semaphore, #tpu.memory_space<semaphore_mem>>, %arg19: memref<!tpu.dma_semaphore, #tpu.memory_space<semaphore_mem>>, %arg20: memref<!tpu.dma_semaphore, #tpu.memory_space<semaphore_mem>>, %arg21: memref<10112x128xf32, #tpu.memory_space<vmem_shared>>) attributes {dimension_semantics = [#tpu.dimension_semantics<core_parallel>, #tpu.dimension_semantics<subcore_parallel>], iteration_bounds = array<i64: 2, 16>, scalar_prefetch = 0 : i64, scratch_operands = 15 : i64, tpu.core_type = #tpu.core_type<sc_vector_subcore>, window_params = [{transform_indices = #map}, {transform_indices = #map}, {transform_indices = #map}, {transform_indices = #map}, {transform_indices = #map1}]} {
    %mul3A = arith.constant 16 : i32
    %mul3A_0 = arith.muli %arg0, %mul3A : i32
    %add3A = arith.addi %mul3A_0, %arg1 : i32
    %mul3A_1 = arith.constant 632 : i32
    %mul3A_2 = arith.muli %arg1, %mul3A_1 : i32
    "tpu.region"() ({
      %run_scoped3A = tpu.sem_alloc : memref<!tpu.dma_semaphore, #tpu.memory_space<semaphore_mem>>
      %dma_start3A_133 = arith.constant 0 : i32
      %dma_start3A_134 = tpu.memref_slice %arg21[%mul3A_2, %dma_start3A_133] : memref<10112x128xf32, #tpu.memory_space<vmem_shared>> -> memref<632x128xf32, #tpu.memory_space<vmem_shared>>
      tpu.enqueue_dma source(%arg5 : memref<632x128xf32, #tpu.memory_space<hbm>>) target(%dma_start3A_134 : memref<632x128xf32, #tpu.memory_space<vmem_shared>>) target_semaphore(%run_scoped3A : memref<!tpu.dma_semaphore, #tpu.memory_space<semaphore_mem>>)
      %dma_wait3A_135 = arith.constant 0 : i32
      %dma_wait3A_136 = tpu.memref_slice %arg21[%mul3A_2, %dma_wait3A_135] : memref<10112x128xf32, #tpu.memory_space<vmem_shared>> -> memref<632x128xf32, #tpu.memory_space<vmem_shared>>
      tpu.wait_dma2 semaphore(%run_scoped3A : memref<!tpu.dma_semaphore, #tpu.memory_space<semaphore_mem>>) src(%arg5 : memref<632x128xf32, #tpu.memory_space<hbm>>) dst(%dma_wait3A_136 : memref<632x128xf32, #tpu.memory_space<vmem_shared>>)
      tpu.yield
    }) : () -> ()
    %barrier3A = arith.constant 0 : index
    tpu.barrier barrier_id(%barrier3A)
    %scan3A = arith.constant 0 : i32
    %mul3A_3 = arith.constant 1 : i32
    %mul3A_4 = arith.muli %scan3A, %mul3A_3 : i32
    %add3A_5 = arith.constant 0 : i32
    %add3A_6 = arith.addi %add3A_5, %mul3A_4 : i32
    %mul3A_7 = arith.constant 160 : i32
    %mul3A_8 = arith.muli %add3A, %mul3A_7 : i32
    %mul3A_9 = arith.constant 32 : i32
    %mul3A_10 = arith.muli %add3A_6, %mul3A_9 : i32
    %add3A_11 = arith.addi %mul3A_8, %mul3A_10 : i32
    %multiple_of3A = tpu.assume_multiple %add3A_11, 8 : i32
    "tpu.region"() ({
      %run_scoped3A = tpu.sem_alloc : memref<!tpu.dma_semaphore, #tpu.memory_space<semaphore_mem>>
      %dma_start3A_133 = arith.constant 0 : i32
      %dma_start3A_134 = tpu.memref_slice %arg3[%multiple_of3A, %dma_start3A_133] : memref<5120x64xi32, #tpu.memory_space<hbm>> -> memref<32x64xi32, #tpu.memory_space<hbm>>
      %dma_start3A_135 = arith.constant 0 : i32
      %dma_start3A_136 = tpu.memref_slice %arg3[%multiple_of3A, %dma_start3A_135] : memref<5120x64xi32, #tpu.memory_space<hbm>> -> memref<32x64xi32, #tpu.memory_space<hbm>>
      tpu.enqueue_dma source(%dma_start3A_136 : memref<32x64xi32, #tpu.memory_space<hbm>>) target(%arg7 : memref<32x64xi32, #tpu.memory_space<vmem>>) target_semaphore(%run_scoped3A : memref<!tpu.dma_semaphore, #tpu.memory_space<semaphore_mem>>)
      %dma_wait3A_137 = arith.constant 0 : i32
      %dma_wait3A_138 = tpu.memref_slice %arg3[%multiple_of3A, %dma_wait3A_137] : memref<5120x64xi32, #tpu.memory_space<hbm>> -> memref<32x64xi32, #tpu.memory_space<hbm>>
      %dma_wait3A_139 = arith.constant 0 : i32
      %dma_wait3A_140 = tpu.memref_slice %arg3[%multiple_of3A, %dma_wait3A_139] : memref<5120x64xi32, #tpu.memory_space<hbm>> -> memref<32x64xi32, #tpu.memory_space<hbm>>
      tpu.wait_dma2 semaphore(%run_scoped3A : memref<!tpu.dma_semaphore, #tpu.memory_space<semaphore_mem>>) src(%dma_wait3A_140 : memref<32x64xi32, #tpu.memory_space<hbm>>) dst(%arg7 : memref<32x64xi32, #tpu.memory_space<vmem>>)
      tpu.yield
    }) : () -> ()
    "tpu.region"() ({
      %run_scoped3A = tpu.sem_alloc : memref<!tpu.dma_semaphore, #tpu.memory_space<semaphore_mem>>
      %dma_start3A_133 = arith.constant 0 : i32
      %dma_start3A_134 = tpu.memref_slice %arg4[%multiple_of3A, %dma_start3A_133] : memref<5120x64xi32, #tpu.memory_space<hbm>> -> memref<32x64xi32, #tpu.memory_space<hbm>>
      %dma_start3A_135 = arith.constant 0 : i32
      %dma_start3A_136 = tpu.memref_slice %arg4[%multiple_of3A, %dma_start3A_135] : memref<5120x64xi32, #tpu.memory_space<hbm>> -> memref<32x64xi32, #tpu.memory_space<hbm>>
      tpu.enqueue_dma source(%dma_start3A_136 : memref<32x64xi32, #tpu.memory_space<hbm>>) target(%arg8 : memref<32x64xi32, #tpu.memory_space<vmem>>) target_semaphore(%run_scoped3A : memref<!tpu.dma_semaphore, #tpu.memory_space<semaphore_mem>>)
      %dma_wait3A_137 = arith.constant 0 : i32
      %dma_wait3A_138 = tpu.memref_slice %arg4[%multiple_of3A, %dma_wait3A_137] : memref<5120x64xi32, #tpu.memory_space<hbm>> -> memref<32x64xi32, #tpu.memory_space<hbm>>
      %dma_wait3A_139 = arith.constant 0 : i32
      %dma_wait3A_140 = tpu.memref_slice %arg4[%multiple_of3A, %dma_wait3A_139] : memref<5120x64xi32, #tpu.memory_space<hbm>> -> memref<32x64xi32, #tpu.memory_space<hbm>>
      tpu.wait_dma2 semaphore(%run_scoped3A : memref<!tpu.dma_semaphore, #tpu.memory_space<semaphore_mem>>) src(%dma_wait3A_140 : memref<32x64xi32, #tpu.memory_space<hbm>>) dst(%arg8 : memref<32x64xi32, #tpu.memory_space<vmem>>)
      tpu.yield
    }) : () -> ()
    %dma_start3A = arith.constant 0 : i32
    %dma_start3A_12 = arith.constant 0 : i32
    %dma_start3A_13 = tpu.memref_slice %arg7[%dma_start3A, %dma_start3A_12] : memref<32x64xi32, #tpu.memory_space<vmem>> -> memref<1x64xi32, #tpu.memory_space<vmem>>
    %dma_start3A_14 = tpu.memref_squeeze %dma_start3A_13 : memref<1x64xi32, #tpu.memory_space<vmem>> -> memref<64xi32, #tpu.memory_space<vmem>>
    %dma_start3A_15 = arith.constant 0 : i32
    %dma_start3A_16 = arith.constant 0 : i32
    %dma_start3A_17 = tpu.memref_slice %arg2[%dma_start3A_15, %dma_start3A_16] : memref<10000x128xf32, #tpu.memory_space<hbm>> -> memref<10000x128xf32, #tpu.memory_space<hbm>>
    tpu.enqueue_indirect_dma source(%dma_start3A_17 : memref<10000x128xf32, #tpu.memory_space<hbm>>) target(%arg9 : memref<64x128xf32, #tpu.memory_space<vmem>>) offsets(%dma_start3A_14 : memref<64xi32, #tpu.memory_space<vmem>>) semaphore(%arg13 : memref<!tpu.dma_semaphore, #tpu.memory_space<semaphore_mem>>)
    %dma_start3A_18 = arith.constant 1 : i32
    %dma_start3A_19 = arith.constant 0 : i32
    %dma_start3A_20 = tpu.memref_slice %arg7[%dma_start3A_18, %dma_start3A_19] : memref<32x64xi32, #tpu.memory_space<vmem>> -> memref<1x64xi32, #tpu.memory_space<vmem>>
    %dma_start3A_21 = tpu.memref_squeeze %dma_start3A_20 : memref<1x64xi32, #tpu.memory_space<vmem>> -> memref<64xi32, #tpu.memory_space<vmem>>
    %dma_start3A_22 = arith.constant 0 : i32
    %dma_start3A_23 = arith.constant 0 : i32
    %dma_start3A_24 = tpu.memref_slice %arg2[%dma_start3A_22, %dma_start3A_23] : memref<10000x128xf32, #tpu.memory_space<hbm>> -> memref<10000x128xf32, #tpu.memory_space<hbm>>
    tpu.enqueue_indirect_dma source(%dma_start3A_24 : memref<10000x128xf32, #tpu.memory_space<hbm>>) target(%arg10 : memref<64x128xf32, #tpu.memory_space<vmem>>) offsets(%dma_start3A_21 : memref<64xi32, #tpu.memory_space<vmem>>) semaphore(%arg14 : memref<!tpu.dma_semaphore, #tpu.memory_space<semaphore_mem>>)
    %dma_start3A_25 = arith.constant 2 : i32
    %dma_start3A_26 = arith.constant 0 : i32
    %dma_start3A_27 = tpu.memref_slice %arg7[%dma_start3A_25, %dma_start3A_26] : memref<32x64xi32, #tpu.memory_space<vmem>> -> memref<1x64xi32, #tpu.memory_space<vmem>>
    %dma_start3A_28 = tpu.memref_squeeze %dma_start3A_27 : memref<1x64xi32, #tpu.memory_space<vmem>> -> memref<64xi32, #tpu.memory_space<vmem>>
    %dma_start3A_29 = arith.constant 0 : i32
    %dma_start3A_30 = arith.constant 0 : i32
    %dma_start3A_31 = tpu.memref_slice %arg2[%dma_start3A_29, %dma_start3A_30] : memref<10000x128xf32, #tpu.memory_space<hbm>> -> memref<10000x128xf32, #tpu.memory_space<hbm>>
    tpu.enqueue_indirect_dma source(%dma_start3A_31 : memref<10000x128xf32, #tpu.memory_space<hbm>>) target(%arg11 : memref<64x128xf32, #tpu.memory_space<vmem>>) offsets(%dma_start3A_28 : memref<64xi32, #tpu.memory_space<vmem>>) semaphore(%arg15 : memref<!tpu.dma_semaphore, #tpu.memory_space<semaphore_mem>>)
    %dma_start3A_32 = arith.constant 3 : i32
    %dma_start3A_33 = arith.constant 0 : i32
    %dma_start3A_34 = tpu.memref_slice %arg7[%dma_start3A_32, %dma_start3A_33] : memref<32x64xi32, #tpu.memory_space<vmem>> -> memref<1x64xi32, #tpu.memory_space<vmem>>
    %dma_start3A_35 = tpu.memref_squeeze %dma_start3A_34 : memref<1x64xi32, #tpu.memory_space<vmem>> -> memref<64xi32, #tpu.memory_space<vmem>>
    %dma_start3A_36 = arith.constant 0 : i32
    %dma_start3A_37 = arith.constant 0 : i32
    %dma_start3A_38 = tpu.memref_slice %arg2[%dma_start3A_36, %dma_start3A_37] : memref<10000x128xf32, #tpu.memory_space<hbm>> -> memref<10000x128xf32, #tpu.memory_space<hbm>>
    tpu.enqueue_indirect_dma source(%dma_start3A_38 : memref<10000x128xf32, #tpu.memory_space<hbm>>) target(%arg12 : memref<64x128xf32, #tpu.memory_space<vmem>>) offsets(%dma_start3A_35 : memref<64xi32, #tpu.memory_space<vmem>>) semaphore(%arg16 : memref<!tpu.dma_semaphore, #tpu.memory_space<semaphore_mem>>)
    %scan3A_39 = arith.constant 0 : i32
    %scan3A_40 = arith.constant 7 : i32
    %scan3A_41 = arith.addi %scan3A_39, %scan3A_40 : i32
    %scan3A_42 = arith.constant 1 : i32
    scf.for %scan3A_133 = %scan3A_39 to %scan3A_41 step %scan3A_42  : i32 {
      %mul3A_134 = arith.constant 1 : i32
      %mul3A_135 = arith.muli %scan3A_133, %mul3A_134 : i32
      %add3A_136 = arith.constant 0 : i32
      %add3A_137 = arith.addi %add3A_136, %mul3A_135 : i32
      %mul3A_138 = arith.constant 4 : i32
      %mul3A_139 = arith.muli %add3A_137, %mul3A_138 : i32
      %add3A_140 = arith.constant 0 : i32
      %add3A_141 = arith.addi %mul3A_139, %add3A_140 : i32
      %dma_wait3A_142 = arith.constant 0 : i32
      %dma_wait3A_143 = tpu.memref_slice %arg7[%add3A_141, %dma_wait3A_142] : memref<32x64xi32, #tpu.memory_space<vmem>> -> memref<1x64xi32, #tpu.memory_space<vmem>>
      %dma_wait3A_144 = tpu.memref_squeeze %dma_wait3A_143 : memref<1x64xi32, #tpu.memory_space<vmem>> -> memref<64xi32, #tpu.memory_space<vmem>>
      %dma_wait3A_145 = arith.constant 0 : i32
      %dma_wait3A_146 = arith.constant 0 : i32
      %dma_wait3A_147 = tpu.memref_slice %arg2[%dma_wait3A_145, %dma_wait3A_146] : memref<10000x128xf32, #tpu.memory_space<hbm>> -> memref<10000x128xf32, #tpu.memory_space<hbm>>
      tpu.wait_indirect_dma semaphore(%arg13 : memref<!tpu.dma_semaphore, #tpu.memory_space<semaphore_mem>>) src(%dma_wait3A_147 : memref<10000x128xf32, #tpu.memory_space<hbm>>) dst(%arg9 : memref<64x128xf32, #tpu.memory_space<vmem>>)
      %add3A_148 = arith.constant 0 : i32
      %add3A_149 = arith.addi %mul3A_139, %add3A_148 : i32
      %dma_start3A_150 = arith.constant 0 : i32
      %dma_start3A_151 = tpu.memref_slice %arg8[%add3A_149, %dma_start3A_150] : memref<32x64xi32, #tpu.memory_space<vmem>> -> memref<1x64xi32, #tpu.memory_space<vmem>>
      %dma_start3A_152 = tpu.memref_squeeze %dma_start3A_151 : memref<1x64xi32, #tpu.memory_space<vmem>> -> memref<64xi32, #tpu.memory_space<vmem>>
      %dma_start3A_153 = arith.constant 0 : i32
      %dma_start3A_154 = arith.constant 0 : i32
      %dma_start3A_155 = tpu.memref_slice %arg21[%dma_start3A_153, %dma_start3A_154] : memref<10112x128xf32, #tpu.memory_space<vmem_shared>> -> memref<10112x128xf32, #tpu.memory_space<vmem_shared>>
      tpu.enqueue_indirect_dma source(%arg9 : memref<64x128xf32, #tpu.memory_space<vmem>>) target(%dma_start3A_155 : memref<10112x128xf32, #tpu.memory_space<vmem_shared>>) offsets(%dma_start3A_152 : memref<64xi32, #tpu.memory_space<vmem>>) semaphore(%arg17 : memref<!tpu.dma_semaphore, #tpu.memory_space<semaphore_mem>>) {add = true}
      %add3A_156 = arith.constant 1 : i32
      %add3A_157 = arith.addi %mul3A_139, %add3A_156 : i32
      %dma_wait3A_158 = arith.constant 0 : i32
      %dma_wait3A_159 = tpu.memref_slice %arg7[%add3A_157, %dma_wait3A_158] : memref<32x64xi32, #tpu.memory_space<vmem>> -> memref<1x64xi32, #tpu.memory_space<vmem>>
      %dma_wait3A_160 = tpu.memref_squeeze %dma_wait3A_159 : memref<1x64xi32, #tpu.memory_space<vmem>> -> memref<64xi32, #tpu.memory_space<vmem>>
      %dma_wait3A_161 = arith.constant 0 : i32
      %dma_wait3A_162 = arith.constant 0 : i32
      %dma_wait3A_163 = tpu.memref_slice %arg2[%dma_wait3A_161, %dma_wait3A_162] : memref<10000x128xf32, #tpu.memory_space<hbm>> -> memref<10000x128xf32, #tpu.memory_space<hbm>>
      tpu.wait_indirect_dma semaphore(%arg14 : memref<!tpu.dma_semaphore, #tpu.memory_space<semaphore_mem>>) src(%dma_wait3A_163 : memref<10000x128xf32, #tpu.memory_space<hbm>>) dst(%arg10 : memref<64x128xf32, #tpu.memory_space<vmem>>)
      %add3A_164 = arith.constant 1 : i32
      %add3A_165 = arith.addi %mul3A_139, %add3A_164 : i32
      %dma_start3A_166 = arith.constant 0 : i32
      %dma_start3A_167 = tpu.memref_slice %arg8[%add3A_165, %dma_start3A_166] : memref<32x64xi32, #tpu.memory_space<vmem>> -> memref<1x64xi32, #tpu.memory_space<vmem>>
      %dma_start3A_168 = tpu.memref_squeeze %dma_start3A_167 : memref<1x64xi32, #tpu.memory_space<vmem>> -> memref<64xi32, #tpu.memory_space<vmem>>
      %dma_start3A_169 = arith.constant 0 : i32
      %dma_start3A_170 = arith.constant 0 : i32
      %dma_start3A_171 = tpu.memref_slice %arg21[%dma_start3A_169, %dma_start3A_170] : memref<10112x128xf32, #tpu.memory_space<vmem_shared>> -> memref<10112x128xf32, #tpu.memory_space<vmem_shared>>
      tpu.enqueue_indirect_dma source(%arg10 : memref<64x128xf32, #tpu.memory_space<vmem>>) target(%dma_start3A_171 : memref<10112x128xf32, #tpu.memory_space<vmem_shared>>) offsets(%dma_start3A_168 : memref<64xi32, #tpu.memory_space<vmem>>) semaphore(%arg18 : memref<!tpu.dma_semaphore, #tpu.memory_space<semaphore_mem>>) {add = true}
      %add3A_172 = arith.constant 2 : i32
      %add3A_173 = arith.addi %mul3A_139, %add3A_172 : i32
      %dma_wait3A_174 = arith.constant 0 : i32
      %dma_wait3A_175 = tpu.memref_slice %arg7[%add3A_173, %dma_wait3A_174] : memref<32x64xi32, #tpu.memory_space<vmem>> -> memref<1x64xi32, #tpu.memory_space<vmem>>
      %dma_wait3A_176 = tpu.memref_squeeze %dma_wait3A_175 : memref<1x64xi32, #tpu.memory_space<vmem>> -> memref<64xi32, #tpu.memory_space<vmem>>
      %dma_wait3A_177 = arith.constant 0 : i32
      %dma_wait3A_178 = arith.constant 0 : i32
      %dma_wait3A_179 = tpu.memref_slice %arg2[%dma_wait3A_177, %dma_wait3A_178] : memref<10000x128xf32, #tpu.memory_space<hbm>> -> memref<10000x128xf32, #tpu.memory_space<hbm>>
      tpu.wait_indirect_dma semaphore(%arg15 : memref<!tpu.dma_semaphore, #tpu.memory_space<semaphore_mem>>) src(%dma_wait3A_179 : memref<10000x128xf32, #tpu.memory_space<hbm>>) dst(%arg11 : memref<64x128xf32, #tpu.memory_space<vmem>>)
      %add3A_180 = arith.constant 2 : i32
      %add3A_181 = arith.addi %mul3A_139, %add3A_180 : i32
      %dma_start3A_182 = arith.constant 0 : i32
      %dma_start3A_183 = tpu.memref_slice %arg8[%add3A_181, %dma_start3A_182] : memref<32x64xi32, #tpu.memory_space<vmem>> -> memref<1x64xi32, #tpu.memory_space<vmem>>
      %dma_start3A_184 = tpu.memref_squeeze %dma_start3A_183 : memref<1x64xi32, #tpu.memory_space<vmem>> -> memref<64xi32, #tpu.memory_space<vmem>>
      %dma_start3A_185 = arith.constant 0 : i32
      %dma_start3A_186 = arith.constant 0 : i32
      %dma_start3A_187 = tpu.memref_slice %arg21[%dma_start3A_185, %dma_start3A_186] : memref<10112x128xf32, #tpu.memory_space<vmem_shared>> -> memref<10112x128xf32, #tpu.memory_space<vmem_shared>>
      tpu.enqueue_indirect_dma source(%arg11 : memref<64x128xf32, #tpu.memory_space<vmem>>) target(%dma_start3A_187 : memref<10112x128xf32, #tpu.memory_space<vmem_shared>>) offsets(%dma_start3A_184 : memref<64xi32, #tpu.memory_space<vmem>>) semaphore(%arg19 : memref<!tpu.dma_semaphore, #tpu.memory_space<semaphore_mem>>) {add = true}
      %add3A_188 = arith.constant 3 : i32
      %add3A_189 = arith.addi %mul3A_139, %add3A_188 : i32
      %dma_wait3A_190 = arith.constant 0 : i32
      %dma_wait3A_191 = tpu.memref_slice %arg7[%add3A_189, %dma_wait3A_190] : memref<32x64xi32, #tpu.memory_space<vmem>> -> memref<1x64xi32, #tpu.memory_space<vmem>>
      %dma_wait3A_192 = tpu.memref_squeeze %dma_wait3A_191 : memref<1x64xi32, #tpu.memory_space<vmem>> -> memref<64xi32, #tpu.memory_space<vmem>>
      %dma_wait3A_193 = arith.constant 0 : i32
      %dma_wait3A_194 = arith.constant 0 : i32
      %dma_wait3A_195 = tpu.memref_slice %arg2[%dma_wait3A_193, %dma_wait3A_194] : memref<10000x128xf32, #tpu.memory_space<hbm>> -> memref<10000x128xf32, #tpu.memory_space<hbm>>
      tpu.wait_indirect_dma semaphore(%arg16 : memref<!tpu.dma_semaphore, #tpu.memory_space<semaphore_mem>>) src(%dma_wait3A_195 : memref<10000x128xf32, #tpu.memory_space<hbm>>) dst(%arg12 : memref<64x128xf32, #tpu.memory_space<vmem>>)
      %add3A_196 = arith.constant 3 : i32
      %add3A_197 = arith.addi %mul3A_139, %add3A_196 : i32
      %dma_start3A_198 = arith.constant 0 : i32
      %dma_start3A_199 = tpu.memref_slice %arg8[%add3A_197, %dma_start3A_198] : memref<32x64xi32, #tpu.memory_space<vmem>> -> memref<1x64xi32, #tpu.memory_space<vmem>>
      %dma_start3A_200 = tpu.memref_squeeze %dma_start3A_199 : memref<1x64xi32, #tpu.memory_space<vmem>> -> memref<64xi32, #tpu.memory_space<vmem>>
      %dma_start3A_201 = arith.constant 0 : i32
      %dma_start3A_202 = arith.constant 0 : i32
      %dma_start3A_203 = tpu.memref_slice %arg21[%dma_start3A_201, %dma_start3A_202] : memref<10112x128xf32, #tpu.memory_space<vmem_shared>> -> memref<10112x128xf32, #tpu.memory_space<vmem_shared>>
      tpu.enqueue_indirect_dma source(%arg12 : memref<64x128xf32, #tpu.memory_space<vmem>>) target(%dma_start3A_203 : memref<10112x128xf32, #tpu.memory_space<vmem_shared>>) offsets(%dma_start3A_200 : memref<64xi32, #tpu.memory_space<vmem>>) semaphore(%arg20 : memref<!tpu.dma_semaphore, #tpu.memory_space<semaphore_mem>>) {add = true}
      %add3A_204 = arith.constant 0 : i32
      %add3A_205 = arith.addi %mul3A_139, %add3A_204 : i32
      %dma_wait3A_206 = arith.constant 0 : i32
      %dma_wait3A_207 = tpu.memref_slice %arg8[%add3A_205, %dma_wait3A_206] : memref<32x64xi32, #tpu.memory_space<vmem>> -> memref<1x64xi32, #tpu.memory_space<vmem>>
      %dma_wait3A_208 = tpu.memref_squeeze %dma_wait3A_207 : memref<1x64xi32, #tpu.memory_space<vmem>> -> memref<64xi32, #tpu.memory_space<vmem>>
      %dma_wait3A_209 = arith.constant 0 : i32
      %dma_wait3A_210 = arith.constant 0 : i32
      %dma_wait3A_211 = tpu.memref_slice %arg21[%dma_wait3A_209, %dma_wait3A_210] : memref<10112x128xf32, #tpu.memory_space<vmem_shared>> -> memref<10112x128xf32, #tpu.memory_space<vmem_shared>>
      tpu.wait_indirect_dma semaphore(%arg17 : memref<!tpu.dma_semaphore, #tpu.memory_space<semaphore_mem>>) src(%arg9 : memref<64x128xf32, #tpu.memory_space<vmem>>) dst(%dma_wait3A_211 : memref<10112x128xf32, #tpu.memory_space<vmem_shared>>)
      %add3A_212 = arith.constant 4 : i32
      %add3A_213 = arith.addi %mul3A_139, %add3A_212 : i32
      %add3A_214 = arith.constant 0 : i32
      %add3A_215 = arith.addi %add3A_213, %add3A_214 : i32
      %dma_start3A_216 = arith.constant 0 : i32
      %dma_start3A_217 = tpu.memref_slice %arg7[%add3A_215, %dma_start3A_216] : memref<32x64xi32, #tpu.memory_space<vmem>> -> memref<1x64xi32, #tpu.memory_space<vmem>>
      %dma_start3A_218 = tpu.memref_squeeze %dma_start3A_217 : memref<1x64xi32, #tpu.memory_space<vmem>> -> memref<64xi32, #tpu.memory_space<vmem>>
      %dma_start3A_219 = arith.constant 0 : i32
      %dma_start3A_220 = arith.constant 0 : i32
      %dma_start3A_221 = tpu.memref_slice %arg2[%dma_start3A_219, %dma_start3A_220] : memref<10000x128xf32, #tpu.memory_space<hbm>> -> memref<10000x128xf32, #tpu.memory_space<hbm>>
      tpu.enqueue_indirect_dma source(%dma_start3A_221 : memref<10000x128xf32, #tpu.memory_space<hbm>>) target(%arg9 : memref<64x128xf32, #tpu.memory_space<vmem>>) offsets(%dma_start3A_218 : memref<64xi32, #tpu.memory_space<vmem>>) semaphore(%arg13 : memref<!tpu.dma_semaphore, #tpu.memory_space<semaphore_mem>>)
      %add3A_222 = arith.constant 1 : i32
      %add3A_223 = arith.addi %mul3A_139, %add3A_222 : i32
      %dma_wait3A_224 = arith.constant 0 : i32
      %dma_wait3A_225 = tpu.memref_slice %arg8[%add3A_223, %dma_wait3A_224] : memref<32x64xi32, #tpu.memory_space<vmem>> -> memref<1x64xi32, #tpu.memory_space<vmem>>
      %dma_wait3A_226 = tpu.memref_squeeze %dma_wait3A_225 : memref<1x64xi32, #tpu.memory_space<vmem>> -> memref<64xi32, #tpu.memory_space<vmem>>
      %dma_wait3A_227 = arith.constant 0 : i32
      %dma_wait3A_228 = arith.constant 0 : i32
      %dma_wait3A_229 = tpu.memref_slice %arg21[%dma_wait3A_227, %dma_wait3A_228] : memref<10112x128xf32, #tpu.memory_space<vmem_shared>> -> memref<10112x128xf32, #tpu.memory_space<vmem_shared>>
      tpu.wait_indirect_dma semaphore(%arg18 : memref<!tpu.dma_semaphore, #tpu.memory_space<semaphore_mem>>) src(%arg10 : memref<64x128xf32, #tpu.memory_space<vmem>>) dst(%dma_wait3A_229 : memref<10112x128xf32, #tpu.memory_space<vmem_shared>>)
      %add3A_230 = arith.constant 4 : i32
      %add3A_231 = arith.addi %mul3A_139, %add3A_230 : i32
      %add3A_232 = arith.constant 1 : i32
      %add3A_233 = arith.addi %add3A_231, %add3A_232 : i32
      %dma_start3A_234 = arith.constant 0 : i32
      %dma_start3A_235 = tpu.memref_slice %arg7[%add3A_233, %dma_start3A_234] : memref<32x64xi32, #tpu.memory_space<vmem>> -> memref<1x64xi32, #tpu.memory_space<vmem>>
      %dma_start3A_236 = tpu.memref_squeeze %dma_start3A_235 : memref<1x64xi32, #tpu.memory_space<vmem>> -> memref<64xi32, #tpu.memory_space<vmem>>
      %dma_start3A_237 = arith.constant 0 : i32
      %dma_start3A_238 = arith.constant 0 : i32
      %dma_start3A_239 = tpu.memref_slice %arg2[%dma_start3A_237, %dma_start3A_238] : memref<10000x128xf32, #tpu.memory_space<hbm>> -> memref<10000x128xf32, #tpu.memory_space<hbm>>
      tpu.enqueue_indirect_dma source(%dma_start3A_239 : memref<10000x128xf32, #tpu.memory_space<hbm>>) target(%arg10 : memref<64x128xf32, #tpu.memory_space<vmem>>) offsets(%dma_start3A_236 : memref<64xi32, #tpu.memory_space<vmem>>) semaphore(%arg14 : memref<!tpu.dma_semaphore, #tpu.memory_space<semaphore_mem>>)
      %add3A_240 = arith.constant 2 : i32
      %add3A_241 = arith.addi %mul3A_139, %add3A_240 : i32
      %dma_wait3A_242 = arith.constant 0 : i32
      %dma_wait3A_243 = tpu.memref_slice %arg8[%add3A_241, %dma_wait3A_242] : memref<32x64xi32, #tpu.memory_space<vmem>> -> memref<1x64xi32, #tpu.memory_space<vmem>>
      %dma_wait3A_244 = tpu.memref_squeeze %dma_wait3A_243 : memref<1x64xi32, #tpu.memory_space<vmem>> -> memref<64xi32, #tpu.memory_space<vmem>>
      %dma_wait3A_245 = arith.constant 0 : i32
      %dma_wait3A_246 = arith.constant 0 : i32
      %dma_wait3A_247 = tpu.memref_slice %arg21[%dma_wait3A_245, %dma_wait3A_246] : memref<10112x128xf32, #tpu.memory_space<vmem_shared>> -> memref<10112x128xf32, #tpu.memory_space<vmem_shared>>
      tpu.wait_indirect_dma semaphore(%arg19 : memref<!tpu.dma_semaphore, #tpu.memory_space<semaphore_mem>>) src(%arg11 : memref<64x128xf32, #tpu.memory_space<vmem>>) dst(%dma_wait3A_247 : memref<10112x128xf32, #tpu.memory_space<vmem_shared>>)
      %add3A_248 = arith.constant 4 : i32
      %add3A_249 = arith.addi %mul3A_139, %add3A_248 : i32
      %add3A_250 = arith.constant 2 : i32
      %add3A_251 = arith.addi %add3A_249, %add3A_250 : i32
      %dma_start3A_252 = arith.constant 0 : i32
      %dma_start3A_253 = tpu.memref_slice %arg7[%add3A_251, %dma_start3A_252] : memref<32x64xi32, #tpu.memory_space<vmem>> -> memref<1x64xi32, #tpu.memory_space<vmem>>
      %dma_start3A_254 = tpu.memref_squeeze %dma_start3A_253 : memref<1x64xi32, #tpu.memory_space<vmem>> -> memref<64xi32, #tpu.memory_space<vmem>>
      %dma_start3A_255 = arith.constant 0 : i32
      %dma_start3A_256 = arith.constant 0 : i32
      %dma_start3A_257 = tpu.memref_slice %arg2[%dma_start3A_255, %dma_start3A_256] : memref<10000x128xf32, #tpu.memory_space<hbm>> -> memref<10000x128xf32, #tpu.memory_space<hbm>>
      tpu.enqueue_indirect_dma source(%dma_start3A_257 : memref<10000x128xf32, #tpu.memory_space<hbm>>) target(%arg11 : memref<64x128xf32, #tpu.memory_space<vmem>>) offsets(%dma_start3A_254 : memref<64xi32, #tpu.memory_space<vmem>>) semaphore(%arg15 : memref<!tpu.dma_semaphore, #tpu.memory_space<semaphore_mem>>)
      %add3A_258 = arith.constant 3 : i32
      %add3A_259 = arith.addi %mul3A_139, %add3A_258 : i32
      %dma_wait3A_260 = arith.constant 0 : i32
      %dma_wait3A_261 = tpu.memref_slice %arg8[%add3A_259, %dma_wait3A_260] : memref<32x64xi32, #tpu.memory_space<vmem>> -> memref<1x64xi32, #tpu.memory_space<vmem>>
      %dma_wait3A_262 = tpu.memref_squeeze %dma_wait3A_261 : memref<1x64xi32, #tpu.memory_space<vmem>> -> memref<64xi32, #tpu.memory_space<vmem>>
      %dma_wait3A_263 = arith.constant 0 : i32
      %dma_wait3A_264 = arith.constant 0 : i32
      %dma_wait3A_265 = tpu.memref_slice %arg21[%dma_wait3A_263, %dma_wait3A_264] : memref<10112x128xf32, #tpu.memory_space<vmem_shared>> -> memref<10112x128xf32, #tpu.memory_space<vmem_shared>>
      tpu.wait_indirect_dma semaphore(%arg20 : memref<!tpu.dma_semaphore, #tpu.memory_space<semaphore_mem>>) src(%arg12 : memref<64x128xf32, #tpu.memory_space<vmem>>) dst(%dma_wait3A_265 : memref<10112x128xf32, #tpu.memory_space<vmem_shared>>)
      %add3A_266 = arith.constant 4 : i32
      %add3A_267 = arith.addi %mul3A_139, %add3A_266 : i32
      %add3A_268 = arith.constant 3 : i32
      %add3A_269 = arith.addi %add3A_267, %add3A_268 : i32
      %dma_start3A_270 = arith.constant 0 : i32
      %dma_start3A_271 = tpu.memref_slice %arg7[%add3A_269, %dma_start3A_270] : memref<32x64xi32, #tpu.memory_space<vmem>> -> memref<1x64xi32, #tpu.memory_space<vmem>>
      %dma_start3A_272 = tpu.memref_squeeze %dma_start3A_271 : memref<1x64xi32, #tpu.memory_space<vmem>> -> memref<64xi32, #tpu.memory_space<vmem>>
      %dma_start3A_273 = arith.constant 0 : i32
      %dma_start3A_274 = arith.constant 0 : i32
      %dma_start3A_275 = tpu.memref_slice %arg2[%dma_start3A_273, %dma_start3A_274] : memref<10000x128xf32, #tpu.memory_space<hbm>> -> memref<10000x128xf32, #tpu.memory_space<hbm>>
      tpu.enqueue_indirect_dma source(%dma_start3A_275 : memref<10000x128xf32, #tpu.memory_space<hbm>>) target(%arg12 : memref<64x128xf32, #tpu.memory_space<vmem>>) offsets(%dma_start3A_272 : memref<64xi32, #tpu.memory_space<vmem>>) semaphore(%arg16 : memref<!tpu.dma_semaphore, #tpu.memory_space<semaphore_mem>>)
    }
    %scan3A_43 = arith.constant 7 : i32
    %dma_wait3A = arith.constant 28 : i32
    %dma_wait3A_44 = arith.constant 0 : i32
    %dma_wait3A_45 = tpu.memref_slice %arg7[%dma_wait3A, %dma_wait3A_44] : memref<32x64xi32, #tpu.memory_space<vmem>> -> memref<1x64xi32, #tpu.memory_space<vmem>>
    %dma_wait3A_46 = tpu.memref_squeeze %dma_wait3A_45 : memref<1x64xi32, #tpu.memory_space<vmem>> -> memref<64xi32, #tpu.memory_space<vmem>>
    %dma_wait3A_47 = arith.constant 0 : i32
    %dma_wait3A_48 = arith.constant 0 : i32
    %dma_wait3A_49 = tpu.memref_slice %arg2[%dma_wait3A_47, %dma_wait3A_48] : memref<10000x128xf32, #tpu.memory_space<hbm>> -> memref<10000x128xf32, #tpu.memory_space<hbm>>
    tpu.wait_indirect_dma semaphore(%arg13 : memref<!tpu.dma_semaphore, #tpu.memory_space<semaphore_mem>>) src(%dma_wait3A_49 : memref<10000x128xf32, #tpu.memory_space<hbm>>) dst(%arg9 : memref<64x128xf32, #tpu.memory_space<vmem>>)
    %dma_start3A_50 = arith.constant 28 : i32
    %dma_start3A_51 = arith.constant 0 : i32
    %dma_start3A_52 = tpu.memref_slice %arg8[%dma_start3A_50, %dma_start3A_51] : memref<32x64xi32, #tpu.memory_space<vmem>> -> memref<1x64xi32, #tpu.memory_space<vmem>>
    %dma_start3A_53 = tpu.memref_squeeze %dma_start3A_52 : memref<1x64xi32, #tpu.memory_space<vmem>> -> memref<64xi32, #tpu.memory_space<vmem>>
    %dma_start3A_54 = arith.constant 0 : i32
    %dma_start3A_55 = arith.constant 0 : i32
    %dma_start3A_56 = tpu.memref_slice %arg21[%dma_start3A_54, %dma_start3A_55] : memref<10112x128xf32, #tpu.memory_space<vmem_shared>> -> memref<10112x128xf32, #tpu.memory_space<vmem_shared>>
    tpu.enqueue_indirect_dma source(%arg9 : memref<64x128xf32, #tpu.memory_space<vmem>>) target(%dma_start3A_56 : memref<10112x128xf32, #tpu.memory_space<vmem_shared>>) offsets(%dma_start3A_53 : memref<64xi32, #tpu.memory_space<vmem>>) semaphore(%arg17 : memref<!tpu.dma_semaphore, #tpu.memory_space<semaphore_mem>>) {add = true}
    %dma_wait3A_57 = arith.constant 29 : i32
    %dma_wait3A_58 = arith.constant 0 : i32
    %dma_wait3A_59 = tpu.memref_slice %arg7[%dma_wait3A_57, %dma_wait3A_58] : memref<32x64xi32, #tpu.memory_space<vmem>> -> memref<1x64xi32, #tpu.memory_space<vmem>>
    %dma_wait3A_60 = tpu.memref_squeeze %dma_wait3A_59 : memref<1x64xi32, #tpu.memory_space<vmem>> -> memref<64xi32, #tpu.memory_space<vmem>>
    %dma_wait3A_61 = arith.constant 0 : i32
    %dma_wait3A_62 = arith.constant 0 : i32
    %dma_wait3A_63 = tpu.memref_slice %arg2[%dma_wait3A_61, %dma_wait3A_62] : memref<10000x128xf32, #tpu.memory_space<hbm>> -> memref<10000x128xf32, #tpu.memory_space<hbm>>
    tpu.wait_indirect_dma semaphore(%arg14 : memref<!tpu.dma_semaphore, #tpu.memory_space<semaphore_mem>>) src(%dma_wait3A_63 : memref<10000x128xf32, #tpu.memory_space<hbm>>) dst(%arg10 : memref<64x128xf32, #tpu.memory_space<vmem>>)
    %dma_start3A_64 = arith.constant 29 : i32
    %dma_start3A_65 = arith.constant 0 : i32
    %dma_start3A_66 = tpu.memref_slice %arg8[%dma_start3A_64, %dma_start3A_65] : memref<32x64xi32, #tpu.memory_space<vmem>> -> memref<1x64xi32, #tpu.memory_space<vmem>>
    %dma_start3A_67 = tpu.memref_squeeze %dma_start3A_66 : memref<1x64xi32, #tpu.memory_space<vmem>> -> memref<64xi32, #tpu.memory_space<vmem>>
    %dma_start3A_68 = arith.constant 0 : i32
    %dma_start3A_69 = arith.constant 0 : i32
    %dma_start3A_70 = tpu.memref_slice %arg21[%dma_start3A_68, %dma_start3A_69] : memref<10112x128xf32, #tpu.memory_space<vmem_shared>> -> memref<10112x128xf32, #tpu.memory_space<vmem_shared>>
    tpu.enqueue_indirect_dma source(%arg10 : memref<64x128xf32, #tpu.memory_space<vmem>>) target(%dma_start3A_70 : memref<10112x128xf32, #tpu.memory_space<vmem_shared>>) offsets(%dma_start3A_67 : memref<64xi32, #tpu.memory_space<vmem>>) semaphore(%arg18 : memref<!tpu.dma_semaphore, #tpu.memory_space<semaphore_mem>>) {add = true}
    %dma_wait3A_71 = arith.constant 30 : i32
    %dma_wait3A_72 = arith.constant 0 : i32
    %dma_wait3A_73 = tpu.memref_slice %arg7[%dma_wait3A_71, %dma_wait3A_72] : memref<32x64xi32, #tpu.memory_space<vmem>> -> memref<1x64xi32, #tpu.memory_space<vmem>>
    %dma_wait3A_74 = tpu.memref_squeeze %dma_wait3A_73 : memref<1x64xi32, #tpu.memory_space<vmem>> -> memref<64xi32, #tpu.memory_space<vmem>>
    %dma_wait3A_75 = arith.constant 0 : i32
    %dma_wait3A_76 = arith.constant 0 : i32
    %dma_wait3A_77 = tpu.memref_slice %arg2[%dma_wait3A_75, %dma_wait3A_76] : memref<10000x128xf32, #tpu.memory_space<hbm>> -> memref<10000x128xf32, #tpu.memory_space<hbm>>
    tpu.wait_indirect_dma semaphore(%arg15 : memref<!tpu.dma_semaphore, #tpu.memory_space<semaphore_mem>>) src(%dma_wait3A_77 : memref<10000x128xf32, #tpu.memory_space<hbm>>) dst(%arg11 : memref<64x128xf32, #tpu.memory_space<vmem>>)
    %dma_start3A_78 = arith.constant 30 : i32
    %dma_start3A_79 = arith.constant 0 : i32
    %dma_start3A_80 = tpu.memref_slice %arg8[%dma_start3A_78, %dma_start3A_79] : memref<32x64xi32, #tpu.memory_space<vmem>> -> memref<1x64xi32, #tpu.memory_space<vmem>>
    %dma_start3A_81 = tpu.memref_squeeze %dma_start3A_80 : memref<1x64xi32, #tpu.memory_space<vmem>> -> memref<64xi32, #tpu.memory_space<vmem>>
    %dma_start3A_82 = arith.constant 0 : i32
    %dma_start3A_83 = arith.constant 0 : i32
    %dma_start3A_84 = tpu.memref_slice %arg21[%dma_start3A_82, %dma_start3A_83] : memref<10112x128xf32, #tpu.memory_space<vmem_shared>> -> memref<10112x128xf32, #tpu.memory_space<vmem_shared>>
    tpu.enqueue_indirect_dma source(%arg11 : memref<64x128xf32, #tpu.memory_space<vmem>>) target(%dma_start3A_84 : memref<10112x128xf32, #tpu.memory_space<vmem_shared>>) offsets(%dma_start3A_81 : memref<64xi32, #tpu.memory_space<vmem>>) semaphore(%arg19 : memref<!tpu.dma_semaphore, #tpu.memory_space<semaphore_mem>>) {add = true}
    %dma_wait3A_85 = arith.constant 31 : i32
    %dma_wait3A_86 = arith.constant 0 : i32
    %dma_wait3A_87 = tpu.memref_slice %arg7[%dma_wait3A_85, %dma_wait3A_86] : memref<32x64xi32, #tpu.memory_space<vmem>> -> memref<1x64xi32, #tpu.memory_space<vmem>>
    %dma_wait3A_88 = tpu.memref_squeeze %dma_wait3A_87 : memref<1x64xi32, #tpu.memory_space<vmem>> -> memref<64xi32, #tpu.memory_space<vmem>>
    %dma_wait3A_89 = arith.constant 0 : i32
    %dma_wait3A_90 = arith.constant 0 : i32
    %dma_wait3A_91 = tpu.memref_slice %arg2[%dma_wait3A_89, %dma_wait3A_90] : memref<10000x128xf32, #tpu.memory_space<hbm>> -> memref<10000x128xf32, #tpu.memory_space<hbm>>
    tpu.wait_indirect_dma semaphore(%arg16 : memref<!tpu.dma_semaphore, #tpu.memory_space<semaphore_mem>>) src(%dma_wait3A_91 : memref<10000x128xf32, #tpu.memory_space<hbm>>) dst(%arg12 : memref<64x128xf32, #tpu.memory_space<vmem>>)
    %dma_start3A_92 = arith.constant 31 : i32
    %dma_start3A_93 = arith.constant 0 : i32
    %dma_start3A_94 = tpu.memref_slice %arg8[%dma_start3A_92, %dma_start3A_93] : memref<32x64xi32, #tpu.memory_space<vmem>> -> memref<1x64xi32, #tpu.memory_space<vmem>>
    %dma_start3A_95 = tpu.memref_squeeze %dma_start3A_94 : memref<1x64xi32, #tpu.memory_space<vmem>> -> memref<64xi32, #tpu.memory_space<vmem>>
    %dma_start3A_96 = arith.constant 0 : i32
    %dma_start3A_97 = arith.constant 0 : i32
    %dma_start3A_98 = tpu.memref_slice %arg21[%dma_start3A_96, %dma_start3A_97] : memref<10112x128xf32, #tpu.memory_space<vmem_shared>> -> memref<10112x128xf32, #tpu.memory_space<vmem_shared>>
    tpu.enqueue_indirect_dma source(%arg12 : memref<64x128xf32, #tpu.memory_space<vmem>>) target(%dma_start3A_98 : memref<10112x128xf32, #tpu.memory_space<vmem_shared>>) offsets(%dma_start3A_95 : memref<64xi32, #tpu.memory_space<vmem>>) semaphore(%arg20 : memref<!tpu.dma_semaphore, #tpu.memory_space<semaphore_mem>>) {add = true}
    %dma_wait3A_99 = arith.constant 28 : i32
    %dma_wait3A_100 = arith.constant 0 : i32
    %dma_wait3A_101 = tpu.memref_slice %arg8[%dma_wait3A_99, %dma_wait3A_100] : memref<32x64xi32, #tpu.memory_space<vmem>> -> memref<1x64xi32, #tpu.memory_space<vmem>>
    %dma_wait3A_102 = tpu.memref_squeeze %dma_wait3A_101 : memref<1x64xi32, #tpu.memory_space<vmem>> -> memref<64xi32, #tpu.memory_space<vmem>>
    %dma_wait3A_103 = arith.constant 0 : i32
    %dma_wait3A_104 = arith.constant 0 : i32
    %dma_wait3A_105 = tpu.memref_slice %arg21[%dma_wait3A_103, %dma_wait3A_104] : memref<10112x128xf32, #tpu.memory_space<vmem_shared>> -> memref<10112x128xf32, #tpu.memory_space<vmem_shared>>
    tpu.wait_indirect_dma semaphore(%arg17 : memref<!tpu.dma_semaphore, #tpu.memory_space<semaphore_mem>>) src(%arg9 : memref<64x128xf32, #tpu.memory_space<vmem>>) dst(%dma_wait3A_105 : memref<10112x128xf32, #tpu.memory_space<vmem_shared>>)
    %dma_wait3A_106 = arith.constant 29 : i32
    %dma_wait3A_107 = arith.constant 0 : i32
    %dma_wait3A_108 = tpu.memref_slice %arg8[%dma_wait3A_106, %dma_wait3A_107] : memref<32x64xi32, #tpu.memory_space<vmem>> -> memref<1x64xi32, #tpu.memory_space<vmem>>
    %dma_wait3A_109 = tpu.memref_squeeze %dma_wait3A_108 : memref<1x64xi32, #tpu.memory_space<vmem>> -> memref<64xi32, #tpu.memory_space<vmem>>
    %dma_wait3A_110 = arith.constant 0 : i32
    %dma_wait3A_111 = arith.constant 0 : i32
    %dma_wait3A_112 = tpu.memref_slice %arg21[%dma_wait3A_110, %dma_wait3A_111] : memref<10112x128xf32, #tpu.memory_space<vmem_shared>> -> memref<10112x128xf32, #tpu.memory_space<vmem_shared>>
    tpu.wait_indirect_dma semaphore(%arg18 : memref<!tpu.dma_semaphore, #tpu.memory_space<semaphore_mem>>) src(%arg10 : memref<64x128xf32, #tpu.memory_space<vmem>>) dst(%dma_wait3A_112 : memref<10112x128xf32, #tpu.memory_space<vmem_shared>>)
    %dma_wait3A_113 = arith.constant 30 : i32
    %dma_wait3A_114 = arith.constant 0 : i32
    %dma_wait3A_115 = tpu.memref_slice %arg8[%dma_wait3A_113, %dma_wait3A_114] : memref<32x64xi32, #tpu.memory_space<vmem>> -> memref<1x64xi32, #tpu.memory_space<vmem>>
    %dma_wait3A_116 = tpu.memref_squeeze %dma_wait3A_115 : memref<1x64xi32, #tpu.memory_space<vmem>> -> memref<64xi32, #tpu.memory_space<vmem>>
    %dma_wait3A_117 = arith.constant 0 : i32
    %dma_wait3A_118 = arith.constant 0 : i32
    %dma_wait3A_119 = tpu.memref_slice %arg21[%dma_wait3A_117, %dma_wait3A_118] : memref<10112x128xf32, #tpu.memory_space<vmem_shared>> -> memref<10112x128xf32, #tpu.memory_space<vmem_shared>>
    tpu.wait_indirect_dma semaphore(%arg19 : memref<!tpu.dma_semaphore, #tpu.memory_space<semaphore_mem>>) src(%arg11 : memref<64x128xf32, #tpu.memory_space<vmem>>) dst(%dma_wait3A_119 : memref<10112x128xf32, #tpu.memory_space<vmem_shared>>)
    %dma_wait3A_120 = arith.constant 31 : i32
    %dma_wait3A_121 = arith.constant 0 : i32
    %dma_wait3A_122 = tpu.memref_slice %arg8[%dma_wait3A_120, %dma_wait3A_121] : memref<32x64xi32, #tpu.memory_space<vmem>> -> memref<1x64xi32, #tpu.memory_space<vmem>>
    %dma_wait3A_123 = tpu.memref_squeeze %dma_wait3A_122 : memref<1x64xi32, #tpu.memory_space<vmem>> -> memref<64xi32, #tpu.memory_space<vmem>>
    %dma_wait3A_124 = arith.constant 0 : i32
    %dma_wait3A_125 = arith.constant 0 : i32
    %dma_wait3A_126 = tpu.memref_slice %arg21[%dma_wait3A_124, %dma_wait3A_125] : memref<10112x128xf32, #tpu.memory_space<vmem_shared>> -> memref<10112x128xf32, #tpu.memory_space<vmem_shared>>
    tpu.wait_indirect_dma semaphore(%arg20 : memref<!tpu.dma_semaphore, #tpu.memory_space<semaphore_mem>>) src(%arg12 : memref<64x128xf32, #tpu.memory_space<vmem>>) dst(%dma_wait3A_126 : memref<10112x128xf32, #tpu.memory_space<vmem_shared>>)
    %scan3A_127 = arith.constant 1 : i32
    %barrier3A_128 = arith.constant 0 : index
    tpu.barrier barrier_id(%barrier3A_128)
    %mul3A_129 = arith.constant 632 : i32
    %mul3A_130 = arith.muli %arg1, %mul3A_129 : i32
    %mul3A_131 = arith.constant 632 : i32
    %mul3A_132 = arith.muli %arg1, %mul3A_131 : i32
    "tpu.region"() ({
      %run_scoped3A = tpu.sem_alloc : memref<!tpu.dma_semaphore, #tpu.memory_space<semaphore_mem>>
      %dma_start3A_133 = arith.constant 0 : i32
      %dma_start3A_134 = tpu.memref_slice %arg6[%arg0, %mul3A_132, %dma_start3A_133] : memref<2x10112x128xf32, #tpu.memory_space<hbm>> -> memref<1x632x128xf32, #tpu.memory_space<hbm>>
      %dma_start3A_135 = tpu.memref_squeeze %dma_start3A_134 : memref<1x632x128xf32, #tpu.memory_space<hbm>> -> memref<632x128xf32, #tpu.memory_space<hbm>>
      %dma_start3A_136 = arith.constant 0 : i32
      %dma_start3A_137 = tpu.memref_slice %arg21[%mul3A_130, %dma_start3A_136] : memref<10112x128xf32, #tpu.memory_space<vmem_shared>> -> memref<632x128xf32, #tpu.memory_space<vmem_shared>>
      tpu.enqueue_dma source(%dma_start3A_137 : memref<632x128xf32, #tpu.memory_space<vmem_shared>>) target(%dma_start3A_135 : memref<632x128xf32, #tpu.memory_space<hbm>>) target_semaphore(%run_scoped3A : memref<!tpu.dma_semaphore, #tpu.memory_space<semaphore_mem>>)
      %dma_wait3A_138 = arith.constant 0 : i32
      %dma_wait3A_139 = tpu.memref_slice %arg6[%arg0, %mul3A_132, %dma_wait3A_138] : memref<2x10112x128xf32, #tpu.memory_space<hbm>> -> memref<1x632x128xf32, #tpu.memory_space<hbm>>
      %dma_wait3A_140 = tpu.memref_squeeze %dma_wait3A_139 : memref<1x632x128xf32, #tpu.memory_space<hbm>> -> memref<632x128xf32, #tpu.memory_space<hbm>>
      %dma_wait3A_141 = arith.constant 0 : i32
      %dma_wait3A_142 = tpu.memref_slice %arg21[%mul3A_130, %dma_wait3A_141] : memref<10112x128xf32, #tpu.memory_space<vmem_shared>> -> memref<632x128xf32, #tpu.memory_space<vmem_shared>>
      tpu.wait_dma2 semaphore(%run_scoped3A : memref<!tpu.dma_semaphore, #tpu.memory_space<semaphore_mem>>) src(%dma_wait3A_142 : memref<632x128xf32, #tpu.memory_space<vmem_shared>>) dst(%dma_wait3A_140 : memref<632x128xf32, #tpu.memory_space<hbm>>)
      tpu.yield
    }) : () -> ()
    return
  }
}

#map = affine_map<(d0, d1) -> (0, 0)>
#map1 = affine_map<(d0, d1) -> (0, 0, 0)>
module attributes {stable_mosaic.version = 14 : i64} {
  func.func @_sc_agg_body(%arg0: i32, %arg1: i32, %arg2: memref<10000x128xf32, #tpu.memory_space<hbm>>, %arg3: memref<5120x64xi32, #tpu.memory_space<hbm>>, %arg4: memref<5120x64xi32, #tpu.memory_space<hbm>>, %arg5: memref<632x128xf32, #tpu.memory_space<hbm>>, %arg6: memref<2x10112x128xf32, #tpu.memory_space<hbm>>, %arg7: memref<32x64xi32, #tpu.memory_space<vmem>>, %arg8: memref<32x64xi32, #tpu.memory_space<vmem>>, %arg9: memref<64x128xf32, #tpu.memory_space<vmem>>, %arg10: memref<64x128xf32, #tpu.memory_space<vmem>>, %arg11: memref<64x128xf32, #tpu.memory_space<vmem>>, %arg12: memref<64x128xf32, #tpu.memory_space<vmem>>, %arg13: memref<!tpu.dma_semaphore, #tpu.memory_space<semaphore_mem>>, %arg14: memref<!tpu.dma_semaphore, #tpu.memory_space<semaphore_mem>>, %arg15: memref<!tpu.dma_semaphore, #tpu.memory_space<semaphore_mem>>, %arg16: memref<!tpu.dma_semaphore, #tpu.memory_space<semaphore_mem>>, %arg17: memref<!tpu.dma_semaphore, #tpu.memory_space<semaphore_mem>>, %arg18: memref<!tpu.dma_semaphore, #tpu.memory_space<semaphore_mem>>, %arg19: memref<!tpu.dma_semaphore, #tpu.memory_space<semaphore_mem>>, %arg20: memref<!tpu.dma_semaphore, #tpu.memory_space<semaphore_mem>>, %arg21: memref<10112x128xf32, #tpu.memory_space<vmem_shared>>) attributes {dimension_semantics = [#tpu.dimension_semantics<core_parallel>, #tpu.dimension_semantics<subcore_parallel>], iteration_bounds = array<i64: 2, 16>, scalar_prefetch = 0 : i64, scratch_operands = 15 : i64, tpu.core_type = #tpu.core_type<sc_vector_subcore>, window_params = [{transform_indices = #map}, {transform_indices = #map}, {transform_indices = #map}, {transform_indices = #map}, {transform_indices = #map1}]} {
    %mul3A = arith.constant 16 : i32
    %mul3A_0 = arith.muli %arg0, %mul3A : i32
    %add3A = arith.addi %mul3A_0, %arg1 : i32
    %mul3A_1 = arith.constant 632 : i32
    %mul3A_2 = arith.muli %arg1, %mul3A_1 : i32
    "tpu.region"() ({
      %run_scoped3A = tpu.sem_alloc : memref<!tpu.dma_semaphore, #tpu.memory_space<semaphore_mem>>
      %dma_start3A_133 = arith.constant 0 : i32
      %dma_start3A_134 = tpu.memref_slice %arg21[%mul3A_2, %dma_start3A_133] : memref<10112x128xf32, #tpu.memory_space<vmem_shared>> -> memref<632x128xf32, #tpu.memory_space<vmem_shared>>
      tpu.enqueue_dma source(%arg5 : memref<632x128xf32, #tpu.memory_space<hbm>>) target(%dma_start3A_134 : memref<632x128xf32, #tpu.memory_space<vmem_shared>>) target_semaphore(%run_scoped3A : memref<!tpu.dma_semaphore, #tpu.memory_space<semaphore_mem>>)
      %dma_wait3A_135 = arith.constant 0 : i32
      %dma_wait3A_136 = tpu.memref_slice %arg21[%mul3A_2, %dma_wait3A_135] : memref<10112x128xf32, #tpu.memory_space<vmem_shared>> -> memref<632x128xf32, #tpu.memory_space<vmem_shared>>
      tpu.wait_dma2 semaphore(%run_scoped3A : memref<!tpu.dma_semaphore, #tpu.memory_space<semaphore_mem>>) src(%arg5 : memref<632x128xf32, #tpu.memory_space<hbm>>) dst(%dma_wait3A_136 : memref<632x128xf32, #tpu.memory_space<vmem_shared>>)
      tpu.yield
    }) : () -> ()
    %barrier3A = arith.constant 0 : index
    tpu.barrier barrier_id(%barrier3A)
    %scan3A = arith.constant 0 : i32
    %mul3A_3 = arith.constant 1 : i32
    %mul3A_4 = arith.muli %scan3A, %mul3A_3 : i32
    %add3A_5 = arith.constant 0 : i32
    %add3A_6 = arith.addi %add3A_5, %mul3A_4 : i32
    %mul3A_7 = arith.constant 160 : i32
    %mul3A_8 = arith.muli %add3A, %mul3A_7 : i32
    %mul3A_9 = arith.constant 32 : i32
    %mul3A_10 = arith.muli %add3A_6, %mul3A_9 : i32
    %add3A_11 = arith.addi %mul3A_8, %mul3A_10 : i32
    %multiple_of3A = tpu.assume_multiple %add3A_11, 8 : i32
    "tpu.region"() ({
      %run_scoped3A = tpu.sem_alloc : memref<!tpu.dma_semaphore, #tpu.memory_space<semaphore_mem>>
      %dma_start3A_133 = arith.constant 0 : i32
      %dma_start3A_134 = tpu.memref_slice %arg3[%multiple_of3A, %dma_start3A_133] : memref<5120x64xi32, #tpu.memory_space<hbm>> -> memref<32x64xi32, #tpu.memory_space<hbm>>
      %dma_start3A_135 = arith.constant 0 : i32
      %dma_start3A_136 = tpu.memref_slice %arg3[%multiple_of3A, %dma_start3A_135] : memref<5120x64xi32, #tpu.memory_space<hbm>> -> memref<32x64xi32, #tpu.memory_space<hbm>>
      tpu.enqueue_dma source(%dma_start3A_136 : memref<32x64xi32, #tpu.memory_space<hbm>>) target(%arg7 : memref<32x64xi32, #tpu.memory_space<vmem>>) target_semaphore(%run_scoped3A : memref<!tpu.dma_semaphore, #tpu.memory_space<semaphore_mem>>)
      %dma_wait3A_137 = arith.constant 0 : i32
      %dma_wait3A_138 = tpu.memref_slice %arg3[%multiple_of3A, %dma_wait3A_137] : memref<5120x64xi32, #tpu.memory_space<hbm>> -> memref<32x64xi32, #tpu.memory_space<hbm>>
      %dma_wait3A_139 = arith.constant 0 : i32
      %dma_wait3A_140 = tpu.memref_slice %arg3[%multiple_of3A, %dma_wait3A_139] : memref<5120x64xi32, #tpu.memory_space<hbm>> -> memref<32x64xi32, #tpu.memory_space<hbm>>
      tpu.wait_dma2 semaphore(%run_scoped3A : memref<!tpu.dma_semaphore, #tpu.memory_space<semaphore_mem>>) src(%dma_wait3A_140 : memref<32x64xi32, #tpu.memory_space<hbm>>) dst(%arg7 : memref<32x64xi32, #tpu.memory_space<vmem>>)
      tpu.yield
    }) : () -> ()
    "tpu.region"() ({
      %run_scoped3A = tpu.sem_alloc : memref<!tpu.dma_semaphore, #tpu.memory_space<semaphore_mem>>
      %dma_start3A_133 = arith.constant 0 : i32
      %dma_start3A_134 = tpu.memref_slice %arg4[%multiple_of3A, %dma_start3A_133] : memref<5120x64xi32, #tpu.memory_space<hbm>> -> memref<32x64xi32, #tpu.memory_space<hbm>>
      %dma_start3A_135 = arith.constant 0 : i32
      %dma_start3A_136 = tpu.memref_slice %arg4[%multiple_of3A, %dma_start3A_135] : memref<5120x64xi32, #tpu.memory_space<hbm>> -> memref<32x64xi32, #tpu.memory_space<hbm>>
      tpu.enqueue_dma source(%dma_start3A_136 : memref<32x64xi32, #tpu.memory_space<hbm>>) target(%arg8 : memref<32x64xi32, #tpu.memory_space<vmem>>) target_semaphore(%run_scoped3A : memref<!tpu.dma_semaphore, #tpu.memory_space<semaphore_mem>>)
      %dma_wait3A_137 = arith.constant 0 : i32
      %dma_wait3A_138 = tpu.memref_slice %arg4[%multiple_of3A, %dma_wait3A_137] : memref<5120x64xi32, #tpu.memory_space<hbm>> -> memref<32x64xi32, #tpu.memory_space<hbm>>
      %dma_wait3A_139 = arith.constant 0 : i32
      %dma_wait3A_140 = tpu.memref_slice %arg4[%multiple_of3A, %dma_wait3A_139] : memref<5120x64xi32, #tpu.memory_space<hbm>> -> memref<32x64xi32, #tpu.memory_space<hbm>>
      tpu.wait_dma2 semaphore(%run_scoped3A : memref<!tpu.dma_semaphore, #tpu.memory_space<semaphore_mem>>) src(%dma_wait3A_140 : memref<32x64xi32, #tpu.memory_space<hbm>>) dst(%arg8 : memref<32x64xi32, #tpu.memory_space<vmem>>)
      tpu.yield
    }) : () -> ()
    %dma_start3A = arith.constant 0 : i32
    %dma_start3A_12 = arith.constant 0 : i32
    %dma_start3A_13 = tpu.memref_slice %arg7[%dma_start3A, %dma_start3A_12] : memref<32x64xi32, #tpu.memory_space<vmem>> -> memref<1x64xi32, #tpu.memory_space<vmem>>
    %dma_start3A_14 = tpu.memref_squeeze %dma_start3A_13 : memref<1x64xi32, #tpu.memory_space<vmem>> -> memref<64xi32, #tpu.memory_space<vmem>>
    %dma_start3A_15 = arith.constant 0 : i32
    %dma_start3A_16 = arith.constant 0 : i32
    %dma_start3A_17 = tpu.memref_slice %arg2[%dma_start3A_15, %dma_start3A_16] : memref<10000x128xf32, #tpu.memory_space<hbm>> -> memref<10000x128xf32, #tpu.memory_space<hbm>>
    tpu.enqueue_indirect_dma source(%dma_start3A_17 : memref<10000x128xf32, #tpu.memory_space<hbm>>) target(%arg9 : memref<64x128xf32, #tpu.memory_space<vmem>>) offsets(%dma_start3A_14 : memref<64xi32, #tpu.memory_space<vmem>>) semaphore(%arg13 : memref<!tpu.dma_semaphore, #tpu.memory_space<semaphore_mem>>)
    %dma_start3A_18 = arith.constant 1 : i32
    %dma_start3A_19 = arith.constant 0 : i32
    %dma_start3A_20 = tpu.memref_slice %arg7[%dma_start3A_18, %dma_start3A_19] : memref<32x64xi32, #tpu.memory_space<vmem>> -> memref<1x64xi32, #tpu.memory_space<vmem>>
    %dma_start3A_21 = tpu.memref_squeeze %dma_start3A_20 : memref<1x64xi32, #tpu.memory_space<vmem>> -> memref<64xi32, #tpu.memory_space<vmem>>
    %dma_start3A_22 = arith.constant 0 : i32
    %dma_start3A_23 = arith.constant 0 : i32
    %dma_start3A_24 = tpu.memref_slice %arg2[%dma_start3A_22, %dma_start3A_23] : memref<10000x128xf32, #tpu.memory_space<hbm>> -> memref<10000x128xf32, #tpu.memory_space<hbm>>
    tpu.enqueue_indirect_dma source(%dma_start3A_24 : memref<10000x128xf32, #tpu.memory_space<hbm>>) target(%arg10 : memref<64x128xf32, #tpu.memory_space<vmem>>) offsets(%dma_start3A_21 : memref<64xi32, #tpu.memory_space<vmem>>) semaphore(%arg14 : memref<!tpu.dma_semaphore, #tpu.memory_space<semaphore_mem>>)
    %dma_start3A_25 = arith.constant 2 : i32
    %dma_start3A_26 = arith.constant 0 : i32
    %dma_start3A_27 = tpu.memref_slice %arg7[%dma_start3A_25, %dma_start3A_26] : memref<32x64xi32, #tpu.memory_space<vmem>> -> memref<1x64xi32, #tpu.memory_space<vmem>>
    %dma_start3A_28 = tpu.memref_squeeze %dma_start3A_27 : memref<1x64xi32, #tpu.memory_space<vmem>> -> memref<64xi32, #tpu.memory_space<vmem>>
    %dma_start3A_29 = arith.constant 0 : i32
    %dma_start3A_30 = arith.constant 0 : i32
    %dma_start3A_31 = tpu.memref_slice %arg2[%dma_start3A_29, %dma_start3A_30] : memref<10000x128xf32, #tpu.memory_space<hbm>> -> memref<10000x128xf32, #tpu.memory_space<hbm>>
    tpu.enqueue_indirect_dma source(%dma_start3A_31 : memref<10000x128xf32, #tpu.memory_space<hbm>>) target(%arg11 : memref<64x128xf32, #tpu.memory_space<vmem>>) offsets(%dma_start3A_28 : memref<64xi32, #tpu.memory_space<vmem>>) semaphore(%arg15 : memref<!tpu.dma_semaphore, #tpu.memory_space<semaphore_mem>>)
    %dma_start3A_32 = arith.constant 3 : i32
    %dma_start3A_33 = arith.constant 0 : i32
    %dma_start3A_34 = tpu.memref_slice %arg7[%dma_start3A_32, %dma_start3A_33] : memref<32x64xi32, #tpu.memory_space<vmem>> -> memref<1x64xi32, #tpu.memory_space<vmem>>
    %dma_start3A_35 = tpu.memref_squeeze %dma_start3A_34 : memref<1x64xi32, #tpu.memory_space<vmem>> -> memref<64xi32, #tpu.memory_space<vmem>>
    %dma_start3A_36 = arith.constant 0 : i32
    %dma_start3A_37 = arith.constant 0 : i32
    %dma_start3A_38 = tpu.memref_slice %arg2[%dma_start3A_36, %dma_start3A_37] : memref<10000x128xf32, #tpu.memory_space<hbm>> -> memref<10000x128xf32, #tpu.memory_space<hbm>>
    tpu.enqueue_indirect_dma source(%dma_start3A_38 : memref<10000x128xf32, #tpu.memory_space<hbm>>) target(%arg12 : memref<64x128xf32, #tpu.memory_space<vmem>>) offsets(%dma_start3A_35 : memref<64xi32, #tpu.memory_space<vmem>>) semaphore(%arg16 : memref<!tpu.dma_semaphore, #tpu.memory_space<semaphore_mem>>)
    %scan3A_39 = arith.constant 0 : i32
    %scan3A_40 = arith.constant 7 : i32
    %scan3A_41 = arith.addi %scan3A_39, %scan3A_40 : i32
    %scan3A_42 = arith.constant 1 : i32
    scf.for %scan3A_133 = %scan3A_39 to %scan3A_41 step %scan3A_42  : i32 {
      %mul3A_134 = arith.constant 1 : i32
      %mul3A_135 = arith.muli %scan3A_133, %mul3A_134 : i32
      %add3A_136 = arith.constant 0 : i32
      %add3A_137 = arith.addi %add3A_136, %mul3A_135 : i32
      %mul3A_138 = arith.constant 4 : i32
      %mul3A_139 = arith.muli %add3A_137, %mul3A_138 : i32
      %add3A_140 = arith.constant 0 : i32
      %add3A_141 = arith.addi %mul3A_139, %add3A_140 : i32
      %dma_wait3A_142 = arith.constant 0 : i32
      %dma_wait3A_143 = tpu.memref_slice %arg7[%add3A_141, %dma_wait3A_142] : memref<32x64xi32, #tpu.memory_space<vmem>> -> memref<1x64xi32, #tpu.memory_space<vmem>>
      %dma_wait3A_144 = tpu.memref_squeeze %dma_wait3A_143 : memref<1x64xi32, #tpu.memory_space<vmem>> -> memref<64xi32, #tpu.memory_space<vmem>>
      %dma_wait3A_145 = arith.constant 0 : i32
      %dma_wait3A_146 = arith.constant 0 : i32
      %dma_wait3A_147 = tpu.memref_slice %arg2[%dma_wait3A_145, %dma_wait3A_146] : memref<10000x128xf32, #tpu.memory_space<hbm>> -> memref<10000x128xf32, #tpu.memory_space<hbm>>
      tpu.wait_indirect_dma semaphore(%arg13 : memref<!tpu.dma_semaphore, #tpu.memory_space<semaphore_mem>>) src(%dma_wait3A_147 : memref<10000x128xf32, #tpu.memory_space<hbm>>) dst(%arg9 : memref<64x128xf32, #tpu.memory_space<vmem>>)
      %add3A_148 = arith.constant 0 : i32
      %add3A_149 = arith.addi %mul3A_139, %add3A_148 : i32
      %dma_start3A_150 = arith.constant 0 : i32
      %dma_start3A_151 = tpu.memref_slice %arg8[%add3A_149, %dma_start3A_150] : memref<32x64xi32, #tpu.memory_space<vmem>> -> memref<1x64xi32, #tpu.memory_space<vmem>>
      %dma_start3A_152 = tpu.memref_squeeze %dma_start3A_151 : memref<1x64xi32, #tpu.memory_space<vmem>> -> memref<64xi32, #tpu.memory_space<vmem>>
      %dma_start3A_153 = arith.constant 0 : i32
      %dma_start3A_154 = arith.constant 0 : i32
      %dma_start3A_155 = tpu.memref_slice %arg21[%dma_start3A_153, %dma_start3A_154] : memref<10112x128xf32, #tpu.memory_space<vmem_shared>> -> memref<10112x128xf32, #tpu.memory_space<vmem_shared>>
      tpu.enqueue_indirect_dma source(%arg9 : memref<64x128xf32, #tpu.memory_space<vmem>>) target(%dma_start3A_155 : memref<10112x128xf32, #tpu.memory_space<vmem_shared>>) offsets(%dma_start3A_152 : memref<64xi32, #tpu.memory_space<vmem>>) semaphore(%arg17 : memref<!tpu.dma_semaphore, #tpu.memory_space<semaphore_mem>>) {add = true}
      %add3A_156 = arith.constant 1 : i32
      %add3A_157 = arith.addi %mul3A_139, %add3A_156 : i32
      %dma_wait3A_158 = arith.constant 0 : i32
      %dma_wait3A_159 = tpu.memref_slice %arg7[%add3A_157, %dma_wait3A_158] : memref<32x64xi32, #tpu.memory_space<vmem>> -> memref<1x64xi32, #tpu.memory_space<vmem>>
      %dma_wait3A_160 = tpu.memref_squeeze %dma_wait3A_159 : memref<1x64xi32, #tpu.memory_space<vmem>> -> memref<64xi32, #tpu.memory_space<vmem>>
      %dma_wait3A_161 = arith.constant 0 : i32
      %dma_wait3A_162 = arith.constant 0 : i32
      %dma_wait3A_163 = tpu.memref_slice %arg2[%dma_wait3A_161, %dma_wait3A_162] : memref<10000x128xf32, #tpu.memory_space<hbm>> -> memref<10000x128xf32, #tpu.memory_space<hbm>>
      tpu.wait_indirect_dma semaphore(%arg14 : memref<!tpu.dma_semaphore, #tpu.memory_space<semaphore_mem>>) src(%dma_wait3A_163 : memref<10000x128xf32, #tpu.memory_space<hbm>>) dst(%arg10 : memref<64x128xf32, #tpu.memory_space<vmem>>)
      %add3A_164 = arith.constant 1 : i32
      %add3A_165 = arith.addi %mul3A_139, %add3A_164 : i32
      %dma_start3A_166 = arith.constant 0 : i32
      %dma_start3A_167 = tpu.memref_slice %arg8[%add3A_165, %dma_start3A_166] : memref<32x64xi32, #tpu.memory_space<vmem>> -> memref<1x64xi32, #tpu.memory_space<vmem>>
      %dma_start3A_168 = tpu.memref_squeeze %dma_start3A_167 : memref<1x64xi32, #tpu.memory_space<vmem>> -> memref<64xi32, #tpu.memory_space<vmem>>
      %dma_start3A_169 = arith.constant 0 : i32
      %dma_start3A_170 = arith.constant 0 : i32
      %dma_start3A_171 = tpu.memref_slice %arg21[%dma_start3A_169, %dma_start3A_170] : memref<10112x128xf32, #tpu.memory_space<vmem_shared>> -> memref<10112x128xf32, #tpu.memory_space<vmem_shared>>
      tpu.enqueue_indirect_dma source(%arg10 : memref<64x128xf32, #tpu.memory_space<vmem>>) target(%dma_start3A_171 : memref<10112x128xf32, #tpu.memory_space<vmem_shared>>) offsets(%dma_start3A_168 : memref<64xi32, #tpu.memory_space<vmem>>) semaphore(%arg18 : memref<!tpu.dma_semaphore, #tpu.memory_space<semaphore_mem>>) {add = true}
      %add3A_172 = arith.constant 2 : i32
      %add3A_173 = arith.addi %mul3A_139, %add3A_172 : i32
      %dma_wait3A_174 = arith.constant 0 : i32
      %dma_wait3A_175 = tpu.memref_slice %arg7[%add3A_173, %dma_wait3A_174] : memref<32x64xi32, #tpu.memory_space<vmem>> -> memref<1x64xi32, #tpu.memory_space<vmem>>
      %dma_wait3A_176 = tpu.memref_squeeze %dma_wait3A_175 : memref<1x64xi32, #tpu.memory_space<vmem>> -> memref<64xi32, #tpu.memory_space<vmem>>
      %dma_wait3A_177 = arith.constant 0 : i32
      %dma_wait3A_178 = arith.constant 0 : i32
      %dma_wait3A_179 = tpu.memref_slice %arg2[%dma_wait3A_177, %dma_wait3A_178] : memref<10000x128xf32, #tpu.memory_space<hbm>> -> memref<10000x128xf32, #tpu.memory_space<hbm>>
      tpu.wait_indirect_dma semaphore(%arg15 : memref<!tpu.dma_semaphore, #tpu.memory_space<semaphore_mem>>) src(%dma_wait3A_179 : memref<10000x128xf32, #tpu.memory_space<hbm>>) dst(%arg11 : memref<64x128xf32, #tpu.memory_space<vmem>>)
      %add3A_180 = arith.constant 2 : i32
      %add3A_181 = arith.addi %mul3A_139, %add3A_180 : i32
      %dma_start3A_182 = arith.constant 0 : i32
      %dma_start3A_183 = tpu.memref_slice %arg8[%add3A_181, %dma_start3A_182] : memref<32x64xi32, #tpu.memory_space<vmem>> -> memref<1x64xi32, #tpu.memory_space<vmem>>
      %dma_start3A_184 = tpu.memref_squeeze %dma_start3A_183 : memref<1x64xi32, #tpu.memory_space<vmem>> -> memref<64xi32, #tpu.memory_space<vmem>>
      %dma_start3A_185 = arith.constant 0 : i32
      %dma_start3A_186 = arith.constant 0 : i32
      %dma_start3A_187 = tpu.memref_slice %arg21[%dma_start3A_185, %dma_start3A_186] : memref<10112x128xf32, #tpu.memory_space<vmem_shared>> -> memref<10112x128xf32, #tpu.memory_space<vmem_shared>>
      tpu.enqueue_indirect_dma source(%arg11 : memref<64x128xf32, #tpu.memory_space<vmem>>) target(%dma_start3A_187 : memref<10112x128xf32, #tpu.memory_space<vmem_shared>>) offsets(%dma_start3A_184 : memref<64xi32, #tpu.memory_space<vmem>>) semaphore(%arg19 : memref<!tpu.dma_semaphore, #tpu.memory_space<semaphore_mem>>) {add = true}
      %add3A_188 = arith.constant 3 : i32
      %add3A_189 = arith.addi %mul3A_139, %add3A_188 : i32
      %dma_wait3A_190 = arith.constant 0 : i32
      %dma_wait3A_191 = tpu.memref_slice %arg7[%add3A_189, %dma_wait3A_190] : memref<32x64xi32, #tpu.memory_space<vmem>> -> memref<1x64xi32, #tpu.memory_space<vmem>>
      %dma_wait3A_192 = tpu.memref_squeeze %dma_wait3A_191 : memref<1x64xi32, #tpu.memory_space<vmem>> -> memref<64xi32, #tpu.memory_space<vmem>>
      %dma_wait3A_193 = arith.constant 0 : i32
      %dma_wait3A_194 = arith.constant 0 : i32
      %dma_wait3A_195 = tpu.memref_slice %arg2[%dma_wait3A_193, %dma_wait3A_194] : memref<10000x128xf32, #tpu.memory_space<hbm>> -> memref<10000x128xf32, #tpu.memory_space<hbm>>
      tpu.wait_indirect_dma semaphore(%arg16 : memref<!tpu.dma_semaphore, #tpu.memory_space<semaphore_mem>>) src(%dma_wait3A_195 : memref<10000x128xf32, #tpu.memory_space<hbm>>) dst(%arg12 : memref<64x128xf32, #tpu.memory_space<vmem>>)
      %add3A_196 = arith.constant 3 : i32
      %add3A_197 = arith.addi %mul3A_139, %add3A_196 : i32
      %dma_start3A_198 = arith.constant 0 : i32
      %dma_start3A_199 = tpu.memref_slice %arg8[%add3A_197, %dma_start3A_198] : memref<32x64xi32, #tpu.memory_space<vmem>> -> memref<1x64xi32, #tpu.memory_space<vmem>>
      %dma_start3A_200 = tpu.memref_squeeze %dma_start3A_199 : memref<1x64xi32, #tpu.memory_space<vmem>> -> memref<64xi32, #tpu.memory_space<vmem>>
      %dma_start3A_201 = arith.constant 0 : i32
      %dma_start3A_202 = arith.constant 0 : i32
      %dma_start3A_203 = tpu.memref_slice %arg21[%dma_start3A_201, %dma_start3A_202] : memref<10112x128xf32, #tpu.memory_space<vmem_shared>> -> memref<10112x128xf32, #tpu.memory_space<vmem_shared>>
      tpu.enqueue_indirect_dma source(%arg12 : memref<64x128xf32, #tpu.memory_space<vmem>>) target(%dma_start3A_203 : memref<10112x128xf32, #tpu.memory_space<vmem_shared>>) offsets(%dma_start3A_200 : memref<64xi32, #tpu.memory_space<vmem>>) semaphore(%arg20 : memref<!tpu.dma_semaphore, #tpu.memory_space<semaphore_mem>>) {add = true}
      %add3A_204 = arith.constant 0 : i32
      %add3A_205 = arith.addi %mul3A_139, %add3A_204 : i32
      %dma_wait3A_206 = arith.constant 0 : i32
      %dma_wait3A_207 = tpu.memref_slice %arg8[%add3A_205, %dma_wait3A_206] : memref<32x64xi32, #tpu.memory_space<vmem>> -> memref<1x64xi32, #tpu.memory_space<vmem>>
      %dma_wait3A_208 = tpu.memref_squeeze %dma_wait3A_207 : memref<1x64xi32, #tpu.memory_space<vmem>> -> memref<64xi32, #tpu.memory_space<vmem>>
      %dma_wait3A_209 = arith.constant 0 : i32
      %dma_wait3A_210 = arith.constant 0 : i32
      %dma_wait3A_211 = tpu.memref_slice %arg21[%dma_wait3A_209, %dma_wait3A_210] : memref<10112x128xf32, #tpu.memory_space<vmem_shared>> -> memref<10112x128xf32, #tpu.memory_space<vmem_shared>>
      tpu.wait_indirect_dma semaphore(%arg17 : memref<!tpu.dma_semaphore, #tpu.memory_space<semaphore_mem>>) src(%arg9 : memref<64x128xf32, #tpu.memory_space<vmem>>) dst(%dma_wait3A_211 : memref<10112x128xf32, #tpu.memory_space<vmem_shared>>)
      %add3A_212 = arith.constant 4 : i32
      %add3A_213 = arith.addi %mul3A_139, %add3A_212 : i32
      %add3A_214 = arith.constant 0 : i32
      %add3A_215 = arith.addi %add3A_213, %add3A_214 : i32
      %dma_start3A_216 = arith.constant 0 : i32
      %dma_start3A_217 = tpu.memref_slice %arg7[%add3A_215, %dma_start3A_216] : memref<32x64xi32, #tpu.memory_space<vmem>> -> memref<1x64xi32, #tpu.memory_space<vmem>>
      %dma_start3A_218 = tpu.memref_squeeze %dma_start3A_217 : memref<1x64xi32, #tpu.memory_space<vmem>> -> memref<64xi32, #tpu.memory_space<vmem>>
      %dma_start3A_219 = arith.constant 0 : i32
      %dma_start3A_220 = arith.constant 0 : i32
      %dma_start3A_221 = tpu.memref_slice %arg2[%dma_start3A_219, %dma_start3A_220] : memref<10000x128xf32, #tpu.memory_space<hbm>> -> memref<10000x128xf32, #tpu.memory_space<hbm>>
      tpu.enqueue_indirect_dma source(%dma_start3A_221 : memref<10000x128xf32, #tpu.memory_space<hbm>>) target(%arg9 : memref<64x128xf32, #tpu.memory_space<vmem>>) offsets(%dma_start3A_218 : memref<64xi32, #tpu.memory_space<vmem>>) semaphore(%arg13 : memref<!tpu.dma_semaphore, #tpu.memory_space<semaphore_mem>>)
      %add3A_222 = arith.constant 1 : i32
      %add3A_223 = arith.addi %mul3A_139, %add3A_222 : i32
      %dma_wait3A_224 = arith.constant 0 : i32
      %dma_wait3A_225 = tpu.memref_slice %arg8[%add3A_223, %dma_wait3A_224] : memref<32x64xi32, #tpu.memory_space<vmem>> -> memref<1x64xi32, #tpu.memory_space<vmem>>
      %dma_wait3A_226 = tpu.memref_squeeze %dma_wait3A_225 : memref<1x64xi32, #tpu.memory_space<vmem>> -> memref<64xi32, #tpu.memory_space<vmem>>
      %dma_wait3A_227 = arith.constant 0 : i32
      %dma_wait3A_228 = arith.constant 0 : i32
      %dma_wait3A_229 = tpu.memref_slice %arg21[%dma_wait3A_227, %dma_wait3A_228] : memref<10112x128xf32, #tpu.memory_space<vmem_shared>> -> memref<10112x128xf32, #tpu.memory_space<vmem_shared>>
      tpu.wait_indirect_dma semaphore(%arg18 : memref<!tpu.dma_semaphore, #tpu.memory_space<semaphore_mem>>) src(%arg10 : memref<64x128xf32, #tpu.memory_space<vmem>>) dst(%dma_wait3A_229 : memref<10112x128xf32, #tpu.memory_space<vmem_shared>>)
      %add3A_230 = arith.constant 4 : i32
      %add3A_231 = arith.addi %mul3A_139, %add3A_230 : i32
      %add3A_232 = arith.constant 1 : i32
      %add3A_233 = arith.addi %add3A_231, %add3A_232 : i32
      %dma_start3A_234 = arith.constant 0 : i32
      %dma_start3A_235 = tpu.memref_slice %arg7[%add3A_233, %dma_start3A_234] : memref<32x64xi32, #tpu.memory_space<vmem>> -> memref<1x64xi32, #tpu.memory_space<vmem>>
      %dma_start3A_236 = tpu.memref_squeeze %dma_start3A_235 : memref<1x64xi32, #tpu.memory_space<vmem>> -> memref<64xi32, #tpu.memory_space<vmem>>
      %dma_start3A_237 = arith.constant 0 : i32
      %dma_start3A_238 = arith.constant 0 : i32
      %dma_start3A_239 = tpu.memref_slice %arg2[%dma_start3A_237, %dma_start3A_238] : memref<10000x128xf32, #tpu.memory_space<hbm>> -> memref<10000x128xf32, #tpu.memory_space<hbm>>
      tpu.enqueue_indirect_dma source(%dma_start3A_239 : memref<10000x128xf32, #tpu.memory_space<hbm>>) target(%arg10 : memref<64x128xf32, #tpu.memory_space<vmem>>) offsets(%dma_start3A_236 : memref<64xi32, #tpu.memory_space<vmem>>) semaphore(%arg14 : memref<!tpu.dma_semaphore, #tpu.memory_space<semaphore_mem>>)
      %add3A_240 = arith.constant 2 : i32
      %add3A_241 = arith.addi %mul3A_139, %add3A_240 : i32
      %dma_wait3A_242 = arith.constant 0 : i32
      %dma_wait3A_243 = tpu.memref_slice %arg8[%add3A_241, %dma_wait3A_242] : memref<32x64xi32, #tpu.memory_space<vmem>> -> memref<1x64xi32, #tpu.memory_space<vmem>>
      %dma_wait3A_244 = tpu.memref_squeeze %dma_wait3A_243 : memref<1x64xi32, #tpu.memory_space<vmem>> -> memref<64xi32, #tpu.memory_space<vmem>>
      %dma_wait3A_245 = arith.constant 0 : i32
      %dma_wait3A_246 = arith.constant 0 : i32
      %dma_wait3A_247 = tpu.memref_slice %arg21[%dma_wait3A_245, %dma_wait3A_246] : memref<10112x128xf32, #tpu.memory_space<vmem_shared>> -> memref<10112x128xf32, #tpu.memory_space<vmem_shared>>
      tpu.wait_indirect_dma semaphore(%arg19 : memref<!tpu.dma_semaphore, #tpu.memory_space<semaphore_mem>>) src(%arg11 : memref<64x128xf32, #tpu.memory_space<vmem>>) dst(%dma_wait3A_247 : memref<10112x128xf32, #tpu.memory_space<vmem_shared>>)
      %add3A_248 = arith.constant 4 : i32
      %add3A_249 = arith.addi %mul3A_139, %add3A_248 : i32
      %add3A_250 = arith.constant 2 : i32
      %add3A_251 = arith.addi %add3A_249, %add3A_250 : i32
      %dma_start3A_252 = arith.constant 0 : i32
      %dma_start3A_253 = tpu.memref_slice %arg7[%add3A_251, %dma_start3A_252] : memref<32x64xi32, #tpu.memory_space<vmem>> -> memref<1x64xi32, #tpu.memory_space<vmem>>
      %dma_start3A_254 = tpu.memref_squeeze %dma_start3A_253 : memref<1x64xi32, #tpu.memory_space<vmem>> -> memref<64xi32, #tpu.memory_space<vmem>>
      %dma_start3A_255 = arith.constant 0 : i32
      %dma_start3A_256 = arith.constant 0 : i32
      %dma_start3A_257 = tpu.memref_slice %arg2[%dma_start3A_255, %dma_start3A_256] : memref<10000x128xf32, #tpu.memory_space<hbm>> -> memref<10000x128xf32, #tpu.memory_space<hbm>>
      tpu.enqueue_indirect_dma source(%dma_start3A_257 : memref<10000x128xf32, #tpu.memory_space<hbm>>) target(%arg11 : memref<64x128xf32, #tpu.memory_space<vmem>>) offsets(%dma_start3A_254 : memref<64xi32, #tpu.memory_space<vmem>>) semaphore(%arg15 : memref<!tpu.dma_semaphore, #tpu.memory_space<semaphore_mem>>)
      %add3A_258 = arith.constant 3 : i32
      %add3A_259 = arith.addi %mul3A_139, %add3A_258 : i32
      %dma_wait3A_260 = arith.constant 0 : i32
      %dma_wait3A_261 = tpu.memref_slice %arg8[%add3A_259, %dma_wait3A_260] : memref<32x64xi32, #tpu.memory_space<vmem>> -> memref<1x64xi32, #tpu.memory_space<vmem>>
      %dma_wait3A_262 = tpu.memref_squeeze %dma_wait3A_261 : memref<1x64xi32, #tpu.memory_space<vmem>> -> memref<64xi32, #tpu.memory_space<vmem>>
      %dma_wait3A_263 = arith.constant 0 : i32
      %dma_wait3A_264 = arith.constant 0 : i32
      %dma_wait3A_265 = tpu.memref_slice %arg21[%dma_wait3A_263, %dma_wait3A_264] : memref<10112x128xf32, #tpu.memory_space<vmem_shared>> -> memref<10112x128xf32, #tpu.memory_space<vmem_shared>>
      tpu.wait_indirect_dma semaphore(%arg20 : memref<!tpu.dma_semaphore, #tpu.memory_space<semaphore_mem>>) src(%arg12 : memref<64x128xf32, #tpu.memory_space<vmem>>) dst(%dma_wait3A_265 : memref<10112x128xf32, #tpu.memory_space<vmem_shared>>)
      %add3A_266 = arith.constant 4 : i32
      %add3A_267 = arith.addi %mul3A_139, %add3A_266 : i32
      %add3A_268 = arith.constant 3 : i32
      %add3A_269 = arith.addi %add3A_267, %add3A_268 : i32
      %dma_start3A_270 = arith.constant 0 : i32
      %dma_start3A_271 = tpu.memref_slice %arg7[%add3A_269, %dma_start3A_270] : memref<32x64xi32, #tpu.memory_space<vmem>> -> memref<1x64xi32, #tpu.memory_space<vmem>>
      %dma_start3A_272 = tpu.memref_squeeze %dma_start3A_271 : memref<1x64xi32, #tpu.memory_space<vmem>> -> memref<64xi32, #tpu.memory_space<vmem>>
      %dma_start3A_273 = arith.constant 0 : i32
      %dma_start3A_274 = arith.constant 0 : i32
      %dma_start3A_275 = tpu.memref_slice %arg2[%dma_start3A_273, %dma_start3A_274] : memref<10000x128xf32, #tpu.memory_space<hbm>> -> memref<10000x128xf32, #tpu.memory_space<hbm>>
      tpu.enqueue_indirect_dma source(%dma_start3A_275 : memref<10000x128xf32, #tpu.memory_space<hbm>>) target(%arg12 : memref<64x128xf32, #tpu.memory_space<vmem>>) offsets(%dma_start3A_272 : memref<64xi32, #tpu.memory_space<vmem>>) semaphore(%arg16 : memref<!tpu.dma_semaphore, #tpu.memory_space<semaphore_mem>>)
    }
    %scan3A_43 = arith.constant 7 : i32
    %dma_wait3A = arith.constant 28 : i32
    %dma_wait3A_44 = arith.constant 0 : i32
    %dma_wait3A_45 = tpu.memref_slice %arg7[%dma_wait3A, %dma_wait3A_44] : memref<32x64xi32, #tpu.memory_space<vmem>> -> memref<1x64xi32, #tpu.memory_space<vmem>>
    %dma_wait3A_46 = tpu.memref_squeeze %dma_wait3A_45 : memref<1x64xi32, #tpu.memory_space<vmem>> -> memref<64xi32, #tpu.memory_space<vmem>>
    %dma_wait3A_47 = arith.constant 0 : i32
    %dma_wait3A_48 = arith.constant 0 : i32
    %dma_wait3A_49 = tpu.memref_slice %arg2[%dma_wait3A_47, %dma_wait3A_48] : memref<10000x128xf32, #tpu.memory_space<hbm>> -> memref<10000x128xf32, #tpu.memory_space<hbm>>
    tpu.wait_indirect_dma semaphore(%arg13 : memref<!tpu.dma_semaphore, #tpu.memory_space<semaphore_mem>>) src(%dma_wait3A_49 : memref<10000x128xf32, #tpu.memory_space<hbm>>) dst(%arg9 : memref<64x128xf32, #tpu.memory_space<vmem>>)
    %dma_start3A_50 = arith.constant 28 : i32
    %dma_start3A_51 = arith.constant 0 : i32
    %dma_start3A_52 = tpu.memref_slice %arg8[%dma_start3A_50, %dma_start3A_51] : memref<32x64xi32, #tpu.memory_space<vmem>> -> memref<1x64xi32, #tpu.memory_space<vmem>>
    %dma_start3A_53 = tpu.memref_squeeze %dma_start3A_52 : memref<1x64xi32, #tpu.memory_space<vmem>> -> memref<64xi32, #tpu.memory_space<vmem>>
    %dma_start3A_54 = arith.constant 0 : i32
    %dma_start3A_55 = arith.constant 0 : i32
    %dma_start3A_56 = tpu.memref_slice %arg21[%dma_start3A_54, %dma_start3A_55] : memref<10112x128xf32, #tpu.memory_space<vmem_shared>> -> memref<10112x128xf32, #tpu.memory_space<vmem_shared>>
    tpu.enqueue_indirect_dma source(%arg9 : memref<64x128xf32, #tpu.memory_space<vmem>>) target(%dma_start3A_56 : memref<10112x128xf32, #tpu.memory_space<vmem_shared>>) offsets(%dma_start3A_53 : memref<64xi32, #tpu.memory_space<vmem>>) semaphore(%arg17 : memref<!tpu.dma_semaphore, #tpu.memory_space<semaphore_mem>>) {add = true}
    %dma_wait3A_57 = arith.constant 29 : i32
    %dma_wait3A_58 = arith.constant 0 : i32
    %dma_wait3A_59 = tpu.memref_slice %arg7[%dma_wait3A_57, %dma_wait3A_58] : memref<32x64xi32, #tpu.memory_space<vmem>> -> memref<1x64xi32, #tpu.memory_space<vmem>>
    %dma_wait3A_60 = tpu.memref_squeeze %dma_wait3A_59 : memref<1x64xi32, #tpu.memory_space<vmem>> -> memref<64xi32, #tpu.memory_space<vmem>>
    %dma_wait3A_61 = arith.constant 0 : i32
    %dma_wait3A_62 = arith.constant 0 : i32
    %dma_wait3A_63 = tpu.memref_slice %arg2[%dma_wait3A_61, %dma_wait3A_62] : memref<10000x128xf32, #tpu.memory_space<hbm>> -> memref<10000x128xf32, #tpu.memory_space<hbm>>
    tpu.wait_indirect_dma semaphore(%arg14 : memref<!tpu.dma_semaphore, #tpu.memory_space<semaphore_mem>>) src(%dma_wait3A_63 : memref<10000x128xf32, #tpu.memory_space<hbm>>) dst(%arg10 : memref<64x128xf32, #tpu.memory_space<vmem>>)
    %dma_start3A_64 = arith.constant 29 : i32
    %dma_start3A_65 = arith.constant 0 : i32
    %dma_start3A_66 = tpu.memref_slice %arg8[%dma_start3A_64, %dma_start3A_65] : memref<32x64xi32, #tpu.memory_space<vmem>> -> memref<1x64xi32, #tpu.memory_space<vmem>>
    %dma_start3A_67 = tpu.memref_squeeze %dma_start3A_66 : memref<1x64xi32, #tpu.memory_space<vmem>> -> memref<64xi32, #tpu.memory_space<vmem>>
    %dma_start3A_68 = arith.constant 0 : i32
    %dma_start3A_69 = arith.constant 0 : i32
    %dma_start3A_70 = tpu.memref_slice %arg21[%dma_start3A_68, %dma_start3A_69] : memref<10112x128xf32, #tpu.memory_space<vmem_shared>> -> memref<10112x128xf32, #tpu.memory_space<vmem_shared>>
    tpu.enqueue_indirect_dma source(%arg10 : memref<64x128xf32, #tpu.memory_space<vmem>>) target(%dma_start3A_70 : memref<10112x128xf32, #tpu.memory_space<vmem_shared>>) offsets(%dma_start3A_67 : memref<64xi32, #tpu.memory_space<vmem>>) semaphore(%arg18 : memref<!tpu.dma_semaphore, #tpu.memory_space<semaphore_mem>>) {add = true}
    %dma_wait3A_71 = arith.constant 30 : i32
    %dma_wait3A_72 = arith.constant 0 : i32
    %dma_wait3A_73 = tpu.memref_slice %arg7[%dma_wait3A_71, %dma_wait3A_72] : memref<32x64xi32, #tpu.memory_space<vmem>> -> memref<1x64xi32, #tpu.memory_space<vmem>>
    %dma_wait3A_74 = tpu.memref_squeeze %dma_wait3A_73 : memref<1x64xi32, #tpu.memory_space<vmem>> -> memref<64xi32, #tpu.memory_space<vmem>>
    %dma_wait3A_75 = arith.constant 0 : i32
    %dma_wait3A_76 = arith.constant 0 : i32
    %dma_wait3A_77 = tpu.memref_slice %arg2[%dma_wait3A_75, %dma_wait3A_76] : memref<10000x128xf32, #tpu.memory_space<hbm>> -> memref<10000x128xf32, #tpu.memory_space<hbm>>
    tpu.wait_indirect_dma semaphore(%arg15 : memref<!tpu.dma_semaphore, #tpu.memory_space<semaphore_mem>>) src(%dma_wait3A_77 : memref<10000x128xf32, #tpu.memory_space<hbm>>) dst(%arg11 : memref<64x128xf32, #tpu.memory_space<vmem>>)
    %dma_start3A_78 = arith.constant 30 : i32
    %dma_start3A_79 = arith.constant 0 : i32
    %dma_start3A_80 = tpu.memref_slice %arg8[%dma_start3A_78, %dma_start3A_79] : memref<32x64xi32, #tpu.memory_space<vmem>> -> memref<1x64xi32, #tpu.memory_space<vmem>>
    %dma_start3A_81 = tpu.memref_squeeze %dma_start3A_80 : memref<1x64xi32, #tpu.memory_space<vmem>> -> memref<64xi32, #tpu.memory_space<vmem>>
    %dma_start3A_82 = arith.constant 0 : i32
    %dma_start3A_83 = arith.constant 0 : i32
    %dma_start3A_84 = tpu.memref_slice %arg21[%dma_start3A_82, %dma_start3A_83] : memref<10112x128xf32, #tpu.memory_space<vmem_shared>> -> memref<10112x128xf32, #tpu.memory_space<vmem_shared>>
    tpu.enqueue_indirect_dma source(%arg11 : memref<64x128xf32, #tpu.memory_space<vmem>>) target(%dma_start3A_84 : memref<10112x128xf32, #tpu.memory_space<vmem_shared>>) offsets(%dma_start3A_81 : memref<64xi32, #tpu.memory_space<vmem>>) semaphore(%arg19 : memref<!tpu.dma_semaphore, #tpu.memory_space<semaphore_mem>>) {add = true}
    %dma_wait3A_85 = arith.constant 31 : i32
    %dma_wait3A_86 = arith.constant 0 : i32
    %dma_wait3A_87 = tpu.memref_slice %arg7[%dma_wait3A_85, %dma_wait3A_86] : memref<32x64xi32, #tpu.memory_space<vmem>> -> memref<1x64xi32, #tpu.memory_space<vmem>>
    %dma_wait3A_88 = tpu.memref_squeeze %dma_wait3A_87 : memref<1x64xi32, #tpu.memory_space<vmem>> -> memref<64xi32, #tpu.memory_space<vmem>>
    %dma_wait3A_89 = arith.constant 0 : i32
    %dma_wait3A_90 = arith.constant 0 : i32
    %dma_wait3A_91 = tpu.memref_slice %arg2[%dma_wait3A_89, %dma_wait3A_90] : memref<10000x128xf32, #tpu.memory_space<hbm>> -> memref<10000x128xf32, #tpu.memory_space<hbm>>
    tpu.wait_indirect_dma semaphore(%arg16 : memref<!tpu.dma_semaphore, #tpu.memory_space<semaphore_mem>>) src(%dma_wait3A_91 : memref<10000x128xf32, #tpu.memory_space<hbm>>) dst(%arg12 : memref<64x128xf32, #tpu.memory_space<vmem>>)
    %dma_start3A_92 = arith.constant 31 : i32
    %dma_start3A_93 = arith.constant 0 : i32
    %dma_start3A_94 = tpu.memref_slice %arg8[%dma_start3A_92, %dma_start3A_93] : memref<32x64xi32, #tpu.memory_space<vmem>> -> memref<1x64xi32, #tpu.memory_space<vmem>>
    %dma_start3A_95 = tpu.memref_squeeze %dma_start3A_94 : memref<1x64xi32, #tpu.memory_space<vmem>> -> memref<64xi32, #tpu.memory_space<vmem>>
    %dma_start3A_96 = arith.constant 0 : i32
    %dma_start3A_97 = arith.constant 0 : i32
    %dma_start3A_98 = tpu.memref_slice %arg21[%dma_start3A_96, %dma_start3A_97] : memref<10112x128xf32, #tpu.memory_space<vmem_shared>> -> memref<10112x128xf32, #tpu.memory_space<vmem_shared>>
    tpu.enqueue_indirect_dma source(%arg12 : memref<64x128xf32, #tpu.memory_space<vmem>>) target(%dma_start3A_98 : memref<10112x128xf32, #tpu.memory_space<vmem_shared>>) offsets(%dma_start3A_95 : memref<64xi32, #tpu.memory_space<vmem>>) semaphore(%arg20 : memref<!tpu.dma_semaphore, #tpu.memory_space<semaphore_mem>>) {add = true}
    %dma_wait3A_99 = arith.constant 28 : i32
    %dma_wait3A_100 = arith.constant 0 : i32
    %dma_wait3A_101 = tpu.memref_slice %arg8[%dma_wait3A_99, %dma_wait3A_100] : memref<32x64xi32, #tpu.memory_space<vmem>> -> memref<1x64xi32, #tpu.memory_space<vmem>>
    %dma_wait3A_102 = tpu.memref_squeeze %dma_wait3A_101 : memref<1x64xi32, #tpu.memory_space<vmem>> -> memref<64xi32, #tpu.memory_space<vmem>>
    %dma_wait3A_103 = arith.constant 0 : i32
    %dma_wait3A_104 = arith.constant 0 : i32
    %dma_wait3A_105 = tpu.memref_slice %arg21[%dma_wait3A_103, %dma_wait3A_104] : memref<10112x128xf32, #tpu.memory_space<vmem_shared>> -> memref<10112x128xf32, #tpu.memory_space<vmem_shared>>
    tpu.wait_indirect_dma semaphore(%arg17 : memref<!tpu.dma_semaphore, #tpu.memory_space<semaphore_mem>>) src(%arg9 : memref<64x128xf32, #tpu.memory_space<vmem>>) dst(%dma_wait3A_105 : memref<10112x128xf32, #tpu.memory_space<vmem_shared>>)
    %dma_wait3A_106 = arith.constant 29 : i32
    %dma_wait3A_107 = arith.constant 0 : i32
    %dma_wait3A_108 = tpu.memref_slice %arg8[%dma_wait3A_106, %dma_wait3A_107] : memref<32x64xi32, #tpu.memory_space<vmem>> -> memref<1x64xi32, #tpu.memory_space<vmem>>
    %dma_wait3A_109 = tpu.memref_squeeze %dma_wait3A_108 : memref<1x64xi32, #tpu.memory_space<vmem>> -> memref<64xi32, #tpu.memory_space<vmem>>
    %dma_wait3A_110 = arith.constant 0 : i32
    %dma_wait3A_111 = arith.constant 0 : i32
    %dma_wait3A_112 = tpu.memref_slice %arg21[%dma_wait3A_110, %dma_wait3A_111] : memref<10112x128xf32, #tpu.memory_space<vmem_shared>> -> memref<10112x128xf32, #tpu.memory_space<vmem_shared>>
    tpu.wait_indirect_dma semaphore(%arg18 : memref<!tpu.dma_semaphore, #tpu.memory_space<semaphore_mem>>) src(%arg10 : memref<64x128xf32, #tpu.memory_space<vmem>>) dst(%dma_wait3A_112 : memref<10112x128xf32, #tpu.memory_space<vmem_shared>>)
    %dma_wait3A_113 = arith.constant 30 : i32
    %dma_wait3A_114 = arith.constant 0 : i32
    %dma_wait3A_115 = tpu.memref_slice %arg8[%dma_wait3A_113, %dma_wait3A_114] : memref<32x64xi32, #tpu.memory_space<vmem>> -> memref<1x64xi32, #tpu.memory_space<vmem>>
    %dma_wait3A_116 = tpu.memref_squeeze %dma_wait3A_115 : memref<1x64xi32, #tpu.memory_space<vmem>> -> memref<64xi32, #tpu.memory_space<vmem>>
    %dma_wait3A_117 = arith.constant 0 : i32
    %dma_wait3A_118 = arith.constant 0 : i32
    %dma_wait3A_119 = tpu.memref_slice %arg21[%dma_wait3A_117, %dma_wait3A_118] : memref<10112x128xf32, #tpu.memory_space<vmem_shared>> -> memref<10112x128xf32, #tpu.memory_space<vmem_shared>>
    tpu.wait_indirect_dma semaphore(%arg19 : memref<!tpu.dma_semaphore, #tpu.memory_space<semaphore_mem>>) src(%arg11 : memref<64x128xf32, #tpu.memory_space<vmem>>) dst(%dma_wait3A_119 : memref<10112x128xf32, #tpu.memory_space<vmem_shared>>)
    %dma_wait3A_120 = arith.constant 31 : i32
    %dma_wait3A_121 = arith.constant 0 : i32
    %dma_wait3A_122 = tpu.memref_slice %arg8[%dma_wait3A_120, %dma_wait3A_121] : memref<32x64xi32, #tpu.memory_space<vmem>> -> memref<1x64xi32, #tpu.memory_space<vmem>>
    %dma_wait3A_123 = tpu.memref_squeeze %dma_wait3A_122 : memref<1x64xi32, #tpu.memory_space<vmem>> -> memref<64xi32, #tpu.memory_space<vmem>>
    %dma_wait3A_124 = arith.constant 0 : i32
    %dma_wait3A_125 = arith.constant 0 : i32
    %dma_wait3A_126 = tpu.memref_slice %arg21[%dma_wait3A_124, %dma_wait3A_125] : memref<10112x128xf32, #tpu.memory_space<vmem_shared>> -> memref<10112x128xf32, #tpu.memory_space<vmem_shared>>
    tpu.wait_indirect_dma semaphore(%arg20 : memref<!tpu.dma_semaphore, #tpu.memory_space<semaphore_mem>>) src(%arg12 : memref<64x128xf32, #tpu.memory_space<vmem>>) dst(%dma_wait3A_126 : memref<10112x128xf32, #tpu.memory_space<vmem_shared>>)
    %scan3A_127 = arith.constant 1 : i32
    %barrier3A_128 = arith.constant 0 : index
    tpu.barrier barrier_id(%barrier3A_128)
    %mul3A_129 = arith.constant 632 : i32
    %mul3A_130 = arith.muli %arg1, %mul3A_129 : i32
    %mul3A_131 = arith.constant 632 : i32
    %mul3A_132 = arith.muli %arg1, %mul3A_131 : i32
    "tpu.region"() ({
      %run_scoped3A = tpu.sem_alloc : memref<!tpu.dma_semaphore, #tpu.memory_space<semaphore_mem>>
      %dma_start3A_133 = arith.constant 0 : i32
      %dma_start3A_134 = tpu.memref_slice %arg6[%arg0, %mul3A_132, %dma_start3A_133] : memref<2x10112x128xf32, #tpu.memory_space<hbm>> -> memref<1x632x128xf32, #tpu.memory_space<hbm>>
      %dma_start3A_135 = tpu.memref_squeeze %dma_start3A_134 : memref<1x632x128xf32, #tpu.memory_space<hbm>> -> memref<632x128xf32, #tpu.memory_space<hbm>>
      %dma_start3A_136 = arith.constant 0 : i32
      %dma_start3A_137 = tpu.memref_slice %arg21[%mul3A_130, %dma_start3A_136] : memref<10112x128xf32, #tpu.memory_space<vmem_shared>> -> memref<632x128xf32, #tpu.memory_space<vmem_shared>>
      tpu.enqueue_dma source(%dma_start3A_137 : memref<632x128xf32, #tpu.memory_space<vmem_shared>>) target(%dma_start3A_135 : memref<632x128xf32, #tpu.memory_space<hbm>>) target_semaphore(%run_scoped3A : memref<!tpu.dma_semaphore, #tpu.memory_space<semaphore_mem>>)
      %dma_wait3A_138 = arith.constant 0 : i32
      %dma_wait3A_139 = tpu.memref_slice %arg6[%arg0, %mul3A_132, %dma_wait3A_138] : memref<2x10112x128xf32, #tpu.memory_space<hbm>> -> memref<1x632x128xf32, #tpu.memory_space<hbm>>
      %dma_wait3A_140 = tpu.memref_squeeze %dma_wait3A_139 : memref<1x632x128xf32, #tpu.memory_space<hbm>> -> memref<632x128xf32, #tpu.memory_space<hbm>>
      %dma_wait3A_141 = arith.constant 0 : i32
      %dma_wait3A_142 = tpu.memref_slice %arg21[%mul3A_130, %dma_wait3A_141] : memref<10112x128xf32, #tpu.memory_space<vmem_shared>> -> memref<632x128xf32, #tpu.memory_space<vmem_shared>>
      tpu.wait_dma2 semaphore(%run_scoped3A : memref<!tpu.dma_semaphore, #tpu.memory_space<semaphore_mem>>) src(%dma_wait3A_142 : memref<632x128xf32, #tpu.memory_space<vmem_shared>>) dst(%dma_wait3A_140 : memref<632x128xf32, #tpu.memory_space<hbm>>)
      tpu.yield
    }) : () -> ()
    return
  }
}

#map = affine_map<(d0, d1) -> (0, 0)>
#map1 = affine_map<(d0, d1) -> (0, 0, 0)>
module attributes {stable_mosaic.version = 14 : i64} {
  func.func @_sc_agg_body(%arg0: i32, %arg1: i32, %arg2: memref<10000x128xf32, #tpu.memory_space<hbm>>, %arg3: memref<5120x64xi32, #tpu.memory_space<hbm>>, %arg4: memref<5120x64xi32, #tpu.memory_space<hbm>>, %arg5: memref<632x128xf32, #tpu.memory_space<hbm>>, %arg6: memref<2x10112x128xf32, #tpu.memory_space<hbm>>, %arg7: memref<32x64xi32, #tpu.memory_space<vmem>>, %arg8: memref<32x64xi32, #tpu.memory_space<vmem>>, %arg9: memref<64x128xf32, #tpu.memory_space<vmem>>, %arg10: memref<64x128xf32, #tpu.memory_space<vmem>>, %arg11: memref<64x128xf32, #tpu.memory_space<vmem>>, %arg12: memref<64x128xf32, #tpu.memory_space<vmem>>, %arg13: memref<!tpu.dma_semaphore, #tpu.memory_space<semaphore_mem>>, %arg14: memref<!tpu.dma_semaphore, #tpu.memory_space<semaphore_mem>>, %arg15: memref<!tpu.dma_semaphore, #tpu.memory_space<semaphore_mem>>, %arg16: memref<!tpu.dma_semaphore, #tpu.memory_space<semaphore_mem>>, %arg17: memref<!tpu.dma_semaphore, #tpu.memory_space<semaphore_mem>>, %arg18: memref<!tpu.dma_semaphore, #tpu.memory_space<semaphore_mem>>, %arg19: memref<!tpu.dma_semaphore, #tpu.memory_space<semaphore_mem>>, %arg20: memref<!tpu.dma_semaphore, #tpu.memory_space<semaphore_mem>>, %arg21: memref<10112x128xf32, #tpu.memory_space<vmem_shared>>) attributes {dimension_semantics = [#tpu.dimension_semantics<core_parallel>, #tpu.dimension_semantics<subcore_parallel>], iteration_bounds = array<i64: 2, 16>, scalar_prefetch = 0 : i64, scratch_operands = 15 : i64, tpu.core_type = #tpu.core_type<sc_vector_subcore>, window_params = [{transform_indices = #map}, {transform_indices = #map}, {transform_indices = #map}, {transform_indices = #map}, {transform_indices = #map1}]} {
    %mul3A = arith.constant 16 : i32
    %mul3A_0 = arith.muli %arg0, %mul3A : i32
    %add3A = arith.addi %mul3A_0, %arg1 : i32
    %mul3A_1 = arith.constant 632 : i32
    %mul3A_2 = arith.muli %arg1, %mul3A_1 : i32
    "tpu.region"() ({
      %run_scoped3A = tpu.sem_alloc : memref<!tpu.dma_semaphore, #tpu.memory_space<semaphore_mem>>
      %dma_start3A_133 = arith.constant 0 : i32
      %dma_start3A_134 = tpu.memref_slice %arg21[%mul3A_2, %dma_start3A_133] : memref<10112x128xf32, #tpu.memory_space<vmem_shared>> -> memref<632x128xf32, #tpu.memory_space<vmem_shared>>
      tpu.enqueue_dma source(%arg5 : memref<632x128xf32, #tpu.memory_space<hbm>>) target(%dma_start3A_134 : memref<632x128xf32, #tpu.memory_space<vmem_shared>>) target_semaphore(%run_scoped3A : memref<!tpu.dma_semaphore, #tpu.memory_space<semaphore_mem>>)
      %dma_wait3A_135 = arith.constant 0 : i32
      %dma_wait3A_136 = tpu.memref_slice %arg21[%mul3A_2, %dma_wait3A_135] : memref<10112x128xf32, #tpu.memory_space<vmem_shared>> -> memref<632x128xf32, #tpu.memory_space<vmem_shared>>
      tpu.wait_dma2 semaphore(%run_scoped3A : memref<!tpu.dma_semaphore, #tpu.memory_space<semaphore_mem>>) src(%arg5 : memref<632x128xf32, #tpu.memory_space<hbm>>) dst(%dma_wait3A_136 : memref<632x128xf32, #tpu.memory_space<vmem_shared>>)
      tpu.yield
    }) : () -> ()
    %barrier3A = arith.constant 0 : index
    tpu.barrier barrier_id(%barrier3A)
    %scan3A = arith.constant 0 : i32
    %mul3A_3 = arith.constant 1 : i32
    %mul3A_4 = arith.muli %scan3A, %mul3A_3 : i32
    %add3A_5 = arith.constant 0 : i32
    %add3A_6 = arith.addi %add3A_5, %mul3A_4 : i32
    %mul3A_7 = arith.constant 160 : i32
    %mul3A_8 = arith.muli %add3A, %mul3A_7 : i32
    %mul3A_9 = arith.constant 32 : i32
    %mul3A_10 = arith.muli %add3A_6, %mul3A_9 : i32
    %add3A_11 = arith.addi %mul3A_8, %mul3A_10 : i32
    %multiple_of3A = tpu.assume_multiple %add3A_11, 8 : i32
    "tpu.region"() ({
      %run_scoped3A = tpu.sem_alloc : memref<!tpu.dma_semaphore, #tpu.memory_space<semaphore_mem>>
      %dma_start3A_133 = arith.constant 0 : i32
      %dma_start3A_134 = tpu.memref_slice %arg3[%multiple_of3A, %dma_start3A_133] : memref<5120x64xi32, #tpu.memory_space<hbm>> -> memref<32x64xi32, #tpu.memory_space<hbm>>
      %dma_start3A_135 = arith.constant 0 : i32
      %dma_start3A_136 = tpu.memref_slice %arg3[%multiple_of3A, %dma_start3A_135] : memref<5120x64xi32, #tpu.memory_space<hbm>> -> memref<32x64xi32, #tpu.memory_space<hbm>>
      tpu.enqueue_dma source(%dma_start3A_136 : memref<32x64xi32, #tpu.memory_space<hbm>>) target(%arg7 : memref<32x64xi32, #tpu.memory_space<vmem>>) target_semaphore(%run_scoped3A : memref<!tpu.dma_semaphore, #tpu.memory_space<semaphore_mem>>)
      %dma_wait3A_137 = arith.constant 0 : i32
      %dma_wait3A_138 = tpu.memref_slice %arg3[%multiple_of3A, %dma_wait3A_137] : memref<5120x64xi32, #tpu.memory_space<hbm>> -> memref<32x64xi32, #tpu.memory_space<hbm>>
      %dma_wait3A_139 = arith.constant 0 : i32
      %dma_wait3A_140 = tpu.memref_slice %arg3[%multiple_of3A, %dma_wait3A_139] : memref<5120x64xi32, #tpu.memory_space<hbm>> -> memref<32x64xi32, #tpu.memory_space<hbm>>
      tpu.wait_dma2 semaphore(%run_scoped3A : memref<!tpu.dma_semaphore, #tpu.memory_space<semaphore_mem>>) src(%dma_wait3A_140 : memref<32x64xi32, #tpu.memory_space<hbm>>) dst(%arg7 : memref<32x64xi32, #tpu.memory_space<vmem>>)
      tpu.yield
    }) : () -> ()
    "tpu.region"() ({
      %run_scoped3A = tpu.sem_alloc : memref<!tpu.dma_semaphore, #tpu.memory_space<semaphore_mem>>
      %dma_start3A_133 = arith.constant 0 : i32
      %dma_start3A_134 = tpu.memref_slice %arg4[%multiple_of3A, %dma_start3A_133] : memref<5120x64xi32, #tpu.memory_space<hbm>> -> memref<32x64xi32, #tpu.memory_space<hbm>>
      %dma_start3A_135 = arith.constant 0 : i32
      %dma_start3A_136 = tpu.memref_slice %arg4[%multiple_of3A, %dma_start3A_135] : memref<5120x64xi32, #tpu.memory_space<hbm>> -> memref<32x64xi32, #tpu.memory_space<hbm>>
      tpu.enqueue_dma source(%dma_start3A_136 : memref<32x64xi32, #tpu.memory_space<hbm>>) target(%arg8 : memref<32x64xi32, #tpu.memory_space<vmem>>) target_semaphore(%run_scoped3A : memref<!tpu.dma_semaphore, #tpu.memory_space<semaphore_mem>>)
      %dma_wait3A_137 = arith.constant 0 : i32
      %dma_wait3A_138 = tpu.memref_slice %arg4[%multiple_of3A, %dma_wait3A_137] : memref<5120x64xi32, #tpu.memory_space<hbm>> -> memref<32x64xi32, #tpu.memory_space<hbm>>
      %dma_wait3A_139 = arith.constant 0 : i32
      %dma_wait3A_140 = tpu.memref_slice %arg4[%multiple_of3A, %dma_wait3A_139] : memref<5120x64xi32, #tpu.memory_space<hbm>> -> memref<32x64xi32, #tpu.memory_space<hbm>>
      tpu.wait_dma2 semaphore(%run_scoped3A : memref<!tpu.dma_semaphore, #tpu.memory_space<semaphore_mem>>) src(%dma_wait3A_140 : memref<32x64xi32, #tpu.memory_space<hbm>>) dst(%arg8 : memref<32x64xi32, #tpu.memory_space<vmem>>)
      tpu.yield
    }) : () -> ()
    %dma_start3A = arith.constant 0 : i32
    %dma_start3A_12 = arith.constant 0 : i32
    %dma_start3A_13 = tpu.memref_slice %arg7[%dma_start3A, %dma_start3A_12] : memref<32x64xi32, #tpu.memory_space<vmem>> -> memref<1x64xi32, #tpu.memory_space<vmem>>
    %dma_start3A_14 = tpu.memref_squeeze %dma_start3A_13 : memref<1x64xi32, #tpu.memory_space<vmem>> -> memref<64xi32, #tpu.memory_space<vmem>>
    %dma_start3A_15 = arith.constant 0 : i32
    %dma_start3A_16 = arith.constant 0 : i32
    %dma_start3A_17 = tpu.memref_slice %arg2[%dma_start3A_15, %dma_start3A_16] : memref<10000x128xf32, #tpu.memory_space<hbm>> -> memref<10000x128xf32, #tpu.memory_space<hbm>>
    tpu.enqueue_indirect_dma source(%dma_start3A_17 : memref<10000x128xf32, #tpu.memory_space<hbm>>) target(%arg9 : memref<64x128xf32, #tpu.memory_space<vmem>>) offsets(%dma_start3A_14 : memref<64xi32, #tpu.memory_space<vmem>>) semaphore(%arg13 : memref<!tpu.dma_semaphore, #tpu.memory_space<semaphore_mem>>)
    %dma_start3A_18 = arith.constant 1 : i32
    %dma_start3A_19 = arith.constant 0 : i32
    %dma_start3A_20 = tpu.memref_slice %arg7[%dma_start3A_18, %dma_start3A_19] : memref<32x64xi32, #tpu.memory_space<vmem>> -> memref<1x64xi32, #tpu.memory_space<vmem>>
    %dma_start3A_21 = tpu.memref_squeeze %dma_start3A_20 : memref<1x64xi32, #tpu.memory_space<vmem>> -> memref<64xi32, #tpu.memory_space<vmem>>
    %dma_start3A_22 = arith.constant 0 : i32
    %dma_start3A_23 = arith.constant 0 : i32
    %dma_start3A_24 = tpu.memref_slice %arg2[%dma_start3A_22, %dma_start3A_23] : memref<10000x128xf32, #tpu.memory_space<hbm>> -> memref<10000x128xf32, #tpu.memory_space<hbm>>
    tpu.enqueue_indirect_dma source(%dma_start3A_24 : memref<10000x128xf32, #tpu.memory_space<hbm>>) target(%arg10 : memref<64x128xf32, #tpu.memory_space<vmem>>) offsets(%dma_start3A_21 : memref<64xi32, #tpu.memory_space<vmem>>) semaphore(%arg14 : memref<!tpu.dma_semaphore, #tpu.memory_space<semaphore_mem>>)
    %dma_start3A_25 = arith.constant 2 : i32
    %dma_start3A_26 = arith.constant 0 : i32
    %dma_start3A_27 = tpu.memref_slice %arg7[%dma_start3A_25, %dma_start3A_26] : memref<32x64xi32, #tpu.memory_space<vmem>> -> memref<1x64xi32, #tpu.memory_space<vmem>>
    %dma_start3A_28 = tpu.memref_squeeze %dma_start3A_27 : memref<1x64xi32, #tpu.memory_space<vmem>> -> memref<64xi32, #tpu.memory_space<vmem>>
    %dma_start3A_29 = arith.constant 0 : i32
    %dma_start3A_30 = arith.constant 0 : i32
    %dma_start3A_31 = tpu.memref_slice %arg2[%dma_start3A_29, %dma_start3A_30] : memref<10000x128xf32, #tpu.memory_space<hbm>> -> memref<10000x128xf32, #tpu.memory_space<hbm>>
    tpu.enqueue_indirect_dma source(%dma_start3A_31 : memref<10000x128xf32, #tpu.memory_space<hbm>>) target(%arg11 : memref<64x128xf32, #tpu.memory_space<vmem>>) offsets(%dma_start3A_28 : memref<64xi32, #tpu.memory_space<vmem>>) semaphore(%arg15 : memref<!tpu.dma_semaphore, #tpu.memory_space<semaphore_mem>>)
    %dma_start3A_32 = arith.constant 3 : i32
    %dma_start3A_33 = arith.constant 0 : i32
    %dma_start3A_34 = tpu.memref_slice %arg7[%dma_start3A_32, %dma_start3A_33] : memref<32x64xi32, #tpu.memory_space<vmem>> -> memref<1x64xi32, #tpu.memory_space<vmem>>
    %dma_start3A_35 = tpu.memref_squeeze %dma_start3A_34 : memref<1x64xi32, #tpu.memory_space<vmem>> -> memref<64xi32, #tpu.memory_space<vmem>>
    %dma_start3A_36 = arith.constant 0 : i32
    %dma_start3A_37 = arith.constant 0 : i32
    %dma_start3A_38 = tpu.memref_slice %arg2[%dma_start3A_36, %dma_start3A_37] : memref<10000x128xf32, #tpu.memory_space<hbm>> -> memref<10000x128xf32, #tpu.memory_space<hbm>>
    tpu.enqueue_indirect_dma source(%dma_start3A_38 : memref<10000x128xf32, #tpu.memory_space<hbm>>) target(%arg12 : memref<64x128xf32, #tpu.memory_space<vmem>>) offsets(%dma_start3A_35 : memref<64xi32, #tpu.memory_space<vmem>>) semaphore(%arg16 : memref<!tpu.dma_semaphore, #tpu.memory_space<semaphore_mem>>)
    %scan3A_39 = arith.constant 0 : i32
    %scan3A_40 = arith.constant 7 : i32
    %scan3A_41 = arith.addi %scan3A_39, %scan3A_40 : i32
    %scan3A_42 = arith.constant 1 : i32
    scf.for %scan3A_133 = %scan3A_39 to %scan3A_41 step %scan3A_42  : i32 {
      %mul3A_134 = arith.constant 1 : i32
      %mul3A_135 = arith.muli %scan3A_133, %mul3A_134 : i32
      %add3A_136 = arith.constant 0 : i32
      %add3A_137 = arith.addi %add3A_136, %mul3A_135 : i32
      %mul3A_138 = arith.constant 4 : i32
      %mul3A_139 = arith.muli %add3A_137, %mul3A_138 : i32
      %add3A_140 = arith.constant 0 : i32
      %add3A_141 = arith.addi %mul3A_139, %add3A_140 : i32
      %dma_wait3A_142 = arith.constant 0 : i32
      %dma_wait3A_143 = tpu.memref_slice %arg7[%add3A_141, %dma_wait3A_142] : memref<32x64xi32, #tpu.memory_space<vmem>> -> memref<1x64xi32, #tpu.memory_space<vmem>>
      %dma_wait3A_144 = tpu.memref_squeeze %dma_wait3A_143 : memref<1x64xi32, #tpu.memory_space<vmem>> -> memref<64xi32, #tpu.memory_space<vmem>>
      %dma_wait3A_145 = arith.constant 0 : i32
      %dma_wait3A_146 = arith.constant 0 : i32
      %dma_wait3A_147 = tpu.memref_slice %arg2[%dma_wait3A_145, %dma_wait3A_146] : memref<10000x128xf32, #tpu.memory_space<hbm>> -> memref<10000x128xf32, #tpu.memory_space<hbm>>
      tpu.wait_indirect_dma semaphore(%arg13 : memref<!tpu.dma_semaphore, #tpu.memory_space<semaphore_mem>>) src(%dma_wait3A_147 : memref<10000x128xf32, #tpu.memory_space<hbm>>) dst(%arg9 : memref<64x128xf32, #tpu.memory_space<vmem>>)
      %add3A_148 = arith.constant 0 : i32
      %add3A_149 = arith.addi %mul3A_139, %add3A_148 : i32
      %dma_start3A_150 = arith.constant 0 : i32
      %dma_start3A_151 = tpu.memref_slice %arg8[%add3A_149, %dma_start3A_150] : memref<32x64xi32, #tpu.memory_space<vmem>> -> memref<1x64xi32, #tpu.memory_space<vmem>>
      %dma_start3A_152 = tpu.memref_squeeze %dma_start3A_151 : memref<1x64xi32, #tpu.memory_space<vmem>> -> memref<64xi32, #tpu.memory_space<vmem>>
      %dma_start3A_153 = arith.constant 0 : i32
      %dma_start3A_154 = arith.constant 0 : i32
      %dma_start3A_155 = tpu.memref_slice %arg21[%dma_start3A_153, %dma_start3A_154] : memref<10112x128xf32, #tpu.memory_space<vmem_shared>> -> memref<10112x128xf32, #tpu.memory_space<vmem_shared>>
      tpu.enqueue_indirect_dma source(%arg9 : memref<64x128xf32, #tpu.memory_space<vmem>>) target(%dma_start3A_155 : memref<10112x128xf32, #tpu.memory_space<vmem_shared>>) offsets(%dma_start3A_152 : memref<64xi32, #tpu.memory_space<vmem>>) semaphore(%arg17 : memref<!tpu.dma_semaphore, #tpu.memory_space<semaphore_mem>>) {add = true}
      %add3A_156 = arith.constant 1 : i32
      %add3A_157 = arith.addi %mul3A_139, %add3A_156 : i32
      %dma_wait3A_158 = arith.constant 0 : i32
      %dma_wait3A_159 = tpu.memref_slice %arg7[%add3A_157, %dma_wait3A_158] : memref<32x64xi32, #tpu.memory_space<vmem>> -> memref<1x64xi32, #tpu.memory_space<vmem>>
      %dma_wait3A_160 = tpu.memref_squeeze %dma_wait3A_159 : memref<1x64xi32, #tpu.memory_space<vmem>> -> memref<64xi32, #tpu.memory_space<vmem>>
      %dma_wait3A_161 = arith.constant 0 : i32
      %dma_wait3A_162 = arith.constant 0 : i32
      %dma_wait3A_163 = tpu.memref_slice %arg2[%dma_wait3A_161, %dma_wait3A_162] : memref<10000x128xf32, #tpu.memory_space<hbm>> -> memref<10000x128xf32, #tpu.memory_space<hbm>>
      tpu.wait_indirect_dma semaphore(%arg14 : memref<!tpu.dma_semaphore, #tpu.memory_space<semaphore_mem>>) src(%dma_wait3A_163 : memref<10000x128xf32, #tpu.memory_space<hbm>>) dst(%arg10 : memref<64x128xf32, #tpu.memory_space<vmem>>)
      %add3A_164 = arith.constant 1 : i32
      %add3A_165 = arith.addi %mul3A_139, %add3A_164 : i32
      %dma_start3A_166 = arith.constant 0 : i32
      %dma_start3A_167 = tpu.memref_slice %arg8[%add3A_165, %dma_start3A_166] : memref<32x64xi32, #tpu.memory_space<vmem>> -> memref<1x64xi32, #tpu.memory_space<vmem>>
      %dma_start3A_168 = tpu.memref_squeeze %dma_start3A_167 : memref<1x64xi32, #tpu.memory_space<vmem>> -> memref<64xi32, #tpu.memory_space<vmem>>
      %dma_start3A_169 = arith.constant 0 : i32
      %dma_start3A_170 = arith.constant 0 : i32
      %dma_start3A_171 = tpu.memref_slice %arg21[%dma_start3A_169, %dma_start3A_170] : memref<10112x128xf32, #tpu.memory_space<vmem_shared>> -> memref<10112x128xf32, #tpu.memory_space<vmem_shared>>
      tpu.enqueue_indirect_dma source(%arg10 : memref<64x128xf32, #tpu.memory_space<vmem>>) target(%dma_start3A_171 : memref<10112x128xf32, #tpu.memory_space<vmem_shared>>) offsets(%dma_start3A_168 : memref<64xi32, #tpu.memory_space<vmem>>) semaphore(%arg18 : memref<!tpu.dma_semaphore, #tpu.memory_space<semaphore_mem>>) {add = true}
      %add3A_172 = arith.constant 2 : i32
      %add3A_173 = arith.addi %mul3A_139, %add3A_172 : i32
      %dma_wait3A_174 = arith.constant 0 : i32
      %dma_wait3A_175 = tpu.memref_slice %arg7[%add3A_173, %dma_wait3A_174] : memref<32x64xi32, #tpu.memory_space<vmem>> -> memref<1x64xi32, #tpu.memory_space<vmem>>
      %dma_wait3A_176 = tpu.memref_squeeze %dma_wait3A_175 : memref<1x64xi32, #tpu.memory_space<vmem>> -> memref<64xi32, #tpu.memory_space<vmem>>
      %dma_wait3A_177 = arith.constant 0 : i32
      %dma_wait3A_178 = arith.constant 0 : i32
      %dma_wait3A_179 = tpu.memref_slice %arg2[%dma_wait3A_177, %dma_wait3A_178] : memref<10000x128xf32, #tpu.memory_space<hbm>> -> memref<10000x128xf32, #tpu.memory_space<hbm>>
      tpu.wait_indirect_dma semaphore(%arg15 : memref<!tpu.dma_semaphore, #tpu.memory_space<semaphore_mem>>) src(%dma_wait3A_179 : memref<10000x128xf32, #tpu.memory_space<hbm>>) dst(%arg11 : memref<64x128xf32, #tpu.memory_space<vmem>>)
      %add3A_180 = arith.constant 2 : i32
      %add3A_181 = arith.addi %mul3A_139, %add3A_180 : i32
      %dma_start3A_182 = arith.constant 0 : i32
      %dma_start3A_183 = tpu.memref_slice %arg8[%add3A_181, %dma_start3A_182] : memref<32x64xi32, #tpu.memory_space<vmem>> -> memref<1x64xi32, #tpu.memory_space<vmem>>
      %dma_start3A_184 = tpu.memref_squeeze %dma_start3A_183 : memref<1x64xi32, #tpu.memory_space<vmem>> -> memref<64xi32, #tpu.memory_space<vmem>>
      %dma_start3A_185 = arith.constant 0 : i32
      %dma_start3A_186 = arith.constant 0 : i32
      %dma_start3A_187 = tpu.memref_slice %arg21[%dma_start3A_185, %dma_start3A_186] : memref<10112x128xf32, #tpu.memory_space<vmem_shared>> -> memref<10112x128xf32, #tpu.memory_space<vmem_shared>>
      tpu.enqueue_indirect_dma source(%arg11 : memref<64x128xf32, #tpu.memory_space<vmem>>) target(%dma_start3A_187 : memref<10112x128xf32, #tpu.memory_space<vmem_shared>>) offsets(%dma_start3A_184 : memref<64xi32, #tpu.memory_space<vmem>>) semaphore(%arg19 : memref<!tpu.dma_semaphore, #tpu.memory_space<semaphore_mem>>) {add = true}
      %add3A_188 = arith.constant 3 : i32
      %add3A_189 = arith.addi %mul3A_139, %add3A_188 : i32
      %dma_wait3A_190 = arith.constant 0 : i32
      %dma_wait3A_191 = tpu.memref_slice %arg7[%add3A_189, %dma_wait3A_190] : memref<32x64xi32, #tpu.memory_space<vmem>> -> memref<1x64xi32, #tpu.memory_space<vmem>>
      %dma_wait3A_192 = tpu.memref_squeeze %dma_wait3A_191 : memref<1x64xi32, #tpu.memory_space<vmem>> -> memref<64xi32, #tpu.memory_space<vmem>>
      %dma_wait3A_193 = arith.constant 0 : i32
      %dma_wait3A_194 = arith.constant 0 : i32
      %dma_wait3A_195 = tpu.memref_slice %arg2[%dma_wait3A_193, %dma_wait3A_194] : memref<10000x128xf32, #tpu.memory_space<hbm>> -> memref<10000x128xf32, #tpu.memory_space<hbm>>
      tpu.wait_indirect_dma semaphore(%arg16 : memref<!tpu.dma_semaphore, #tpu.memory_space<semaphore_mem>>) src(%dma_wait3A_195 : memref<10000x128xf32, #tpu.memory_space<hbm>>) dst(%arg12 : memref<64x128xf32, #tpu.memory_space<vmem>>)
      %add3A_196 = arith.constant 3 : i32
      %add3A_197 = arith.addi %mul3A_139, %add3A_196 : i32
      %dma_start3A_198 = arith.constant 0 : i32
      %dma_start3A_199 = tpu.memref_slice %arg8[%add3A_197, %dma_start3A_198] : memref<32x64xi32, #tpu.memory_space<vmem>> -> memref<1x64xi32, #tpu.memory_space<vmem>>
      %dma_start3A_200 = tpu.memref_squeeze %dma_start3A_199 : memref<1x64xi32, #tpu.memory_space<vmem>> -> memref<64xi32, #tpu.memory_space<vmem>>
      %dma_start3A_201 = arith.constant 0 : i32
      %dma_start3A_202 = arith.constant 0 : i32
      %dma_start3A_203 = tpu.memref_slice %arg21[%dma_start3A_201, %dma_start3A_202] : memref<10112x128xf32, #tpu.memory_space<vmem_shared>> -> memref<10112x128xf32, #tpu.memory_space<vmem_shared>>
      tpu.enqueue_indirect_dma source(%arg12 : memref<64x128xf32, #tpu.memory_space<vmem>>) target(%dma_start3A_203 : memref<10112x128xf32, #tpu.memory_space<vmem_shared>>) offsets(%dma_start3A_200 : memref<64xi32, #tpu.memory_space<vmem>>) semaphore(%arg20 : memref<!tpu.dma_semaphore, #tpu.memory_space<semaphore_mem>>) {add = true}
      %add3A_204 = arith.constant 0 : i32
      %add3A_205 = arith.addi %mul3A_139, %add3A_204 : i32
      %dma_wait3A_206 = arith.constant 0 : i32
      %dma_wait3A_207 = tpu.memref_slice %arg8[%add3A_205, %dma_wait3A_206] : memref<32x64xi32, #tpu.memory_space<vmem>> -> memref<1x64xi32, #tpu.memory_space<vmem>>
      %dma_wait3A_208 = tpu.memref_squeeze %dma_wait3A_207 : memref<1x64xi32, #tpu.memory_space<vmem>> -> memref<64xi32, #tpu.memory_space<vmem>>
      %dma_wait3A_209 = arith.constant 0 : i32
      %dma_wait3A_210 = arith.constant 0 : i32
      %dma_wait3A_211 = tpu.memref_slice %arg21[%dma_wait3A_209, %dma_wait3A_210] : memref<10112x128xf32, #tpu.memory_space<vmem_shared>> -> memref<10112x128xf32, #tpu.memory_space<vmem_shared>>
      tpu.wait_indirect_dma semaphore(%arg17 : memref<!tpu.dma_semaphore, #tpu.memory_space<semaphore_mem>>) src(%arg9 : memref<64x128xf32, #tpu.memory_space<vmem>>) dst(%dma_wait3A_211 : memref<10112x128xf32, #tpu.memory_space<vmem_shared>>)
      %add3A_212 = arith.constant 4 : i32
      %add3A_213 = arith.addi %mul3A_139, %add3A_212 : i32
      %add3A_214 = arith.constant 0 : i32
      %add3A_215 = arith.addi %add3A_213, %add3A_214 : i32
      %dma_start3A_216 = arith.constant 0 : i32
      %dma_start3A_217 = tpu.memref_slice %arg7[%add3A_215, %dma_start3A_216] : memref<32x64xi32, #tpu.memory_space<vmem>> -> memref<1x64xi32, #tpu.memory_space<vmem>>
      %dma_start3A_218 = tpu.memref_squeeze %dma_start3A_217 : memref<1x64xi32, #tpu.memory_space<vmem>> -> memref<64xi32, #tpu.memory_space<vmem>>
      %dma_start3A_219 = arith.constant 0 : i32
      %dma_start3A_220 = arith.constant 0 : i32
      %dma_start3A_221 = tpu.memref_slice %arg2[%dma_start3A_219, %dma_start3A_220] : memref<10000x128xf32, #tpu.memory_space<hbm>> -> memref<10000x128xf32, #tpu.memory_space<hbm>>
      tpu.enqueue_indirect_dma source(%dma_start3A_221 : memref<10000x128xf32, #tpu.memory_space<hbm>>) target(%arg9 : memref<64x128xf32, #tpu.memory_space<vmem>>) offsets(%dma_start3A_218 : memref<64xi32, #tpu.memory_space<vmem>>) semaphore(%arg13 : memref<!tpu.dma_semaphore, #tpu.memory_space<semaphore_mem>>)
      %add3A_222 = arith.constant 1 : i32
      %add3A_223 = arith.addi %mul3A_139, %add3A_222 : i32
      %dma_wait3A_224 = arith.constant 0 : i32
      %dma_wait3A_225 = tpu.memref_slice %arg8[%add3A_223, %dma_wait3A_224] : memref<32x64xi32, #tpu.memory_space<vmem>> -> memref<1x64xi32, #tpu.memory_space<vmem>>
      %dma_wait3A_226 = tpu.memref_squeeze %dma_wait3A_225 : memref<1x64xi32, #tpu.memory_space<vmem>> -> memref<64xi32, #tpu.memory_space<vmem>>
      %dma_wait3A_227 = arith.constant 0 : i32
      %dma_wait3A_228 = arith.constant 0 : i32
      %dma_wait3A_229 = tpu.memref_slice %arg21[%dma_wait3A_227, %dma_wait3A_228] : memref<10112x128xf32, #tpu.memory_space<vmem_shared>> -> memref<10112x128xf32, #tpu.memory_space<vmem_shared>>
      tpu.wait_indirect_dma semaphore(%arg18 : memref<!tpu.dma_semaphore, #tpu.memory_space<semaphore_mem>>) src(%arg10 : memref<64x128xf32, #tpu.memory_space<vmem>>) dst(%dma_wait3A_229 : memref<10112x128xf32, #tpu.memory_space<vmem_shared>>)
      %add3A_230 = arith.constant 4 : i32
      %add3A_231 = arith.addi %mul3A_139, %add3A_230 : i32
      %add3A_232 = arith.constant 1 : i32
      %add3A_233 = arith.addi %add3A_231, %add3A_232 : i32
      %dma_start3A_234 = arith.constant 0 : i32
      %dma_start3A_235 = tpu.memref_slice %arg7[%add3A_233, %dma_start3A_234] : memref<32x64xi32, #tpu.memory_space<vmem>> -> memref<1x64xi32, #tpu.memory_space<vmem>>
      %dma_start3A_236 = tpu.memref_squeeze %dma_start3A_235 : memref<1x64xi32, #tpu.memory_space<vmem>> -> memref<64xi32, #tpu.memory_space<vmem>>
      %dma_start3A_237 = arith.constant 0 : i32
      %dma_start3A_238 = arith.constant 0 : i32
      %dma_start3A_239 = tpu.memref_slice %arg2[%dma_start3A_237, %dma_start3A_238] : memref<10000x128xf32, #tpu.memory_space<hbm>> -> memref<10000x128xf32, #tpu.memory_space<hbm>>
      tpu.enqueue_indirect_dma source(%dma_start3A_239 : memref<10000x128xf32, #tpu.memory_space<hbm>>) target(%arg10 : memref<64x128xf32, #tpu.memory_space<vmem>>) offsets(%dma_start3A_236 : memref<64xi32, #tpu.memory_space<vmem>>) semaphore(%arg14 : memref<!tpu.dma_semaphore, #tpu.memory_space<semaphore_mem>>)
      %add3A_240 = arith.constant 2 : i32
      %add3A_241 = arith.addi %mul3A_139, %add3A_240 : i32
      %dma_wait3A_242 = arith.constant 0 : i32
      %dma_wait3A_243 = tpu.memref_slice %arg8[%add3A_241, %dma_wait3A_242] : memref<32x64xi32, #tpu.memory_space<vmem>> -> memref<1x64xi32, #tpu.memory_space<vmem>>
      %dma_wait3A_244 = tpu.memref_squeeze %dma_wait3A_243 : memref<1x64xi32, #tpu.memory_space<vmem>> -> memref<64xi32, #tpu.memory_space<vmem>>
      %dma_wait3A_245 = arith.constant 0 : i32
      %dma_wait3A_246 = arith.constant 0 : i32
      %dma_wait3A_247 = tpu.memref_slice %arg21[%dma_wait3A_245, %dma_wait3A_246] : memref<10112x128xf32, #tpu.memory_space<vmem_shared>> -> memref<10112x128xf32, #tpu.memory_space<vmem_shared>>
      tpu.wait_indirect_dma semaphore(%arg19 : memref<!tpu.dma_semaphore, #tpu.memory_space<semaphore_mem>>) src(%arg11 : memref<64x128xf32, #tpu.memory_space<vmem>>) dst(%dma_wait3A_247 : memref<10112x128xf32, #tpu.memory_space<vmem_shared>>)
      %add3A_248 = arith.constant 4 : i32
      %add3A_249 = arith.addi %mul3A_139, %add3A_248 : i32
      %add3A_250 = arith.constant 2 : i32
      %add3A_251 = arith.addi %add3A_249, %add3A_250 : i32
      %dma_start3A_252 = arith.constant 0 : i32
      %dma_start3A_253 = tpu.memref_slice %arg7[%add3A_251, %dma_start3A_252] : memref<32x64xi32, #tpu.memory_space<vmem>> -> memref<1x64xi32, #tpu.memory_space<vmem>>
      %dma_start3A_254 = tpu.memref_squeeze %dma_start3A_253 : memref<1x64xi32, #tpu.memory_space<vmem>> -> memref<64xi32, #tpu.memory_space<vmem>>
      %dma_start3A_255 = arith.constant 0 : i32
      %dma_start3A_256 = arith.constant 0 : i32
      %dma_start3A_257 = tpu.memref_slice %arg2[%dma_start3A_255, %dma_start3A_256] : memref<10000x128xf32, #tpu.memory_space<hbm>> -> memref<10000x128xf32, #tpu.memory_space<hbm>>
      tpu.enqueue_indirect_dma source(%dma_start3A_257 : memref<10000x128xf32, #tpu.memory_space<hbm>>) target(%arg11 : memref<64x128xf32, #tpu.memory_space<vmem>>) offsets(%dma_start3A_254 : memref<64xi32, #tpu.memory_space<vmem>>) semaphore(%arg15 : memref<!tpu.dma_semaphore, #tpu.memory_space<semaphore_mem>>)
      %add3A_258 = arith.constant 3 : i32
      %add3A_259 = arith.addi %mul3A_139, %add3A_258 : i32
      %dma_wait3A_260 = arith.constant 0 : i32
      %dma_wait3A_261 = tpu.memref_slice %arg8[%add3A_259, %dma_wait3A_260] : memref<32x64xi32, #tpu.memory_space<vmem>> -> memref<1x64xi32, #tpu.memory_space<vmem>>
      %dma_wait3A_262 = tpu.memref_squeeze %dma_wait3A_261 : memref<1x64xi32, #tpu.memory_space<vmem>> -> memref<64xi32, #tpu.memory_space<vmem>>
      %dma_wait3A_263 = arith.constant 0 : i32
      %dma_wait3A_264 = arith.constant 0 : i32
      %dma_wait3A_265 = tpu.memref_slice %arg21[%dma_wait3A_263, %dma_wait3A_264] : memref<10112x128xf32, #tpu.memory_space<vmem_shared>> -> memref<10112x128xf32, #tpu.memory_space<vmem_shared>>
      tpu.wait_indirect_dma semaphore(%arg20 : memref<!tpu.dma_semaphore, #tpu.memory_space<semaphore_mem>>) src(%arg12 : memref<64x128xf32, #tpu.memory_space<vmem>>) dst(%dma_wait3A_265 : memref<10112x128xf32, #tpu.memory_space<vmem_shared>>)
      %add3A_266 = arith.constant 4 : i32
      %add3A_267 = arith.addi %mul3A_139, %add3A_266 : i32
      %add3A_268 = arith.constant 3 : i32
      %add3A_269 = arith.addi %add3A_267, %add3A_268 : i32
      %dma_start3A_270 = arith.constant 0 : i32
      %dma_start3A_271 = tpu.memref_slice %arg7[%add3A_269, %dma_start3A_270] : memref<32x64xi32, #tpu.memory_space<vmem>> -> memref<1x64xi32, #tpu.memory_space<vmem>>
      %dma_start3A_272 = tpu.memref_squeeze %dma_start3A_271 : memref<1x64xi32, #tpu.memory_space<vmem>> -> memref<64xi32, #tpu.memory_space<vmem>>
      %dma_start3A_273 = arith.constant 0 : i32
      %dma_start3A_274 = arith.constant 0 : i32
      %dma_start3A_275 = tpu.memref_slice %arg2[%dma_start3A_273, %dma_start3A_274] : memref<10000x128xf32, #tpu.memory_space<hbm>> -> memref<10000x128xf32, #tpu.memory_space<hbm>>
      tpu.enqueue_indirect_dma source(%dma_start3A_275 : memref<10000x128xf32, #tpu.memory_space<hbm>>) target(%arg12 : memref<64x128xf32, #tpu.memory_space<vmem>>) offsets(%dma_start3A_272 : memref<64xi32, #tpu.memory_space<vmem>>) semaphore(%arg16 : memref<!tpu.dma_semaphore, #tpu.memory_space<semaphore_mem>>)
    }
    %scan3A_43 = arith.constant 7 : i32
    %dma_wait3A = arith.constant 28 : i32
    %dma_wait3A_44 = arith.constant 0 : i32
    %dma_wait3A_45 = tpu.memref_slice %arg7[%dma_wait3A, %dma_wait3A_44] : memref<32x64xi32, #tpu.memory_space<vmem>> -> memref<1x64xi32, #tpu.memory_space<vmem>>
    %dma_wait3A_46 = tpu.memref_squeeze %dma_wait3A_45 : memref<1x64xi32, #tpu.memory_space<vmem>> -> memref<64xi32, #tpu.memory_space<vmem>>
    %dma_wait3A_47 = arith.constant 0 : i32
    %dma_wait3A_48 = arith.constant 0 : i32
    %dma_wait3A_49 = tpu.memref_slice %arg2[%dma_wait3A_47, %dma_wait3A_48] : memref<10000x128xf32, #tpu.memory_space<hbm>> -> memref<10000x128xf32, #tpu.memory_space<hbm>>
    tpu.wait_indirect_dma semaphore(%arg13 : memref<!tpu.dma_semaphore, #tpu.memory_space<semaphore_mem>>) src(%dma_wait3A_49 : memref<10000x128xf32, #tpu.memory_space<hbm>>) dst(%arg9 : memref<64x128xf32, #tpu.memory_space<vmem>>)
    %dma_start3A_50 = arith.constant 28 : i32
    %dma_start3A_51 = arith.constant 0 : i32
    %dma_start3A_52 = tpu.memref_slice %arg8[%dma_start3A_50, %dma_start3A_51] : memref<32x64xi32, #tpu.memory_space<vmem>> -> memref<1x64xi32, #tpu.memory_space<vmem>>
    %dma_start3A_53 = tpu.memref_squeeze %dma_start3A_52 : memref<1x64xi32, #tpu.memory_space<vmem>> -> memref<64xi32, #tpu.memory_space<vmem>>
    %dma_start3A_54 = arith.constant 0 : i32
    %dma_start3A_55 = arith.constant 0 : i32
    %dma_start3A_56 = tpu.memref_slice %arg21[%dma_start3A_54, %dma_start3A_55] : memref<10112x128xf32, #tpu.memory_space<vmem_shared>> -> memref<10112x128xf32, #tpu.memory_space<vmem_shared>>
    tpu.enqueue_indirect_dma source(%arg9 : memref<64x128xf32, #tpu.memory_space<vmem>>) target(%dma_start3A_56 : memref<10112x128xf32, #tpu.memory_space<vmem_shared>>) offsets(%dma_start3A_53 : memref<64xi32, #tpu.memory_space<vmem>>) semaphore(%arg17 : memref<!tpu.dma_semaphore, #tpu.memory_space<semaphore_mem>>) {add = true}
    %dma_wait3A_57 = arith.constant 29 : i32
    %dma_wait3A_58 = arith.constant 0 : i32
    %dma_wait3A_59 = tpu.memref_slice %arg7[%dma_wait3A_57, %dma_wait3A_58] : memref<32x64xi32, #tpu.memory_space<vmem>> -> memref<1x64xi32, #tpu.memory_space<vmem>>
    %dma_wait3A_60 = tpu.memref_squeeze %dma_wait3A_59 : memref<1x64xi32, #tpu.memory_space<vmem>> -> memref<64xi32, #tpu.memory_space<vmem>>
    %dma_wait3A_61 = arith.constant 0 : i32
    %dma_wait3A_62 = arith.constant 0 : i32
    %dma_wait3A_63 = tpu.memref_slice %arg2[%dma_wait3A_61, %dma_wait3A_62] : memref<10000x128xf32, #tpu.memory_space<hbm>> -> memref<10000x128xf32, #tpu.memory_space<hbm>>
    tpu.wait_indirect_dma semaphore(%arg14 : memref<!tpu.dma_semaphore, #tpu.memory_space<semaphore_mem>>) src(%dma_wait3A_63 : memref<10000x128xf32, #tpu.memory_space<hbm>>) dst(%arg10 : memref<64x128xf32, #tpu.memory_space<vmem>>)
    %dma_start3A_64 = arith.constant 29 : i32
    %dma_start3A_65 = arith.constant 0 : i32
    %dma_start3A_66 = tpu.memref_slice %arg8[%dma_start3A_64, %dma_start3A_65] : memref<32x64xi32, #tpu.memory_space<vmem>> -> memref<1x64xi32, #tpu.memory_space<vmem>>
    %dma_start3A_67 = tpu.memref_squeeze %dma_start3A_66 : memref<1x64xi32, #tpu.memory_space<vmem>> -> memref<64xi32, #tpu.memory_space<vmem>>
    %dma_start3A_68 = arith.constant 0 : i32
    %dma_start3A_69 = arith.constant 0 : i32
    %dma_start3A_70 = tpu.memref_slice %arg21[%dma_start3A_68, %dma_start3A_69] : memref<10112x128xf32, #tpu.memory_space<vmem_shared>> -> memref<10112x128xf32, #tpu.memory_space<vmem_shared>>
    tpu.enqueue_indirect_dma source(%arg10 : memref<64x128xf32, #tpu.memory_space<vmem>>) target(%dma_start3A_70 : memref<10112x128xf32, #tpu.memory_space<vmem_shared>>) offsets(%dma_start3A_67 : memref<64xi32, #tpu.memory_space<vmem>>) semaphore(%arg18 : memref<!tpu.dma_semaphore, #tpu.memory_space<semaphore_mem>>) {add = true}
    %dma_wait3A_71 = arith.constant 30 : i32
    %dma_wait3A_72 = arith.constant 0 : i32
    %dma_wait3A_73 = tpu.memref_slice %arg7[%dma_wait3A_71, %dma_wait3A_72] : memref<32x64xi32, #tpu.memory_space<vmem>> -> memref<1x64xi32, #tpu.memory_space<vmem>>
    %dma_wait3A_74 = tpu.memref_squeeze %dma_wait3A_73 : memref<1x64xi32, #tpu.memory_space<vmem>> -> memref<64xi32, #tpu.memory_space<vmem>>
    %dma_wait3A_75 = arith.constant 0 : i32
    %dma_wait3A_76 = arith.constant 0 : i32
    %dma_wait3A_77 = tpu.memref_slice %arg2[%dma_wait3A_75, %dma_wait3A_76] : memref<10000x128xf32, #tpu.memory_space<hbm>> -> memref<10000x128xf32, #tpu.memory_space<hbm>>
    tpu.wait_indirect_dma semaphore(%arg15 : memref<!tpu.dma_semaphore, #tpu.memory_space<semaphore_mem>>) src(%dma_wait3A_77 : memref<10000x128xf32, #tpu.memory_space<hbm>>) dst(%arg11 : memref<64x128xf32, #tpu.memory_space<vmem>>)
    %dma_start3A_78 = arith.constant 30 : i32
    %dma_start3A_79 = arith.constant 0 : i32
    %dma_start3A_80 = tpu.memref_slice %arg8[%dma_start3A_78, %dma_start3A_79] : memref<32x64xi32, #tpu.memory_space<vmem>> -> memref<1x64xi32, #tpu.memory_space<vmem>>
    %dma_start3A_81 = tpu.memref_squeeze %dma_start3A_80 : memref<1x64xi32, #tpu.memory_space<vmem>> -> memref<64xi32, #tpu.memory_space<vmem>>
    %dma_start3A_82 = arith.constant 0 : i32
    %dma_start3A_83 = arith.constant 0 : i32
    %dma_start3A_84 = tpu.memref_slice %arg21[%dma_start3A_82, %dma_start3A_83] : memref<10112x128xf32, #tpu.memory_space<vmem_shared>> -> memref<10112x128xf32, #tpu.memory_space<vmem_shared>>
    tpu.enqueue_indirect_dma source(%arg11 : memref<64x128xf32, #tpu.memory_space<vmem>>) target(%dma_start3A_84 : memref<10112x128xf32, #tpu.memory_space<vmem_shared>>) offsets(%dma_start3A_81 : memref<64xi32, #tpu.memory_space<vmem>>) semaphore(%arg19 : memref<!tpu.dma_semaphore, #tpu.memory_space<semaphore_mem>>) {add = true}
    %dma_wait3A_85 = arith.constant 31 : i32
    %dma_wait3A_86 = arith.constant 0 : i32
    %dma_wait3A_87 = tpu.memref_slice %arg7[%dma_wait3A_85, %dma_wait3A_86] : memref<32x64xi32, #tpu.memory_space<vmem>> -> memref<1x64xi32, #tpu.memory_space<vmem>>
    %dma_wait3A_88 = tpu.memref_squeeze %dma_wait3A_87 : memref<1x64xi32, #tpu.memory_space<vmem>> -> memref<64xi32, #tpu.memory_space<vmem>>
    %dma_wait3A_89 = arith.constant 0 : i32
    %dma_wait3A_90 = arith.constant 0 : i32
    %dma_wait3A_91 = tpu.memref_slice %arg2[%dma_wait3A_89, %dma_wait3A_90] : memref<10000x128xf32, #tpu.memory_space<hbm>> -> memref<10000x128xf32, #tpu.memory_space<hbm>>
    tpu.wait_indirect_dma semaphore(%arg16 : memref<!tpu.dma_semaphore, #tpu.memory_space<semaphore_mem>>) src(%dma_wait3A_91 : memref<10000x128xf32, #tpu.memory_space<hbm>>) dst(%arg12 : memref<64x128xf32, #tpu.memory_space<vmem>>)
    %dma_start3A_92 = arith.constant 31 : i32
    %dma_start3A_93 = arith.constant 0 : i32
    %dma_start3A_94 = tpu.memref_slice %arg8[%dma_start3A_92, %dma_start3A_93] : memref<32x64xi32, #tpu.memory_space<vmem>> -> memref<1x64xi32, #tpu.memory_space<vmem>>
    %dma_start3A_95 = tpu.memref_squeeze %dma_start3A_94 : memref<1x64xi32, #tpu.memory_space<vmem>> -> memref<64xi32, #tpu.memory_space<vmem>>
    %dma_start3A_96 = arith.constant 0 : i32
    %dma_start3A_97 = arith.constant 0 : i32
    %dma_start3A_98 = tpu.memref_slice %arg21[%dma_start3A_96, %dma_start3A_97] : memref<10112x128xf32, #tpu.memory_space<vmem_shared>> -> memref<10112x128xf32, #tpu.memory_space<vmem_shared>>
    tpu.enqueue_indirect_dma source(%arg12 : memref<64x128xf32, #tpu.memory_space<vmem>>) target(%dma_start3A_98 : memref<10112x128xf32, #tpu.memory_space<vmem_shared>>) offsets(%dma_start3A_95 : memref<64xi32, #tpu.memory_space<vmem>>) semaphore(%arg20 : memref<!tpu.dma_semaphore, #tpu.memory_space<semaphore_mem>>) {add = true}
    %dma_wait3A_99 = arith.constant 28 : i32
    %dma_wait3A_100 = arith.constant 0 : i32
    %dma_wait3A_101 = tpu.memref_slice %arg8[%dma_wait3A_99, %dma_wait3A_100] : memref<32x64xi32, #tpu.memory_space<vmem>> -> memref<1x64xi32, #tpu.memory_space<vmem>>
    %dma_wait3A_102 = tpu.memref_squeeze %dma_wait3A_101 : memref<1x64xi32, #tpu.memory_space<vmem>> -> memref<64xi32, #tpu.memory_space<vmem>>
    %dma_wait3A_103 = arith.constant 0 : i32
    %dma_wait3A_104 = arith.constant 0 : i32
    %dma_wait3A_105 = tpu.memref_slice %arg21[%dma_wait3A_103, %dma_wait3A_104] : memref<10112x128xf32, #tpu.memory_space<vmem_shared>> -> memref<10112x128xf32, #tpu.memory_space<vmem_shared>>
    tpu.wait_indirect_dma semaphore(%arg17 : memref<!tpu.dma_semaphore, #tpu.memory_space<semaphore_mem>>) src(%arg9 : memref<64x128xf32, #tpu.memory_space<vmem>>) dst(%dma_wait3A_105 : memref<10112x128xf32, #tpu.memory_space<vmem_shared>>)
    %dma_wait3A_106 = arith.constant 29 : i32
    %dma_wait3A_107 = arith.constant 0 : i32
    %dma_wait3A_108 = tpu.memref_slice %arg8[%dma_wait3A_106, %dma_wait3A_107] : memref<32x64xi32, #tpu.memory_space<vmem>> -> memref<1x64xi32, #tpu.memory_space<vmem>>
    %dma_wait3A_109 = tpu.memref_squeeze %dma_wait3A_108 : memref<1x64xi32, #tpu.memory_space<vmem>> -> memref<64xi32, #tpu.memory_space<vmem>>
    %dma_wait3A_110 = arith.constant 0 : i32
    %dma_wait3A_111 = arith.constant 0 : i32
    %dma_wait3A_112 = tpu.memref_slice %arg21[%dma_wait3A_110, %dma_wait3A_111] : memref<10112x128xf32, #tpu.memory_space<vmem_shared>> -> memref<10112x128xf32, #tpu.memory_space<vmem_shared>>
    tpu.wait_indirect_dma semaphore(%arg18 : memref<!tpu.dma_semaphore, #tpu.memory_space<semaphore_mem>>) src(%arg10 : memref<64x128xf32, #tpu.memory_space<vmem>>) dst(%dma_wait3A_112 : memref<10112x128xf32, #tpu.memory_space<vmem_shared>>)
    %dma_wait3A_113 = arith.constant 30 : i32
    %dma_wait3A_114 = arith.constant 0 : i32
    %dma_wait3A_115 = tpu.memref_slice %arg8[%dma_wait3A_113, %dma_wait3A_114] : memref<32x64xi32, #tpu.memory_space<vmem>> -> memref<1x64xi32, #tpu.memory_space<vmem>>
    %dma_wait3A_116 = tpu.memref_squeeze %dma_wait3A_115 : memref<1x64xi32, #tpu.memory_space<vmem>> -> memref<64xi32, #tpu.memory_space<vmem>>
    %dma_wait3A_117 = arith.constant 0 : i32
    %dma_wait3A_118 = arith.constant 0 : i32
    %dma_wait3A_119 = tpu.memref_slice %arg21[%dma_wait3A_117, %dma_wait3A_118] : memref<10112x128xf32, #tpu.memory_space<vmem_shared>> -> memref<10112x128xf32, #tpu.memory_space<vmem_shared>>
    tpu.wait_indirect_dma semaphore(%arg19 : memref<!tpu.dma_semaphore, #tpu.memory_space<semaphore_mem>>) src(%arg11 : memref<64x128xf32, #tpu.memory_space<vmem>>) dst(%dma_wait3A_119 : memref<10112x128xf32, #tpu.memory_space<vmem_shared>>)
    %dma_wait3A_120 = arith.constant 31 : i32
    %dma_wait3A_121 = arith.constant 0 : i32
    %dma_wait3A_122 = tpu.memref_slice %arg8[%dma_wait3A_120, %dma_wait3A_121] : memref<32x64xi32, #tpu.memory_space<vmem>> -> memref<1x64xi32, #tpu.memory_space<vmem>>
    %dma_wait3A_123 = tpu.memref_squeeze %dma_wait3A_122 : memref<1x64xi32, #tpu.memory_space<vmem>> -> memref<64xi32, #tpu.memory_space<vmem>>
    %dma_wait3A_124 = arith.constant 0 : i32
    %dma_wait3A_125 = arith.constant 0 : i32
    %dma_wait3A_126 = tpu.memref_slice %arg21[%dma_wait3A_124, %dma_wait3A_125] : memref<10112x128xf32, #tpu.memory_space<vmem_shared>> -> memref<10112x128xf32, #tpu.memory_space<vmem_shared>>
    tpu.wait_indirect_dma semaphore(%arg20 : memref<!tpu.dma_semaphore, #tpu.memory_space<semaphore_mem>>) src(%arg12 : memref<64x128xf32, #tpu.memory_space<vmem>>) dst(%dma_wait3A_126 : memref<10112x128xf32, #tpu.memory_space<vmem_shared>>)
    %scan3A_127 = arith.constant 1 : i32
    %barrier3A_128 = arith.constant 0 : index
    tpu.barrier barrier_id(%barrier3A_128)
    %mul3A_129 = arith.constant 632 : i32
    %mul3A_130 = arith.muli %arg1, %mul3A_129 : i32
    %mul3A_131 = arith.constant 632 : i32
    %mul3A_132 = arith.muli %arg1, %mul3A_131 : i32
    "tpu.region"() ({
      %run_scoped3A = tpu.sem_alloc : memref<!tpu.dma_semaphore, #tpu.memory_space<semaphore_mem>>
      %dma_start3A_133 = arith.constant 0 : i32
      %dma_start3A_134 = tpu.memref_slice %arg6[%arg0, %mul3A_132, %dma_start3A_133] : memref<2x10112x128xf32, #tpu.memory_space<hbm>> -> memref<1x632x128xf32, #tpu.memory_space<hbm>>
      %dma_start3A_135 = tpu.memref_squeeze %dma_start3A_134 : memref<1x632x128xf32, #tpu.memory_space<hbm>> -> memref<632x128xf32, #tpu.memory_space<hbm>>
      %dma_start3A_136 = arith.constant 0 : i32
      %dma_start3A_137 = tpu.memref_slice %arg21[%mul3A_130, %dma_start3A_136] : memref<10112x128xf32, #tpu.memory_space<vmem_shared>> -> memref<632x128xf32, #tpu.memory_space<vmem_shared>>
      tpu.enqueue_dma source(%dma_start3A_137 : memref<632x128xf32, #tpu.memory_space<vmem_shared>>) target(%dma_start3A_135 : memref<632x128xf32, #tpu.memory_space<hbm>>) target_semaphore(%run_scoped3A : memref<!tpu.dma_semaphore, #tpu.memory_space<semaphore_mem>>)
      %dma_wait3A_138 = arith.constant 0 : i32
      %dma_wait3A_139 = tpu.memref_slice %arg6[%arg0, %mul3A_132, %dma_wait3A_138] : memref<2x10112x128xf32, #tpu.memory_space<hbm>> -> memref<1x632x128xf32, #tpu.memory_space<hbm>>
      %dma_wait3A_140 = tpu.memref_squeeze %dma_wait3A_139 : memref<1x632x128xf32, #tpu.memory_space<hbm>> -> memref<632x128xf32, #tpu.memory_space<hbm>>
      %dma_wait3A_141 = arith.constant 0 : i32
      %dma_wait3A_142 = tpu.memref_slice %arg21[%mul3A_130, %dma_wait3A_141] : memref<10112x128xf32, #tpu.memory_space<vmem_shared>> -> memref<632x128xf32, #tpu.memory_space<vmem_shared>>
      tpu.wait_dma2 semaphore(%run_scoped3A : memref<!tpu.dma_semaphore, #tpu.memory_space<semaphore_mem>>) src(%dma_wait3A_142 : memref<632x128xf32, #tpu.memory_space<vmem_shared>>) dst(%dma_wait3A_140 : memref<632x128xf32, #tpu.memory_space<hbm>>)
      tpu.yield
    }) : () -> ()
    return
  }
}

module attributes {stable_mosaic.version = 14 : i64} {
  func.func @_tc_layer_body(%arg0: i32, %arg1: memref<1000x128xf32, #tpu.memory_space<vmem>>, %arg2: memref<2x1000x128xf32, #tpu.memory_space<vmem>>, %arg3: memref<128x128xf32, #tpu.memory_space<vmem>>, %arg4: memref<128x128xf32, #tpu.memory_space<vmem>>, %arg5: memref<1x128xf32, #tpu.memory_space<vmem>>, %arg6: memref<1x128xf32, #tpu.memory_space<vmem>>, %arg7: memref<128x128xf32, #tpu.memory_space<vmem>>, %arg8: memref<1x128xf32, #tpu.memory_space<vmem>>, %arg9: memref<1000x128xf32, #tpu.memory_space<vmem>>, %arg10: memref<1000x128xf32, #tpu.memory_space<vmem>>) attributes {dimension_semantics = [#tpu.dimension_semantics<arbitrary>], iteration_bounds = array<i64: 10>, scalar_prefetch = 0 : i64, scratch_operands = 0 : i64, tpu.core_type = #tpu.core_type<tc>, window_params = [{transform_indices = @transform_0, window_bounds = array<i64: 1000, 128>}, {transform_indices = @transform_1, window_bounds = array<i64: 2, 1000, 128>}, {pipeline_mode = #tpu.pipeline_mode<synchronous>, transform_indices = @transform_2, window_bounds = array<i64: 128, 128>}, {pipeline_mode = #tpu.pipeline_mode<synchronous>, transform_indices = @transform_3, window_bounds = array<i64: 128, 128>}, {pipeline_mode = #tpu.pipeline_mode<synchronous>, transform_indices = @transform_4, window_bounds = array<i64: 1, 128>}, {pipeline_mode = #tpu.pipeline_mode<synchronous>, transform_indices = @transform_5, window_bounds = array<i64: 1, 128>}, {pipeline_mode = #tpu.pipeline_mode<synchronous>, transform_indices = @transform_6, window_bounds = array<i64: 128, 128>}, {pipeline_mode = #tpu.pipeline_mode<synchronous>, transform_indices = @transform_7, window_bounds = array<i64: 1, 128>}, {transform_indices = @transform_8, window_bounds = array<i64: 1000, 128>}, {transform_indices = @transform_9, window_bounds = array<i64: 1000, 128>}]} {
    %get3A = arith.constant 0 : index
    %get3A_0 = arith.constant 0 : index
    %get3A_1 = arith.constant 0 : index
    %get3A_2 = vector.load %arg2[%get3A, %get3A_0, %get3A_1] : memref<2x1000x128xf32, #tpu.memory_space<vmem>>, vector<1x1000x128xf32>
    %get3A_3 = vector.shape_cast %get3A_2 : vector<1x1000x128xf32> to vector<1000x128xf32>
    %get3A_4 = arith.constant 1 : index
    %get3A_5 = arith.constant 0 : index
    %get3A_6 = arith.constant 0 : index
    %get3A_7 = vector.load %arg2[%get3A_4, %get3A_5, %get3A_6] : memref<2x1000x128xf32, #tpu.memory_space<vmem>>, vector<1x1000x128xf32>
    %get3A_8 = vector.shape_cast %get3A_7 : vector<1x1000x128xf32> to vector<1000x128xf32>
    %add3A = arith.addf %get3A_3, %get3A_8 : vector<1000x128xf32>
    %get3A_9 = arith.constant 0 : index
    %get3A_10 = arith.constant 0 : index
    %get3A_11 = vector.load %arg3[%get3A_9, %get3A_10] : memref<128x128xf32, #tpu.memory_space<vmem>>, vector<128x128xf32>
    %dot_general3A = arith.constant dense<0.000000e+00> : vector<1000x128xf32>
    %dot_general3A_12 = tpu.matmul %add3A, %get3A_11, %dot_general3A {dimension_numbers = #tpu.dot_dimension_numbers<[1], [0], [0], [1], [0, 0, 1, 1], [], []>, precision = #tpu.contract_precision<fp32>, transpose_lhs_hint = false} : vector<1000x128xf32>, vector<128x128xf32>, vector<1000x128xf32> -> vector<1000x128xf32>
    %iota3A = tpu.iota {dimensions = array<i32: 1>} : vector<1000x128xi32>
    %and3A = arith.constant 1 : i32
    %and3A_13 = vector.broadcast %and3A : i32 to vector<1000x128xi32>
    %and3A_14 = arith.andi %iota3A, %and3A_13 : vector<1000x128xi32>
    %ne3A = arith.constant 0 : i32
    %ne3A_15 = vector.broadcast %ne3A : i32 to vector<1000x128xi32>
    %ne3A_16 = arith.cmpi ne, %and3A_14, %ne3A_15 : vector<1000x128xi32>
    %roll3A = arith.constant 1 : i32
    %roll3A_17 = tpu.dynamic_rotate %dot_general3A_12 by %roll3A dim 1 : vector<1000x128xf32>, i32 -> vector<1000x128xf32>
    %roll3A_18 = arith.constant 127 : i32
    %roll3A_19 = tpu.dynamic_rotate %dot_general3A_12 by %roll3A_18 dim 1 : vector<1000x128xf32>, i32 -> vector<1000x128xf32>
    %select_n3A = arith.select %ne3A_16, %roll3A_17, %roll3A_19 : vector<1000x128xi1>, vector<1000x128xf32>
    %not3A = arith.constant dense<true> : vector<1000x128xi1>
    %not3A_20 = arith.xori %ne3A_16, %not3A : vector<1000x128xi1>
    %and3A_21 = arith.constant 2 : i32
    %and3A_22 = vector.broadcast %and3A_21 : i32 to vector<1000x128xi32>
    %and3A_23 = arith.andi %iota3A, %and3A_22 : vector<1000x128xi32>
    %eq3A = arith.constant 0 : i32
    %eq3A_24 = vector.broadcast %eq3A : i32 to vector<1000x128xi32>
    %eq3A_25 = arith.cmpi eq, %and3A_23, %eq3A_24 : vector<1000x128xi32>
    %eq3A_26 = arith.xori %not3A_20, %eq3A_25 : vector<1000x128xi1>
    %eq3A_27 = arith.constant dense<true> : vector<1000x128xi1>
    %eq3A_28 = arith.xori %eq3A_26, %eq3A_27 : vector<1000x128xi1>
    %min3A = arith.minimumf %dot_general3A_12, %select_n3A : vector<1000x128xf32>
    %max3A = arith.maximumf %dot_general3A_12, %select_n3A : vector<1000x128xf32>
    %select_n3A_29 = arith.select %eq3A_28, %min3A, %max3A : vector<1000x128xi1>, vector<1000x128xf32>
    %and3A_30 = arith.constant 2 : i32
    %and3A_31 = vector.broadcast %and3A_30 : i32 to vector<1000x128xi32>
    %and3A_32 = arith.andi %iota3A, %and3A_31 : vector<1000x128xi32>
    %ne3A_33 = arith.constant 0 : i32
    %ne3A_34 = vector.broadcast %ne3A_33 : i32 to vector<1000x128xi32>
    %ne3A_35 = arith.cmpi ne, %and3A_32, %ne3A_34 : vector<1000x128xi32>
    %roll3A_36 = arith.constant 2 : i32
    %roll3A_37 = tpu.dynamic_rotate %select_n3A_29 by %roll3A_36 dim 1 : vector<1000x128xf32>, i32 -> vector<1000x128xf32>
    %roll3A_38 = arith.constant 126 : i32
    %roll3A_39 = tpu.dynamic_rotate %select_n3A_29 by %roll3A_38 dim 1 : vector<1000x128xf32>, i32 -> vector<1000x128xf32>
    %select_n3A_40 = arith.select %ne3A_35, %roll3A_37, %roll3A_39 : vector<1000x128xi1>, vector<1000x128xf32>
    %not3A_41 = arith.constant dense<true> : vector<1000x128xi1>
    %not3A_42 = arith.xori %ne3A_35, %not3A_41 : vector<1000x128xi1>
    %and3A_43 = arith.constant 4 : i32
    %and3A_44 = vector.broadcast %and3A_43 : i32 to vector<1000x128xi32>
    %and3A_45 = arith.andi %iota3A, %and3A_44 : vector<1000x128xi32>
    %eq3A_46 = arith.constant 0 : i32
    %eq3A_47 = vector.broadcast %eq3A_46 : i32 to vector<1000x128xi32>
    %eq3A_48 = arith.cmpi eq, %and3A_45, %eq3A_47 : vector<1000x128xi32>
    %eq3A_49 = arith.xori %not3A_42, %eq3A_48 : vector<1000x128xi1>
    %eq3A_50 = arith.constant dense<true> : vector<1000x128xi1>
    %eq3A_51 = arith.xori %eq3A_49, %eq3A_50 : vector<1000x128xi1>
    %min3A_52 = arith.minimumf %select_n3A_29, %select_n3A_40 : vector<1000x128xf32>
    %max3A_53 = arith.maximumf %select_n3A_29, %select_n3A_40 : vector<1000x128xf32>
    %select_n3A_54 = arith.select %eq3A_51, %min3A_52, %max3A_53 : vector<1000x128xi1>, vector<1000x128xf32>
    %and3A_55 = arith.constant 1 : i32
    %and3A_56 = vector.broadcast %and3A_55 : i32 to vector<1000x128xi32>
    %and3A_57 = arith.andi %iota3A, %and3A_56 : vector<1000x128xi32>
    %ne3A_58 = arith.constant 0 : i32
    %ne3A_59 = vector.broadcast %ne3A_58 : i32 to vector<1000x128xi32>
    %ne3A_60 = arith.cmpi ne, %and3A_57, %ne3A_59 : vector<1000x128xi32>
    %roll3A_61 = arith.constant 1 : i32
    %roll3A_62 = tpu.dynamic_rotate %select_n3A_54 by %roll3A_61 dim 1 : vector<1000x128xf32>, i32 -> vector<1000x128xf32>
    %roll3A_63 = arith.constant 127 : i32
    %roll3A_64 = tpu.dynamic_rotate %select_n3A_54 by %roll3A_63 dim 1 : vector<1000x128xf32>, i32 -> vector<1000x128xf32>
    %select_n3A_65 = arith.select %ne3A_60, %roll3A_62, %roll3A_64 : vector<1000x128xi1>, vector<1000x128xf32>
    %not3A_66 = arith.constant dense<true> : vector<1000x128xi1>
    %not3A_67 = arith.xori %ne3A_60, %not3A_66 : vector<1000x128xi1>
    %and3A_68 = arith.constant 4 : i32
    %and3A_69 = vector.broadcast %and3A_68 : i32 to vector<1000x128xi32>
    %and3A_70 = arith.andi %iota3A, %and3A_69 : vector<1000x128xi32>
    %eq3A_71 = arith.constant 0 : i32
    %eq3A_72 = vector.broadcast %eq3A_71 : i32 to vector<1000x128xi32>
    %eq3A_73 = arith.cmpi eq, %and3A_70, %eq3A_72 : vector<1000x128xi32>
    %eq3A_74 = arith.xori %not3A_67, %eq3A_73 : vector<1000x128xi1>
    %eq3A_75 = arith.constant dense<true> : vector<1000x128xi1>
    %eq3A_76 = arith.xori %eq3A_74, %eq3A_75 : vector<1000x128xi1>
    %min3A_77 = arith.minimumf %select_n3A_54, %select_n3A_65 : vector<1000x128xf32>
    %max3A_78 = arith.maximumf %select_n3A_54, %select_n3A_65 : vector<1000x128xf32>
    %select_n3A_79 = arith.select %eq3A_76, %min3A_77, %max3A_78 : vector<1000x128xi1>, vector<1000x128xf32>
    %and3A_80 = arith.constant 4 : i32
    %and3A_81 = vector.broadcast %and3A_80 : i32 to vector<1000x128xi32>
    %and3A_82 = arith.andi %iota3A, %and3A_81 : vector<1000x128xi32>
    %ne3A_83 = arith.constant 0 : i32
    %ne3A_84 = vector.broadcast %ne3A_83 : i32 to vector<1000x128xi32>
    %ne3A_85 = arith.cmpi ne, %and3A_82, %ne3A_84 : vector<1000x128xi32>
    %roll3A_86 = arith.constant 4 : i32
    %roll3A_87 = tpu.dynamic_rotate %select_n3A_79 by %roll3A_86 dim 1 : vector<1000x128xf32>, i32 -> vector<1000x128xf32>
    %roll3A_88 = arith.constant 124 : i32
    %roll3A_89 = tpu.dynamic_rotate %select_n3A_79 by %roll3A_88 dim 1 : vector<1000x128xf32>, i32 -> vector<1000x128xf32>
    %select_n3A_90 = arith.select %ne3A_85, %roll3A_87, %roll3A_89 : vector<1000x128xi1>, vector<1000x128xf32>
    %not3A_91 = arith.constant dense<true> : vector<1000x128xi1>
    %not3A_92 = arith.xori %ne3A_85, %not3A_91 : vector<1000x128xi1>
    %and3A_93 = arith.constant 8 : i32
    %and3A_94 = vector.broadcast %and3A_93 : i32 to vector<1000x128xi32>
    %and3A_95 = arith.andi %iota3A, %and3A_94 : vector<1000x128xi32>
    %eq3A_96 = arith.constant 0 : i32
    %eq3A_97 = vector.broadcast %eq3A_96 : i32 to vector<1000x128xi32>
    %eq3A_98 = arith.cmpi eq, %and3A_95, %eq3A_97 : vector<1000x128xi32>
    %eq3A_99 = arith.xori %not3A_92, %eq3A_98 : vector<1000x128xi1>
    %eq3A_100 = arith.constant dense<true> : vector<1000x128xi1>
    %eq3A_101 = arith.xori %eq3A_99, %eq3A_100 : vector<1000x128xi1>
    %min3A_102 = arith.minimumf %select_n3A_79, %select_n3A_90 : vector<1000x128xf32>
    %max3A_103 = arith.maximumf %select_n3A_79, %select_n3A_90 : vector<1000x128xf32>
    %select_n3A_104 = arith.select %eq3A_101, %min3A_102, %max3A_103 : vector<1000x128xi1>, vector<1000x128xf32>
    %and3A_105 = arith.constant 2 : i32
    %and3A_106 = vector.broadcast %and3A_105 : i32 to vector<1000x128xi32>
    %and3A_107 = arith.andi %iota3A, %and3A_106 : vector<1000x128xi32>
    %ne3A_108 = arith.constant 0 : i32
    %ne3A_109 = vector.broadcast %ne3A_108 : i32 to vector<1000x128xi32>
    %ne3A_110 = arith.cmpi ne, %and3A_107, %ne3A_109 : vector<1000x128xi32>
    %roll3A_111 = arith.constant 2 : i32
    %roll3A_112 = tpu.dynamic_rotate %select_n3A_104 by %roll3A_111 dim 1 : vector<1000x128xf32>, i32 -> vector<1000x128xf32>
    %roll3A_113 = arith.constant 126 : i32
    %roll3A_114 = tpu.dynamic_rotate %select_n3A_104 by %roll3A_113 dim 1 : vector<1000x128xf32>, i32 -> vector<1000x128xf32>
    %select_n3A_115 = arith.select %ne3A_110, %roll3A_112, %roll3A_114 : vector<1000x128xi1>, vector<1000x128xf32>
    %not3A_116 = arith.constant dense<true> : vector<1000x128xi1>
    %not3A_117 = arith.xori %ne3A_110, %not3A_116 : vector<1000x128xi1>
    %and3A_118 = arith.constant 8 : i32
    %and3A_119 = vector.broadcast %and3A_118 : i32 to vector<1000x128xi32>
    %and3A_120 = arith.andi %iota3A, %and3A_119 : vector<1000x128xi32>
    %eq3A_121 = arith.constant 0 : i32
    %eq3A_122 = vector.broadcast %eq3A_121 : i32 to vector<1000x128xi32>
    %eq3A_123 = arith.cmpi eq, %and3A_120, %eq3A_122 : vector<1000x128xi32>
    %eq3A_124 = arith.xori %not3A_117, %eq3A_123 : vector<1000x128xi1>
    %eq3A_125 = arith.constant dense<true> : vector<1000x128xi1>
    %eq3A_126 = arith.xori %eq3A_124, %eq3A_125 : vector<1000x128xi1>
    %min3A_127 = arith.minimumf %select_n3A_104, %select_n3A_115 : vector<1000x128xf32>
    %max3A_128 = arith.maximumf %select_n3A_104, %select_n3A_115 : vector<1000x128xf32>
    %select_n3A_129 = arith.select %eq3A_126, %min3A_127, %max3A_128 : vector<1000x128xi1>, vector<1000x128xf32>
    %and3A_130 = arith.constant 1 : i32
    %and3A_131 = vector.broadcast %and3A_130 : i32 to vector<1000x128xi32>
    %and3A_132 = arith.andi %iota3A, %and3A_131 : vector<1000x128xi32>
    %ne3A_133 = arith.constant 0 : i32
    %ne3A_134 = vector.broadcast %ne3A_133 : i32 to vector<1000x128xi32>
    %ne3A_135 = arith.cmpi ne, %and3A_132, %ne3A_134 : vector<1000x128xi32>
    %roll3A_136 = arith.constant 1 : i32
    %roll3A_137 = tpu.dynamic_rotate %select_n3A_129 by %roll3A_136 dim 1 : vector<1000x128xf32>, i32 -> vector<1000x128xf32>
    %roll3A_138 = arith.constant 127 : i32
    %roll3A_139 = tpu.dynamic_rotate %select_n3A_129 by %roll3A_138 dim 1 : vector<1000x128xf32>, i32 -> vector<1000x128xf32>
    %select_n3A_140 = arith.select %ne3A_135, %roll3A_137, %roll3A_139 : vector<1000x128xi1>, vector<1000x128xf32>
    %not3A_141 = arith.constant dense<true> : vector<1000x128xi1>
    %not3A_142 = arith.xori %ne3A_135, %not3A_141 : vector<1000x128xi1>
    %and3A_143 = arith.constant 8 : i32
    %and3A_144 = vector.broadcast %and3A_143 : i32 to vector<1000x128xi32>
    %and3A_145 = arith.andi %iota3A, %and3A_144 : vector<1000x128xi32>
    %eq3A_146 = arith.constant 0 : i32
    %eq3A_147 = vector.broadcast %eq3A_146 : i32 to vector<1000x128xi32>
    %eq3A_148 = arith.cmpi eq, %and3A_145, %eq3A_147 : vector<1000x128xi32>
    %eq3A_149 = arith.xori %not3A_142, %eq3A_148 : vector<1000x128xi1>
    %eq3A_150 = arith.constant dense<true> : vector<1000x128xi1>
    %eq3A_151 = arith.xori %eq3A_149, %eq3A_150 : vector<1000x128xi1>
    %min3A_152 = arith.minimumf %select_n3A_129, %select_n3A_140 : vector<1000x128xf32>
    %max3A_153 = arith.maximumf %select_n3A_129, %select_n3A_140 : vector<1000x128xf32>
    %select_n3A_154 = arith.select %eq3A_151, %min3A_152, %max3A_153 : vector<1000x128xi1>, vector<1000x128xf32>
    %and3A_155 = arith.constant 8 : i32
    %and3A_156 = vector.broadcast %and3A_155 : i32 to vector<1000x128xi32>
    %and3A_157 = arith.andi %iota3A, %and3A_156 : vector<1000x128xi32>
    %ne3A_158 = arith.constant 0 : i32
    %ne3A_159 = vector.broadcast %ne3A_158 : i32 to vector<1000x128xi32>
    %ne3A_160 = arith.cmpi ne, %and3A_157, %ne3A_159 : vector<1000x128xi32>
    %roll3A_161 = arith.constant 8 : i32
    %roll3A_162 = tpu.dynamic_rotate %select_n3A_154 by %roll3A_161 dim 1 : vector<1000x128xf32>, i32 -> vector<1000x128xf32>
    %roll3A_163 = arith.constant 120 : i32
    %roll3A_164 = tpu.dynamic_rotate %select_n3A_154 by %roll3A_163 dim 1 : vector<1000x128xf32>, i32 -> vector<1000x128xf32>
    %select_n3A_165 = arith.select %ne3A_160, %roll3A_162, %roll3A_164 : vector<1000x128xi1>, vector<1000x128xf32>
    %not3A_166 = arith.constant dense<true> : vector<1000x128xi1>
    %not3A_167 = arith.xori %ne3A_160, %not3A_166 : vector<1000x128xi1>
    %and3A_168 = arith.constant 16 : i32
    %and3A_169 = vector.broadcast %and3A_168 : i32 to vector<1000x128xi32>
    %and3A_170 = arith.andi %iota3A, %and3A_169 : vector<1000x128xi32>
    %eq3A_171 = arith.constant 0 : i32
    %eq3A_172 = vector.broadcast %eq3A_171 : i32 to vector<1000x128xi32>
    %eq3A_173 = arith.cmpi eq, %and3A_170, %eq3A_172 : vector<1000x128xi32>
    %eq3A_174 = arith.xori %not3A_167, %eq3A_173 : vector<1000x128xi1>
    %eq3A_175 = arith.constant dense<true> : vector<1000x128xi1>
    %eq3A_176 = arith.xori %eq3A_174, %eq3A_175 : vector<1000x128xi1>
    %min3A_177 = arith.minimumf %select_n3A_154, %select_n3A_165 : vector<1000x128xf32>
    %max3A_178 = arith.maximumf %select_n3A_154, %select_n3A_165 : vector<1000x128xf32>
    %select_n3A_179 = arith.select %eq3A_176, %min3A_177, %max3A_178 : vector<1000x128xi1>, vector<1000x128xf32>
    %and3A_180 = arith.constant 4 : i32
    %and3A_181 = vector.broadcast %and3A_180 : i32 to vector<1000x128xi32>
    %and3A_182 = arith.andi %iota3A, %and3A_181 : vector<1000x128xi32>
    %ne3A_183 = arith.constant 0 : i32
    %ne3A_184 = vector.broadcast %ne3A_183 : i32 to vector<1000x128xi32>
    %ne3A_185 = arith.cmpi ne, %and3A_182, %ne3A_184 : vector<1000x128xi32>
    %roll3A_186 = arith.constant 4 : i32
    %roll3A_187 = tpu.dynamic_rotate %select_n3A_179 by %roll3A_186 dim 1 : vector<1000x128xf32>, i32 -> vector<1000x128xf32>
    %roll3A_188 = arith.constant 124 : i32
    %roll3A_189 = tpu.dynamic_rotate %select_n3A_179 by %roll3A_188 dim 1 : vector<1000x128xf32>, i32 -> vector<1000x128xf32>
    %select_n3A_190 = arith.select %ne3A_185, %roll3A_187, %roll3A_189 : vector<1000x128xi1>, vector<1000x128xf32>
    %not3A_191 = arith.constant dense<true> : vector<1000x128xi1>
    %not3A_192 = arith.xori %ne3A_185, %not3A_191 : vector<1000x128xi1>
    %and3A_193 = arith.constant 16 : i32
    %and3A_194 = vector.broadcast %and3A_193 : i32 to vector<1000x128xi32>
    %and3A_195 = arith.andi %iota3A, %and3A_194 : vector<1000x128xi32>
    %eq3A_196 = arith.constant 0 : i32
    %eq3A_197 = vector.broadcast %eq3A_196 : i32 to vector<1000x128xi32>
    %eq3A_198 = arith.cmpi eq, %and3A_195, %eq3A_197 : vector<1000x128xi32>
    %eq3A_199 = arith.xori %not3A_192, %eq3A_198 : vector<1000x128xi1>
    %eq3A_200 = arith.constant dense<true> : vector<1000x128xi1>
    %eq3A_201 = arith.xori %eq3A_199, %eq3A_200 : vector<1000x128xi1>
    %min3A_202 = arith.minimumf %select_n3A_179, %select_n3A_190 : vector<1000x128xf32>
    %max3A_203 = arith.maximumf %select_n3A_179, %select_n3A_190 : vector<1000x128xf32>
    %select_n3A_204 = arith.select %eq3A_201, %min3A_202, %max3A_203 : vector<1000x128xi1>, vector<1000x128xf32>
    %and3A_205 = arith.constant 2 : i32
    %and3A_206 = vector.broadcast %and3A_205 : i32 to vector<1000x128xi32>
    %and3A_207 = arith.andi %iota3A, %and3A_206 : vector<1000x128xi32>
    %ne3A_208 = arith.constant 0 : i32
    %ne3A_209 = vector.broadcast %ne3A_208 : i32 to vector<1000x128xi32>
    %ne3A_210 = arith.cmpi ne, %and3A_207, %ne3A_209 : vector<1000x128xi32>
    %roll3A_211 = arith.constant 2 : i32
    %roll3A_212 = tpu.dynamic_rotate %select_n3A_204 by %roll3A_211 dim 1 : vector<1000x128xf32>, i32 -> vector<1000x128xf32>
    %roll3A_213 = arith.constant 126 : i32
    %roll3A_214 = tpu.dynamic_rotate %select_n3A_204 by %roll3A_213 dim 1 : vector<1000x128xf32>, i32 -> vector<1000x128xf32>
    %select_n3A_215 = arith.select %ne3A_210, %roll3A_212, %roll3A_214 : vector<1000x128xi1>, vector<1000x128xf32>
    %not3A_216 = arith.constant dense<true> : vector<1000x128xi1>
    %not3A_217 = arith.xori %ne3A_210, %not3A_216 : vector<1000x128xi1>
    %and3A_218 = arith.constant 16 : i32
    %and3A_219 = vector.broadcast %and3A_218 : i32 to vector<1000x128xi32>
    %and3A_220 = arith.andi %iota3A, %and3A_219 : vector<1000x128xi32>
    %eq3A_221 = arith.constant 0 : i32
    %eq3A_222 = vector.broadcast %eq3A_221 : i32 to vector<1000x128xi32>
    %eq3A_223 = arith.cmpi eq, %and3A_220, %eq3A_222 : vector<1000x128xi32>
    %eq3A_224 = arith.xori %not3A_217, %eq3A_223 : vector<1000x128xi1>
    %eq3A_225 = arith.constant dense<true> : vector<1000x128xi1>
    %eq3A_226 = arith.xori %eq3A_224, %eq3A_225 : vector<1000x128xi1>
    %min3A_227 = arith.minimumf %select_n3A_204, %select_n3A_215 : vector<1000x128xf32>
    %max3A_228 = arith.maximumf %select_n3A_204, %select_n3A_215 : vector<1000x128xf32>
    %select_n3A_229 = arith.select %eq3A_226, %min3A_227, %max3A_228 : vector<1000x128xi1>, vector<1000x128xf32>
    %and3A_230 = arith.constant 1 : i32
    %and3A_231 = vector.broadcast %and3A_230 : i32 to vector<1000x128xi32>
    %and3A_232 = arith.andi %iota3A, %and3A_231 : vector<1000x128xi32>
    %ne3A_233 = arith.constant 0 : i32
    %ne3A_234 = vector.broadcast %ne3A_233 : i32 to vector<1000x128xi32>
    %ne3A_235 = arith.cmpi ne, %and3A_232, %ne3A_234 : vector<1000x128xi32>
    %roll3A_236 = arith.constant 1 : i32
    %roll3A_237 = tpu.dynamic_rotate %select_n3A_229 by %roll3A_236 dim 1 : vector<1000x128xf32>, i32 -> vector<1000x128xf32>
    %roll3A_238 = arith.constant 127 : i32
    %roll3A_239 = tpu.dynamic_rotate %select_n3A_229 by %roll3A_238 dim 1 : vector<1000x128xf32>, i32 -> vector<1000x128xf32>
    %select_n3A_240 = arith.select %ne3A_235, %roll3A_237, %roll3A_239 : vector<1000x128xi1>, vector<1000x128xf32>
    %not3A_241 = arith.constant dense<true> : vector<1000x128xi1>
    %not3A_242 = arith.xori %ne3A_235, %not3A_241 : vector<1000x128xi1>
    %and3A_243 = arith.constant 16 : i32
    %and3A_244 = vector.broadcast %and3A_243 : i32 to vector<1000x128xi32>
    %and3A_245 = arith.andi %iota3A, %and3A_244 : vector<1000x128xi32>
    %eq3A_246 = arith.constant 0 : i32
    %eq3A_247 = vector.broadcast %eq3A_246 : i32 to vector<1000x128xi32>
    %eq3A_248 = arith.cmpi eq, %and3A_245, %eq3A_247 : vector<1000x128xi32>
    %eq3A_249 = arith.xori %not3A_242, %eq3A_248 : vector<1000x128xi1>
    %eq3A_250 = arith.constant dense<true> : vector<1000x128xi1>
    %eq3A_251 = arith.xori %eq3A_249, %eq3A_250 : vector<1000x128xi1>
    %min3A_252 = arith.minimumf %select_n3A_229, %select_n3A_240 : vector<1000x128xf32>
    %max3A_253 = arith.maximumf %select_n3A_229, %select_n3A_240 : vector<1000x128xf32>
    %select_n3A_254 = arith.select %eq3A_251, %min3A_252, %max3A_253 : vector<1000x128xi1>, vector<1000x128xf32>
    %and3A_255 = arith.constant 16 : i32
    %and3A_256 = vector.broadcast %and3A_255 : i32 to vector<1000x128xi32>
    %and3A_257 = arith.andi %iota3A, %and3A_256 : vector<1000x128xi32>
    %ne3A_258 = arith.constant 0 : i32
    %ne3A_259 = vector.broadcast %ne3A_258 : i32 to vector<1000x128xi32>
    %ne3A_260 = arith.cmpi ne, %and3A_257, %ne3A_259 : vector<1000x128xi32>
    %roll3A_261 = arith.constant 16 : i32
    %roll3A_262 = tpu.dynamic_rotate %select_n3A_254 by %roll3A_261 dim 1 : vector<1000x128xf32>, i32 -> vector<1000x128xf32>
    %roll3A_263 = arith.constant 112 : i32
    %roll3A_264 = tpu.dynamic_rotate %select_n3A_254 by %roll3A_263 dim 1 : vector<1000x128xf32>, i32 -> vector<1000x128xf32>
    %select_n3A_265 = arith.select %ne3A_260, %roll3A_262, %roll3A_264 : vector<1000x128xi1>, vector<1000x128xf32>
    %not3A_266 = arith.constant dense<true> : vector<1000x128xi1>
    %not3A_267 = arith.xori %ne3A_260, %not3A_266 : vector<1000x128xi1>
    %and3A_268 = arith.constant 32 : i32
    %and3A_269 = vector.broadcast %and3A_268 : i32 to vector<1000x128xi32>
    %and3A_270 = arith.andi %iota3A, %and3A_269 : vector<1000x128xi32>
    %eq3A_271 = arith.constant 0 : i32
    %eq3A_272 = vector.broadcast %eq3A_271 : i32 to vector<1000x128xi32>
    %eq3A_273 = arith.cmpi eq, %and3A_270, %eq3A_272 : vector<1000x128xi32>
    %eq3A_274 = arith.xori %not3A_267, %eq3A_273 : vector<1000x128xi1>
    %eq3A_275 = arith.constant dense<true> : vector<1000x128xi1>
    %eq3A_276 = arith.xori %eq3A_274, %eq3A_275 : vector<1000x128xi1>
    %min3A_277 = arith.minimumf %select_n3A_254, %select_n3A_265 : vector<1000x128xf32>
    %max3A_278 = arith.maximumf %select_n3A_254, %select_n3A_265 : vector<1000x128xf32>
    %select_n3A_279 = arith.select %eq3A_276, %min3A_277, %max3A_278 : vector<1000x128xi1>, vector<1000x128xf32>
    %and3A_280 = arith.constant 8 : i32
    %and3A_281 = vector.broadcast %and3A_280 : i32 to vector<1000x128xi32>
    %and3A_282 = arith.andi %iota3A, %and3A_281 : vector<1000x128xi32>
    %ne3A_283 = arith.constant 0 : i32
    %ne3A_284 = vector.broadcast %ne3A_283 : i32 to vector<1000x128xi32>
    %ne3A_285 = arith.cmpi ne, %and3A_282, %ne3A_284 : vector<1000x128xi32>
    %roll3A_286 = arith.constant 8 : i32
    %roll3A_287 = tpu.dynamic_rotate %select_n3A_279 by %roll3A_286 dim 1 : vector<1000x128xf32>, i32 -> vector<1000x128xf32>
    %roll3A_288 = arith.constant 120 : i32
    %roll3A_289 = tpu.dynamic_rotate %select_n3A_279 by %roll3A_288 dim 1 : vector<1000x128xf32>, i32 -> vector<1000x128xf32>
    %select_n3A_290 = arith.select %ne3A_285, %roll3A_287, %roll3A_289 : vector<1000x128xi1>, vector<1000x128xf32>
    %not3A_291 = arith.constant dense<true> : vector<1000x128xi1>
    %not3A_292 = arith.xori %ne3A_285, %not3A_291 : vector<1000x128xi1>
    %and3A_293 = arith.constant 32 : i32
    %and3A_294 = vector.broadcast %and3A_293 : i32 to vector<1000x128xi32>
    %and3A_295 = arith.andi %iota3A, %and3A_294 : vector<1000x128xi32>
    %eq3A_296 = arith.constant 0 : i32
    %eq3A_297 = vector.broadcast %eq3A_296 : i32 to vector<1000x128xi32>
    %eq3A_298 = arith.cmpi eq, %and3A_295, %eq3A_297 : vector<1000x128xi32>
    %eq3A_299 = arith.xori %not3A_292, %eq3A_298 : vector<1000x128xi1>
    %eq3A_300 = arith.constant dense<true> : vector<1000x128xi1>
    %eq3A_301 = arith.xori %eq3A_299, %eq3A_300 : vector<1000x128xi1>
    %min3A_302 = arith.minimumf %select_n3A_279, %select_n3A_290 : vector<1000x128xf32>
    %max3A_303 = arith.maximumf %select_n3A_279, %select_n3A_290 : vector<1000x128xf32>
    %select_n3A_304 = arith.select %eq3A_301, %min3A_302, %max3A_303 : vector<1000x128xi1>, vector<1000x128xf32>
    %and3A_305 = arith.constant 4 : i32
    %and3A_306 = vector.broadcast %and3A_305 : i32 to vector<1000x128xi32>
    %and3A_307 = arith.andi %iota3A, %and3A_306 : vector<1000x128xi32>
    %ne3A_308 = arith.constant 0 : i32
    %ne3A_309 = vector.broadcast %ne3A_308 : i32 to vector<1000x128xi32>
    %ne3A_310 = arith.cmpi ne, %and3A_307, %ne3A_309 : vector<1000x128xi32>
    %roll3A_311 = arith.constant 4 : i32
    %roll3A_312 = tpu.dynamic_rotate %select_n3A_304 by %roll3A_311 dim 1 : vector<1000x128xf32>, i32 -> vector<1000x128xf32>
    %roll3A_313 = arith.constant 124 : i32
    %roll3A_314 = tpu.dynamic_rotate %select_n3A_304 by %roll3A_313 dim 1 : vector<1000x128xf32>, i32 -> vector<1000x128xf32>
    %select_n3A_315 = arith.select %ne3A_310, %roll3A_312, %roll3A_314 : vector<1000x128xi1>, vector<1000x128xf32>
    %not3A_316 = arith.constant dense<true> : vector<1000x128xi1>
    %not3A_317 = arith.xori %ne3A_310, %not3A_316 : vector<1000x128xi1>
    %and3A_318 = arith.constant 32 : i32
    %and3A_319 = vector.broadcast %and3A_318 : i32 to vector<1000x128xi32>
    %and3A_320 = arith.andi %iota3A, %and3A_319 : vector<1000x128xi32>
    %eq3A_321 = arith.constant 0 : i32
    %eq3A_322 = vector.broadcast %eq3A_321 : i32 to vector<1000x128xi32>
    %eq3A_323 = arith.cmpi eq, %and3A_320, %eq3A_322 : vector<1000x128xi32>
    %eq3A_324 = arith.xori %not3A_317, %eq3A_323 : vector<1000x128xi1>
    %eq3A_325 = arith.constant dense<true> : vector<1000x128xi1>
    %eq3A_326 = arith.xori %eq3A_324, %eq3A_325 : vector<1000x128xi1>
    %min3A_327 = arith.minimumf %select_n3A_304, %select_n3A_315 : vector<1000x128xf32>
    %max3A_328 = arith.maximumf %select_n3A_304, %select_n3A_315 : vector<1000x128xf32>
    %select_n3A_329 = arith.select %eq3A_326, %min3A_327, %max3A_328 : vector<1000x128xi1>, vector<1000x128xf32>
    %and3A_330 = arith.constant 2 : i32
    %and3A_331 = vector.broadcast %and3A_330 : i32 to vector<1000x128xi32>
    %and3A_332 = arith.andi %iota3A, %and3A_331 : vector<1000x128xi32>
    %ne3A_333 = arith.constant 0 : i32
    %ne3A_334 = vector.broadcast %ne3A_333 : i32 to vector<1000x128xi32>
    %ne3A_335 = arith.cmpi ne, %and3A_332, %ne3A_334 : vector<1000x128xi32>
    %roll3A_336 = arith.constant 2 : i32
    %roll3A_337 = tpu.dynamic_rotate %select_n3A_329 by %roll3A_336 dim 1 : vector<1000x128xf32>, i32 -> vector<1000x128xf32>
    %roll3A_338 = arith.constant 126 : i32
    %roll3A_339 = tpu.dynamic_rotate %select_n3A_329 by %roll3A_338 dim 1 : vector<1000x128xf32>, i32 -> vector<1000x128xf32>
    %select_n3A_340 = arith.select %ne3A_335, %roll3A_337, %roll3A_339 : vector<1000x128xi1>, vector<1000x128xf32>
    %not3A_341 = arith.constant dense<true> : vector<1000x128xi1>
    %not3A_342 = arith.xori %ne3A_335, %not3A_341 : vector<1000x128xi1>
    %and3A_343 = arith.constant 32 : i32
    %and3A_344 = vector.broadcast %and3A_343 : i32 to vector<1000x128xi32>
    %and3A_345 = arith.andi %iota3A, %and3A_344 : vector<1000x128xi32>
    %eq3A_346 = arith.constant 0 : i32
    %eq3A_347 = vector.broadcast %eq3A_346 : i32 to vector<1000x128xi32>
    %eq3A_348 = arith.cmpi eq, %and3A_345, %eq3A_347 : vector<1000x128xi32>
    %eq3A_349 = arith.xori %not3A_342, %eq3A_348 : vector<1000x128xi1>
    %eq3A_350 = arith.constant dense<true> : vector<1000x128xi1>
    %eq3A_351 = arith.xori %eq3A_349, %eq3A_350 : vector<1000x128xi1>
    %min3A_352 = arith.minimumf %select_n3A_329, %select_n3A_340 : vector<1000x128xf32>
    %max3A_353 = arith.maximumf %select_n3A_329, %select_n3A_340 : vector<1000x128xf32>
    %select_n3A_354 = arith.select %eq3A_351, %min3A_352, %max3A_353 : vector<1000x128xi1>, vector<1000x128xf32>
    %and3A_355 = arith.constant 1 : i32
    %and3A_356 = vector.broadcast %and3A_355 : i32 to vector<1000x128xi32>
    %and3A_357 = arith.andi %iota3A, %and3A_356 : vector<1000x128xi32>
    %ne3A_358 = arith.constant 0 : i32
    %ne3A_359 = vector.broadcast %ne3A_358 : i32 to vector<1000x128xi32>
    %ne3A_360 = arith.cmpi ne, %and3A_357, %ne3A_359 : vector<1000x128xi32>
    %roll3A_361 = arith.constant 1 : i32
    %roll3A_362 = tpu.dynamic_rotate %select_n3A_354 by %roll3A_361 dim 1 : vector<1000x128xf32>, i32 -> vector<1000x128xf32>
    %roll3A_363 = arith.constant 127 : i32
    %roll3A_364 = tpu.dynamic_rotate %select_n3A_354 by %roll3A_363 dim 1 : vector<1000x128xf32>, i32 -> vector<1000x128xf32>
    %select_n3A_365 = arith.select %ne3A_360, %roll3A_362, %roll3A_364 : vector<1000x128xi1>, vector<1000x128xf32>
    %not3A_366 = arith.constant dense<true> : vector<1000x128xi1>
    %not3A_367 = arith.xori %ne3A_360, %not3A_366 : vector<1000x128xi1>
    %and3A_368 = arith.constant 32 : i32
    %and3A_369 = vector.broadcast %and3A_368 : i32 to vector<1000x128xi32>
    %and3A_370 = arith.andi %iota3A, %and3A_369 : vector<1000x128xi32>
    %eq3A_371 = arith.constant 0 : i32
    %eq3A_372 = vector.broadcast %eq3A_371 : i32 to vector<1000x128xi32>
    %eq3A_373 = arith.cmpi eq, %and3A_370, %eq3A_372 : vector<1000x128xi32>
    %eq3A_374 = arith.xori %not3A_367, %eq3A_373 : vector<1000x128xi1>
    %eq3A_375 = arith.constant dense<true> : vector<1000x128xi1>
    %eq3A_376 = arith.xori %eq3A_374, %eq3A_375 : vector<1000x128xi1>
    %min3A_377 = arith.minimumf %select_n3A_354, %select_n3A_365 : vector<1000x128xf32>
    %max3A_378 = arith.maximumf %select_n3A_354, %select_n3A_365 : vector<1000x128xf32>
    %select_n3A_379 = arith.select %eq3A_376, %min3A_377, %max3A_378 : vector<1000x128xi1>, vector<1000x128xf32>
    %and3A_380 = arith.constant 32 : i32
    %and3A_381 = vector.broadcast %and3A_380 : i32 to vector<1000x128xi32>
    %and3A_382 = arith.andi %iota3A, %and3A_381 : vector<1000x128xi32>
    %ne3A_383 = arith.constant 0 : i32
    %ne3A_384 = vector.broadcast %ne3A_383 : i32 to vector<1000x128xi32>
    %ne3A_385 = arith.cmpi ne, %and3A_382, %ne3A_384 : vector<1000x128xi32>
    %roll3A_386 = arith.constant 32 : i32
    %roll3A_387 = tpu.dynamic_rotate %select_n3A_379 by %roll3A_386 dim 1 : vector<1000x128xf32>, i32 -> vector<1000x128xf32>
    %roll3A_388 = arith.constant 96 : i32
    %roll3A_389 = tpu.dynamic_rotate %select_n3A_379 by %roll3A_388 dim 1 : vector<1000x128xf32>, i32 -> vector<1000x128xf32>
    %select_n3A_390 = arith.select %ne3A_385, %roll3A_387, %roll3A_389 : vector<1000x128xi1>, vector<1000x128xf32>
    %not3A_391 = arith.constant dense<true> : vector<1000x128xi1>
    %not3A_392 = arith.xori %ne3A_385, %not3A_391 : vector<1000x128xi1>
    %and3A_393 = arith.constant 64 : i32
    %and3A_394 = vector.broadcast %and3A_393 : i32 to vector<1000x128xi32>
    %and3A_395 = arith.andi %iota3A, %and3A_394 : vector<1000x128xi32>
    %eq3A_396 = arith.constant 0 : i32
    %eq3A_397 = vector.broadcast %eq3A_396 : i32 to vector<1000x128xi32>
    %eq3A_398 = arith.cmpi eq, %and3A_395, %eq3A_397 : vector<1000x128xi32>
    %eq3A_399 = arith.xori %not3A_392, %eq3A_398 : vector<1000x128xi1>
    %eq3A_400 = arith.constant dense<true> : vector<1000x128xi1>
    %eq3A_401 = arith.xori %eq3A_399, %eq3A_400 : vector<1000x128xi1>
    %min3A_402 = arith.minimumf %select_n3A_379, %select_n3A_390 : vector<1000x128xf32>
    %max3A_403 = arith.maximumf %select_n3A_379, %select_n3A_390 : vector<1000x128xf32>
    %select_n3A_404 = arith.select %eq3A_401, %min3A_402, %max3A_403 : vector<1000x128xi1>, vector<1000x128xf32>
    %and3A_405 = arith.constant 16 : i32
    %and3A_406 = vector.broadcast %and3A_405 : i32 to vector<1000x128xi32>
    %and3A_407 = arith.andi %iota3A, %and3A_406 : vector<1000x128xi32>
    %ne3A_408 = arith.constant 0 : i32
    %ne3A_409 = vector.broadcast %ne3A_408 : i32 to vector<1000x128xi32>
    %ne3A_410 = arith.cmpi ne, %and3A_407, %ne3A_409 : vector<1000x128xi32>
    %roll3A_411 = arith.constant 16 : i32
    %roll3A_412 = tpu.dynamic_rotate %select_n3A_404 by %roll3A_411 dim 1 : vector<1000x128xf32>, i32 -> vector<1000x128xf32>
    %roll3A_413 = arith.constant 112 : i32
    %roll3A_414 = tpu.dynamic_rotate %select_n3A_404 by %roll3A_413 dim 1 : vector<1000x128xf32>, i32 -> vector<1000x128xf32>
    %select_n3A_415 = arith.select %ne3A_410, %roll3A_412, %roll3A_414 : vector<1000x128xi1>, vector<1000x128xf32>
    %not3A_416 = arith.constant dense<true> : vector<1000x128xi1>
    %not3A_417 = arith.xori %ne3A_410, %not3A_416 : vector<1000x128xi1>
    %and3A_418 = arith.constant 64 : i32
    %and3A_419 = vector.broadcast %and3A_418 : i32 to vector<1000x128xi32>
    %and3A_420 = arith.andi %iota3A, %and3A_419 : vector<1000x128xi32>
    %eq3A_421 = arith.constant 0 : i32
    %eq3A_422 = vector.broadcast %eq3A_421 : i32 to vector<1000x128xi32>
    %eq3A_423 = arith.cmpi eq, %and3A_420, %eq3A_422 : vector<1000x128xi32>
    %eq3A_424 = arith.xori %not3A_417, %eq3A_423 : vector<1000x128xi1>
    %eq3A_425 = arith.constant dense<true> : vector<1000x128xi1>
    %eq3A_426 = arith.xori %eq3A_424, %eq3A_425 : vector<1000x128xi1>
    %min3A_427 = arith.minimumf %select_n3A_404, %select_n3A_415 : vector<1000x128xf32>
    %max3A_428 = arith.maximumf %select_n3A_404, %select_n3A_415 : vector<1000x128xf32>
    %select_n3A_429 = arith.select %eq3A_426, %min3A_427, %max3A_428 : vector<1000x128xi1>, vector<1000x128xf32>
    %and3A_430 = arith.constant 8 : i32
    %and3A_431 = vector.broadcast %and3A_430 : i32 to vector<1000x128xi32>
    %and3A_432 = arith.andi %iota3A, %and3A_431 : vector<1000x128xi32>
    %ne3A_433 = arith.constant 0 : i32
    %ne3A_434 = vector.broadcast %ne3A_433 : i32 to vector<1000x128xi32>
    %ne3A_435 = arith.cmpi ne, %and3A_432, %ne3A_434 : vector<1000x128xi32>
    %roll3A_436 = arith.constant 8 : i32
    %roll3A_437 = tpu.dynamic_rotate %select_n3A_429 by %roll3A_436 dim 1 : vector<1000x128xf32>, i32 -> vector<1000x128xf32>
    %roll3A_438 = arith.constant 120 : i32
    %roll3A_439 = tpu.dynamic_rotate %select_n3A_429 by %roll3A_438 dim 1 : vector<1000x128xf32>, i32 -> vector<1000x128xf32>
    %select_n3A_440 = arith.select %ne3A_435, %roll3A_437, %roll3A_439 : vector<1000x128xi1>, vector<1000x128xf32>
    %not3A_441 = arith.constant dense<true> : vector<1000x128xi1>
    %not3A_442 = arith.xori %ne3A_435, %not3A_441 : vector<1000x128xi1>
    %and3A_443 = arith.constant 64 : i32
    %and3A_444 = vector.broadcast %and3A_443 : i32 to vector<1000x128xi32>
    %and3A_445 = arith.andi %iota3A, %and3A_444 : vector<1000x128xi32>
    %eq3A_446 = arith.constant 0 : i32
    %eq3A_447 = vector.broadcast %eq3A_446 : i32 to vector<1000x128xi32>
    %eq3A_448 = arith.cmpi eq, %and3A_445, %eq3A_447 : vector<1000x128xi32>
    %eq3A_449 = arith.xori %not3A_442, %eq3A_448 : vector<1000x128xi1>
    %eq3A_450 = arith.constant dense<true> : vector<1000x128xi1>
    %eq3A_451 = arith.xori %eq3A_449, %eq3A_450 : vector<1000x128xi1>
    %min3A_452 = arith.minimumf %select_n3A_429, %select_n3A_440 : vector<1000x128xf32>
    %max3A_453 = arith.maximumf %select_n3A_429, %select_n3A_440 : vector<1000x128xf32>
    %select_n3A_454 = arith.select %eq3A_451, %min3A_452, %max3A_453 : vector<1000x128xi1>, vector<1000x128xf32>
    %and3A_455 = arith.constant 4 : i32
    %and3A_456 = vector.broadcast %and3A_455 : i32 to vector<1000x128xi32>
    %and3A_457 = arith.andi %iota3A, %and3A_456 : vector<1000x128xi32>
    %ne3A_458 = arith.constant 0 : i32
    %ne3A_459 = vector.broadcast %ne3A_458 : i32 to vector<1000x128xi32>
    %ne3A_460 = arith.cmpi ne, %and3A_457, %ne3A_459 : vector<1000x128xi32>
    %roll3A_461 = arith.constant 4 : i32
    %roll3A_462 = tpu.dynamic_rotate %select_n3A_454 by %roll3A_461 dim 1 : vector<1000x128xf32>, i32 -> vector<1000x128xf32>
    %roll3A_463 = arith.constant 124 : i32
    %roll3A_464 = tpu.dynamic_rotate %select_n3A_454 by %roll3A_463 dim 1 : vector<1000x128xf32>, i32 -> vector<1000x128xf32>
    %select_n3A_465 = arith.select %ne3A_460, %roll3A_462, %roll3A_464 : vector<1000x128xi1>, vector<1000x128xf32>
    %not3A_466 = arith.constant dense<true> : vector<1000x128xi1>
    %not3A_467 = arith.xori %ne3A_460, %not3A_466 : vector<1000x128xi1>
    %and3A_468 = arith.constant 64 : i32
    %and3A_469 = vector.broadcast %and3A_468 : i32 to vector<1000x128xi32>
    %and3A_470 = arith.andi %iota3A, %and3A_469 : vector<1000x128xi32>
    %eq3A_471 = arith.constant 0 : i32
    %eq3A_472 = vector.broadcast %eq3A_471 : i32 to vector<1000x128xi32>
    %eq3A_473 = arith.cmpi eq, %and3A_470, %eq3A_472 : vector<1000x128xi32>
    %eq3A_474 = arith.xori %not3A_467, %eq3A_473 : vector<1000x128xi1>
    %eq3A_475 = arith.constant dense<true> : vector<1000x128xi1>
    %eq3A_476 = arith.xori %eq3A_474, %eq3A_475 : vector<1000x128xi1>
    %min3A_477 = arith.minimumf %select_n3A_454, %select_n3A_465 : vector<1000x128xf32>
    %max3A_478 = arith.maximumf %select_n3A_454, %select_n3A_465 : vector<1000x128xf32>
    %select_n3A_479 = arith.select %eq3A_476, %min3A_477, %max3A_478 : vector<1000x128xi1>, vector<1000x128xf32>
    %and3A_480 = arith.constant 2 : i32
    %and3A_481 = vector.broadcast %and3A_480 : i32 to vector<1000x128xi32>
    %and3A_482 = arith.andi %iota3A, %and3A_481 : vector<1000x128xi32>
    %ne3A_483 = arith.constant 0 : i32
    %ne3A_484 = vector.broadcast %ne3A_483 : i32 to vector<1000x128xi32>
    %ne3A_485 = arith.cmpi ne, %and3A_482, %ne3A_484 : vector<1000x128xi32>
    %roll3A_486 = arith.constant 2 : i32
    %roll3A_487 = tpu.dynamic_rotate %select_n3A_479 by %roll3A_486 dim 1 : vector<1000x128xf32>, i32 -> vector<1000x128xf32>
    %roll3A_488 = arith.constant 126 : i32
    %roll3A_489 = tpu.dynamic_rotate %select_n3A_479 by %roll3A_488 dim 1 : vector<1000x128xf32>, i32 -> vector<1000x128xf32>
    %select_n3A_490 = arith.select %ne3A_485, %roll3A_487, %roll3A_489 : vector<1000x128xi1>, vector<1000x128xf32>
    %not3A_491 = arith.constant dense<true> : vector<1000x128xi1>
    %not3A_492 = arith.xori %ne3A_485, %not3A_491 : vector<1000x128xi1>
    %and3A_493 = arith.constant 64 : i32
    %and3A_494 = vector.broadcast %and3A_493 : i32 to vector<1000x128xi32>
    %and3A_495 = arith.andi %iota3A, %and3A_494 : vector<1000x128xi32>
    %eq3A_496 = arith.constant 0 : i32
    %eq3A_497 = vector.broadcast %eq3A_496 : i32 to vector<1000x128xi32>
    %eq3A_498 = arith.cmpi eq, %and3A_495, %eq3A_497 : vector<1000x128xi32>
    %eq3A_499 = arith.xori %not3A_492, %eq3A_498 : vector<1000x128xi1>
    %eq3A_500 = arith.constant dense<true> : vector<1000x128xi1>
    %eq3A_501 = arith.xori %eq3A_499, %eq3A_500 : vector<1000x128xi1>
    %min3A_502 = arith.minimumf %select_n3A_479, %select_n3A_490 : vector<1000x128xf32>
    %max3A_503 = arith.maximumf %select_n3A_479, %select_n3A_490 : vector<1000x128xf32>
    %select_n3A_504 = arith.select %eq3A_501, %min3A_502, %max3A_503 : vector<1000x128xi1>, vector<1000x128xf32>
    %and3A_505 = arith.constant 1 : i32
    %and3A_506 = vector.broadcast %and3A_505 : i32 to vector<1000x128xi32>
    %and3A_507 = arith.andi %iota3A, %and3A_506 : vector<1000x128xi32>
    %ne3A_508 = arith.constant 0 : i32
    %ne3A_509 = vector.broadcast %ne3A_508 : i32 to vector<1000x128xi32>
    %ne3A_510 = arith.cmpi ne, %and3A_507, %ne3A_509 : vector<1000x128xi32>
    %roll3A_511 = arith.constant 1 : i32
    %roll3A_512 = tpu.dynamic_rotate %select_n3A_504 by %roll3A_511 dim 1 : vector<1000x128xf32>, i32 -> vector<1000x128xf32>
    %roll3A_513 = arith.constant 127 : i32
    %roll3A_514 = tpu.dynamic_rotate %select_n3A_504 by %roll3A_513 dim 1 : vector<1000x128xf32>, i32 -> vector<1000x128xf32>
    %select_n3A_515 = arith.select %ne3A_510, %roll3A_512, %roll3A_514 : vector<1000x128xi1>, vector<1000x128xf32>
    %not3A_516 = arith.constant dense<true> : vector<1000x128xi1>
    %not3A_517 = arith.xori %ne3A_510, %not3A_516 : vector<1000x128xi1>
    %and3A_518 = arith.constant 64 : i32
    %and3A_519 = vector.broadcast %and3A_518 : i32 to vector<1000x128xi32>
    %and3A_520 = arith.andi %iota3A, %and3A_519 : vector<1000x128xi32>
    %eq3A_521 = arith.constant 0 : i32
    %eq3A_522 = vector.broadcast %eq3A_521 : i32 to vector<1000x128xi32>
    %eq3A_523 = arith.cmpi eq, %and3A_520, %eq3A_522 : vector<1000x128xi32>
    %eq3A_524 = arith.xori %not3A_517, %eq3A_523 : vector<1000x128xi1>
    %eq3A_525 = arith.constant dense<true> : vector<1000x128xi1>
    %eq3A_526 = arith.xori %eq3A_524, %eq3A_525 : vector<1000x128xi1>
    %min3A_527 = arith.minimumf %select_n3A_504, %select_n3A_515 : vector<1000x128xf32>
    %max3A_528 = arith.maximumf %select_n3A_504, %select_n3A_515 : vector<1000x128xf32>
    %select_n3A_529 = arith.select %eq3A_526, %min3A_527, %max3A_528 : vector<1000x128xi1>, vector<1000x128xf32>
    %and3A_530 = arith.constant 64 : i32
    %and3A_531 = vector.broadcast %and3A_530 : i32 to vector<1000x128xi32>
    %and3A_532 = arith.andi %iota3A, %and3A_531 : vector<1000x128xi32>
    %ne3A_533 = arith.constant 0 : i32
    %ne3A_534 = vector.broadcast %ne3A_533 : i32 to vector<1000x128xi32>
    %ne3A_535 = arith.cmpi ne, %and3A_532, %ne3A_534 : vector<1000x128xi32>
    %roll3A_536 = arith.constant 64 : i32
    %roll3A_537 = tpu.dynamic_rotate %select_n3A_529 by %roll3A_536 dim 1 : vector<1000x128xf32>, i32 -> vector<1000x128xf32>
    %roll3A_538 = arith.constant 64 : i32
    %roll3A_539 = tpu.dynamic_rotate %select_n3A_529 by %roll3A_538 dim 1 : vector<1000x128xf32>, i32 -> vector<1000x128xf32>
    %select_n3A_540 = arith.select %ne3A_535, %roll3A_537, %roll3A_539 : vector<1000x128xi1>, vector<1000x128xf32>
    %not3A_541 = arith.constant dense<true> : vector<1000x128xi1>
    %not3A_542 = arith.xori %ne3A_535, %not3A_541 : vector<1000x128xi1>
    %and3A_543 = arith.constant 128 : i32
    %and3A_544 = vector.broadcast %and3A_543 : i32 to vector<1000x128xi32>
    %and3A_545 = arith.andi %iota3A, %and3A_544 : vector<1000x128xi32>
    %eq3A_546 = arith.constant 0 : i32
    %eq3A_547 = vector.broadcast %eq3A_546 : i32 to vector<1000x128xi32>
    %eq3A_548 = arith.cmpi eq, %and3A_545, %eq3A_547 : vector<1000x128xi32>
    %eq3A_549 = arith.xori %not3A_542, %eq3A_548 : vector<1000x128xi1>
    %eq3A_550 = arith.constant dense<true> : vector<1000x128xi1>
    %eq3A_551 = arith.xori %eq3A_549, %eq3A_550 : vector<1000x128xi1>
    %min3A_552 = arith.minimumf %select_n3A_529, %select_n3A_540 : vector<1000x128xf32>
    %max3A_553 = arith.maximumf %select_n3A_529, %select_n3A_540 : vector<1000x128xf32>
    %select_n3A_554 = arith.select %eq3A_551, %min3A_552, %max3A_553 : vector<1000x128xi1>, vector<1000x128xf32>
    %and3A_555 = arith.constant 32 : i32
    %and3A_556 = vector.broadcast %and3A_555 : i32 to vector<1000x128xi32>
    %and3A_557 = arith.andi %iota3A, %and3A_556 : vector<1000x128xi32>
    %ne3A_558 = arith.constant 0 : i32
    %ne3A_559 = vector.broadcast %ne3A_558 : i32 to vector<1000x128xi32>
    %ne3A_560 = arith.cmpi ne, %and3A_557, %ne3A_559 : vector<1000x128xi32>
    %roll3A_561 = arith.constant 32 : i32
    %roll3A_562 = tpu.dynamic_rotate %select_n3A_554 by %roll3A_561 dim 1 : vector<1000x128xf32>, i32 -> vector<1000x128xf32>
    %roll3A_563 = arith.constant 96 : i32
    %roll3A_564 = tpu.dynamic_rotate %select_n3A_554 by %roll3A_563 dim 1 : vector<1000x128xf32>, i32 -> vector<1000x128xf32>
    %select_n3A_565 = arith.select %ne3A_560, %roll3A_562, %roll3A_564 : vector<1000x128xi1>, vector<1000x128xf32>
    %not3A_566 = arith.constant dense<true> : vector<1000x128xi1>
    %not3A_567 = arith.xori %ne3A_560, %not3A_566 : vector<1000x128xi1>
    %and3A_568 = arith.constant 128 : i32
    %and3A_569 = vector.broadcast %and3A_568 : i32 to vector<1000x128xi32>
    %and3A_570 = arith.andi %iota3A, %and3A_569 : vector<1000x128xi32>
    %eq3A_571 = arith.constant 0 : i32
    %eq3A_572 = vector.broadcast %eq3A_571 : i32 to vector<1000x128xi32>
    %eq3A_573 = arith.cmpi eq, %and3A_570, %eq3A_572 : vector<1000x128xi32>
    %eq3A_574 = arith.xori %not3A_567, %eq3A_573 : vector<1000x128xi1>
    %eq3A_575 = arith.constant dense<true> : vector<1000x128xi1>
    %eq3A_576 = arith.xori %eq3A_574, %eq3A_575 : vector<1000x128xi1>
    %min3A_577 = arith.minimumf %select_n3A_554, %select_n3A_565 : vector<1000x128xf32>
    %max3A_578 = arith.maximumf %select_n3A_554, %select_n3A_565 : vector<1000x128xf32>
    %select_n3A_579 = arith.select %eq3A_576, %min3A_577, %max3A_578 : vector<1000x128xi1>, vector<1000x128xf32>
    %and3A_580 = arith.constant 16 : i32
    %and3A_581 = vector.broadcast %and3A_580 : i32 to vector<1000x128xi32>
    %and3A_582 = arith.andi %iota3A, %and3A_581 : vector<1000x128xi32>
    %ne3A_583 = arith.constant 0 : i32
    %ne3A_584 = vector.broadcast %ne3A_583 : i32 to vector<1000x128xi32>
    %ne3A_585 = arith.cmpi ne, %and3A_582, %ne3A_584 : vector<1000x128xi32>
    %roll3A_586 = arith.constant 16 : i32
    %roll3A_587 = tpu.dynamic_rotate %select_n3A_579 by %roll3A_586 dim 1 : vector<1000x128xf32>, i32 -> vector<1000x128xf32>
    %roll3A_588 = arith.constant 112 : i32
    %roll3A_589 = tpu.dynamic_rotate %select_n3A_579 by %roll3A_588 dim 1 : vector<1000x128xf32>, i32 -> vector<1000x128xf32>
    %select_n3A_590 = arith.select %ne3A_585, %roll3A_587, %roll3A_589 : vector<1000x128xi1>, vector<1000x128xf32>
    %not3A_591 = arith.constant dense<true> : vector<1000x128xi1>
    %not3A_592 = arith.xori %ne3A_585, %not3A_591 : vector<1000x128xi1>
    %and3A_593 = arith.constant 128 : i32
    %and3A_594 = vector.broadcast %and3A_593 : i32 to vector<1000x128xi32>
    %and3A_595 = arith.andi %iota3A, %and3A_594 : vector<1000x128xi32>
    %eq3A_596 = arith.constant 0 : i32
    %eq3A_597 = vector.broadcast %eq3A_596 : i32 to vector<1000x128xi32>
    %eq3A_598 = arith.cmpi eq, %and3A_595, %eq3A_597 : vector<1000x128xi32>
    %eq3A_599 = arith.xori %not3A_592, %eq3A_598 : vector<1000x128xi1>
    %eq3A_600 = arith.constant dense<true> : vector<1000x128xi1>
    %eq3A_601 = arith.xori %eq3A_599, %eq3A_600 : vector<1000x128xi1>
    %min3A_602 = arith.minimumf %select_n3A_579, %select_n3A_590 : vector<1000x128xf32>
    %max3A_603 = arith.maximumf %select_n3A_579, %select_n3A_590 : vector<1000x128xf32>
    %select_n3A_604 = arith.select %eq3A_601, %min3A_602, %max3A_603 : vector<1000x128xi1>, vector<1000x128xf32>
    %and3A_605 = arith.constant 8 : i32
    %and3A_606 = vector.broadcast %and3A_605 : i32 to vector<1000x128xi32>
    %and3A_607 = arith.andi %iota3A, %and3A_606 : vector<1000x128xi32>
    %ne3A_608 = arith.constant 0 : i32
    %ne3A_609 = vector.broadcast %ne3A_608 : i32 to vector<1000x128xi32>
    %ne3A_610 = arith.cmpi ne, %and3A_607, %ne3A_609 : vector<1000x128xi32>
    %roll3A_611 = arith.constant 8 : i32
    %roll3A_612 = tpu.dynamic_rotate %select_n3A_604 by %roll3A_611 dim 1 : vector<1000x128xf32>, i32 -> vector<1000x128xf32>
    %roll3A_613 = arith.constant 120 : i32
    %roll3A_614 = tpu.dynamic_rotate %select_n3A_604 by %roll3A_613 dim 1 : vector<1000x128xf32>, i32 -> vector<1000x128xf32>
    %select_n3A_615 = arith.select %ne3A_610, %roll3A_612, %roll3A_614 : vector<1000x128xi1>, vector<1000x128xf32>
    %not3A_616 = arith.constant dense<true> : vector<1000x128xi1>
    %not3A_617 = arith.xori %ne3A_610, %not3A_616 : vector<1000x128xi1>
    %and3A_618 = arith.constant 128 : i32
    %and3A_619 = vector.broadcast %and3A_618 : i32 to vector<1000x128xi32>
    %and3A_620 = arith.andi %iota3A, %and3A_619 : vector<1000x128xi32>
    %eq3A_621 = arith.constant 0 : i32
    %eq3A_622 = vector.broadcast %eq3A_621 : i32 to vector<1000x128xi32>
    %eq3A_623 = arith.cmpi eq, %and3A_620, %eq3A_622 : vector<1000x128xi32>
    %eq3A_624 = arith.xori %not3A_617, %eq3A_623 : vector<1000x128xi1>
    %eq3A_625 = arith.constant dense<true> : vector<1000x128xi1>
    %eq3A_626 = arith.xori %eq3A_624, %eq3A_625 : vector<1000x128xi1>
    %min3A_627 = arith.minimumf %select_n3A_604, %select_n3A_615 : vector<1000x128xf32>
    %max3A_628 = arith.maximumf %select_n3A_604, %select_n3A_615 : vector<1000x128xf32>
    %select_n3A_629 = arith.select %eq3A_626, %min3A_627, %max3A_628 : vector<1000x128xi1>, vector<1000x128xf32>
    %and3A_630 = arith.constant 4 : i32
    %and3A_631 = vector.broadcast %and3A_630 : i32 to vector<1000x128xi32>
    %and3A_632 = arith.andi %iota3A, %and3A_631 : vector<1000x128xi32>
    %ne3A_633 = arith.constant 0 : i32
    %ne3A_634 = vector.broadcast %ne3A_633 : i32 to vector<1000x128xi32>
    %ne3A_635 = arith.cmpi ne, %and3A_632, %ne3A_634 : vector<1000x128xi32>
    %roll3A_636 = arith.constant 4 : i32
    %roll3A_637 = tpu.dynamic_rotate %select_n3A_629 by %roll3A_636 dim 1 : vector<1000x128xf32>, i32 -> vector<1000x128xf32>
    %roll3A_638 = arith.constant 124 : i32
    %roll3A_639 = tpu.dynamic_rotate %select_n3A_629 by %roll3A_638 dim 1 : vector<1000x128xf32>, i32 -> vector<1000x128xf32>
    %select_n3A_640 = arith.select %ne3A_635, %roll3A_637, %roll3A_639 : vector<1000x128xi1>, vector<1000x128xf32>
    %not3A_641 = arith.constant dense<true> : vector<1000x128xi1>
    %not3A_642 = arith.xori %ne3A_635, %not3A_641 : vector<1000x128xi1>
    %and3A_643 = arith.constant 128 : i32
    %and3A_644 = vector.broadcast %and3A_643 : i32 to vector<1000x128xi32>
    %and3A_645 = arith.andi %iota3A, %and3A_644 : vector<1000x128xi32>
    %eq3A_646 = arith.constant 0 : i32
    %eq3A_647 = vector.broadcast %eq3A_646 : i32 to vector<1000x128xi32>
    %eq3A_648 = arith.cmpi eq, %and3A_645, %eq3A_647 : vector<1000x128xi32>
    %eq3A_649 = arith.xori %not3A_642, %eq3A_648 : vector<1000x128xi1>
    %eq3A_650 = arith.constant dense<true> : vector<1000x128xi1>
    %eq3A_651 = arith.xori %eq3A_649, %eq3A_650 : vector<1000x128xi1>
    %min3A_652 = arith.minimumf %select_n3A_629, %select_n3A_640 : vector<1000x128xf32>
    %max3A_653 = arith.maximumf %select_n3A_629, %select_n3A_640 : vector<1000x128xf32>
    %select_n3A_654 = arith.select %eq3A_651, %min3A_652, %max3A_653 : vector<1000x128xi1>, vector<1000x128xf32>
    %and3A_655 = arith.constant 2 : i32
    %and3A_656 = vector.broadcast %and3A_655 : i32 to vector<1000x128xi32>
    %and3A_657 = arith.andi %iota3A, %and3A_656 : vector<1000x128xi32>
    %ne3A_658 = arith.constant 0 : i32
    %ne3A_659 = vector.broadcast %ne3A_658 : i32 to vector<1000x128xi32>
    %ne3A_660 = arith.cmpi ne, %and3A_657, %ne3A_659 : vector<1000x128xi32>
    %roll3A_661 = arith.constant 2 : i32
    %roll3A_662 = tpu.dynamic_rotate %select_n3A_654 by %roll3A_661 dim 1 : vector<1000x128xf32>, i32 -> vector<1000x128xf32>
    %roll3A_663 = arith.constant 126 : i32
    %roll3A_664 = tpu.dynamic_rotate %select_n3A_654 by %roll3A_663 dim 1 : vector<1000x128xf32>, i32 -> vector<1000x128xf32>
    %select_n3A_665 = arith.select %ne3A_660, %roll3A_662, %roll3A_664 : vector<1000x128xi1>, vector<1000x128xf32>
    %not3A_666 = arith.constant dense<true> : vector<1000x128xi1>
    %not3A_667 = arith.xori %ne3A_660, %not3A_666 : vector<1000x128xi1>
    %and3A_668 = arith.constant 128 : i32
    %and3A_669 = vector.broadcast %and3A_668 : i32 to vector<1000x128xi32>
    %and3A_670 = arith.andi %iota3A, %and3A_669 : vector<1000x128xi32>
    %eq3A_671 = arith.constant 0 : i32
    %eq3A_672 = vector.broadcast %eq3A_671 : i32 to vector<1000x128xi32>
    %eq3A_673 = arith.cmpi eq, %and3A_670, %eq3A_672 : vector<1000x128xi32>
    %eq3A_674 = arith.xori %not3A_667, %eq3A_673 : vector<1000x128xi1>
    %eq3A_675 = arith.constant dense<true> : vector<1000x128xi1>
    %eq3A_676 = arith.xori %eq3A_674, %eq3A_675 : vector<1000x128xi1>
    %min3A_677 = arith.minimumf %select_n3A_654, %select_n3A_665 : vector<1000x128xf32>
    %max3A_678 = arith.maximumf %select_n3A_654, %select_n3A_665 : vector<1000x128xf32>
    %select_n3A_679 = arith.select %eq3A_676, %min3A_677, %max3A_678 : vector<1000x128xi1>, vector<1000x128xf32>
    %and3A_680 = arith.constant 1 : i32
    %and3A_681 = vector.broadcast %and3A_680 : i32 to vector<1000x128xi32>
    %and3A_682 = arith.andi %iota3A, %and3A_681 : vector<1000x128xi32>
    %ne3A_683 = arith.constant 0 : i32
    %ne3A_684 = vector.broadcast %ne3A_683 : i32 to vector<1000x128xi32>
    %ne3A_685 = arith.cmpi ne, %and3A_682, %ne3A_684 : vector<1000x128xi32>
    %roll3A_686 = arith.constant 1 : i32
    %roll3A_687 = tpu.dynamic_rotate %select_n3A_679 by %roll3A_686 dim 1 : vector<1000x128xf32>, i32 -> vector<1000x128xf32>
    %roll3A_688 = arith.constant 127 : i32
    %roll3A_689 = tpu.dynamic_rotate %select_n3A_679 by %roll3A_688 dim 1 : vector<1000x128xf32>, i32 -> vector<1000x128xf32>
    %select_n3A_690 = arith.select %ne3A_685, %roll3A_687, %roll3A_689 : vector<1000x128xi1>, vector<1000x128xf32>
    %not3A_691 = arith.constant dense<true> : vector<1000x128xi1>
    %not3A_692 = arith.xori %ne3A_685, %not3A_691 : vector<1000x128xi1>
    %and3A_693 = arith.constant 128 : i32
    %and3A_694 = vector.broadcast %and3A_693 : i32 to vector<1000x128xi32>
    %and3A_695 = arith.andi %iota3A, %and3A_694 : vector<1000x128xi32>
    %eq3A_696 = arith.constant 0 : i32
    %eq3A_697 = vector.broadcast %eq3A_696 : i32 to vector<1000x128xi32>
    %eq3A_698 = arith.cmpi eq, %and3A_695, %eq3A_697 : vector<1000x128xi32>
    %eq3A_699 = arith.xori %not3A_692, %eq3A_698 : vector<1000x128xi1>
    %eq3A_700 = arith.constant dense<true> : vector<1000x128xi1>
    %eq3A_701 = arith.xori %eq3A_699, %eq3A_700 : vector<1000x128xi1>
    %min3A_702 = arith.minimumf %select_n3A_679, %select_n3A_690 : vector<1000x128xf32>
    %max3A_703 = arith.maximumf %select_n3A_679, %select_n3A_690 : vector<1000x128xf32>
    %select_n3A_704 = arith.select %eq3A_701, %min3A_702, %max3A_703 : vector<1000x128xi1>, vector<1000x128xf32>
    %get3A_705 = arith.constant 0 : index
    %get3A_706 = arith.constant 0 : index
    %get3A_707 = vector.load %arg1[%get3A_705, %get3A_706] : memref<1000x128xf32, #tpu.memory_space<vmem>>, vector<1000x128xf32>
    %get3A_708 = arith.constant 0 : index
    %get3A_709 = arith.constant 0 : index
    %get3A_710 = vector.load %arg4[%get3A_708, %get3A_709] : memref<128x128xf32, #tpu.memory_space<vmem>>, vector<128x128xf32>
    %dot_general3A_711 = arith.constant dense<0.000000e+00> : vector<1000x128xf32>
    %dot_general3A_712 = tpu.matmul %get3A_707, %get3A_710, %dot_general3A_711 {dimension_numbers = #tpu.dot_dimension_numbers<[1], [0], [0], [1], [0, 0, 1, 1], [], []>, precision = #tpu.contract_precision<fp32>, transpose_lhs_hint = false} : vector<1000x128xf32>, vector<128x128xf32>, vector<1000x128xf32> -> vector<1000x128xf32>
    %add3A_713 = arith.addf %select_n3A_704, %dot_general3A_712 : vector<1000x128xf32>
    %reduce_sum3A = arith.constant dense<0.000000e+00> : vector<1000xf32>
    %reduce_sum3A_714 = vector.multi_reduction <add>, %add3A_713, %reduce_sum3A [1] : vector<1000x128xf32> to vector<1000xf32>
    %broadcast_in_dim3A = vector.shape_cast %reduce_sum3A_714 : vector<1000xf32> to vector<1000x1xf32>
    %div3A = arith.constant 1.280000e+02 : f32
    %div3A_715 = vector.broadcast %div3A : f32 to vector<1000x1xf32>
    %div3A_716 = arith.divf %broadcast_in_dim3A, %div3A_715 : vector<1000x1xf32>
    %sub3A = vector.broadcast %div3A_716 : vector<1000x1xf32> to vector<1000x128xf32>
    %sub3A_717 = arith.subf %add3A_713, %sub3A : vector<1000x128xf32>
    %mul3A = arith.mulf %sub3A_717, %sub3A_717 : vector<1000x128xf32>
    %reduce_sum3A_718 = arith.constant dense<0.000000e+00> : vector<1000xf32>
    %reduce_sum3A_719 = vector.multi_reduction <add>, %mul3A, %reduce_sum3A_718 [1] : vector<1000x128xf32> to vector<1000xf32>
    %broadcast_in_dim3A_720 = vector.shape_cast %reduce_sum3A_719 : vector<1000xf32> to vector<1000x1xf32>
    %div3A_721 = arith.constant 1.280000e+02 : f32
    %div3A_722 = vector.broadcast %div3A_721 : f32 to vector<1000x1xf32>
    %div3A_723 = arith.divf %broadcast_in_dim3A_720, %div3A_722 : vector<1000x1xf32>
    %add3A_724 = arith.constant 9.99999974E-6 : f32
    %add3A_725 = vector.broadcast %add3A_724 : f32 to vector<1000x1xf32>
    %add3A_726 = arith.addf %div3A_723, %add3A_725 : vector<1000x1xf32>
    %rsqrt3A = math.rsqrt %add3A_726 : vector<1000x1xf32>
    %mul3A_727 = vector.broadcast %rsqrt3A : vector<1000x1xf32> to vector<1000x128xf32>
    %mul3A_728 = arith.mulf %sub3A_717, %mul3A_727 : vector<1000x128xf32>
    %get3A_729 = arith.constant 0 : index
    %get3A_730 = arith.constant 0 : index
    %get3A_731 = vector.load %arg5[%get3A_729, %get3A_730] : memref<1x128xf32, #tpu.memory_space<vmem>>, vector<1x128xf32>
    %mul3A_732 = vector.broadcast %get3A_731 : vector<1x128xf32> to vector<1000x128xf32>
    %mul3A_733 = arith.mulf %mul3A_728, %mul3A_732 : vector<1000x128xf32>
    %get3A_734 = arith.constant 0 : index
    %get3A_735 = arith.constant 0 : index
    %get3A_736 = vector.load %arg6[%get3A_734, %get3A_735] : memref<1x128xf32, #tpu.memory_space<vmem>>, vector<1x128xf32>
    %add3A_737 = vector.broadcast %get3A_736 : vector<1x128xf32> to vector<1000x128xf32>
    %add3A_738 = arith.addf %mul3A_733, %add3A_737 : vector<1000x128xf32>
    %swap3A = arith.constant 0 : index
    %swap3A_739 = arith.constant 0 : index
    %swap3A_740 = vector.load %arg10[%swap3A, %swap3A_739] : memref<1000x128xf32, #tpu.memory_space<vmem>>, vector<1000x128xf32>
    tpu.vector_store %arg10[%swap3A, %swap3A_739], %add3A_738 {strides = array<i32>} : memref<1000x128xf32, #tpu.memory_space<vmem>>, vector<1000x128xf32>,
    %swap3A_741 = arith.constant 0 : index
    %swap3A_742 = arith.constant 0 : index
    %swap3A_743 = vector.load %arg9[%swap3A_741, %swap3A_742] : memref<1000x128xf32, #tpu.memory_space<vmem>>, vector<1000x128xf32>
    tpu.vector_store %arg9[%swap3A_741, %swap3A_742], %add3A_738 {strides = array<i32>} : memref<1000x128xf32, #tpu.memory_space<vmem>>, vector<1000x128xf32>,
    return
  }
  func.func @transform_0(%arg0: i32) -> (i32, i32) {
    %c0_i32 = arith.constant 0 : i32
    %c0_i32_0 = arith.constant 0 : i32
    return %arg0, %c0_i32 : i32, i32
  }
  func.func @transform_1(%arg0: i32) -> (i32, i32, i32) {
    %c0_i32 = arith.constant 0 : i32
    %c0_i32_0 = arith.constant 0 : i32
    %c0_i32_1 = arith.constant 0 : i32
    return %c0_i32, %arg0, %c0_i32_0 : i32, i32, i32
  }
  func.func @transform_2(%arg0: i32) -> (i32, i32) {
    %c0_i32 = arith.constant 0 : i32
    %c0_i32_0 = arith.constant 0 : i32
    %c0_i32_1 = arith.constant 0 : i32
    return %c0_i32, %c0_i32_0 : i32, i32
  }
  func.func @transform_3(%arg0: i32) -> (i32, i32) {
    %c0_i32 = arith.constant 0 : i32
    %c0_i32_0 = arith.constant 0 : i32
    %c0_i32_1 = arith.constant 0 : i32
    return %c0_i32, %c0_i32_0 : i32, i32
  }
  func.func @transform_4(%arg0: i32) -> (i32, i32) {
    %c0_i32 = arith.constant 0 : i32
    %c0_i32_0 = arith.constant 0 : i32
    %c0_i32_1 = arith.constant 0 : i32
    return %c0_i32, %c0_i32_0 : i32, i32
  }
  func.func @transform_5(%arg0: i32) -> (i32, i32) {
    %c0_i32 = arith.constant 0 : i32
    %c0_i32_0 = arith.constant 0 : i32
    %c0_i32_1 = arith.constant 0 : i32
    return %c0_i32, %c0_i32_0 : i32, i32
  }
  func.func @transform_6(%arg0: i32) -> (i32, i32) {
    %c0_i32 = arith.constant 0 : i32
    %c0_i32_0 = arith.constant 0 : i32
    %c0_i32_1 = arith.constant 0 : i32
    return %c0_i32, %c0_i32_0 : i32, i32
  }
  func.func @transform_7(%arg0: i32) -> (i32, i32) {
    %c0_i32 = arith.constant 0 : i32
    %c0_i32_0 = arith.constant 0 : i32
    %c0_i32_1 = arith.constant 0 : i32
    return %c0_i32, %c0_i32_0 : i32, i32
  }
  func.func @transform_8(%arg0: i32) -> (i32, i32) {
    %c0_i32 = arith.constant 0 : i32
    %c0_i32_0 = arith.constant 0 : i32
    return %arg0, %c0_i32 : i32, i32
  }
  func.func @transform_9(%arg0: i32) -> (i32, i32) {
    %c0_i32 = arith.constant 0 : i32
    %c0_i32_0 = arith.constant 0 : i32
    return %arg0, %c0_i32 : i32, i32
  }
}

module attributes {stable_mosaic.version = 14 : i64} {
  func.func @_tc_layer_body(%arg0: i32, %arg1: memref<1000x128xf32, #tpu.memory_space<vmem>>, %arg2: memref<2x1000x128xf32, #tpu.memory_space<vmem>>, %arg3: memref<128x128xf32, #tpu.memory_space<vmem>>, %arg4: memref<128x128xf32, #tpu.memory_space<vmem>>, %arg5: memref<1x128xf32, #tpu.memory_space<vmem>>, %arg6: memref<1x128xf32, #tpu.memory_space<vmem>>, %arg7: memref<128x128xf32, #tpu.memory_space<vmem>>, %arg8: memref<1x128xf32, #tpu.memory_space<vmem>>, %arg9: memref<1000x128xf32, #tpu.memory_space<vmem>>, %arg10: memref<1000x128xf32, #tpu.memory_space<vmem>>) attributes {dimension_semantics = [#tpu.dimension_semantics<arbitrary>], iteration_bounds = array<i64: 10>, scalar_prefetch = 0 : i64, scratch_operands = 0 : i64, tpu.core_type = #tpu.core_type<tc>, window_params = [{transform_indices = @transform_0, window_bounds = array<i64: 1000, 128>}, {transform_indices = @transform_1, window_bounds = array<i64: 2, 1000, 128>}, {pipeline_mode = #tpu.pipeline_mode<synchronous>, transform_indices = @transform_2, window_bounds = array<i64: 128, 128>}, {pipeline_mode = #tpu.pipeline_mode<synchronous>, transform_indices = @transform_3, window_bounds = array<i64: 128, 128>}, {pipeline_mode = #tpu.pipeline_mode<synchronous>, transform_indices = @transform_4, window_bounds = array<i64: 1, 128>}, {pipeline_mode = #tpu.pipeline_mode<synchronous>, transform_indices = @transform_5, window_bounds = array<i64: 1, 128>}, {pipeline_mode = #tpu.pipeline_mode<synchronous>, transform_indices = @transform_6, window_bounds = array<i64: 128, 128>}, {pipeline_mode = #tpu.pipeline_mode<synchronous>, transform_indices = @transform_7, window_bounds = array<i64: 1, 128>}, {transform_indices = @transform_8, window_bounds = array<i64: 1000, 128>}, {transform_indices = @transform_9, window_bounds = array<i64: 1000, 128>}]} {
    %get3A = arith.constant 0 : index
    %get3A_0 = arith.constant 0 : index
    %get3A_1 = arith.constant 0 : index
    %get3A_2 = vector.load %arg2[%get3A, %get3A_0, %get3A_1] : memref<2x1000x128xf32, #tpu.memory_space<vmem>>, vector<1x1000x128xf32>
    %get3A_3 = vector.shape_cast %get3A_2 : vector<1x1000x128xf32> to vector<1000x128xf32>
    %get3A_4 = arith.constant 1 : index
    %get3A_5 = arith.constant 0 : index
    %get3A_6 = arith.constant 0 : index
    %get3A_7 = vector.load %arg2[%get3A_4, %get3A_5, %get3A_6] : memref<2x1000x128xf32, #tpu.memory_space<vmem>>, vector<1x1000x128xf32>
    %get3A_8 = vector.shape_cast %get3A_7 : vector<1x1000x128xf32> to vector<1000x128xf32>
    %add3A = arith.addf %get3A_3, %get3A_8 : vector<1000x128xf32>
    %get3A_9 = arith.constant 0 : index
    %get3A_10 = arith.constant 0 : index
    %get3A_11 = vector.load %arg3[%get3A_9, %get3A_10] : memref<128x128xf32, #tpu.memory_space<vmem>>, vector<128x128xf32>
    %dot_general3A = arith.constant dense<0.000000e+00> : vector<1000x128xf32>
    %dot_general3A_12 = tpu.matmul %add3A, %get3A_11, %dot_general3A {dimension_numbers = #tpu.dot_dimension_numbers<[1], [0], [0], [1], [0, 0, 1, 1], [], []>, precision = #tpu.contract_precision<fp32>, transpose_lhs_hint = false} : vector<1000x128xf32>, vector<128x128xf32>, vector<1000x128xf32> -> vector<1000x128xf32>
    %iota3A = tpu.iota {dimensions = array<i32: 1>} : vector<1000x128xi32>
    %and3A = arith.constant 1 : i32
    %and3A_13 = vector.broadcast %and3A : i32 to vector<1000x128xi32>
    %and3A_14 = arith.andi %iota3A, %and3A_13 : vector<1000x128xi32>
    %ne3A = arith.constant 0 : i32
    %ne3A_15 = vector.broadcast %ne3A : i32 to vector<1000x128xi32>
    %ne3A_16 = arith.cmpi ne, %and3A_14, %ne3A_15 : vector<1000x128xi32>
    %roll3A = arith.constant 1 : i32
    %roll3A_17 = tpu.dynamic_rotate %dot_general3A_12 by %roll3A dim 1 : vector<1000x128xf32>, i32 -> vector<1000x128xf32>
    %roll3A_18 = arith.constant 127 : i32
    %roll3A_19 = tpu.dynamic_rotate %dot_general3A_12 by %roll3A_18 dim 1 : vector<1000x128xf32>, i32 -> vector<1000x128xf32>
    %select_n3A = arith.select %ne3A_16, %roll3A_17, %roll3A_19 : vector<1000x128xi1>, vector<1000x128xf32>
    %not3A = arith.constant dense<true> : vector<1000x128xi1>
    %not3A_20 = arith.xori %ne3A_16, %not3A : vector<1000x128xi1>
    %and3A_21 = arith.constant 2 : i32
    %and3A_22 = vector.broadcast %and3A_21 : i32 to vector<1000x128xi32>
    %and3A_23 = arith.andi %iota3A, %and3A_22 : vector<1000x128xi32>
    %eq3A = arith.constant 0 : i32
    %eq3A_24 = vector.broadcast %eq3A : i32 to vector<1000x128xi32>
    %eq3A_25 = arith.cmpi eq, %and3A_23, %eq3A_24 : vector<1000x128xi32>
    %eq3A_26 = arith.xori %not3A_20, %eq3A_25 : vector<1000x128xi1>
    %eq3A_27 = arith.constant dense<true> : vector<1000x128xi1>
    %eq3A_28 = arith.xori %eq3A_26, %eq3A_27 : vector<1000x128xi1>
    %min3A = arith.minimumf %dot_general3A_12, %select_n3A : vector<1000x128xf32>
    %max3A = arith.maximumf %dot_general3A_12, %select_n3A : vector<1000x128xf32>
    %select_n3A_29 = arith.select %eq3A_28, %min3A, %max3A : vector<1000x128xi1>, vector<1000x128xf32>
    %and3A_30 = arith.constant 2 : i32
    %and3A_31 = vector.broadcast %and3A_30 : i32 to vector<1000x128xi32>
    %and3A_32 = arith.andi %iota3A, %and3A_31 : vector<1000x128xi32>
    %ne3A_33 = arith.constant 0 : i32
    %ne3A_34 = vector.broadcast %ne3A_33 : i32 to vector<1000x128xi32>
    %ne3A_35 = arith.cmpi ne, %and3A_32, %ne3A_34 : vector<1000x128xi32>
    %roll3A_36 = arith.constant 2 : i32
    %roll3A_37 = tpu.dynamic_rotate %select_n3A_29 by %roll3A_36 dim 1 : vector<1000x128xf32>, i32 -> vector<1000x128xf32>
    %roll3A_38 = arith.constant 126 : i32
    %roll3A_39 = tpu.dynamic_rotate %select_n3A_29 by %roll3A_38 dim 1 : vector<1000x128xf32>, i32 -> vector<1000x128xf32>
    %select_n3A_40 = arith.select %ne3A_35, %roll3A_37, %roll3A_39 : vector<1000x128xi1>, vector<1000x128xf32>
    %not3A_41 = arith.constant dense<true> : vector<1000x128xi1>
    %not3A_42 = arith.xori %ne3A_35, %not3A_41 : vector<1000x128xi1>
    %and3A_43 = arith.constant 4 : i32
    %and3A_44 = vector.broadcast %and3A_43 : i32 to vector<1000x128xi32>
    %and3A_45 = arith.andi %iota3A, %and3A_44 : vector<1000x128xi32>
    %eq3A_46 = arith.constant 0 : i32
    %eq3A_47 = vector.broadcast %eq3A_46 : i32 to vector<1000x128xi32>
    %eq3A_48 = arith.cmpi eq, %and3A_45, %eq3A_47 : vector<1000x128xi32>
    %eq3A_49 = arith.xori %not3A_42, %eq3A_48 : vector<1000x128xi1>
    %eq3A_50 = arith.constant dense<true> : vector<1000x128xi1>
    %eq3A_51 = arith.xori %eq3A_49, %eq3A_50 : vector<1000x128xi1>
    %min3A_52 = arith.minimumf %select_n3A_29, %select_n3A_40 : vector<1000x128xf32>
    %max3A_53 = arith.maximumf %select_n3A_29, %select_n3A_40 : vector<1000x128xf32>
    %select_n3A_54 = arith.select %eq3A_51, %min3A_52, %max3A_53 : vector<1000x128xi1>, vector<1000x128xf32>
    %and3A_55 = arith.constant 1 : i32
    %and3A_56 = vector.broadcast %and3A_55 : i32 to vector<1000x128xi32>
    %and3A_57 = arith.andi %iota3A, %and3A_56 : vector<1000x128xi32>
    %ne3A_58 = arith.constant 0 : i32
    %ne3A_59 = vector.broadcast %ne3A_58 : i32 to vector<1000x128xi32>
    %ne3A_60 = arith.cmpi ne, %and3A_57, %ne3A_59 : vector<1000x128xi32>
    %roll3A_61 = arith.constant 1 : i32
    %roll3A_62 = tpu.dynamic_rotate %select_n3A_54 by %roll3A_61 dim 1 : vector<1000x128xf32>, i32 -> vector<1000x128xf32>
    %roll3A_63 = arith.constant 127 : i32
    %roll3A_64 = tpu.dynamic_rotate %select_n3A_54 by %roll3A_63 dim 1 : vector<1000x128xf32>, i32 -> vector<1000x128xf32>
    %select_n3A_65 = arith.select %ne3A_60, %roll3A_62, %roll3A_64 : vector<1000x128xi1>, vector<1000x128xf32>
    %not3A_66 = arith.constant dense<true> : vector<1000x128xi1>
    %not3A_67 = arith.xori %ne3A_60, %not3A_66 : vector<1000x128xi1>
    %and3A_68 = arith.constant 4 : i32
    %and3A_69 = vector.broadcast %and3A_68 : i32 to vector<1000x128xi32>
    %and3A_70 = arith.andi %iota3A, %and3A_69 : vector<1000x128xi32>
    %eq3A_71 = arith.constant 0 : i32
    %eq3A_72 = vector.broadcast %eq3A_71 : i32 to vector<1000x128xi32>
    %eq3A_73 = arith.cmpi eq, %and3A_70, %eq3A_72 : vector<1000x128xi32>
    %eq3A_74 = arith.xori %not3A_67, %eq3A_73 : vector<1000x128xi1>
    %eq3A_75 = arith.constant dense<true> : vector<1000x128xi1>
    %eq3A_76 = arith.xori %eq3A_74, %eq3A_75 : vector<1000x128xi1>
    %min3A_77 = arith.minimumf %select_n3A_54, %select_n3A_65 : vector<1000x128xf32>
    %max3A_78 = arith.maximumf %select_n3A_54, %select_n3A_65 : vector<1000x128xf32>
    %select_n3A_79 = arith.select %eq3A_76, %min3A_77, %max3A_78 : vector<1000x128xi1>, vector<1000x128xf32>
    %and3A_80 = arith.constant 4 : i32
    %and3A_81 = vector.broadcast %and3A_80 : i32 to vector<1000x128xi32>
    %and3A_82 = arith.andi %iota3A, %and3A_81 : vector<1000x128xi32>
    %ne3A_83 = arith.constant 0 : i32
    %ne3A_84 = vector.broadcast %ne3A_83 : i32 to vector<1000x128xi32>
    %ne3A_85 = arith.cmpi ne, %and3A_82, %ne3A_84 : vector<1000x128xi32>
    %roll3A_86 = arith.constant 4 : i32
    %roll3A_87 = tpu.dynamic_rotate %select_n3A_79 by %roll3A_86 dim 1 : vector<1000x128xf32>, i32 -> vector<1000x128xf32>
    %roll3A_88 = arith.constant 124 : i32
    %roll3A_89 = tpu.dynamic_rotate %select_n3A_79 by %roll3A_88 dim 1 : vector<1000x128xf32>, i32 -> vector<1000x128xf32>
    %select_n3A_90 = arith.select %ne3A_85, %roll3A_87, %roll3A_89 : vector<1000x128xi1>, vector<1000x128xf32>
    %not3A_91 = arith.constant dense<true> : vector<1000x128xi1>
    %not3A_92 = arith.xori %ne3A_85, %not3A_91 : vector<1000x128xi1>
    %and3A_93 = arith.constant 8 : i32
    %and3A_94 = vector.broadcast %and3A_93 : i32 to vector<1000x128xi32>
    %and3A_95 = arith.andi %iota3A, %and3A_94 : vector<1000x128xi32>
    %eq3A_96 = arith.constant 0 : i32
    %eq3A_97 = vector.broadcast %eq3A_96 : i32 to vector<1000x128xi32>
    %eq3A_98 = arith.cmpi eq, %and3A_95, %eq3A_97 : vector<1000x128xi32>
    %eq3A_99 = arith.xori %not3A_92, %eq3A_98 : vector<1000x128xi1>
    %eq3A_100 = arith.constant dense<true> : vector<1000x128xi1>
    %eq3A_101 = arith.xori %eq3A_99, %eq3A_100 : vector<1000x128xi1>
    %min3A_102 = arith.minimumf %select_n3A_79, %select_n3A_90 : vector<1000x128xf32>
    %max3A_103 = arith.maximumf %select_n3A_79, %select_n3A_90 : vector<1000x128xf32>
    %select_n3A_104 = arith.select %eq3A_101, %min3A_102, %max3A_103 : vector<1000x128xi1>, vector<1000x128xf32>
    %and3A_105 = arith.constant 2 : i32
    %and3A_106 = vector.broadcast %and3A_105 : i32 to vector<1000x128xi32>
    %and3A_107 = arith.andi %iota3A, %and3A_106 : vector<1000x128xi32>
    %ne3A_108 = arith.constant 0 : i32
    %ne3A_109 = vector.broadcast %ne3A_108 : i32 to vector<1000x128xi32>
    %ne3A_110 = arith.cmpi ne, %and3A_107, %ne3A_109 : vector<1000x128xi32>
    %roll3A_111 = arith.constant 2 : i32
    %roll3A_112 = tpu.dynamic_rotate %select_n3A_104 by %roll3A_111 dim 1 : vector<1000x128xf32>, i32 -> vector<1000x128xf32>
    %roll3A_113 = arith.constant 126 : i32
    %roll3A_114 = tpu.dynamic_rotate %select_n3A_104 by %roll3A_113 dim 1 : vector<1000x128xf32>, i32 -> vector<1000x128xf32>
    %select_n3A_115 = arith.select %ne3A_110, %roll3A_112, %roll3A_114 : vector<1000x128xi1>, vector<1000x128xf32>
    %not3A_116 = arith.constant dense<true> : vector<1000x128xi1>
    %not3A_117 = arith.xori %ne3A_110, %not3A_116 : vector<1000x128xi1>
    %and3A_118 = arith.constant 8 : i32
    %and3A_119 = vector.broadcast %and3A_118 : i32 to vector<1000x128xi32>
    %and3A_120 = arith.andi %iota3A, %and3A_119 : vector<1000x128xi32>
    %eq3A_121 = arith.constant 0 : i32
    %eq3A_122 = vector.broadcast %eq3A_121 : i32 to vector<1000x128xi32>
    %eq3A_123 = arith.cmpi eq, %and3A_120, %eq3A_122 : vector<1000x128xi32>
    %eq3A_124 = arith.xori %not3A_117, %eq3A_123 : vector<1000x128xi1>
    %eq3A_125 = arith.constant dense<true> : vector<1000x128xi1>
    %eq3A_126 = arith.xori %eq3A_124, %eq3A_125 : vector<1000x128xi1>
    %min3A_127 = arith.minimumf %select_n3A_104, %select_n3A_115 : vector<1000x128xf32>
    %max3A_128 = arith.maximumf %select_n3A_104, %select_n3A_115 : vector<1000x128xf32>
    %select_n3A_129 = arith.select %eq3A_126, %min3A_127, %max3A_128 : vector<1000x128xi1>, vector<1000x128xf32>
    %and3A_130 = arith.constant 1 : i32
    %and3A_131 = vector.broadcast %and3A_130 : i32 to vector<1000x128xi32>
    %and3A_132 = arith.andi %iota3A, %and3A_131 : vector<1000x128xi32>
    %ne3A_133 = arith.constant 0 : i32
    %ne3A_134 = vector.broadcast %ne3A_133 : i32 to vector<1000x128xi32>
    %ne3A_135 = arith.cmpi ne, %and3A_132, %ne3A_134 : vector<1000x128xi32>
    %roll3A_136 = arith.constant 1 : i32
    %roll3A_137 = tpu.dynamic_rotate %select_n3A_129 by %roll3A_136 dim 1 : vector<1000x128xf32>, i32 -> vector<1000x128xf32>
    %roll3A_138 = arith.constant 127 : i32
    %roll3A_139 = tpu.dynamic_rotate %select_n3A_129 by %roll3A_138 dim 1 : vector<1000x128xf32>, i32 -> vector<1000x128xf32>
    %select_n3A_140 = arith.select %ne3A_135, %roll3A_137, %roll3A_139 : vector<1000x128xi1>, vector<1000x128xf32>
    %not3A_141 = arith.constant dense<true> : vector<1000x128xi1>
    %not3A_142 = arith.xori %ne3A_135, %not3A_141 : vector<1000x128xi1>
    %and3A_143 = arith.constant 8 : i32
    %and3A_144 = vector.broadcast %and3A_143 : i32 to vector<1000x128xi32>
    %and3A_145 = arith.andi %iota3A, %and3A_144 : vector<1000x128xi32>
    %eq3A_146 = arith.constant 0 : i32
    %eq3A_147 = vector.broadcast %eq3A_146 : i32 to vector<1000x128xi32>
    %eq3A_148 = arith.cmpi eq, %and3A_145, %eq3A_147 : vector<1000x128xi32>
    %eq3A_149 = arith.xori %not3A_142, %eq3A_148 : vector<1000x128xi1>
    %eq3A_150 = arith.constant dense<true> : vector<1000x128xi1>
    %eq3A_151 = arith.xori %eq3A_149, %eq3A_150 : vector<1000x128xi1>
    %min3A_152 = arith.minimumf %select_n3A_129, %select_n3A_140 : vector<1000x128xf32>
    %max3A_153 = arith.maximumf %select_n3A_129, %select_n3A_140 : vector<1000x128xf32>
    %select_n3A_154 = arith.select %eq3A_151, %min3A_152, %max3A_153 : vector<1000x128xi1>, vector<1000x128xf32>
    %and3A_155 = arith.constant 8 : i32
    %and3A_156 = vector.broadcast %and3A_155 : i32 to vector<1000x128xi32>
    %and3A_157 = arith.andi %iota3A, %and3A_156 : vector<1000x128xi32>
    %ne3A_158 = arith.constant 0 : i32
    %ne3A_159 = vector.broadcast %ne3A_158 : i32 to vector<1000x128xi32>
    %ne3A_160 = arith.cmpi ne, %and3A_157, %ne3A_159 : vector<1000x128xi32>
    %roll3A_161 = arith.constant 8 : i32
    %roll3A_162 = tpu.dynamic_rotate %select_n3A_154 by %roll3A_161 dim 1 : vector<1000x128xf32>, i32 -> vector<1000x128xf32>
    %roll3A_163 = arith.constant 120 : i32
    %roll3A_164 = tpu.dynamic_rotate %select_n3A_154 by %roll3A_163 dim 1 : vector<1000x128xf32>, i32 -> vector<1000x128xf32>
    %select_n3A_165 = arith.select %ne3A_160, %roll3A_162, %roll3A_164 : vector<1000x128xi1>, vector<1000x128xf32>
    %not3A_166 = arith.constant dense<true> : vector<1000x128xi1>
    %not3A_167 = arith.xori %ne3A_160, %not3A_166 : vector<1000x128xi1>
    %and3A_168 = arith.constant 16 : i32
    %and3A_169 = vector.broadcast %and3A_168 : i32 to vector<1000x128xi32>
    %and3A_170 = arith.andi %iota3A, %and3A_169 : vector<1000x128xi32>
    %eq3A_171 = arith.constant 0 : i32
    %eq3A_172 = vector.broadcast %eq3A_171 : i32 to vector<1000x128xi32>
    %eq3A_173 = arith.cmpi eq, %and3A_170, %eq3A_172 : vector<1000x128xi32>
    %eq3A_174 = arith.xori %not3A_167, %eq3A_173 : vector<1000x128xi1>
    %eq3A_175 = arith.constant dense<true> : vector<1000x128xi1>
    %eq3A_176 = arith.xori %eq3A_174, %eq3A_175 : vector<1000x128xi1>
    %min3A_177 = arith.minimumf %select_n3A_154, %select_n3A_165 : vector<1000x128xf32>
    %max3A_178 = arith.maximumf %select_n3A_154, %select_n3A_165 : vector<1000x128xf32>
    %select_n3A_179 = arith.select %eq3A_176, %min3A_177, %max3A_178 : vector<1000x128xi1>, vector<1000x128xf32>
    %and3A_180 = arith.constant 4 : i32
    %and3A_181 = vector.broadcast %and3A_180 : i32 to vector<1000x128xi32>
    %and3A_182 = arith.andi %iota3A, %and3A_181 : vector<1000x128xi32>
    %ne3A_183 = arith.constant 0 : i32
    %ne3A_184 = vector.broadcast %ne3A_183 : i32 to vector<1000x128xi32>
    %ne3A_185 = arith.cmpi ne, %and3A_182, %ne3A_184 : vector<1000x128xi32>
    %roll3A_186 = arith.constant 4 : i32
    %roll3A_187 = tpu.dynamic_rotate %select_n3A_179 by %roll3A_186 dim 1 : vector<1000x128xf32>, i32 -> vector<1000x128xf32>
    %roll3A_188 = arith.constant 124 : i32
    %roll3A_189 = tpu.dynamic_rotate %select_n3A_179 by %roll3A_188 dim 1 : vector<1000x128xf32>, i32 -> vector<1000x128xf32>
    %select_n3A_190 = arith.select %ne3A_185, %roll3A_187, %roll3A_189 : vector<1000x128xi1>, vector<1000x128xf32>
    %not3A_191 = arith.constant dense<true> : vector<1000x128xi1>
    %not3A_192 = arith.xori %ne3A_185, %not3A_191 : vector<1000x128xi1>
    %and3A_193 = arith.constant 16 : i32
    %and3A_194 = vector.broadcast %and3A_193 : i32 to vector<1000x128xi32>
    %and3A_195 = arith.andi %iota3A, %and3A_194 : vector<1000x128xi32>
    %eq3A_196 = arith.constant 0 : i32
    %eq3A_197 = vector.broadcast %eq3A_196 : i32 to vector<1000x128xi32>
    %eq3A_198 = arith.cmpi eq, %and3A_195, %eq3A_197 : vector<1000x128xi32>
    %eq3A_199 = arith.xori %not3A_192, %eq3A_198 : vector<1000x128xi1>
    %eq3A_200 = arith.constant dense<true> : vector<1000x128xi1>
    %eq3A_201 = arith.xori %eq3A_199, %eq3A_200 : vector<1000x128xi1>
    %min3A_202 = arith.minimumf %select_n3A_179, %select_n3A_190 : vector<1000x128xf32>
    %max3A_203 = arith.maximumf %select_n3A_179, %select_n3A_190 : vector<1000x128xf32>
    %select_n3A_204 = arith.select %eq3A_201, %min3A_202, %max3A_203 : vector<1000x128xi1>, vector<1000x128xf32>
    %and3A_205 = arith.constant 2 : i32
    %and3A_206 = vector.broadcast %and3A_205 : i32 to vector<1000x128xi32>
    %and3A_207 = arith.andi %iota3A, %and3A_206 : vector<1000x128xi32>
    %ne3A_208 = arith.constant 0 : i32
    %ne3A_209 = vector.broadcast %ne3A_208 : i32 to vector<1000x128xi32>
    %ne3A_210 = arith.cmpi ne, %and3A_207, %ne3A_209 : vector<1000x128xi32>
    %roll3A_211 = arith.constant 2 : i32
    %roll3A_212 = tpu.dynamic_rotate %select_n3A_204 by %roll3A_211 dim 1 : vector<1000x128xf32>, i32 -> vector<1000x128xf32>
    %roll3A_213 = arith.constant 126 : i32
    %roll3A_214 = tpu.dynamic_rotate %select_n3A_204 by %roll3A_213 dim 1 : vector<1000x128xf32>, i32 -> vector<1000x128xf32>
    %select_n3A_215 = arith.select %ne3A_210, %roll3A_212, %roll3A_214 : vector<1000x128xi1>, vector<1000x128xf32>
    %not3A_216 = arith.constant dense<true> : vector<1000x128xi1>
    %not3A_217 = arith.xori %ne3A_210, %not3A_216 : vector<1000x128xi1>
    %and3A_218 = arith.constant 16 : i32
    %and3A_219 = vector.broadcast %and3A_218 : i32 to vector<1000x128xi32>
    %and3A_220 = arith.andi %iota3A, %and3A_219 : vector<1000x128xi32>
    %eq3A_221 = arith.constant 0 : i32
    %eq3A_222 = vector.broadcast %eq3A_221 : i32 to vector<1000x128xi32>
    %eq3A_223 = arith.cmpi eq, %and3A_220, %eq3A_222 : vector<1000x128xi32>
    %eq3A_224 = arith.xori %not3A_217, %eq3A_223 : vector<1000x128xi1>
    %eq3A_225 = arith.constant dense<true> : vector<1000x128xi1>
    %eq3A_226 = arith.xori %eq3A_224, %eq3A_225 : vector<1000x128xi1>
    %min3A_227 = arith.minimumf %select_n3A_204, %select_n3A_215 : vector<1000x128xf32>
    %max3A_228 = arith.maximumf %select_n3A_204, %select_n3A_215 : vector<1000x128xf32>
    %select_n3A_229 = arith.select %eq3A_226, %min3A_227, %max3A_228 : vector<1000x128xi1>, vector<1000x128xf32>
    %and3A_230 = arith.constant 1 : i32
    %and3A_231 = vector.broadcast %and3A_230 : i32 to vector<1000x128xi32>
    %and3A_232 = arith.andi %iota3A, %and3A_231 : vector<1000x128xi32>
    %ne3A_233 = arith.constant 0 : i32
    %ne3A_234 = vector.broadcast %ne3A_233 : i32 to vector<1000x128xi32>
    %ne3A_235 = arith.cmpi ne, %and3A_232, %ne3A_234 : vector<1000x128xi32>
    %roll3A_236 = arith.constant 1 : i32
    %roll3A_237 = tpu.dynamic_rotate %select_n3A_229 by %roll3A_236 dim 1 : vector<1000x128xf32>, i32 -> vector<1000x128xf32>
    %roll3A_238 = arith.constant 127 : i32
    %roll3A_239 = tpu.dynamic_rotate %select_n3A_229 by %roll3A_238 dim 1 : vector<1000x128xf32>, i32 -> vector<1000x128xf32>
    %select_n3A_240 = arith.select %ne3A_235, %roll3A_237, %roll3A_239 : vector<1000x128xi1>, vector<1000x128xf32>
    %not3A_241 = arith.constant dense<true> : vector<1000x128xi1>
    %not3A_242 = arith.xori %ne3A_235, %not3A_241 : vector<1000x128xi1>
    %and3A_243 = arith.constant 16 : i32
    %and3A_244 = vector.broadcast %and3A_243 : i32 to vector<1000x128xi32>
    %and3A_245 = arith.andi %iota3A, %and3A_244 : vector<1000x128xi32>
    %eq3A_246 = arith.constant 0 : i32
    %eq3A_247 = vector.broadcast %eq3A_246 : i32 to vector<1000x128xi32>
    %eq3A_248 = arith.cmpi eq, %and3A_245, %eq3A_247 : vector<1000x128xi32>
    %eq3A_249 = arith.xori %not3A_242, %eq3A_248 : vector<1000x128xi1>
    %eq3A_250 = arith.constant dense<true> : vector<1000x128xi1>
    %eq3A_251 = arith.xori %eq3A_249, %eq3A_250 : vector<1000x128xi1>
    %min3A_252 = arith.minimumf %select_n3A_229, %select_n3A_240 : vector<1000x128xf32>
    %max3A_253 = arith.maximumf %select_n3A_229, %select_n3A_240 : vector<1000x128xf32>
    %select_n3A_254 = arith.select %eq3A_251, %min3A_252, %max3A_253 : vector<1000x128xi1>, vector<1000x128xf32>
    %and3A_255 = arith.constant 16 : i32
    %and3A_256 = vector.broadcast %and3A_255 : i32 to vector<1000x128xi32>
    %and3A_257 = arith.andi %iota3A, %and3A_256 : vector<1000x128xi32>
    %ne3A_258 = arith.constant 0 : i32
    %ne3A_259 = vector.broadcast %ne3A_258 : i32 to vector<1000x128xi32>
    %ne3A_260 = arith.cmpi ne, %and3A_257, %ne3A_259 : vector<1000x128xi32>
    %roll3A_261 = arith.constant 16 : i32
    %roll3A_262 = tpu.dynamic_rotate %select_n3A_254 by %roll3A_261 dim 1 : vector<1000x128xf32>, i32 -> vector<1000x128xf32>
    %roll3A_263 = arith.constant 112 : i32
    %roll3A_264 = tpu.dynamic_rotate %select_n3A_254 by %roll3A_263 dim 1 : vector<1000x128xf32>, i32 -> vector<1000x128xf32>
    %select_n3A_265 = arith.select %ne3A_260, %roll3A_262, %roll3A_264 : vector<1000x128xi1>, vector<1000x128xf32>
    %not3A_266 = arith.constant dense<true> : vector<1000x128xi1>
    %not3A_267 = arith.xori %ne3A_260, %not3A_266 : vector<1000x128xi1>
    %and3A_268 = arith.constant 32 : i32
    %and3A_269 = vector.broadcast %and3A_268 : i32 to vector<1000x128xi32>
    %and3A_270 = arith.andi %iota3A, %and3A_269 : vector<1000x128xi32>
    %eq3A_271 = arith.constant 0 : i32
    %eq3A_272 = vector.broadcast %eq3A_271 : i32 to vector<1000x128xi32>
    %eq3A_273 = arith.cmpi eq, %and3A_270, %eq3A_272 : vector<1000x128xi32>
    %eq3A_274 = arith.xori %not3A_267, %eq3A_273 : vector<1000x128xi1>
    %eq3A_275 = arith.constant dense<true> : vector<1000x128xi1>
    %eq3A_276 = arith.xori %eq3A_274, %eq3A_275 : vector<1000x128xi1>
    %min3A_277 = arith.minimumf %select_n3A_254, %select_n3A_265 : vector<1000x128xf32>
    %max3A_278 = arith.maximumf %select_n3A_254, %select_n3A_265 : vector<1000x128xf32>
    %select_n3A_279 = arith.select %eq3A_276, %min3A_277, %max3A_278 : vector<1000x128xi1>, vector<1000x128xf32>
    %and3A_280 = arith.constant 8 : i32
    %and3A_281 = vector.broadcast %and3A_280 : i32 to vector<1000x128xi32>
    %and3A_282 = arith.andi %iota3A, %and3A_281 : vector<1000x128xi32>
    %ne3A_283 = arith.constant 0 : i32
    %ne3A_284 = vector.broadcast %ne3A_283 : i32 to vector<1000x128xi32>
    %ne3A_285 = arith.cmpi ne, %and3A_282, %ne3A_284 : vector<1000x128xi32>
    %roll3A_286 = arith.constant 8 : i32
    %roll3A_287 = tpu.dynamic_rotate %select_n3A_279 by %roll3A_286 dim 1 : vector<1000x128xf32>, i32 -> vector<1000x128xf32>
    %roll3A_288 = arith.constant 120 : i32
    %roll3A_289 = tpu.dynamic_rotate %select_n3A_279 by %roll3A_288 dim 1 : vector<1000x128xf32>, i32 -> vector<1000x128xf32>
    %select_n3A_290 = arith.select %ne3A_285, %roll3A_287, %roll3A_289 : vector<1000x128xi1>, vector<1000x128xf32>
    %not3A_291 = arith.constant dense<true> : vector<1000x128xi1>
    %not3A_292 = arith.xori %ne3A_285, %not3A_291 : vector<1000x128xi1>
    %and3A_293 = arith.constant 32 : i32
    %and3A_294 = vector.broadcast %and3A_293 : i32 to vector<1000x128xi32>
    %and3A_295 = arith.andi %iota3A, %and3A_294 : vector<1000x128xi32>
    %eq3A_296 = arith.constant 0 : i32
    %eq3A_297 = vector.broadcast %eq3A_296 : i32 to vector<1000x128xi32>
    %eq3A_298 = arith.cmpi eq, %and3A_295, %eq3A_297 : vector<1000x128xi32>
    %eq3A_299 = arith.xori %not3A_292, %eq3A_298 : vector<1000x128xi1>
    %eq3A_300 = arith.constant dense<true> : vector<1000x128xi1>
    %eq3A_301 = arith.xori %eq3A_299, %eq3A_300 : vector<1000x128xi1>
    %min3A_302 = arith.minimumf %select_n3A_279, %select_n3A_290 : vector<1000x128xf32>
    %max3A_303 = arith.maximumf %select_n3A_279, %select_n3A_290 : vector<1000x128xf32>
    %select_n3A_304 = arith.select %eq3A_301, %min3A_302, %max3A_303 : vector<1000x128xi1>, vector<1000x128xf32>
    %and3A_305 = arith.constant 4 : i32
    %and3A_306 = vector.broadcast %and3A_305 : i32 to vector<1000x128xi32>
    %and3A_307 = arith.andi %iota3A, %and3A_306 : vector<1000x128xi32>
    %ne3A_308 = arith.constant 0 : i32
    %ne3A_309 = vector.broadcast %ne3A_308 : i32 to vector<1000x128xi32>
    %ne3A_310 = arith.cmpi ne, %and3A_307, %ne3A_309 : vector<1000x128xi32>
    %roll3A_311 = arith.constant 4 : i32
    %roll3A_312 = tpu.dynamic_rotate %select_n3A_304 by %roll3A_311 dim 1 : vector<1000x128xf32>, i32 -> vector<1000x128xf32>
    %roll3A_313 = arith.constant 124 : i32
    %roll3A_314 = tpu.dynamic_rotate %select_n3A_304 by %roll3A_313 dim 1 : vector<1000x128xf32>, i32 -> vector<1000x128xf32>
    %select_n3A_315 = arith.select %ne3A_310, %roll3A_312, %roll3A_314 : vector<1000x128xi1>, vector<1000x128xf32>
    %not3A_316 = arith.constant dense<true> : vector<1000x128xi1>
    %not3A_317 = arith.xori %ne3A_310, %not3A_316 : vector<1000x128xi1>
    %and3A_318 = arith.constant 32 : i32
    %and3A_319 = vector.broadcast %and3A_318 : i32 to vector<1000x128xi32>
    %and3A_320 = arith.andi %iota3A, %and3A_319 : vector<1000x128xi32>
    %eq3A_321 = arith.constant 0 : i32
    %eq3A_322 = vector.broadcast %eq3A_321 : i32 to vector<1000x128xi32>
    %eq3A_323 = arith.cmpi eq, %and3A_320, %eq3A_322 : vector<1000x128xi32>
    %eq3A_324 = arith.xori %not3A_317, %eq3A_323 : vector<1000x128xi1>
    %eq3A_325 = arith.constant dense<true> : vector<1000x128xi1>
    %eq3A_326 = arith.xori %eq3A_324, %eq3A_325 : vector<1000x128xi1>
    %min3A_327 = arith.minimumf %select_n3A_304, %select_n3A_315 : vector<1000x128xf32>
    %max3A_328 = arith.maximumf %select_n3A_304, %select_n3A_315 : vector<1000x128xf32>
    %select_n3A_329 = arith.select %eq3A_326, %min3A_327, %max3A_328 : vector<1000x128xi1>, vector<1000x128xf32>
    %and3A_330 = arith.constant 2 : i32
    %and3A_331 = vector.broadcast %and3A_330 : i32 to vector<1000x128xi32>
    %and3A_332 = arith.andi %iota3A, %and3A_331 : vector<1000x128xi32>
    %ne3A_333 = arith.constant 0 : i32
    %ne3A_334 = vector.broadcast %ne3A_333 : i32 to vector<1000x128xi32>
    %ne3A_335 = arith.cmpi ne, %and3A_332, %ne3A_334 : vector<1000x128xi32>
    %roll3A_336 = arith.constant 2 : i32
    %roll3A_337 = tpu.dynamic_rotate %select_n3A_329 by %roll3A_336 dim 1 : vector<1000x128xf32>, i32 -> vector<1000x128xf32>
    %roll3A_338 = arith.constant 126 : i32
    %roll3A_339 = tpu.dynamic_rotate %select_n3A_329 by %roll3A_338 dim 1 : vector<1000x128xf32>, i32 -> vector<1000x128xf32>
    %select_n3A_340 = arith.select %ne3A_335, %roll3A_337, %roll3A_339 : vector<1000x128xi1>, vector<1000x128xf32>
    %not3A_341 = arith.constant dense<true> : vector<1000x128xi1>
    %not3A_342 = arith.xori %ne3A_335, %not3A_341 : vector<1000x128xi1>
    %and3A_343 = arith.constant 32 : i32
    %and3A_344 = vector.broadcast %and3A_343 : i32 to vector<1000x128xi32>
    %and3A_345 = arith.andi %iota3A, %and3A_344 : vector<1000x128xi32>
    %eq3A_346 = arith.constant 0 : i32
    %eq3A_347 = vector.broadcast %eq3A_346 : i32 to vector<1000x128xi32>
    %eq3A_348 = arith.cmpi eq, %and3A_345, %eq3A_347 : vector<1000x128xi32>
    %eq3A_349 = arith.xori %not3A_342, %eq3A_348 : vector<1000x128xi1>
    %eq3A_350 = arith.constant dense<true> : vector<1000x128xi1>
    %eq3A_351 = arith.xori %eq3A_349, %eq3A_350 : vector<1000x128xi1>
    %min3A_352 = arith.minimumf %select_n3A_329, %select_n3A_340 : vector<1000x128xf32>
    %max3A_353 = arith.maximumf %select_n3A_329, %select_n3A_340 : vector<1000x128xf32>
    %select_n3A_354 = arith.select %eq3A_351, %min3A_352, %max3A_353 : vector<1000x128xi1>, vector<1000x128xf32>
    %and3A_355 = arith.constant 1 : i32
    %and3A_356 = vector.broadcast %and3A_355 : i32 to vector<1000x128xi32>
    %and3A_357 = arith.andi %iota3A, %and3A_356 : vector<1000x128xi32>
    %ne3A_358 = arith.constant 0 : i32
    %ne3A_359 = vector.broadcast %ne3A_358 : i32 to vector<1000x128xi32>
    %ne3A_360 = arith.cmpi ne, %and3A_357, %ne3A_359 : vector<1000x128xi32>
    %roll3A_361 = arith.constant 1 : i32
    %roll3A_362 = tpu.dynamic_rotate %select_n3A_354 by %roll3A_361 dim 1 : vector<1000x128xf32>, i32 -> vector<1000x128xf32>
    %roll3A_363 = arith.constant 127 : i32
    %roll3A_364 = tpu.dynamic_rotate %select_n3A_354 by %roll3A_363 dim 1 : vector<1000x128xf32>, i32 -> vector<1000x128xf32>
    %select_n3A_365 = arith.select %ne3A_360, %roll3A_362, %roll3A_364 : vector<1000x128xi1>, vector<1000x128xf32>
    %not3A_366 = arith.constant dense<true> : vector<1000x128xi1>
    %not3A_367 = arith.xori %ne3A_360, %not3A_366 : vector<1000x128xi1>
    %and3A_368 = arith.constant 32 : i32
    %and3A_369 = vector.broadcast %and3A_368 : i32 to vector<1000x128xi32>
    %and3A_370 = arith.andi %iota3A, %and3A_369 : vector<1000x128xi32>
    %eq3A_371 = arith.constant 0 : i32
    %eq3A_372 = vector.broadcast %eq3A_371 : i32 to vector<1000x128xi32>
    %eq3A_373 = arith.cmpi eq, %and3A_370, %eq3A_372 : vector<1000x128xi32>
    %eq3A_374 = arith.xori %not3A_367, %eq3A_373 : vector<1000x128xi1>
    %eq3A_375 = arith.constant dense<true> : vector<1000x128xi1>
    %eq3A_376 = arith.xori %eq3A_374, %eq3A_375 : vector<1000x128xi1>
    %min3A_377 = arith.minimumf %select_n3A_354, %select_n3A_365 : vector<1000x128xf32>
    %max3A_378 = arith.maximumf %select_n3A_354, %select_n3A_365 : vector<1000x128xf32>
    %select_n3A_379 = arith.select %eq3A_376, %min3A_377, %max3A_378 : vector<1000x128xi1>, vector<1000x128xf32>
    %and3A_380 = arith.constant 32 : i32
    %and3A_381 = vector.broadcast %and3A_380 : i32 to vector<1000x128xi32>
    %and3A_382 = arith.andi %iota3A, %and3A_381 : vector<1000x128xi32>
    %ne3A_383 = arith.constant 0 : i32
    %ne3A_384 = vector.broadcast %ne3A_383 : i32 to vector<1000x128xi32>
    %ne3A_385 = arith.cmpi ne, %and3A_382, %ne3A_384 : vector<1000x128xi32>
    %roll3A_386 = arith.constant 32 : i32
    %roll3A_387 = tpu.dynamic_rotate %select_n3A_379 by %roll3A_386 dim 1 : vector<1000x128xf32>, i32 -> vector<1000x128xf32>
    %roll3A_388 = arith.constant 96 : i32
    %roll3A_389 = tpu.dynamic_rotate %select_n3A_379 by %roll3A_388 dim 1 : vector<1000x128xf32>, i32 -> vector<1000x128xf32>
    %select_n3A_390 = arith.select %ne3A_385, %roll3A_387, %roll3A_389 : vector<1000x128xi1>, vector<1000x128xf32>
    %not3A_391 = arith.constant dense<true> : vector<1000x128xi1>
    %not3A_392 = arith.xori %ne3A_385, %not3A_391 : vector<1000x128xi1>
    %and3A_393 = arith.constant 64 : i32
    %and3A_394 = vector.broadcast %and3A_393 : i32 to vector<1000x128xi32>
    %and3A_395 = arith.andi %iota3A, %and3A_394 : vector<1000x128xi32>
    %eq3A_396 = arith.constant 0 : i32
    %eq3A_397 = vector.broadcast %eq3A_396 : i32 to vector<1000x128xi32>
    %eq3A_398 = arith.cmpi eq, %and3A_395, %eq3A_397 : vector<1000x128xi32>
    %eq3A_399 = arith.xori %not3A_392, %eq3A_398 : vector<1000x128xi1>
    %eq3A_400 = arith.constant dense<true> : vector<1000x128xi1>
    %eq3A_401 = arith.xori %eq3A_399, %eq3A_400 : vector<1000x128xi1>
    %min3A_402 = arith.minimumf %select_n3A_379, %select_n3A_390 : vector<1000x128xf32>
    %max3A_403 = arith.maximumf %select_n3A_379, %select_n3A_390 : vector<1000x128xf32>
    %select_n3A_404 = arith.select %eq3A_401, %min3A_402, %max3A_403 : vector<1000x128xi1>, vector<1000x128xf32>
    %and3A_405 = arith.constant 16 : i32
    %and3A_406 = vector.broadcast %and3A_405 : i32 to vector<1000x128xi32>
    %and3A_407 = arith.andi %iota3A, %and3A_406 : vector<1000x128xi32>
    %ne3A_408 = arith.constant 0 : i32
    %ne3A_409 = vector.broadcast %ne3A_408 : i32 to vector<1000x128xi32>
    %ne3A_410 = arith.cmpi ne, %and3A_407, %ne3A_409 : vector<1000x128xi32>
    %roll3A_411 = arith.constant 16 : i32
    %roll3A_412 = tpu.dynamic_rotate %select_n3A_404 by %roll3A_411 dim 1 : vector<1000x128xf32>, i32 -> vector<1000x128xf32>
    %roll3A_413 = arith.constant 112 : i32
    %roll3A_414 = tpu.dynamic_rotate %select_n3A_404 by %roll3A_413 dim 1 : vector<1000x128xf32>, i32 -> vector<1000x128xf32>
    %select_n3A_415 = arith.select %ne3A_410, %roll3A_412, %roll3A_414 : vector<1000x128xi1>, vector<1000x128xf32>
    %not3A_416 = arith.constant dense<true> : vector<1000x128xi1>
    %not3A_417 = arith.xori %ne3A_410, %not3A_416 : vector<1000x128xi1>
    %and3A_418 = arith.constant 64 : i32
    %and3A_419 = vector.broadcast %and3A_418 : i32 to vector<1000x128xi32>
    %and3A_420 = arith.andi %iota3A, %and3A_419 : vector<1000x128xi32>
    %eq3A_421 = arith.constant 0 : i32
    %eq3A_422 = vector.broadcast %eq3A_421 : i32 to vector<1000x128xi32>
    %eq3A_423 = arith.cmpi eq, %and3A_420, %eq3A_422 : vector<1000x128xi32>
    %eq3A_424 = arith.xori %not3A_417, %eq3A_423 : vector<1000x128xi1>
    %eq3A_425 = arith.constant dense<true> : vector<1000x128xi1>
    %eq3A_426 = arith.xori %eq3A_424, %eq3A_425 : vector<1000x128xi1>
    %min3A_427 = arith.minimumf %select_n3A_404, %select_n3A_415 : vector<1000x128xf32>
    %max3A_428 = arith.maximumf %select_n3A_404, %select_n3A_415 : vector<1000x128xf32>
    %select_n3A_429 = arith.select %eq3A_426, %min3A_427, %max3A_428 : vector<1000x128xi1>, vector<1000x128xf32>
    %and3A_430 = arith.constant 8 : i32
    %and3A_431 = vector.broadcast %and3A_430 : i32 to vector<1000x128xi32>
    %and3A_432 = arith.andi %iota3A, %and3A_431 : vector<1000x128xi32>
    %ne3A_433 = arith.constant 0 : i32
    %ne3A_434 = vector.broadcast %ne3A_433 : i32 to vector<1000x128xi32>
    %ne3A_435 = arith.cmpi ne, %and3A_432, %ne3A_434 : vector<1000x128xi32>
    %roll3A_436 = arith.constant 8 : i32
    %roll3A_437 = tpu.dynamic_rotate %select_n3A_429 by %roll3A_436 dim 1 : vector<1000x128xf32>, i32 -> vector<1000x128xf32>
    %roll3A_438 = arith.constant 120 : i32
    %roll3A_439 = tpu.dynamic_rotate %select_n3A_429 by %roll3A_438 dim 1 : vector<1000x128xf32>, i32 -> vector<1000x128xf32>
    %select_n3A_440 = arith.select %ne3A_435, %roll3A_437, %roll3A_439 : vector<1000x128xi1>, vector<1000x128xf32>
    %not3A_441 = arith.constant dense<true> : vector<1000x128xi1>
    %not3A_442 = arith.xori %ne3A_435, %not3A_441 : vector<1000x128xi1>
    %and3A_443 = arith.constant 64 : i32
    %and3A_444 = vector.broadcast %and3A_443 : i32 to vector<1000x128xi32>
    %and3A_445 = arith.andi %iota3A, %and3A_444 : vector<1000x128xi32>
    %eq3A_446 = arith.constant 0 : i32
    %eq3A_447 = vector.broadcast %eq3A_446 : i32 to vector<1000x128xi32>
    %eq3A_448 = arith.cmpi eq, %and3A_445, %eq3A_447 : vector<1000x128xi32>
    %eq3A_449 = arith.xori %not3A_442, %eq3A_448 : vector<1000x128xi1>
    %eq3A_450 = arith.constant dense<true> : vector<1000x128xi1>
    %eq3A_451 = arith.xori %eq3A_449, %eq3A_450 : vector<1000x128xi1>
    %min3A_452 = arith.minimumf %select_n3A_429, %select_n3A_440 : vector<1000x128xf32>
    %max3A_453 = arith.maximumf %select_n3A_429, %select_n3A_440 : vector<1000x128xf32>
    %select_n3A_454 = arith.select %eq3A_451, %min3A_452, %max3A_453 : vector<1000x128xi1>, vector<1000x128xf32>
    %and3A_455 = arith.constant 4 : i32
    %and3A_456 = vector.broadcast %and3A_455 : i32 to vector<1000x128xi32>
    %and3A_457 = arith.andi %iota3A, %and3A_456 : vector<1000x128xi32>
    %ne3A_458 = arith.constant 0 : i32
    %ne3A_459 = vector.broadcast %ne3A_458 : i32 to vector<1000x128xi32>
    %ne3A_460 = arith.cmpi ne, %and3A_457, %ne3A_459 : vector<1000x128xi32>
    %roll3A_461 = arith.constant 4 : i32
    %roll3A_462 = tpu.dynamic_rotate %select_n3A_454 by %roll3A_461 dim 1 : vector<1000x128xf32>, i32 -> vector<1000x128xf32>
    %roll3A_463 = arith.constant 124 : i32
    %roll3A_464 = tpu.dynamic_rotate %select_n3A_454 by %roll3A_463 dim 1 : vector<1000x128xf32>, i32 -> vector<1000x128xf32>
    %select_n3A_465 = arith.select %ne3A_460, %roll3A_462, %roll3A_464 : vector<1000x128xi1>, vector<1000x128xf32>
    %not3A_466 = arith.constant dense<true> : vector<1000x128xi1>
    %not3A_467 = arith.xori %ne3A_460, %not3A_466 : vector<1000x128xi1>
    %and3A_468 = arith.constant 64 : i32
    %and3A_469 = vector.broadcast %and3A_468 : i32 to vector<1000x128xi32>
    %and3A_470 = arith.andi %iota3A, %and3A_469 : vector<1000x128xi32>
    %eq3A_471 = arith.constant 0 : i32
    %eq3A_472 = vector.broadcast %eq3A_471 : i32 to vector<1000x128xi32>
    %eq3A_473 = arith.cmpi eq, %and3A_470, %eq3A_472 : vector<1000x128xi32>
    %eq3A_474 = arith.xori %not3A_467, %eq3A_473 : vector<1000x128xi1>
    %eq3A_475 = arith.constant dense<true> : vector<1000x128xi1>
    %eq3A_476 = arith.xori %eq3A_474, %eq3A_475 : vector<1000x128xi1>
    %min3A_477 = arith.minimumf %select_n3A_454, %select_n3A_465 : vector<1000x128xf32>
    %max3A_478 = arith.maximumf %select_n3A_454, %select_n3A_465 : vector<1000x128xf32>
    %select_n3A_479 = arith.select %eq3A_476, %min3A_477, %max3A_478 : vector<1000x128xi1>, vector<1000x128xf32>
    %and3A_480 = arith.constant 2 : i32
    %and3A_481 = vector.broadcast %and3A_480 : i32 to vector<1000x128xi32>
    %and3A_482 = arith.andi %iota3A, %and3A_481 : vector<1000x128xi32>
    %ne3A_483 = arith.constant 0 : i32
    %ne3A_484 = vector.broadcast %ne3A_483 : i32 to vector<1000x128xi32>
    %ne3A_485 = arith.cmpi ne, %and3A_482, %ne3A_484 : vector<1000x128xi32>
    %roll3A_486 = arith.constant 2 : i32
    %roll3A_487 = tpu.dynamic_rotate %select_n3A_479 by %roll3A_486 dim 1 : vector<1000x128xf32>, i32 -> vector<1000x128xf32>
    %roll3A_488 = arith.constant 126 : i32
    %roll3A_489 = tpu.dynamic_rotate %select_n3A_479 by %roll3A_488 dim 1 : vector<1000x128xf32>, i32 -> vector<1000x128xf32>
    %select_n3A_490 = arith.select %ne3A_485, %roll3A_487, %roll3A_489 : vector<1000x128xi1>, vector<1000x128xf32>
    %not3A_491 = arith.constant dense<true> : vector<1000x128xi1>
    %not3A_492 = arith.xori %ne3A_485, %not3A_491 : vector<1000x128xi1>
    %and3A_493 = arith.constant 64 : i32
    %and3A_494 = vector.broadcast %and3A_493 : i32 to vector<1000x128xi32>
    %and3A_495 = arith.andi %iota3A, %and3A_494 : vector<1000x128xi32>
    %eq3A_496 = arith.constant 0 : i32
    %eq3A_497 = vector.broadcast %eq3A_496 : i32 to vector<1000x128xi32>
    %eq3A_498 = arith.cmpi eq, %and3A_495, %eq3A_497 : vector<1000x128xi32>
    %eq3A_499 = arith.xori %not3A_492, %eq3A_498 : vector<1000x128xi1>
    %eq3A_500 = arith.constant dense<true> : vector<1000x128xi1>
    %eq3A_501 = arith.xori %eq3A_499, %eq3A_500 : vector<1000x128xi1>
    %min3A_502 = arith.minimumf %select_n3A_479, %select_n3A_490 : vector<1000x128xf32>
    %max3A_503 = arith.maximumf %select_n3A_479, %select_n3A_490 : vector<1000x128xf32>
    %select_n3A_504 = arith.select %eq3A_501, %min3A_502, %max3A_503 : vector<1000x128xi1>, vector<1000x128xf32>
    %and3A_505 = arith.constant 1 : i32
    %and3A_506 = vector.broadcast %and3A_505 : i32 to vector<1000x128xi32>
    %and3A_507 = arith.andi %iota3A, %and3A_506 : vector<1000x128xi32>
    %ne3A_508 = arith.constant 0 : i32
    %ne3A_509 = vector.broadcast %ne3A_508 : i32 to vector<1000x128xi32>
    %ne3A_510 = arith.cmpi ne, %and3A_507, %ne3A_509 : vector<1000x128xi32>
    %roll3A_511 = arith.constant 1 : i32
    %roll3A_512 = tpu.dynamic_rotate %select_n3A_504 by %roll3A_511 dim 1 : vector<1000x128xf32>, i32 -> vector<1000x128xf32>
    %roll3A_513 = arith.constant 127 : i32
    %roll3A_514 = tpu.dynamic_rotate %select_n3A_504 by %roll3A_513 dim 1 : vector<1000x128xf32>, i32 -> vector<1000x128xf32>
    %select_n3A_515 = arith.select %ne3A_510, %roll3A_512, %roll3A_514 : vector<1000x128xi1>, vector<1000x128xf32>
    %not3A_516 = arith.constant dense<true> : vector<1000x128xi1>
    %not3A_517 = arith.xori %ne3A_510, %not3A_516 : vector<1000x128xi1>
    %and3A_518 = arith.constant 64 : i32
    %and3A_519 = vector.broadcast %and3A_518 : i32 to vector<1000x128xi32>
    %and3A_520 = arith.andi %iota3A, %and3A_519 : vector<1000x128xi32>
    %eq3A_521 = arith.constant 0 : i32
    %eq3A_522 = vector.broadcast %eq3A_521 : i32 to vector<1000x128xi32>
    %eq3A_523 = arith.cmpi eq, %and3A_520, %eq3A_522 : vector<1000x128xi32>
    %eq3A_524 = arith.xori %not3A_517, %eq3A_523 : vector<1000x128xi1>
    %eq3A_525 = arith.constant dense<true> : vector<1000x128xi1>
    %eq3A_526 = arith.xori %eq3A_524, %eq3A_525 : vector<1000x128xi1>
    %min3A_527 = arith.minimumf %select_n3A_504, %select_n3A_515 : vector<1000x128xf32>
    %max3A_528 = arith.maximumf %select_n3A_504, %select_n3A_515 : vector<1000x128xf32>
    %select_n3A_529 = arith.select %eq3A_526, %min3A_527, %max3A_528 : vector<1000x128xi1>, vector<1000x128xf32>
    %and3A_530 = arith.constant 64 : i32
    %and3A_531 = vector.broadcast %and3A_530 : i32 to vector<1000x128xi32>
    %and3A_532 = arith.andi %iota3A, %and3A_531 : vector<1000x128xi32>
    %ne3A_533 = arith.constant 0 : i32
    %ne3A_534 = vector.broadcast %ne3A_533 : i32 to vector<1000x128xi32>
    %ne3A_535 = arith.cmpi ne, %and3A_532, %ne3A_534 : vector<1000x128xi32>
    %roll3A_536 = arith.constant 64 : i32
    %roll3A_537 = tpu.dynamic_rotate %select_n3A_529 by %roll3A_536 dim 1 : vector<1000x128xf32>, i32 -> vector<1000x128xf32>
    %roll3A_538 = arith.constant 64 : i32
    %roll3A_539 = tpu.dynamic_rotate %select_n3A_529 by %roll3A_538 dim 1 : vector<1000x128xf32>, i32 -> vector<1000x128xf32>
    %select_n3A_540 = arith.select %ne3A_535, %roll3A_537, %roll3A_539 : vector<1000x128xi1>, vector<1000x128xf32>
    %not3A_541 = arith.constant dense<true> : vector<1000x128xi1>
    %not3A_542 = arith.xori %ne3A_535, %not3A_541 : vector<1000x128xi1>
    %and3A_543 = arith.constant 128 : i32
    %and3A_544 = vector.broadcast %and3A_543 : i32 to vector<1000x128xi32>
    %and3A_545 = arith.andi %iota3A, %and3A_544 : vector<1000x128xi32>
    %eq3A_546 = arith.constant 0 : i32
    %eq3A_547 = vector.broadcast %eq3A_546 : i32 to vector<1000x128xi32>
    %eq3A_548 = arith.cmpi eq, %and3A_545, %eq3A_547 : vector<1000x128xi32>
    %eq3A_549 = arith.xori %not3A_542, %eq3A_548 : vector<1000x128xi1>
    %eq3A_550 = arith.constant dense<true> : vector<1000x128xi1>
    %eq3A_551 = arith.xori %eq3A_549, %eq3A_550 : vector<1000x128xi1>
    %min3A_552 = arith.minimumf %select_n3A_529, %select_n3A_540 : vector<1000x128xf32>
    %max3A_553 = arith.maximumf %select_n3A_529, %select_n3A_540 : vector<1000x128xf32>
    %select_n3A_554 = arith.select %eq3A_551, %min3A_552, %max3A_553 : vector<1000x128xi1>, vector<1000x128xf32>
    %and3A_555 = arith.constant 32 : i32
    %and3A_556 = vector.broadcast %and3A_555 : i32 to vector<1000x128xi32>
    %and3A_557 = arith.andi %iota3A, %and3A_556 : vector<1000x128xi32>
    %ne3A_558 = arith.constant 0 : i32
    %ne3A_559 = vector.broadcast %ne3A_558 : i32 to vector<1000x128xi32>
    %ne3A_560 = arith.cmpi ne, %and3A_557, %ne3A_559 : vector<1000x128xi32>
    %roll3A_561 = arith.constant 32 : i32
    %roll3A_562 = tpu.dynamic_rotate %select_n3A_554 by %roll3A_561 dim 1 : vector<1000x128xf32>, i32 -> vector<1000x128xf32>
    %roll3A_563 = arith.constant 96 : i32
    %roll3A_564 = tpu.dynamic_rotate %select_n3A_554 by %roll3A_563 dim 1 : vector<1000x128xf32>, i32 -> vector<1000x128xf32>
    %select_n3A_565 = arith.select %ne3A_560, %roll3A_562, %roll3A_564 : vector<1000x128xi1>, vector<1000x128xf32>
    %not3A_566 = arith.constant dense<true> : vector<1000x128xi1>
    %not3A_567 = arith.xori %ne3A_560, %not3A_566 : vector<1000x128xi1>
    %and3A_568 = arith.constant 128 : i32
    %and3A_569 = vector.broadcast %and3A_568 : i32 to vector<1000x128xi32>
    %and3A_570 = arith.andi %iota3A, %and3A_569 : vector<1000x128xi32>
    %eq3A_571 = arith.constant 0 : i32
    %eq3A_572 = vector.broadcast %eq3A_571 : i32 to vector<1000x128xi32>
    %eq3A_573 = arith.cmpi eq, %and3A_570, %eq3A_572 : vector<1000x128xi32>
    %eq3A_574 = arith.xori %not3A_567, %eq3A_573 : vector<1000x128xi1>
    %eq3A_575 = arith.constant dense<true> : vector<1000x128xi1>
    %eq3A_576 = arith.xori %eq3A_574, %eq3A_575 : vector<1000x128xi1>
    %min3A_577 = arith.minimumf %select_n3A_554, %select_n3A_565 : vector<1000x128xf32>
    %max3A_578 = arith.maximumf %select_n3A_554, %select_n3A_565 : vector<1000x128xf32>
    %select_n3A_579 = arith.select %eq3A_576, %min3A_577, %max3A_578 : vector<1000x128xi1>, vector<1000x128xf32>
    %and3A_580 = arith.constant 16 : i32
    %and3A_581 = vector.broadcast %and3A_580 : i32 to vector<1000x128xi32>
    %and3A_582 = arith.andi %iota3A, %and3A_581 : vector<1000x128xi32>
    %ne3A_583 = arith.constant 0 : i32
    %ne3A_584 = vector.broadcast %ne3A_583 : i32 to vector<1000x128xi32>
    %ne3A_585 = arith.cmpi ne, %and3A_582, %ne3A_584 : vector<1000x128xi32>
    %roll3A_586 = arith.constant 16 : i32
    %roll3A_587 = tpu.dynamic_rotate %select_n3A_579 by %roll3A_586 dim 1 : vector<1000x128xf32>, i32 -> vector<1000x128xf32>
    %roll3A_588 = arith.constant 112 : i32
    %roll3A_589 = tpu.dynamic_rotate %select_n3A_579 by %roll3A_588 dim 1 : vector<1000x128xf32>, i32 -> vector<1000x128xf32>
    %select_n3A_590 = arith.select %ne3A_585, %roll3A_587, %roll3A_589 : vector<1000x128xi1>, vector<1000x128xf32>
    %not3A_591 = arith.constant dense<true> : vector<1000x128xi1>
    %not3A_592 = arith.xori %ne3A_585, %not3A_591 : vector<1000x128xi1>
    %and3A_593 = arith.constant 128 : i32
    %and3A_594 = vector.broadcast %and3A_593 : i32 to vector<1000x128xi32>
    %and3A_595 = arith.andi %iota3A, %and3A_594 : vector<1000x128xi32>
    %eq3A_596 = arith.constant 0 : i32
    %eq3A_597 = vector.broadcast %eq3A_596 : i32 to vector<1000x128xi32>
    %eq3A_598 = arith.cmpi eq, %and3A_595, %eq3A_597 : vector<1000x128xi32>
    %eq3A_599 = arith.xori %not3A_592, %eq3A_598 : vector<1000x128xi1>
    %eq3A_600 = arith.constant dense<true> : vector<1000x128xi1>
    %eq3A_601 = arith.xori %eq3A_599, %eq3A_600 : vector<1000x128xi1>
    %min3A_602 = arith.minimumf %select_n3A_579, %select_n3A_590 : vector<1000x128xf32>
    %max3A_603 = arith.maximumf %select_n3A_579, %select_n3A_590 : vector<1000x128xf32>
    %select_n3A_604 = arith.select %eq3A_601, %min3A_602, %max3A_603 : vector<1000x128xi1>, vector<1000x128xf32>
    %and3A_605 = arith.constant 8 : i32
    %and3A_606 = vector.broadcast %and3A_605 : i32 to vector<1000x128xi32>
    %and3A_607 = arith.andi %iota3A, %and3A_606 : vector<1000x128xi32>
    %ne3A_608 = arith.constant 0 : i32
    %ne3A_609 = vector.broadcast %ne3A_608 : i32 to vector<1000x128xi32>
    %ne3A_610 = arith.cmpi ne, %and3A_607, %ne3A_609 : vector<1000x128xi32>
    %roll3A_611 = arith.constant 8 : i32
    %roll3A_612 = tpu.dynamic_rotate %select_n3A_604 by %roll3A_611 dim 1 : vector<1000x128xf32>, i32 -> vector<1000x128xf32>
    %roll3A_613 = arith.constant 120 : i32
    %roll3A_614 = tpu.dynamic_rotate %select_n3A_604 by %roll3A_613 dim 1 : vector<1000x128xf32>, i32 -> vector<1000x128xf32>
    %select_n3A_615 = arith.select %ne3A_610, %roll3A_612, %roll3A_614 : vector<1000x128xi1>, vector<1000x128xf32>
    %not3A_616 = arith.constant dense<true> : vector<1000x128xi1>
    %not3A_617 = arith.xori %ne3A_610, %not3A_616 : vector<1000x128xi1>
    %and3A_618 = arith.constant 128 : i32
    %and3A_619 = vector.broadcast %and3A_618 : i32 to vector<1000x128xi32>
    %and3A_620 = arith.andi %iota3A, %and3A_619 : vector<1000x128xi32>
    %eq3A_621 = arith.constant 0 : i32
    %eq3A_622 = vector.broadcast %eq3A_621 : i32 to vector<1000x128xi32>
    %eq3A_623 = arith.cmpi eq, %and3A_620, %eq3A_622 : vector<1000x128xi32>
    %eq3A_624 = arith.xori %not3A_617, %eq3A_623 : vector<1000x128xi1>
    %eq3A_625 = arith.constant dense<true> : vector<1000x128xi1>
    %eq3A_626 = arith.xori %eq3A_624, %eq3A_625 : vector<1000x128xi1>
    %min3A_627 = arith.minimumf %select_n3A_604, %select_n3A_615 : vector<1000x128xf32>
    %max3A_628 = arith.maximumf %select_n3A_604, %select_n3A_615 : vector<1000x128xf32>
    %select_n3A_629 = arith.select %eq3A_626, %min3A_627, %max3A_628 : vector<1000x128xi1>, vector<1000x128xf32>
    %and3A_630 = arith.constant 4 : i32
    %and3A_631 = vector.broadcast %and3A_630 : i32 to vector<1000x128xi32>
    %and3A_632 = arith.andi %iota3A, %and3A_631 : vector<1000x128xi32>
    %ne3A_633 = arith.constant 0 : i32
    %ne3A_634 = vector.broadcast %ne3A_633 : i32 to vector<1000x128xi32>
    %ne3A_635 = arith.cmpi ne, %and3A_632, %ne3A_634 : vector<1000x128xi32>
    %roll3A_636 = arith.constant 4 : i32
    %roll3A_637 = tpu.dynamic_rotate %select_n3A_629 by %roll3A_636 dim 1 : vector<1000x128xf32>, i32 -> vector<1000x128xf32>
    %roll3A_638 = arith.constant 124 : i32
    %roll3A_639 = tpu.dynamic_rotate %select_n3A_629 by %roll3A_638 dim 1 : vector<1000x128xf32>, i32 -> vector<1000x128xf32>
    %select_n3A_640 = arith.select %ne3A_635, %roll3A_637, %roll3A_639 : vector<1000x128xi1>, vector<1000x128xf32>
    %not3A_641 = arith.constant dense<true> : vector<1000x128xi1>
    %not3A_642 = arith.xori %ne3A_635, %not3A_641 : vector<1000x128xi1>
    %and3A_643 = arith.constant 128 : i32
    %and3A_644 = vector.broadcast %and3A_643 : i32 to vector<1000x128xi32>
    %and3A_645 = arith.andi %iota3A, %and3A_644 : vector<1000x128xi32>
    %eq3A_646 = arith.constant 0 : i32
    %eq3A_647 = vector.broadcast %eq3A_646 : i32 to vector<1000x128xi32>
    %eq3A_648 = arith.cmpi eq, %and3A_645, %eq3A_647 : vector<1000x128xi32>
    %eq3A_649 = arith.xori %not3A_642, %eq3A_648 : vector<1000x128xi1>
    %eq3A_650 = arith.constant dense<true> : vector<1000x128xi1>
    %eq3A_651 = arith.xori %eq3A_649, %eq3A_650 : vector<1000x128xi1>
    %min3A_652 = arith.minimumf %select_n3A_629, %select_n3A_640 : vector<1000x128xf32>
    %max3A_653 = arith.maximumf %select_n3A_629, %select_n3A_640 : vector<1000x128xf32>
    %select_n3A_654 = arith.select %eq3A_651, %min3A_652, %max3A_653 : vector<1000x128xi1>, vector<1000x128xf32>
    %and3A_655 = arith.constant 2 : i32
    %and3A_656 = vector.broadcast %and3A_655 : i32 to vector<1000x128xi32>
    %and3A_657 = arith.andi %iota3A, %and3A_656 : vector<1000x128xi32>
    %ne3A_658 = arith.constant 0 : i32
    %ne3A_659 = vector.broadcast %ne3A_658 : i32 to vector<1000x128xi32>
    %ne3A_660 = arith.cmpi ne, %and3A_657, %ne3A_659 : vector<1000x128xi32>
    %roll3A_661 = arith.constant 2 : i32
    %roll3A_662 = tpu.dynamic_rotate %select_n3A_654 by %roll3A_661 dim 1 : vector<1000x128xf32>, i32 -> vector<1000x128xf32>
    %roll3A_663 = arith.constant 126 : i32
    %roll3A_664 = tpu.dynamic_rotate %select_n3A_654 by %roll3A_663 dim 1 : vector<1000x128xf32>, i32 -> vector<1000x128xf32>
    %select_n3A_665 = arith.select %ne3A_660, %roll3A_662, %roll3A_664 : vector<1000x128xi1>, vector<1000x128xf32>
    %not3A_666 = arith.constant dense<true> : vector<1000x128xi1>
    %not3A_667 = arith.xori %ne3A_660, %not3A_666 : vector<1000x128xi1>
    %and3A_668 = arith.constant 128 : i32
    %and3A_669 = vector.broadcast %and3A_668 : i32 to vector<1000x128xi32>
    %and3A_670 = arith.andi %iota3A, %and3A_669 : vector<1000x128xi32>
    %eq3A_671 = arith.constant 0 : i32
    %eq3A_672 = vector.broadcast %eq3A_671 : i32 to vector<1000x128xi32>
    %eq3A_673 = arith.cmpi eq, %and3A_670, %eq3A_672 : vector<1000x128xi32>
    %eq3A_674 = arith.xori %not3A_667, %eq3A_673 : vector<1000x128xi1>
    %eq3A_675 = arith.constant dense<true> : vector<1000x128xi1>
    %eq3A_676 = arith.xori %eq3A_674, %eq3A_675 : vector<1000x128xi1>
    %min3A_677 = arith.minimumf %select_n3A_654, %select_n3A_665 : vector<1000x128xf32>
    %max3A_678 = arith.maximumf %select_n3A_654, %select_n3A_665 : vector<1000x128xf32>
    %select_n3A_679 = arith.select %eq3A_676, %min3A_677, %max3A_678 : vector<1000x128xi1>, vector<1000x128xf32>
    %and3A_680 = arith.constant 1 : i32
    %and3A_681 = vector.broadcast %and3A_680 : i32 to vector<1000x128xi32>
    %and3A_682 = arith.andi %iota3A, %and3A_681 : vector<1000x128xi32>
    %ne3A_683 = arith.constant 0 : i32
    %ne3A_684 = vector.broadcast %ne3A_683 : i32 to vector<1000x128xi32>
    %ne3A_685 = arith.cmpi ne, %and3A_682, %ne3A_684 : vector<1000x128xi32>
    %roll3A_686 = arith.constant 1 : i32
    %roll3A_687 = tpu.dynamic_rotate %select_n3A_679 by %roll3A_686 dim 1 : vector<1000x128xf32>, i32 -> vector<1000x128xf32>
    %roll3A_688 = arith.constant 127 : i32
    %roll3A_689 = tpu.dynamic_rotate %select_n3A_679 by %roll3A_688 dim 1 : vector<1000x128xf32>, i32 -> vector<1000x128xf32>
    %select_n3A_690 = arith.select %ne3A_685, %roll3A_687, %roll3A_689 : vector<1000x128xi1>, vector<1000x128xf32>
    %not3A_691 = arith.constant dense<true> : vector<1000x128xi1>
    %not3A_692 = arith.xori %ne3A_685, %not3A_691 : vector<1000x128xi1>
    %and3A_693 = arith.constant 128 : i32
    %and3A_694 = vector.broadcast %and3A_693 : i32 to vector<1000x128xi32>
    %and3A_695 = arith.andi %iota3A, %and3A_694 : vector<1000x128xi32>
    %eq3A_696 = arith.constant 0 : i32
    %eq3A_697 = vector.broadcast %eq3A_696 : i32 to vector<1000x128xi32>
    %eq3A_698 = arith.cmpi eq, %and3A_695, %eq3A_697 : vector<1000x128xi32>
    %eq3A_699 = arith.xori %not3A_692, %eq3A_698 : vector<1000x128xi1>
    %eq3A_700 = arith.constant dense<true> : vector<1000x128xi1>
    %eq3A_701 = arith.xori %eq3A_699, %eq3A_700 : vector<1000x128xi1>
    %min3A_702 = arith.minimumf %select_n3A_679, %select_n3A_690 : vector<1000x128xf32>
    %max3A_703 = arith.maximumf %select_n3A_679, %select_n3A_690 : vector<1000x128xf32>
    %select_n3A_704 = arith.select %eq3A_701, %min3A_702, %max3A_703 : vector<1000x128xi1>, vector<1000x128xf32>
    %get3A_705 = arith.constant 0 : index
    %get3A_706 = arith.constant 0 : index
    %get3A_707 = vector.load %arg1[%get3A_705, %get3A_706] : memref<1000x128xf32, #tpu.memory_space<vmem>>, vector<1000x128xf32>
    %get3A_708 = arith.constant 0 : index
    %get3A_709 = arith.constant 0 : index
    %get3A_710 = vector.load %arg4[%get3A_708, %get3A_709] : memref<128x128xf32, #tpu.memory_space<vmem>>, vector<128x128xf32>
    %dot_general3A_711 = arith.constant dense<0.000000e+00> : vector<1000x128xf32>
    %dot_general3A_712 = tpu.matmul %get3A_707, %get3A_710, %dot_general3A_711 {dimension_numbers = #tpu.dot_dimension_numbers<[1], [0], [0], [1], [0, 0, 1, 1], [], []>, precision = #tpu.contract_precision<fp32>, transpose_lhs_hint = false} : vector<1000x128xf32>, vector<128x128xf32>, vector<1000x128xf32> -> vector<1000x128xf32>
    %add3A_713 = arith.addf %select_n3A_704, %dot_general3A_712 : vector<1000x128xf32>
    %reduce_sum3A = arith.constant dense<0.000000e+00> : vector<1000xf32>
    %reduce_sum3A_714 = vector.multi_reduction <add>, %add3A_713, %reduce_sum3A [1] : vector<1000x128xf32> to vector<1000xf32>
    %broadcast_in_dim3A = vector.shape_cast %reduce_sum3A_714 : vector<1000xf32> to vector<1000x1xf32>
    %div3A = arith.constant 1.280000e+02 : f32
    %div3A_715 = vector.broadcast %div3A : f32 to vector<1000x1xf32>
    %div3A_716 = arith.divf %broadcast_in_dim3A, %div3A_715 : vector<1000x1xf32>
    %sub3A = vector.broadcast %div3A_716 : vector<1000x1xf32> to vector<1000x128xf32>
    %sub3A_717 = arith.subf %add3A_713, %sub3A : vector<1000x128xf32>
    %mul3A = arith.mulf %sub3A_717, %sub3A_717 : vector<1000x128xf32>
    %reduce_sum3A_718 = arith.constant dense<0.000000e+00> : vector<1000xf32>
    %reduce_sum3A_719 = vector.multi_reduction <add>, %mul3A, %reduce_sum3A_718 [1] : vector<1000x128xf32> to vector<1000xf32>
    %broadcast_in_dim3A_720 = vector.shape_cast %reduce_sum3A_719 : vector<1000xf32> to vector<1000x1xf32>
    %div3A_721 = arith.constant 1.280000e+02 : f32
    %div3A_722 = vector.broadcast %div3A_721 : f32 to vector<1000x1xf32>
    %div3A_723 = arith.divf %broadcast_in_dim3A_720, %div3A_722 : vector<1000x1xf32>
    %add3A_724 = arith.constant 9.99999974E-6 : f32
    %add3A_725 = vector.broadcast %add3A_724 : f32 to vector<1000x1xf32>
    %add3A_726 = arith.addf %div3A_723, %add3A_725 : vector<1000x1xf32>
    %rsqrt3A = math.rsqrt %add3A_726 : vector<1000x1xf32>
    %mul3A_727 = vector.broadcast %rsqrt3A : vector<1000x1xf32> to vector<1000x128xf32>
    %mul3A_728 = arith.mulf %sub3A_717, %mul3A_727 : vector<1000x128xf32>
    %get3A_729 = arith.constant 0 : index
    %get3A_730 = arith.constant 0 : index
    %get3A_731 = vector.load %arg5[%get3A_729, %get3A_730] : memref<1x128xf32, #tpu.memory_space<vmem>>, vector<1x128xf32>
    %mul3A_732 = vector.broadcast %get3A_731 : vector<1x128xf32> to vector<1000x128xf32>
    %mul3A_733 = arith.mulf %mul3A_728, %mul3A_732 : vector<1000x128xf32>
    %get3A_734 = arith.constant 0 : index
    %get3A_735 = arith.constant 0 : index
    %get3A_736 = vector.load %arg6[%get3A_734, %get3A_735] : memref<1x128xf32, #tpu.memory_space<vmem>>, vector<1x128xf32>
    %add3A_737 = vector.broadcast %get3A_736 : vector<1x128xf32> to vector<1000x128xf32>
    %add3A_738 = arith.addf %mul3A_733, %add3A_737 : vector<1000x128xf32>
    %get3A_739 = arith.constant 0 : index
    %get3A_740 = arith.constant 0 : index
    %get3A_741 = vector.load %arg1[%get3A_739, %get3A_740] : memref<1000x128xf32, #tpu.memory_space<vmem>>, vector<1000x128xf32>
    %add3A_742 = arith.addf %add3A_738, %get3A_741 : vector<1000x128xf32>
    %swap3A = arith.constant 0 : index
    %swap3A_743 = arith.constant 0 : index
    %swap3A_744 = vector.load %arg10[%swap3A, %swap3A_743] : memref<1000x128xf32, #tpu.memory_space<vmem>>, vector<1000x128xf32>
    tpu.vector_store %arg10[%swap3A, %swap3A_743], %add3A_742 {strides = array<i32>} : memref<1000x128xf32, #tpu.memory_space<vmem>>, vector<1000x128xf32>,
    %swap3A_745 = arith.constant 0 : index
    %swap3A_746 = arith.constant 0 : index
    %swap3A_747 = vector.load %arg9[%swap3A_745, %swap3A_746] : memref<1000x128xf32, #tpu.memory_space<vmem>>, vector<1000x128xf32>
    tpu.vector_store %arg9[%swap3A_745, %swap3A_746], %add3A_742 {strides = array<i32>} : memref<1000x128xf32, #tpu.memory_space<vmem>>, vector<1000x128xf32>,
    return
  }
  func.func @transform_0(%arg0: i32) -> (i32, i32) {
    %c0_i32 = arith.constant 0 : i32
    %c0_i32_0 = arith.constant 0 : i32
    return %arg0, %c0_i32 : i32, i32
  }
  func.func @transform_1(%arg0: i32) -> (i32, i32, i32) {
    %c0_i32 = arith.constant 0 : i32
    %c0_i32_0 = arith.constant 0 : i32
    %c0_i32_1 = arith.constant 0 : i32
    return %c0_i32, %arg0, %c0_i32_0 : i32, i32, i32
  }
  func.func @transform_2(%arg0: i32) -> (i32, i32) {
    %c0_i32 = arith.constant 0 : i32
    %c0_i32_0 = arith.constant 0 : i32
    %c0_i32_1 = arith.constant 0 : i32
    return %c0_i32, %c0_i32_0 : i32, i32
  }
  func.func @transform_3(%arg0: i32) -> (i32, i32) {
    %c0_i32 = arith.constant 0 : i32
    %c0_i32_0 = arith.constant 0 : i32
    %c0_i32_1 = arith.constant 0 : i32
    return %c0_i32, %c0_i32_0 : i32, i32
  }
  func.func @transform_4(%arg0: i32) -> (i32, i32) {
    %c0_i32 = arith.constant 0 : i32
    %c0_i32_0 = arith.constant 0 : i32
    %c0_i32_1 = arith.constant 0 : i32
    return %c0_i32, %c0_i32_0 : i32, i32
  }
  func.func @transform_5(%arg0: i32) -> (i32, i32) {
    %c0_i32 = arith.constant 0 : i32
    %c0_i32_0 = arith.constant 0 : i32
    %c0_i32_1 = arith.constant 0 : i32
    return %c0_i32, %c0_i32_0 : i32, i32
  }
  func.func @transform_6(%arg0: i32) -> (i32, i32) {
    %c0_i32 = arith.constant 0 : i32
    %c0_i32_0 = arith.constant 0 : i32
    %c0_i32_1 = arith.constant 0 : i32
    return %c0_i32, %c0_i32_0 : i32, i32
  }
  func.func @transform_7(%arg0: i32) -> (i32, i32) {
    %c0_i32 = arith.constant 0 : i32
    %c0_i32_0 = arith.constant 0 : i32
    %c0_i32_1 = arith.constant 0 : i32
    return %c0_i32, %c0_i32_0 : i32, i32
  }
  func.func @transform_8(%arg0: i32) -> (i32, i32) {
    %c0_i32 = arith.constant 0 : i32
    %c0_i32_0 = arith.constant 0 : i32
    return %arg0, %c0_i32 : i32, i32
  }
  func.func @transform_9(%arg0: i32) -> (i32, i32) {
    %c0_i32 = arith.constant 0 : i32
    %c0_i32_0 = arith.constant 0 : i32
    return %arg0, %c0_i32 : i32, i32
  }
}

module attributes {stable_mosaic.version = 14 : i64} {
  func.func @_tc_layer_body(%arg0: i32, %arg1: memref<1000x128xf32, #tpu.memory_space<vmem>>, %arg2: memref<2x1000x128xf32, #tpu.memory_space<vmem>>, %arg3: memref<128x128xf32, #tpu.memory_space<vmem>>, %arg4: memref<128x128xf32, #tpu.memory_space<vmem>>, %arg5: memref<1x128xf32, #tpu.memory_space<vmem>>, %arg6: memref<1x128xf32, #tpu.memory_space<vmem>>, %arg7: memref<128x128xf32, #tpu.memory_space<vmem>>, %arg8: memref<1x128xf32, #tpu.memory_space<vmem>>, %arg9: memref<1000x128xf32, #tpu.memory_space<vmem>>, %arg10: memref<1000x128xf32, #tpu.memory_space<vmem>>) attributes {dimension_semantics = [#tpu.dimension_semantics<arbitrary>], iteration_bounds = array<i64: 10>, scalar_prefetch = 0 : i64, scratch_operands = 0 : i64, tpu.core_type = #tpu.core_type<tc>, window_params = [{transform_indices = @transform_0, window_bounds = array<i64: 1000, 128>}, {transform_indices = @transform_1, window_bounds = array<i64: 2, 1000, 128>}, {pipeline_mode = #tpu.pipeline_mode<synchronous>, transform_indices = @transform_2, window_bounds = array<i64: 128, 128>}, {pipeline_mode = #tpu.pipeline_mode<synchronous>, transform_indices = @transform_3, window_bounds = array<i64: 128, 128>}, {pipeline_mode = #tpu.pipeline_mode<synchronous>, transform_indices = @transform_4, window_bounds = array<i64: 1, 128>}, {pipeline_mode = #tpu.pipeline_mode<synchronous>, transform_indices = @transform_5, window_bounds = array<i64: 1, 128>}, {pipeline_mode = #tpu.pipeline_mode<synchronous>, transform_indices = @transform_6, window_bounds = array<i64: 128, 128>}, {pipeline_mode = #tpu.pipeline_mode<synchronous>, transform_indices = @transform_7, window_bounds = array<i64: 1, 128>}, {transform_indices = @transform_8, window_bounds = array<i64: 1000, 128>}, {transform_indices = @transform_9, window_bounds = array<i64: 1000, 128>}]} {
    %get3A = arith.constant 0 : index
    %get3A_0 = arith.constant 0 : index
    %get3A_1 = arith.constant 0 : index
    %get3A_2 = vector.load %arg2[%get3A, %get3A_0, %get3A_1] : memref<2x1000x128xf32, #tpu.memory_space<vmem>>, vector<1x1000x128xf32>
    %get3A_3 = vector.shape_cast %get3A_2 : vector<1x1000x128xf32> to vector<1000x128xf32>
    %get3A_4 = arith.constant 1 : index
    %get3A_5 = arith.constant 0 : index
    %get3A_6 = arith.constant 0 : index
    %get3A_7 = vector.load %arg2[%get3A_4, %get3A_5, %get3A_6] : memref<2x1000x128xf32, #tpu.memory_space<vmem>>, vector<1x1000x128xf32>
    %get3A_8 = vector.shape_cast %get3A_7 : vector<1x1000x128xf32> to vector<1000x128xf32>
    %add3A = arith.addf %get3A_3, %get3A_8 : vector<1000x128xf32>
    %get3A_9 = arith.constant 0 : index
    %get3A_10 = arith.constant 0 : index
    %get3A_11 = vector.load %arg3[%get3A_9, %get3A_10] : memref<128x128xf32, #tpu.memory_space<vmem>>, vector<128x128xf32>
    %dot_general3A = arith.constant dense<0.000000e+00> : vector<1000x128xf32>
    %dot_general3A_12 = tpu.matmul %add3A, %get3A_11, %dot_general3A {dimension_numbers = #tpu.dot_dimension_numbers<[1], [0], [0], [1], [0, 0, 1, 1], [], []>, precision = #tpu.contract_precision<fp32>, transpose_lhs_hint = false} : vector<1000x128xf32>, vector<128x128xf32>, vector<1000x128xf32> -> vector<1000x128xf32>
    %iota3A = tpu.iota {dimensions = array<i32: 1>} : vector<1000x128xi32>
    %and3A = arith.constant 1 : i32
    %and3A_13 = vector.broadcast %and3A : i32 to vector<1000x128xi32>
    %and3A_14 = arith.andi %iota3A, %and3A_13 : vector<1000x128xi32>
    %ne3A = arith.constant 0 : i32
    %ne3A_15 = vector.broadcast %ne3A : i32 to vector<1000x128xi32>
    %ne3A_16 = arith.cmpi ne, %and3A_14, %ne3A_15 : vector<1000x128xi32>
    %roll3A = arith.constant 1 : i32
    %roll3A_17 = tpu.dynamic_rotate %dot_general3A_12 by %roll3A dim 1 : vector<1000x128xf32>, i32 -> vector<1000x128xf32>
    %roll3A_18 = arith.constant 127 : i32
    %roll3A_19 = tpu.dynamic_rotate %dot_general3A_12 by %roll3A_18 dim 1 : vector<1000x128xf32>, i32 -> vector<1000x128xf32>
    %select_n3A = arith.select %ne3A_16, %roll3A_17, %roll3A_19 : vector<1000x128xi1>, vector<1000x128xf32>
    %not3A = arith.constant dense<true> : vector<1000x128xi1>
    %not3A_20 = arith.xori %ne3A_16, %not3A : vector<1000x128xi1>
    %and3A_21 = arith.constant 2 : i32
    %and3A_22 = vector.broadcast %and3A_21 : i32 to vector<1000x128xi32>
    %and3A_23 = arith.andi %iota3A, %and3A_22 : vector<1000x128xi32>
    %eq3A = arith.constant 0 : i32
    %eq3A_24 = vector.broadcast %eq3A : i32 to vector<1000x128xi32>
    %eq3A_25 = arith.cmpi eq, %and3A_23, %eq3A_24 : vector<1000x128xi32>
    %eq3A_26 = arith.xori %not3A_20, %eq3A_25 : vector<1000x128xi1>
    %eq3A_27 = arith.constant dense<true> : vector<1000x128xi1>
    %eq3A_28 = arith.xori %eq3A_26, %eq3A_27 : vector<1000x128xi1>
    %min3A = arith.minimumf %dot_general3A_12, %select_n3A : vector<1000x128xf32>
    %max3A = arith.maximumf %dot_general3A_12, %select_n3A : vector<1000x128xf32>
    %select_n3A_29 = arith.select %eq3A_28, %min3A, %max3A : vector<1000x128xi1>, vector<1000x128xf32>
    %and3A_30 = arith.constant 2 : i32
    %and3A_31 = vector.broadcast %and3A_30 : i32 to vector<1000x128xi32>
    %and3A_32 = arith.andi %iota3A, %and3A_31 : vector<1000x128xi32>
    %ne3A_33 = arith.constant 0 : i32
    %ne3A_34 = vector.broadcast %ne3A_33 : i32 to vector<1000x128xi32>
    %ne3A_35 = arith.cmpi ne, %and3A_32, %ne3A_34 : vector<1000x128xi32>
    %roll3A_36 = arith.constant 2 : i32
    %roll3A_37 = tpu.dynamic_rotate %select_n3A_29 by %roll3A_36 dim 1 : vector<1000x128xf32>, i32 -> vector<1000x128xf32>
    %roll3A_38 = arith.constant 126 : i32
    %roll3A_39 = tpu.dynamic_rotate %select_n3A_29 by %roll3A_38 dim 1 : vector<1000x128xf32>, i32 -> vector<1000x128xf32>
    %select_n3A_40 = arith.select %ne3A_35, %roll3A_37, %roll3A_39 : vector<1000x128xi1>, vector<1000x128xf32>
    %not3A_41 = arith.constant dense<true> : vector<1000x128xi1>
    %not3A_42 = arith.xori %ne3A_35, %not3A_41 : vector<1000x128xi1>
    %and3A_43 = arith.constant 4 : i32
    %and3A_44 = vector.broadcast %and3A_43 : i32 to vector<1000x128xi32>
    %and3A_45 = arith.andi %iota3A, %and3A_44 : vector<1000x128xi32>
    %eq3A_46 = arith.constant 0 : i32
    %eq3A_47 = vector.broadcast %eq3A_46 : i32 to vector<1000x128xi32>
    %eq3A_48 = arith.cmpi eq, %and3A_45, %eq3A_47 : vector<1000x128xi32>
    %eq3A_49 = arith.xori %not3A_42, %eq3A_48 : vector<1000x128xi1>
    %eq3A_50 = arith.constant dense<true> : vector<1000x128xi1>
    %eq3A_51 = arith.xori %eq3A_49, %eq3A_50 : vector<1000x128xi1>
    %min3A_52 = arith.minimumf %select_n3A_29, %select_n3A_40 : vector<1000x128xf32>
    %max3A_53 = arith.maximumf %select_n3A_29, %select_n3A_40 : vector<1000x128xf32>
    %select_n3A_54 = arith.select %eq3A_51, %min3A_52, %max3A_53 : vector<1000x128xi1>, vector<1000x128xf32>
    %and3A_55 = arith.constant 1 : i32
    %and3A_56 = vector.broadcast %and3A_55 : i32 to vector<1000x128xi32>
    %and3A_57 = arith.andi %iota3A, %and3A_56 : vector<1000x128xi32>
    %ne3A_58 = arith.constant 0 : i32
    %ne3A_59 = vector.broadcast %ne3A_58 : i32 to vector<1000x128xi32>
    %ne3A_60 = arith.cmpi ne, %and3A_57, %ne3A_59 : vector<1000x128xi32>
    %roll3A_61 = arith.constant 1 : i32
    %roll3A_62 = tpu.dynamic_rotate %select_n3A_54 by %roll3A_61 dim 1 : vector<1000x128xf32>, i32 -> vector<1000x128xf32>
    %roll3A_63 = arith.constant 127 : i32
    %roll3A_64 = tpu.dynamic_rotate %select_n3A_54 by %roll3A_63 dim 1 : vector<1000x128xf32>, i32 -> vector<1000x128xf32>
    %select_n3A_65 = arith.select %ne3A_60, %roll3A_62, %roll3A_64 : vector<1000x128xi1>, vector<1000x128xf32>
    %not3A_66 = arith.constant dense<true> : vector<1000x128xi1>
    %not3A_67 = arith.xori %ne3A_60, %not3A_66 : vector<1000x128xi1>
    %and3A_68 = arith.constant 4 : i32
    %and3A_69 = vector.broadcast %and3A_68 : i32 to vector<1000x128xi32>
    %and3A_70 = arith.andi %iota3A, %and3A_69 : vector<1000x128xi32>
    %eq3A_71 = arith.constant 0 : i32
    %eq3A_72 = vector.broadcast %eq3A_71 : i32 to vector<1000x128xi32>
    %eq3A_73 = arith.cmpi eq, %and3A_70, %eq3A_72 : vector<1000x128xi32>
    %eq3A_74 = arith.xori %not3A_67, %eq3A_73 : vector<1000x128xi1>
    %eq3A_75 = arith.constant dense<true> : vector<1000x128xi1>
    %eq3A_76 = arith.xori %eq3A_74, %eq3A_75 : vector<1000x128xi1>
    %min3A_77 = arith.minimumf %select_n3A_54, %select_n3A_65 : vector<1000x128xf32>
    %max3A_78 = arith.maximumf %select_n3A_54, %select_n3A_65 : vector<1000x128xf32>
    %select_n3A_79 = arith.select %eq3A_76, %min3A_77, %max3A_78 : vector<1000x128xi1>, vector<1000x128xf32>
    %and3A_80 = arith.constant 4 : i32
    %and3A_81 = vector.broadcast %and3A_80 : i32 to vector<1000x128xi32>
    %and3A_82 = arith.andi %iota3A, %and3A_81 : vector<1000x128xi32>
    %ne3A_83 = arith.constant 0 : i32
    %ne3A_84 = vector.broadcast %ne3A_83 : i32 to vector<1000x128xi32>
    %ne3A_85 = arith.cmpi ne, %and3A_82, %ne3A_84 : vector<1000x128xi32>
    %roll3A_86 = arith.constant 4 : i32
    %roll3A_87 = tpu.dynamic_rotate %select_n3A_79 by %roll3A_86 dim 1 : vector<1000x128xf32>, i32 -> vector<1000x128xf32>
    %roll3A_88 = arith.constant 124 : i32
    %roll3A_89 = tpu.dynamic_rotate %select_n3A_79 by %roll3A_88 dim 1 : vector<1000x128xf32>, i32 -> vector<1000x128xf32>
    %select_n3A_90 = arith.select %ne3A_85, %roll3A_87, %roll3A_89 : vector<1000x128xi1>, vector<1000x128xf32>
    %not3A_91 = arith.constant dense<true> : vector<1000x128xi1>
    %not3A_92 = arith.xori %ne3A_85, %not3A_91 : vector<1000x128xi1>
    %and3A_93 = arith.constant 8 : i32
    %and3A_94 = vector.broadcast %and3A_93 : i32 to vector<1000x128xi32>
    %and3A_95 = arith.andi %iota3A, %and3A_94 : vector<1000x128xi32>
    %eq3A_96 = arith.constant 0 : i32
    %eq3A_97 = vector.broadcast %eq3A_96 : i32 to vector<1000x128xi32>
    %eq3A_98 = arith.cmpi eq, %and3A_95, %eq3A_97 : vector<1000x128xi32>
    %eq3A_99 = arith.xori %not3A_92, %eq3A_98 : vector<1000x128xi1>
    %eq3A_100 = arith.constant dense<true> : vector<1000x128xi1>
    %eq3A_101 = arith.xori %eq3A_99, %eq3A_100 : vector<1000x128xi1>
    %min3A_102 = arith.minimumf %select_n3A_79, %select_n3A_90 : vector<1000x128xf32>
    %max3A_103 = arith.maximumf %select_n3A_79, %select_n3A_90 : vector<1000x128xf32>
    %select_n3A_104 = arith.select %eq3A_101, %min3A_102, %max3A_103 : vector<1000x128xi1>, vector<1000x128xf32>
    %and3A_105 = arith.constant 2 : i32
    %and3A_106 = vector.broadcast %and3A_105 : i32 to vector<1000x128xi32>
    %and3A_107 = arith.andi %iota3A, %and3A_106 : vector<1000x128xi32>
    %ne3A_108 = arith.constant 0 : i32
    %ne3A_109 = vector.broadcast %ne3A_108 : i32 to vector<1000x128xi32>
    %ne3A_110 = arith.cmpi ne, %and3A_107, %ne3A_109 : vector<1000x128xi32>
    %roll3A_111 = arith.constant 2 : i32
    %roll3A_112 = tpu.dynamic_rotate %select_n3A_104 by %roll3A_111 dim 1 : vector<1000x128xf32>, i32 -> vector<1000x128xf32>
    %roll3A_113 = arith.constant 126 : i32
    %roll3A_114 = tpu.dynamic_rotate %select_n3A_104 by %roll3A_113 dim 1 : vector<1000x128xf32>, i32 -> vector<1000x128xf32>
    %select_n3A_115 = arith.select %ne3A_110, %roll3A_112, %roll3A_114 : vector<1000x128xi1>, vector<1000x128xf32>
    %not3A_116 = arith.constant dense<true> : vector<1000x128xi1>
    %not3A_117 = arith.xori %ne3A_110, %not3A_116 : vector<1000x128xi1>
    %and3A_118 = arith.constant 8 : i32
    %and3A_119 = vector.broadcast %and3A_118 : i32 to vector<1000x128xi32>
    %and3A_120 = arith.andi %iota3A, %and3A_119 : vector<1000x128xi32>
    %eq3A_121 = arith.constant 0 : i32
    %eq3A_122 = vector.broadcast %eq3A_121 : i32 to vector<1000x128xi32>
    %eq3A_123 = arith.cmpi eq, %and3A_120, %eq3A_122 : vector<1000x128xi32>
    %eq3A_124 = arith.xori %not3A_117, %eq3A_123 : vector<1000x128xi1>
    %eq3A_125 = arith.constant dense<true> : vector<1000x128xi1>
    %eq3A_126 = arith.xori %eq3A_124, %eq3A_125 : vector<1000x128xi1>
    %min3A_127 = arith.minimumf %select_n3A_104, %select_n3A_115 : vector<1000x128xf32>
    %max3A_128 = arith.maximumf %select_n3A_104, %select_n3A_115 : vector<1000x128xf32>
    %select_n3A_129 = arith.select %eq3A_126, %min3A_127, %max3A_128 : vector<1000x128xi1>, vector<1000x128xf32>
    %and3A_130 = arith.constant 1 : i32
    %and3A_131 = vector.broadcast %and3A_130 : i32 to vector<1000x128xi32>
    %and3A_132 = arith.andi %iota3A, %and3A_131 : vector<1000x128xi32>
    %ne3A_133 = arith.constant 0 : i32
    %ne3A_134 = vector.broadcast %ne3A_133 : i32 to vector<1000x128xi32>
    %ne3A_135 = arith.cmpi ne, %and3A_132, %ne3A_134 : vector<1000x128xi32>
    %roll3A_136 = arith.constant 1 : i32
    %roll3A_137 = tpu.dynamic_rotate %select_n3A_129 by %roll3A_136 dim 1 : vector<1000x128xf32>, i32 -> vector<1000x128xf32>
    %roll3A_138 = arith.constant 127 : i32
    %roll3A_139 = tpu.dynamic_rotate %select_n3A_129 by %roll3A_138 dim 1 : vector<1000x128xf32>, i32 -> vector<1000x128xf32>
    %select_n3A_140 = arith.select %ne3A_135, %roll3A_137, %roll3A_139 : vector<1000x128xi1>, vector<1000x128xf32>
    %not3A_141 = arith.constant dense<true> : vector<1000x128xi1>
    %not3A_142 = arith.xori %ne3A_135, %not3A_141 : vector<1000x128xi1>
    %and3A_143 = arith.constant 8 : i32
    %and3A_144 = vector.broadcast %and3A_143 : i32 to vector<1000x128xi32>
    %and3A_145 = arith.andi %iota3A, %and3A_144 : vector<1000x128xi32>
    %eq3A_146 = arith.constant 0 : i32
    %eq3A_147 = vector.broadcast %eq3A_146 : i32 to vector<1000x128xi32>
    %eq3A_148 = arith.cmpi eq, %and3A_145, %eq3A_147 : vector<1000x128xi32>
    %eq3A_149 = arith.xori %not3A_142, %eq3A_148 : vector<1000x128xi1>
    %eq3A_150 = arith.constant dense<true> : vector<1000x128xi1>
    %eq3A_151 = arith.xori %eq3A_149, %eq3A_150 : vector<1000x128xi1>
    %min3A_152 = arith.minimumf %select_n3A_129, %select_n3A_140 : vector<1000x128xf32>
    %max3A_153 = arith.maximumf %select_n3A_129, %select_n3A_140 : vector<1000x128xf32>
    %select_n3A_154 = arith.select %eq3A_151, %min3A_152, %max3A_153 : vector<1000x128xi1>, vector<1000x128xf32>
    %and3A_155 = arith.constant 8 : i32
    %and3A_156 = vector.broadcast %and3A_155 : i32 to vector<1000x128xi32>
    %and3A_157 = arith.andi %iota3A, %and3A_156 : vector<1000x128xi32>
    %ne3A_158 = arith.constant 0 : i32
    %ne3A_159 = vector.broadcast %ne3A_158 : i32 to vector<1000x128xi32>
    %ne3A_160 = arith.cmpi ne, %and3A_157, %ne3A_159 : vector<1000x128xi32>
    %roll3A_161 = arith.constant 8 : i32
    %roll3A_162 = tpu.dynamic_rotate %select_n3A_154 by %roll3A_161 dim 1 : vector<1000x128xf32>, i32 -> vector<1000x128xf32>
    %roll3A_163 = arith.constant 120 : i32
    %roll3A_164 = tpu.dynamic_rotate %select_n3A_154 by %roll3A_163 dim 1 : vector<1000x128xf32>, i32 -> vector<1000x128xf32>
    %select_n3A_165 = arith.select %ne3A_160, %roll3A_162, %roll3A_164 : vector<1000x128xi1>, vector<1000x128xf32>
    %not3A_166 = arith.constant dense<true> : vector<1000x128xi1>
    %not3A_167 = arith.xori %ne3A_160, %not3A_166 : vector<1000x128xi1>
    %and3A_168 = arith.constant 16 : i32
    %and3A_169 = vector.broadcast %and3A_168 : i32 to vector<1000x128xi32>
    %and3A_170 = arith.andi %iota3A, %and3A_169 : vector<1000x128xi32>
    %eq3A_171 = arith.constant 0 : i32
    %eq3A_172 = vector.broadcast %eq3A_171 : i32 to vector<1000x128xi32>
    %eq3A_173 = arith.cmpi eq, %and3A_170, %eq3A_172 : vector<1000x128xi32>
    %eq3A_174 = arith.xori %not3A_167, %eq3A_173 : vector<1000x128xi1>
    %eq3A_175 = arith.constant dense<true> : vector<1000x128xi1>
    %eq3A_176 = arith.xori %eq3A_174, %eq3A_175 : vector<1000x128xi1>
    %min3A_177 = arith.minimumf %select_n3A_154, %select_n3A_165 : vector<1000x128xf32>
    %max3A_178 = arith.maximumf %select_n3A_154, %select_n3A_165 : vector<1000x128xf32>
    %select_n3A_179 = arith.select %eq3A_176, %min3A_177, %max3A_178 : vector<1000x128xi1>, vector<1000x128xf32>
    %and3A_180 = arith.constant 4 : i32
    %and3A_181 = vector.broadcast %and3A_180 : i32 to vector<1000x128xi32>
    %and3A_182 = arith.andi %iota3A, %and3A_181 : vector<1000x128xi32>
    %ne3A_183 = arith.constant 0 : i32
    %ne3A_184 = vector.broadcast %ne3A_183 : i32 to vector<1000x128xi32>
    %ne3A_185 = arith.cmpi ne, %and3A_182, %ne3A_184 : vector<1000x128xi32>
    %roll3A_186 = arith.constant 4 : i32
    %roll3A_187 = tpu.dynamic_rotate %select_n3A_179 by %roll3A_186 dim 1 : vector<1000x128xf32>, i32 -> vector<1000x128xf32>
    %roll3A_188 = arith.constant 124 : i32
    %roll3A_189 = tpu.dynamic_rotate %select_n3A_179 by %roll3A_188 dim 1 : vector<1000x128xf32>, i32 -> vector<1000x128xf32>
    %select_n3A_190 = arith.select %ne3A_185, %roll3A_187, %roll3A_189 : vector<1000x128xi1>, vector<1000x128xf32>
    %not3A_191 = arith.constant dense<true> : vector<1000x128xi1>
    %not3A_192 = arith.xori %ne3A_185, %not3A_191 : vector<1000x128xi1>
    %and3A_193 = arith.constant 16 : i32
    %and3A_194 = vector.broadcast %and3A_193 : i32 to vector<1000x128xi32>
    %and3A_195 = arith.andi %iota3A, %and3A_194 : vector<1000x128xi32>
    %eq3A_196 = arith.constant 0 : i32
    %eq3A_197 = vector.broadcast %eq3A_196 : i32 to vector<1000x128xi32>
    %eq3A_198 = arith.cmpi eq, %and3A_195, %eq3A_197 : vector<1000x128xi32>
    %eq3A_199 = arith.xori %not3A_192, %eq3A_198 : vector<1000x128xi1>
    %eq3A_200 = arith.constant dense<true> : vector<1000x128xi1>
    %eq3A_201 = arith.xori %eq3A_199, %eq3A_200 : vector<1000x128xi1>
    %min3A_202 = arith.minimumf %select_n3A_179, %select_n3A_190 : vector<1000x128xf32>
    %max3A_203 = arith.maximumf %select_n3A_179, %select_n3A_190 : vector<1000x128xf32>
    %select_n3A_204 = arith.select %eq3A_201, %min3A_202, %max3A_203 : vector<1000x128xi1>, vector<1000x128xf32>
    %and3A_205 = arith.constant 2 : i32
    %and3A_206 = vector.broadcast %and3A_205 : i32 to vector<1000x128xi32>
    %and3A_207 = arith.andi %iota3A, %and3A_206 : vector<1000x128xi32>
    %ne3A_208 = arith.constant 0 : i32
    %ne3A_209 = vector.broadcast %ne3A_208 : i32 to vector<1000x128xi32>
    %ne3A_210 = arith.cmpi ne, %and3A_207, %ne3A_209 : vector<1000x128xi32>
    %roll3A_211 = arith.constant 2 : i32
    %roll3A_212 = tpu.dynamic_rotate %select_n3A_204 by %roll3A_211 dim 1 : vector<1000x128xf32>, i32 -> vector<1000x128xf32>
    %roll3A_213 = arith.constant 126 : i32
    %roll3A_214 = tpu.dynamic_rotate %select_n3A_204 by %roll3A_213 dim 1 : vector<1000x128xf32>, i32 -> vector<1000x128xf32>
    %select_n3A_215 = arith.select %ne3A_210, %roll3A_212, %roll3A_214 : vector<1000x128xi1>, vector<1000x128xf32>
    %not3A_216 = arith.constant dense<true> : vector<1000x128xi1>
    %not3A_217 = arith.xori %ne3A_210, %not3A_216 : vector<1000x128xi1>
    %and3A_218 = arith.constant 16 : i32
    %and3A_219 = vector.broadcast %and3A_218 : i32 to vector<1000x128xi32>
    %and3A_220 = arith.andi %iota3A, %and3A_219 : vector<1000x128xi32>
    %eq3A_221 = arith.constant 0 : i32
    %eq3A_222 = vector.broadcast %eq3A_221 : i32 to vector<1000x128xi32>
    %eq3A_223 = arith.cmpi eq, %and3A_220, %eq3A_222 : vector<1000x128xi32>
    %eq3A_224 = arith.xori %not3A_217, %eq3A_223 : vector<1000x128xi1>
    %eq3A_225 = arith.constant dense<true> : vector<1000x128xi1>
    %eq3A_226 = arith.xori %eq3A_224, %eq3A_225 : vector<1000x128xi1>
    %min3A_227 = arith.minimumf %select_n3A_204, %select_n3A_215 : vector<1000x128xf32>
    %max3A_228 = arith.maximumf %select_n3A_204, %select_n3A_215 : vector<1000x128xf32>
    %select_n3A_229 = arith.select %eq3A_226, %min3A_227, %max3A_228 : vector<1000x128xi1>, vector<1000x128xf32>
    %and3A_230 = arith.constant 1 : i32
    %and3A_231 = vector.broadcast %and3A_230 : i32 to vector<1000x128xi32>
    %and3A_232 = arith.andi %iota3A, %and3A_231 : vector<1000x128xi32>
    %ne3A_233 = arith.constant 0 : i32
    %ne3A_234 = vector.broadcast %ne3A_233 : i32 to vector<1000x128xi32>
    %ne3A_235 = arith.cmpi ne, %and3A_232, %ne3A_234 : vector<1000x128xi32>
    %roll3A_236 = arith.constant 1 : i32
    %roll3A_237 = tpu.dynamic_rotate %select_n3A_229 by %roll3A_236 dim 1 : vector<1000x128xf32>, i32 -> vector<1000x128xf32>
    %roll3A_238 = arith.constant 127 : i32
    %roll3A_239 = tpu.dynamic_rotate %select_n3A_229 by %roll3A_238 dim 1 : vector<1000x128xf32>, i32 -> vector<1000x128xf32>
    %select_n3A_240 = arith.select %ne3A_235, %roll3A_237, %roll3A_239 : vector<1000x128xi1>, vector<1000x128xf32>
    %not3A_241 = arith.constant dense<true> : vector<1000x128xi1>
    %not3A_242 = arith.xori %ne3A_235, %not3A_241 : vector<1000x128xi1>
    %and3A_243 = arith.constant 16 : i32
    %and3A_244 = vector.broadcast %and3A_243 : i32 to vector<1000x128xi32>
    %and3A_245 = arith.andi %iota3A, %and3A_244 : vector<1000x128xi32>
    %eq3A_246 = arith.constant 0 : i32
    %eq3A_247 = vector.broadcast %eq3A_246 : i32 to vector<1000x128xi32>
    %eq3A_248 = arith.cmpi eq, %and3A_245, %eq3A_247 : vector<1000x128xi32>
    %eq3A_249 = arith.xori %not3A_242, %eq3A_248 : vector<1000x128xi1>
    %eq3A_250 = arith.constant dense<true> : vector<1000x128xi1>
    %eq3A_251 = arith.xori %eq3A_249, %eq3A_250 : vector<1000x128xi1>
    %min3A_252 = arith.minimumf %select_n3A_229, %select_n3A_240 : vector<1000x128xf32>
    %max3A_253 = arith.maximumf %select_n3A_229, %select_n3A_240 : vector<1000x128xf32>
    %select_n3A_254 = arith.select %eq3A_251, %min3A_252, %max3A_253 : vector<1000x128xi1>, vector<1000x128xf32>
    %and3A_255 = arith.constant 16 : i32
    %and3A_256 = vector.broadcast %and3A_255 : i32 to vector<1000x128xi32>
    %and3A_257 = arith.andi %iota3A, %and3A_256 : vector<1000x128xi32>
    %ne3A_258 = arith.constant 0 : i32
    %ne3A_259 = vector.broadcast %ne3A_258 : i32 to vector<1000x128xi32>
    %ne3A_260 = arith.cmpi ne, %and3A_257, %ne3A_259 : vector<1000x128xi32>
    %roll3A_261 = arith.constant 16 : i32
    %roll3A_262 = tpu.dynamic_rotate %select_n3A_254 by %roll3A_261 dim 1 : vector<1000x128xf32>, i32 -> vector<1000x128xf32>
    %roll3A_263 = arith.constant 112 : i32
    %roll3A_264 = tpu.dynamic_rotate %select_n3A_254 by %roll3A_263 dim 1 : vector<1000x128xf32>, i32 -> vector<1000x128xf32>
    %select_n3A_265 = arith.select %ne3A_260, %roll3A_262, %roll3A_264 : vector<1000x128xi1>, vector<1000x128xf32>
    %not3A_266 = arith.constant dense<true> : vector<1000x128xi1>
    %not3A_267 = arith.xori %ne3A_260, %not3A_266 : vector<1000x128xi1>
    %and3A_268 = arith.constant 32 : i32
    %and3A_269 = vector.broadcast %and3A_268 : i32 to vector<1000x128xi32>
    %and3A_270 = arith.andi %iota3A, %and3A_269 : vector<1000x128xi32>
    %eq3A_271 = arith.constant 0 : i32
    %eq3A_272 = vector.broadcast %eq3A_271 : i32 to vector<1000x128xi32>
    %eq3A_273 = arith.cmpi eq, %and3A_270, %eq3A_272 : vector<1000x128xi32>
    %eq3A_274 = arith.xori %not3A_267, %eq3A_273 : vector<1000x128xi1>
    %eq3A_275 = arith.constant dense<true> : vector<1000x128xi1>
    %eq3A_276 = arith.xori %eq3A_274, %eq3A_275 : vector<1000x128xi1>
    %min3A_277 = arith.minimumf %select_n3A_254, %select_n3A_265 : vector<1000x128xf32>
    %max3A_278 = arith.maximumf %select_n3A_254, %select_n3A_265 : vector<1000x128xf32>
    %select_n3A_279 = arith.select %eq3A_276, %min3A_277, %max3A_278 : vector<1000x128xi1>, vector<1000x128xf32>
    %and3A_280 = arith.constant 8 : i32
    %and3A_281 = vector.broadcast %and3A_280 : i32 to vector<1000x128xi32>
    %and3A_282 = arith.andi %iota3A, %and3A_281 : vector<1000x128xi32>
    %ne3A_283 = arith.constant 0 : i32
    %ne3A_284 = vector.broadcast %ne3A_283 : i32 to vector<1000x128xi32>
    %ne3A_285 = arith.cmpi ne, %and3A_282, %ne3A_284 : vector<1000x128xi32>
    %roll3A_286 = arith.constant 8 : i32
    %roll3A_287 = tpu.dynamic_rotate %select_n3A_279 by %roll3A_286 dim 1 : vector<1000x128xf32>, i32 -> vector<1000x128xf32>
    %roll3A_288 = arith.constant 120 : i32
    %roll3A_289 = tpu.dynamic_rotate %select_n3A_279 by %roll3A_288 dim 1 : vector<1000x128xf32>, i32 -> vector<1000x128xf32>
    %select_n3A_290 = arith.select %ne3A_285, %roll3A_287, %roll3A_289 : vector<1000x128xi1>, vector<1000x128xf32>
    %not3A_291 = arith.constant dense<true> : vector<1000x128xi1>
    %not3A_292 = arith.xori %ne3A_285, %not3A_291 : vector<1000x128xi1>
    %and3A_293 = arith.constant 32 : i32
    %and3A_294 = vector.broadcast %and3A_293 : i32 to vector<1000x128xi32>
    %and3A_295 = arith.andi %iota3A, %and3A_294 : vector<1000x128xi32>
    %eq3A_296 = arith.constant 0 : i32
    %eq3A_297 = vector.broadcast %eq3A_296 : i32 to vector<1000x128xi32>
    %eq3A_298 = arith.cmpi eq, %and3A_295, %eq3A_297 : vector<1000x128xi32>
    %eq3A_299 = arith.xori %not3A_292, %eq3A_298 : vector<1000x128xi1>
    %eq3A_300 = arith.constant dense<true> : vector<1000x128xi1>
    %eq3A_301 = arith.xori %eq3A_299, %eq3A_300 : vector<1000x128xi1>
    %min3A_302 = arith.minimumf %select_n3A_279, %select_n3A_290 : vector<1000x128xf32>
    %max3A_303 = arith.maximumf %select_n3A_279, %select_n3A_290 : vector<1000x128xf32>
    %select_n3A_304 = arith.select %eq3A_301, %min3A_302, %max3A_303 : vector<1000x128xi1>, vector<1000x128xf32>
    %and3A_305 = arith.constant 4 : i32
    %and3A_306 = vector.broadcast %and3A_305 : i32 to vector<1000x128xi32>
    %and3A_307 = arith.andi %iota3A, %and3A_306 : vector<1000x128xi32>
    %ne3A_308 = arith.constant 0 : i32
    %ne3A_309 = vector.broadcast %ne3A_308 : i32 to vector<1000x128xi32>
    %ne3A_310 = arith.cmpi ne, %and3A_307, %ne3A_309 : vector<1000x128xi32>
    %roll3A_311 = arith.constant 4 : i32
    %roll3A_312 = tpu.dynamic_rotate %select_n3A_304 by %roll3A_311 dim 1 : vector<1000x128xf32>, i32 -> vector<1000x128xf32>
    %roll3A_313 = arith.constant 124 : i32
    %roll3A_314 = tpu.dynamic_rotate %select_n3A_304 by %roll3A_313 dim 1 : vector<1000x128xf32>, i32 -> vector<1000x128xf32>
    %select_n3A_315 = arith.select %ne3A_310, %roll3A_312, %roll3A_314 : vector<1000x128xi1>, vector<1000x128xf32>
    %not3A_316 = arith.constant dense<true> : vector<1000x128xi1>
    %not3A_317 = arith.xori %ne3A_310, %not3A_316 : vector<1000x128xi1>
    %and3A_318 = arith.constant 32 : i32
    %and3A_319 = vector.broadcast %and3A_318 : i32 to vector<1000x128xi32>
    %and3A_320 = arith.andi %iota3A, %and3A_319 : vector<1000x128xi32>
    %eq3A_321 = arith.constant 0 : i32
    %eq3A_322 = vector.broadcast %eq3A_321 : i32 to vector<1000x128xi32>
    %eq3A_323 = arith.cmpi eq, %and3A_320, %eq3A_322 : vector<1000x128xi32>
    %eq3A_324 = arith.xori %not3A_317, %eq3A_323 : vector<1000x128xi1>
    %eq3A_325 = arith.constant dense<true> : vector<1000x128xi1>
    %eq3A_326 = arith.xori %eq3A_324, %eq3A_325 : vector<1000x128xi1>
    %min3A_327 = arith.minimumf %select_n3A_304, %select_n3A_315 : vector<1000x128xf32>
    %max3A_328 = arith.maximumf %select_n3A_304, %select_n3A_315 : vector<1000x128xf32>
    %select_n3A_329 = arith.select %eq3A_326, %min3A_327, %max3A_328 : vector<1000x128xi1>, vector<1000x128xf32>
    %and3A_330 = arith.constant 2 : i32
    %and3A_331 = vector.broadcast %and3A_330 : i32 to vector<1000x128xi32>
    %and3A_332 = arith.andi %iota3A, %and3A_331 : vector<1000x128xi32>
    %ne3A_333 = arith.constant 0 : i32
    %ne3A_334 = vector.broadcast %ne3A_333 : i32 to vector<1000x128xi32>
    %ne3A_335 = arith.cmpi ne, %and3A_332, %ne3A_334 : vector<1000x128xi32>
    %roll3A_336 = arith.constant 2 : i32
    %roll3A_337 = tpu.dynamic_rotate %select_n3A_329 by %roll3A_336 dim 1 : vector<1000x128xf32>, i32 -> vector<1000x128xf32>
    %roll3A_338 = arith.constant 126 : i32
    %roll3A_339 = tpu.dynamic_rotate %select_n3A_329 by %roll3A_338 dim 1 : vector<1000x128xf32>, i32 -> vector<1000x128xf32>
    %select_n3A_340 = arith.select %ne3A_335, %roll3A_337, %roll3A_339 : vector<1000x128xi1>, vector<1000x128xf32>
    %not3A_341 = arith.constant dense<true> : vector<1000x128xi1>
    %not3A_342 = arith.xori %ne3A_335, %not3A_341 : vector<1000x128xi1>
    %and3A_343 = arith.constant 32 : i32
    %and3A_344 = vector.broadcast %and3A_343 : i32 to vector<1000x128xi32>
    %and3A_345 = arith.andi %iota3A, %and3A_344 : vector<1000x128xi32>
    %eq3A_346 = arith.constant 0 : i32
    %eq3A_347 = vector.broadcast %eq3A_346 : i32 to vector<1000x128xi32>
    %eq3A_348 = arith.cmpi eq, %and3A_345, %eq3A_347 : vector<1000x128xi32>
    %eq3A_349 = arith.xori %not3A_342, %eq3A_348 : vector<1000x128xi1>
    %eq3A_350 = arith.constant dense<true> : vector<1000x128xi1>
    %eq3A_351 = arith.xori %eq3A_349, %eq3A_350 : vector<1000x128xi1>
    %min3A_352 = arith.minimumf %select_n3A_329, %select_n3A_340 : vector<1000x128xf32>
    %max3A_353 = arith.maximumf %select_n3A_329, %select_n3A_340 : vector<1000x128xf32>
    %select_n3A_354 = arith.select %eq3A_351, %min3A_352, %max3A_353 : vector<1000x128xi1>, vector<1000x128xf32>
    %and3A_355 = arith.constant 1 : i32
    %and3A_356 = vector.broadcast %and3A_355 : i32 to vector<1000x128xi32>
    %and3A_357 = arith.andi %iota3A, %and3A_356 : vector<1000x128xi32>
    %ne3A_358 = arith.constant 0 : i32
    %ne3A_359 = vector.broadcast %ne3A_358 : i32 to vector<1000x128xi32>
    %ne3A_360 = arith.cmpi ne, %and3A_357, %ne3A_359 : vector<1000x128xi32>
    %roll3A_361 = arith.constant 1 : i32
    %roll3A_362 = tpu.dynamic_rotate %select_n3A_354 by %roll3A_361 dim 1 : vector<1000x128xf32>, i32 -> vector<1000x128xf32>
    %roll3A_363 = arith.constant 127 : i32
    %roll3A_364 = tpu.dynamic_rotate %select_n3A_354 by %roll3A_363 dim 1 : vector<1000x128xf32>, i32 -> vector<1000x128xf32>
    %select_n3A_365 = arith.select %ne3A_360, %roll3A_362, %roll3A_364 : vector<1000x128xi1>, vector<1000x128xf32>
    %not3A_366 = arith.constant dense<true> : vector<1000x128xi1>
    %not3A_367 = arith.xori %ne3A_360, %not3A_366 : vector<1000x128xi1>
    %and3A_368 = arith.constant 32 : i32
    %and3A_369 = vector.broadcast %and3A_368 : i32 to vector<1000x128xi32>
    %and3A_370 = arith.andi %iota3A, %and3A_369 : vector<1000x128xi32>
    %eq3A_371 = arith.constant 0 : i32
    %eq3A_372 = vector.broadcast %eq3A_371 : i32 to vector<1000x128xi32>
    %eq3A_373 = arith.cmpi eq, %and3A_370, %eq3A_372 : vector<1000x128xi32>
    %eq3A_374 = arith.xori %not3A_367, %eq3A_373 : vector<1000x128xi1>
    %eq3A_375 = arith.constant dense<true> : vector<1000x128xi1>
    %eq3A_376 = arith.xori %eq3A_374, %eq3A_375 : vector<1000x128xi1>
    %min3A_377 = arith.minimumf %select_n3A_354, %select_n3A_365 : vector<1000x128xf32>
    %max3A_378 = arith.maximumf %select_n3A_354, %select_n3A_365 : vector<1000x128xf32>
    %select_n3A_379 = arith.select %eq3A_376, %min3A_377, %max3A_378 : vector<1000x128xi1>, vector<1000x128xf32>
    %and3A_380 = arith.constant 32 : i32
    %and3A_381 = vector.broadcast %and3A_380 : i32 to vector<1000x128xi32>
    %and3A_382 = arith.andi %iota3A, %and3A_381 : vector<1000x128xi32>
    %ne3A_383 = arith.constant 0 : i32
    %ne3A_384 = vector.broadcast %ne3A_383 : i32 to vector<1000x128xi32>
    %ne3A_385 = arith.cmpi ne, %and3A_382, %ne3A_384 : vector<1000x128xi32>
    %roll3A_386 = arith.constant 32 : i32
    %roll3A_387 = tpu.dynamic_rotate %select_n3A_379 by %roll3A_386 dim 1 : vector<1000x128xf32>, i32 -> vector<1000x128xf32>
    %roll3A_388 = arith.constant 96 : i32
    %roll3A_389 = tpu.dynamic_rotate %select_n3A_379 by %roll3A_388 dim 1 : vector<1000x128xf32>, i32 -> vector<1000x128xf32>
    %select_n3A_390 = arith.select %ne3A_385, %roll3A_387, %roll3A_389 : vector<1000x128xi1>, vector<1000x128xf32>
    %not3A_391 = arith.constant dense<true> : vector<1000x128xi1>
    %not3A_392 = arith.xori %ne3A_385, %not3A_391 : vector<1000x128xi1>
    %and3A_393 = arith.constant 64 : i32
    %and3A_394 = vector.broadcast %and3A_393 : i32 to vector<1000x128xi32>
    %and3A_395 = arith.andi %iota3A, %and3A_394 : vector<1000x128xi32>
    %eq3A_396 = arith.constant 0 : i32
    %eq3A_397 = vector.broadcast %eq3A_396 : i32 to vector<1000x128xi32>
    %eq3A_398 = arith.cmpi eq, %and3A_395, %eq3A_397 : vector<1000x128xi32>
    %eq3A_399 = arith.xori %not3A_392, %eq3A_398 : vector<1000x128xi1>
    %eq3A_400 = arith.constant dense<true> : vector<1000x128xi1>
    %eq3A_401 = arith.xori %eq3A_399, %eq3A_400 : vector<1000x128xi1>
    %min3A_402 = arith.minimumf %select_n3A_379, %select_n3A_390 : vector<1000x128xf32>
    %max3A_403 = arith.maximumf %select_n3A_379, %select_n3A_390 : vector<1000x128xf32>
    %select_n3A_404 = arith.select %eq3A_401, %min3A_402, %max3A_403 : vector<1000x128xi1>, vector<1000x128xf32>
    %and3A_405 = arith.constant 16 : i32
    %and3A_406 = vector.broadcast %and3A_405 : i32 to vector<1000x128xi32>
    %and3A_407 = arith.andi %iota3A, %and3A_406 : vector<1000x128xi32>
    %ne3A_408 = arith.constant 0 : i32
    %ne3A_409 = vector.broadcast %ne3A_408 : i32 to vector<1000x128xi32>
    %ne3A_410 = arith.cmpi ne, %and3A_407, %ne3A_409 : vector<1000x128xi32>
    %roll3A_411 = arith.constant 16 : i32
    %roll3A_412 = tpu.dynamic_rotate %select_n3A_404 by %roll3A_411 dim 1 : vector<1000x128xf32>, i32 -> vector<1000x128xf32>
    %roll3A_413 = arith.constant 112 : i32
    %roll3A_414 = tpu.dynamic_rotate %select_n3A_404 by %roll3A_413 dim 1 : vector<1000x128xf32>, i32 -> vector<1000x128xf32>
    %select_n3A_415 = arith.select %ne3A_410, %roll3A_412, %roll3A_414 : vector<1000x128xi1>, vector<1000x128xf32>
    %not3A_416 = arith.constant dense<true> : vector<1000x128xi1>
    %not3A_417 = arith.xori %ne3A_410, %not3A_416 : vector<1000x128xi1>
    %and3A_418 = arith.constant 64 : i32
    %and3A_419 = vector.broadcast %and3A_418 : i32 to vector<1000x128xi32>
    %and3A_420 = arith.andi %iota3A, %and3A_419 : vector<1000x128xi32>
    %eq3A_421 = arith.constant 0 : i32
    %eq3A_422 = vector.broadcast %eq3A_421 : i32 to vector<1000x128xi32>
    %eq3A_423 = arith.cmpi eq, %and3A_420, %eq3A_422 : vector<1000x128xi32>
    %eq3A_424 = arith.xori %not3A_417, %eq3A_423 : vector<1000x128xi1>
    %eq3A_425 = arith.constant dense<true> : vector<1000x128xi1>
    %eq3A_426 = arith.xori %eq3A_424, %eq3A_425 : vector<1000x128xi1>
    %min3A_427 = arith.minimumf %select_n3A_404, %select_n3A_415 : vector<1000x128xf32>
    %max3A_428 = arith.maximumf %select_n3A_404, %select_n3A_415 : vector<1000x128xf32>
    %select_n3A_429 = arith.select %eq3A_426, %min3A_427, %max3A_428 : vector<1000x128xi1>, vector<1000x128xf32>
    %and3A_430 = arith.constant 8 : i32
    %and3A_431 = vector.broadcast %and3A_430 : i32 to vector<1000x128xi32>
    %and3A_432 = arith.andi %iota3A, %and3A_431 : vector<1000x128xi32>
    %ne3A_433 = arith.constant 0 : i32
    %ne3A_434 = vector.broadcast %ne3A_433 : i32 to vector<1000x128xi32>
    %ne3A_435 = arith.cmpi ne, %and3A_432, %ne3A_434 : vector<1000x128xi32>
    %roll3A_436 = arith.constant 8 : i32
    %roll3A_437 = tpu.dynamic_rotate %select_n3A_429 by %roll3A_436 dim 1 : vector<1000x128xf32>, i32 -> vector<1000x128xf32>
    %roll3A_438 = arith.constant 120 : i32
    %roll3A_439 = tpu.dynamic_rotate %select_n3A_429 by %roll3A_438 dim 1 : vector<1000x128xf32>, i32 -> vector<1000x128xf32>
    %select_n3A_440 = arith.select %ne3A_435, %roll3A_437, %roll3A_439 : vector<1000x128xi1>, vector<1000x128xf32>
    %not3A_441 = arith.constant dense<true> : vector<1000x128xi1>
    %not3A_442 = arith.xori %ne3A_435, %not3A_441 : vector<1000x128xi1>
    %and3A_443 = arith.constant 64 : i32
    %and3A_444 = vector.broadcast %and3A_443 : i32 to vector<1000x128xi32>
    %and3A_445 = arith.andi %iota3A, %and3A_444 : vector<1000x128xi32>
    %eq3A_446 = arith.constant 0 : i32
    %eq3A_447 = vector.broadcast %eq3A_446 : i32 to vector<1000x128xi32>
    %eq3A_448 = arith.cmpi eq, %and3A_445, %eq3A_447 : vector<1000x128xi32>
    %eq3A_449 = arith.xori %not3A_442, %eq3A_448 : vector<1000x128xi1>
    %eq3A_450 = arith.constant dense<true> : vector<1000x128xi1>
    %eq3A_451 = arith.xori %eq3A_449, %eq3A_450 : vector<1000x128xi1>
    %min3A_452 = arith.minimumf %select_n3A_429, %select_n3A_440 : vector<1000x128xf32>
    %max3A_453 = arith.maximumf %select_n3A_429, %select_n3A_440 : vector<1000x128xf32>
    %select_n3A_454 = arith.select %eq3A_451, %min3A_452, %max3A_453 : vector<1000x128xi1>, vector<1000x128xf32>
    %and3A_455 = arith.constant 4 : i32
    %and3A_456 = vector.broadcast %and3A_455 : i32 to vector<1000x128xi32>
    %and3A_457 = arith.andi %iota3A, %and3A_456 : vector<1000x128xi32>
    %ne3A_458 = arith.constant 0 : i32
    %ne3A_459 = vector.broadcast %ne3A_458 : i32 to vector<1000x128xi32>
    %ne3A_460 = arith.cmpi ne, %and3A_457, %ne3A_459 : vector<1000x128xi32>
    %roll3A_461 = arith.constant 4 : i32
    %roll3A_462 = tpu.dynamic_rotate %select_n3A_454 by %roll3A_461 dim 1 : vector<1000x128xf32>, i32 -> vector<1000x128xf32>
    %roll3A_463 = arith.constant 124 : i32
    %roll3A_464 = tpu.dynamic_rotate %select_n3A_454 by %roll3A_463 dim 1 : vector<1000x128xf32>, i32 -> vector<1000x128xf32>
    %select_n3A_465 = arith.select %ne3A_460, %roll3A_462, %roll3A_464 : vector<1000x128xi1>, vector<1000x128xf32>
    %not3A_466 = arith.constant dense<true> : vector<1000x128xi1>
    %not3A_467 = arith.xori %ne3A_460, %not3A_466 : vector<1000x128xi1>
    %and3A_468 = arith.constant 64 : i32
    %and3A_469 = vector.broadcast %and3A_468 : i32 to vector<1000x128xi32>
    %and3A_470 = arith.andi %iota3A, %and3A_469 : vector<1000x128xi32>
    %eq3A_471 = arith.constant 0 : i32
    %eq3A_472 = vector.broadcast %eq3A_471 : i32 to vector<1000x128xi32>
    %eq3A_473 = arith.cmpi eq, %and3A_470, %eq3A_472 : vector<1000x128xi32>
    %eq3A_474 = arith.xori %not3A_467, %eq3A_473 : vector<1000x128xi1>
    %eq3A_475 = arith.constant dense<true> : vector<1000x128xi1>
    %eq3A_476 = arith.xori %eq3A_474, %eq3A_475 : vector<1000x128xi1>
    %min3A_477 = arith.minimumf %select_n3A_454, %select_n3A_465 : vector<1000x128xf32>
    %max3A_478 = arith.maximumf %select_n3A_454, %select_n3A_465 : vector<1000x128xf32>
    %select_n3A_479 = arith.select %eq3A_476, %min3A_477, %max3A_478 : vector<1000x128xi1>, vector<1000x128xf32>
    %and3A_480 = arith.constant 2 : i32
    %and3A_481 = vector.broadcast %and3A_480 : i32 to vector<1000x128xi32>
    %and3A_482 = arith.andi %iota3A, %and3A_481 : vector<1000x128xi32>
    %ne3A_483 = arith.constant 0 : i32
    %ne3A_484 = vector.broadcast %ne3A_483 : i32 to vector<1000x128xi32>
    %ne3A_485 = arith.cmpi ne, %and3A_482, %ne3A_484 : vector<1000x128xi32>
    %roll3A_486 = arith.constant 2 : i32
    %roll3A_487 = tpu.dynamic_rotate %select_n3A_479 by %roll3A_486 dim 1 : vector<1000x128xf32>, i32 -> vector<1000x128xf32>
    %roll3A_488 = arith.constant 126 : i32
    %roll3A_489 = tpu.dynamic_rotate %select_n3A_479 by %roll3A_488 dim 1 : vector<1000x128xf32>, i32 -> vector<1000x128xf32>
    %select_n3A_490 = arith.select %ne3A_485, %roll3A_487, %roll3A_489 : vector<1000x128xi1>, vector<1000x128xf32>
    %not3A_491 = arith.constant dense<true> : vector<1000x128xi1>
    %not3A_492 = arith.xori %ne3A_485, %not3A_491 : vector<1000x128xi1>
    %and3A_493 = arith.constant 64 : i32
    %and3A_494 = vector.broadcast %and3A_493 : i32 to vector<1000x128xi32>
    %and3A_495 = arith.andi %iota3A, %and3A_494 : vector<1000x128xi32>
    %eq3A_496 = arith.constant 0 : i32
    %eq3A_497 = vector.broadcast %eq3A_496 : i32 to vector<1000x128xi32>
    %eq3A_498 = arith.cmpi eq, %and3A_495, %eq3A_497 : vector<1000x128xi32>
    %eq3A_499 = arith.xori %not3A_492, %eq3A_498 : vector<1000x128xi1>
    %eq3A_500 = arith.constant dense<true> : vector<1000x128xi1>
    %eq3A_501 = arith.xori %eq3A_499, %eq3A_500 : vector<1000x128xi1>
    %min3A_502 = arith.minimumf %select_n3A_479, %select_n3A_490 : vector<1000x128xf32>
    %max3A_503 = arith.maximumf %select_n3A_479, %select_n3A_490 : vector<1000x128xf32>
    %select_n3A_504 = arith.select %eq3A_501, %min3A_502, %max3A_503 : vector<1000x128xi1>, vector<1000x128xf32>
    %and3A_505 = arith.constant 1 : i32
    %and3A_506 = vector.broadcast %and3A_505 : i32 to vector<1000x128xi32>
    %and3A_507 = arith.andi %iota3A, %and3A_506 : vector<1000x128xi32>
    %ne3A_508 = arith.constant 0 : i32
    %ne3A_509 = vector.broadcast %ne3A_508 : i32 to vector<1000x128xi32>
    %ne3A_510 = arith.cmpi ne, %and3A_507, %ne3A_509 : vector<1000x128xi32>
    %roll3A_511 = arith.constant 1 : i32
    %roll3A_512 = tpu.dynamic_rotate %select_n3A_504 by %roll3A_511 dim 1 : vector<1000x128xf32>, i32 -> vector<1000x128xf32>
    %roll3A_513 = arith.constant 127 : i32
    %roll3A_514 = tpu.dynamic_rotate %select_n3A_504 by %roll3A_513 dim 1 : vector<1000x128xf32>, i32 -> vector<1000x128xf32>
    %select_n3A_515 = arith.select %ne3A_510, %roll3A_512, %roll3A_514 : vector<1000x128xi1>, vector<1000x128xf32>
    %not3A_516 = arith.constant dense<true> : vector<1000x128xi1>
    %not3A_517 = arith.xori %ne3A_510, %not3A_516 : vector<1000x128xi1>
    %and3A_518 = arith.constant 64 : i32
    %and3A_519 = vector.broadcast %and3A_518 : i32 to vector<1000x128xi32>
    %and3A_520 = arith.andi %iota3A, %and3A_519 : vector<1000x128xi32>
    %eq3A_521 = arith.constant 0 : i32
    %eq3A_522 = vector.broadcast %eq3A_521 : i32 to vector<1000x128xi32>
    %eq3A_523 = arith.cmpi eq, %and3A_520, %eq3A_522 : vector<1000x128xi32>
    %eq3A_524 = arith.xori %not3A_517, %eq3A_523 : vector<1000x128xi1>
    %eq3A_525 = arith.constant dense<true> : vector<1000x128xi1>
    %eq3A_526 = arith.xori %eq3A_524, %eq3A_525 : vector<1000x128xi1>
    %min3A_527 = arith.minimumf %select_n3A_504, %select_n3A_515 : vector<1000x128xf32>
    %max3A_528 = arith.maximumf %select_n3A_504, %select_n3A_515 : vector<1000x128xf32>
    %select_n3A_529 = arith.select %eq3A_526, %min3A_527, %max3A_528 : vector<1000x128xi1>, vector<1000x128xf32>
    %and3A_530 = arith.constant 64 : i32
    %and3A_531 = vector.broadcast %and3A_530 : i32 to vector<1000x128xi32>
    %and3A_532 = arith.andi %iota3A, %and3A_531 : vector<1000x128xi32>
    %ne3A_533 = arith.constant 0 : i32
    %ne3A_534 = vector.broadcast %ne3A_533 : i32 to vector<1000x128xi32>
    %ne3A_535 = arith.cmpi ne, %and3A_532, %ne3A_534 : vector<1000x128xi32>
    %roll3A_536 = arith.constant 64 : i32
    %roll3A_537 = tpu.dynamic_rotate %select_n3A_529 by %roll3A_536 dim 1 : vector<1000x128xf32>, i32 -> vector<1000x128xf32>
    %roll3A_538 = arith.constant 64 : i32
    %roll3A_539 = tpu.dynamic_rotate %select_n3A_529 by %roll3A_538 dim 1 : vector<1000x128xf32>, i32 -> vector<1000x128xf32>
    %select_n3A_540 = arith.select %ne3A_535, %roll3A_537, %roll3A_539 : vector<1000x128xi1>, vector<1000x128xf32>
    %not3A_541 = arith.constant dense<true> : vector<1000x128xi1>
    %not3A_542 = arith.xori %ne3A_535, %not3A_541 : vector<1000x128xi1>
    %and3A_543 = arith.constant 128 : i32
    %and3A_544 = vector.broadcast %and3A_543 : i32 to vector<1000x128xi32>
    %and3A_545 = arith.andi %iota3A, %and3A_544 : vector<1000x128xi32>
    %eq3A_546 = arith.constant 0 : i32
    %eq3A_547 = vector.broadcast %eq3A_546 : i32 to vector<1000x128xi32>
    %eq3A_548 = arith.cmpi eq, %and3A_545, %eq3A_547 : vector<1000x128xi32>
    %eq3A_549 = arith.xori %not3A_542, %eq3A_548 : vector<1000x128xi1>
    %eq3A_550 = arith.constant dense<true> : vector<1000x128xi1>
    %eq3A_551 = arith.xori %eq3A_549, %eq3A_550 : vector<1000x128xi1>
    %min3A_552 = arith.minimumf %select_n3A_529, %select_n3A_540 : vector<1000x128xf32>
    %max3A_553 = arith.maximumf %select_n3A_529, %select_n3A_540 : vector<1000x128xf32>
    %select_n3A_554 = arith.select %eq3A_551, %min3A_552, %max3A_553 : vector<1000x128xi1>, vector<1000x128xf32>
    %and3A_555 = arith.constant 32 : i32
    %and3A_556 = vector.broadcast %and3A_555 : i32 to vector<1000x128xi32>
    %and3A_557 = arith.andi %iota3A, %and3A_556 : vector<1000x128xi32>
    %ne3A_558 = arith.constant 0 : i32
    %ne3A_559 = vector.broadcast %ne3A_558 : i32 to vector<1000x128xi32>
    %ne3A_560 = arith.cmpi ne, %and3A_557, %ne3A_559 : vector<1000x128xi32>
    %roll3A_561 = arith.constant 32 : i32
    %roll3A_562 = tpu.dynamic_rotate %select_n3A_554 by %roll3A_561 dim 1 : vector<1000x128xf32>, i32 -> vector<1000x128xf32>
    %roll3A_563 = arith.constant 96 : i32
    %roll3A_564 = tpu.dynamic_rotate %select_n3A_554 by %roll3A_563 dim 1 : vector<1000x128xf32>, i32 -> vector<1000x128xf32>
    %select_n3A_565 = arith.select %ne3A_560, %roll3A_562, %roll3A_564 : vector<1000x128xi1>, vector<1000x128xf32>
    %not3A_566 = arith.constant dense<true> : vector<1000x128xi1>
    %not3A_567 = arith.xori %ne3A_560, %not3A_566 : vector<1000x128xi1>
    %and3A_568 = arith.constant 128 : i32
    %and3A_569 = vector.broadcast %and3A_568 : i32 to vector<1000x128xi32>
    %and3A_570 = arith.andi %iota3A, %and3A_569 : vector<1000x128xi32>
    %eq3A_571 = arith.constant 0 : i32
    %eq3A_572 = vector.broadcast %eq3A_571 : i32 to vector<1000x128xi32>
    %eq3A_573 = arith.cmpi eq, %and3A_570, %eq3A_572 : vector<1000x128xi32>
    %eq3A_574 = arith.xori %not3A_567, %eq3A_573 : vector<1000x128xi1>
    %eq3A_575 = arith.constant dense<true> : vector<1000x128xi1>
    %eq3A_576 = arith.xori %eq3A_574, %eq3A_575 : vector<1000x128xi1>
    %min3A_577 = arith.minimumf %select_n3A_554, %select_n3A_565 : vector<1000x128xf32>
    %max3A_578 = arith.maximumf %select_n3A_554, %select_n3A_565 : vector<1000x128xf32>
    %select_n3A_579 = arith.select %eq3A_576, %min3A_577, %max3A_578 : vector<1000x128xi1>, vector<1000x128xf32>
    %and3A_580 = arith.constant 16 : i32
    %and3A_581 = vector.broadcast %and3A_580 : i32 to vector<1000x128xi32>
    %and3A_582 = arith.andi %iota3A, %and3A_581 : vector<1000x128xi32>
    %ne3A_583 = arith.constant 0 : i32
    %ne3A_584 = vector.broadcast %ne3A_583 : i32 to vector<1000x128xi32>
    %ne3A_585 = arith.cmpi ne, %and3A_582, %ne3A_584 : vector<1000x128xi32>
    %roll3A_586 = arith.constant 16 : i32
    %roll3A_587 = tpu.dynamic_rotate %select_n3A_579 by %roll3A_586 dim 1 : vector<1000x128xf32>, i32 -> vector<1000x128xf32>
    %roll3A_588 = arith.constant 112 : i32
    %roll3A_589 = tpu.dynamic_rotate %select_n3A_579 by %roll3A_588 dim 1 : vector<1000x128xf32>, i32 -> vector<1000x128xf32>
    %select_n3A_590 = arith.select %ne3A_585, %roll3A_587, %roll3A_589 : vector<1000x128xi1>, vector<1000x128xf32>
    %not3A_591 = arith.constant dense<true> : vector<1000x128xi1>
    %not3A_592 = arith.xori %ne3A_585, %not3A_591 : vector<1000x128xi1>
    %and3A_593 = arith.constant 128 : i32
    %and3A_594 = vector.broadcast %and3A_593 : i32 to vector<1000x128xi32>
    %and3A_595 = arith.andi %iota3A, %and3A_594 : vector<1000x128xi32>
    %eq3A_596 = arith.constant 0 : i32
    %eq3A_597 = vector.broadcast %eq3A_596 : i32 to vector<1000x128xi32>
    %eq3A_598 = arith.cmpi eq, %and3A_595, %eq3A_597 : vector<1000x128xi32>
    %eq3A_599 = arith.xori %not3A_592, %eq3A_598 : vector<1000x128xi1>
    %eq3A_600 = arith.constant dense<true> : vector<1000x128xi1>
    %eq3A_601 = arith.xori %eq3A_599, %eq3A_600 : vector<1000x128xi1>
    %min3A_602 = arith.minimumf %select_n3A_579, %select_n3A_590 : vector<1000x128xf32>
    %max3A_603 = arith.maximumf %select_n3A_579, %select_n3A_590 : vector<1000x128xf32>
    %select_n3A_604 = arith.select %eq3A_601, %min3A_602, %max3A_603 : vector<1000x128xi1>, vector<1000x128xf32>
    %and3A_605 = arith.constant 8 : i32
    %and3A_606 = vector.broadcast %and3A_605 : i32 to vector<1000x128xi32>
    %and3A_607 = arith.andi %iota3A, %and3A_606 : vector<1000x128xi32>
    %ne3A_608 = arith.constant 0 : i32
    %ne3A_609 = vector.broadcast %ne3A_608 : i32 to vector<1000x128xi32>
    %ne3A_610 = arith.cmpi ne, %and3A_607, %ne3A_609 : vector<1000x128xi32>
    %roll3A_611 = arith.constant 8 : i32
    %roll3A_612 = tpu.dynamic_rotate %select_n3A_604 by %roll3A_611 dim 1 : vector<1000x128xf32>, i32 -> vector<1000x128xf32>
    %roll3A_613 = arith.constant 120 : i32
    %roll3A_614 = tpu.dynamic_rotate %select_n3A_604 by %roll3A_613 dim 1 : vector<1000x128xf32>, i32 -> vector<1000x128xf32>
    %select_n3A_615 = arith.select %ne3A_610, %roll3A_612, %roll3A_614 : vector<1000x128xi1>, vector<1000x128xf32>
    %not3A_616 = arith.constant dense<true> : vector<1000x128xi1>
    %not3A_617 = arith.xori %ne3A_610, %not3A_616 : vector<1000x128xi1>
    %and3A_618 = arith.constant 128 : i32
    %and3A_619 = vector.broadcast %and3A_618 : i32 to vector<1000x128xi32>
    %and3A_620 = arith.andi %iota3A, %and3A_619 : vector<1000x128xi32>
    %eq3A_621 = arith.constant 0 : i32
    %eq3A_622 = vector.broadcast %eq3A_621 : i32 to vector<1000x128xi32>
    %eq3A_623 = arith.cmpi eq, %and3A_620, %eq3A_622 : vector<1000x128xi32>
    %eq3A_624 = arith.xori %not3A_617, %eq3A_623 : vector<1000x128xi1>
    %eq3A_625 = arith.constant dense<true> : vector<1000x128xi1>
    %eq3A_626 = arith.xori %eq3A_624, %eq3A_625 : vector<1000x128xi1>
    %min3A_627 = arith.minimumf %select_n3A_604, %select_n3A_615 : vector<1000x128xf32>
    %max3A_628 = arith.maximumf %select_n3A_604, %select_n3A_615 : vector<1000x128xf32>
    %select_n3A_629 = arith.select %eq3A_626, %min3A_627, %max3A_628 : vector<1000x128xi1>, vector<1000x128xf32>
    %and3A_630 = arith.constant 4 : i32
    %and3A_631 = vector.broadcast %and3A_630 : i32 to vector<1000x128xi32>
    %and3A_632 = arith.andi %iota3A, %and3A_631 : vector<1000x128xi32>
    %ne3A_633 = arith.constant 0 : i32
    %ne3A_634 = vector.broadcast %ne3A_633 : i32 to vector<1000x128xi32>
    %ne3A_635 = arith.cmpi ne, %and3A_632, %ne3A_634 : vector<1000x128xi32>
    %roll3A_636 = arith.constant 4 : i32
    %roll3A_637 = tpu.dynamic_rotate %select_n3A_629 by %roll3A_636 dim 1 : vector<1000x128xf32>, i32 -> vector<1000x128xf32>
    %roll3A_638 = arith.constant 124 : i32
    %roll3A_639 = tpu.dynamic_rotate %select_n3A_629 by %roll3A_638 dim 1 : vector<1000x128xf32>, i32 -> vector<1000x128xf32>
    %select_n3A_640 = arith.select %ne3A_635, %roll3A_637, %roll3A_639 : vector<1000x128xi1>, vector<1000x128xf32>
    %not3A_641 = arith.constant dense<true> : vector<1000x128xi1>
    %not3A_642 = arith.xori %ne3A_635, %not3A_641 : vector<1000x128xi1>
    %and3A_643 = arith.constant 128 : i32
    %and3A_644 = vector.broadcast %and3A_643 : i32 to vector<1000x128xi32>
    %and3A_645 = arith.andi %iota3A, %and3A_644 : vector<1000x128xi32>
    %eq3A_646 = arith.constant 0 : i32
    %eq3A_647 = vector.broadcast %eq3A_646 : i32 to vector<1000x128xi32>
    %eq3A_648 = arith.cmpi eq, %and3A_645, %eq3A_647 : vector<1000x128xi32>
    %eq3A_649 = arith.xori %not3A_642, %eq3A_648 : vector<1000x128xi1>
    %eq3A_650 = arith.constant dense<true> : vector<1000x128xi1>
    %eq3A_651 = arith.xori %eq3A_649, %eq3A_650 : vector<1000x128xi1>
    %min3A_652 = arith.minimumf %select_n3A_629, %select_n3A_640 : vector<1000x128xf32>
    %max3A_653 = arith.maximumf %select_n3A_629, %select_n3A_640 : vector<1000x128xf32>
    %select_n3A_654 = arith.select %eq3A_651, %min3A_652, %max3A_653 : vector<1000x128xi1>, vector<1000x128xf32>
    %and3A_655 = arith.constant 2 : i32
    %and3A_656 = vector.broadcast %and3A_655 : i32 to vector<1000x128xi32>
    %and3A_657 = arith.andi %iota3A, %and3A_656 : vector<1000x128xi32>
    %ne3A_658 = arith.constant 0 : i32
    %ne3A_659 = vector.broadcast %ne3A_658 : i32 to vector<1000x128xi32>
    %ne3A_660 = arith.cmpi ne, %and3A_657, %ne3A_659 : vector<1000x128xi32>
    %roll3A_661 = arith.constant 2 : i32
    %roll3A_662 = tpu.dynamic_rotate %select_n3A_654 by %roll3A_661 dim 1 : vector<1000x128xf32>, i32 -> vector<1000x128xf32>
    %roll3A_663 = arith.constant 126 : i32
    %roll3A_664 = tpu.dynamic_rotate %select_n3A_654 by %roll3A_663 dim 1 : vector<1000x128xf32>, i32 -> vector<1000x128xf32>
    %select_n3A_665 = arith.select %ne3A_660, %roll3A_662, %roll3A_664 : vector<1000x128xi1>, vector<1000x128xf32>
    %not3A_666 = arith.constant dense<true> : vector<1000x128xi1>
    %not3A_667 = arith.xori %ne3A_660, %not3A_666 : vector<1000x128xi1>
    %and3A_668 = arith.constant 128 : i32
    %and3A_669 = vector.broadcast %and3A_668 : i32 to vector<1000x128xi32>
    %and3A_670 = arith.andi %iota3A, %and3A_669 : vector<1000x128xi32>
    %eq3A_671 = arith.constant 0 : i32
    %eq3A_672 = vector.broadcast %eq3A_671 : i32 to vector<1000x128xi32>
    %eq3A_673 = arith.cmpi eq, %and3A_670, %eq3A_672 : vector<1000x128xi32>
    %eq3A_674 = arith.xori %not3A_667, %eq3A_673 : vector<1000x128xi1>
    %eq3A_675 = arith.constant dense<true> : vector<1000x128xi1>
    %eq3A_676 = arith.xori %eq3A_674, %eq3A_675 : vector<1000x128xi1>
    %min3A_677 = arith.minimumf %select_n3A_654, %select_n3A_665 : vector<1000x128xf32>
    %max3A_678 = arith.maximumf %select_n3A_654, %select_n3A_665 : vector<1000x128xf32>
    %select_n3A_679 = arith.select %eq3A_676, %min3A_677, %max3A_678 : vector<1000x128xi1>, vector<1000x128xf32>
    %and3A_680 = arith.constant 1 : i32
    %and3A_681 = vector.broadcast %and3A_680 : i32 to vector<1000x128xi32>
    %and3A_682 = arith.andi %iota3A, %and3A_681 : vector<1000x128xi32>
    %ne3A_683 = arith.constant 0 : i32
    %ne3A_684 = vector.broadcast %ne3A_683 : i32 to vector<1000x128xi32>
    %ne3A_685 = arith.cmpi ne, %and3A_682, %ne3A_684 : vector<1000x128xi32>
    %roll3A_686 = arith.constant 1 : i32
    %roll3A_687 = tpu.dynamic_rotate %select_n3A_679 by %roll3A_686 dim 1 : vector<1000x128xf32>, i32 -> vector<1000x128xf32>
    %roll3A_688 = arith.constant 127 : i32
    %roll3A_689 = tpu.dynamic_rotate %select_n3A_679 by %roll3A_688 dim 1 : vector<1000x128xf32>, i32 -> vector<1000x128xf32>
    %select_n3A_690 = arith.select %ne3A_685, %roll3A_687, %roll3A_689 : vector<1000x128xi1>, vector<1000x128xf32>
    %not3A_691 = arith.constant dense<true> : vector<1000x128xi1>
    %not3A_692 = arith.xori %ne3A_685, %not3A_691 : vector<1000x128xi1>
    %and3A_693 = arith.constant 128 : i32
    %and3A_694 = vector.broadcast %and3A_693 : i32 to vector<1000x128xi32>
    %and3A_695 = arith.andi %iota3A, %and3A_694 : vector<1000x128xi32>
    %eq3A_696 = arith.constant 0 : i32
    %eq3A_697 = vector.broadcast %eq3A_696 : i32 to vector<1000x128xi32>
    %eq3A_698 = arith.cmpi eq, %and3A_695, %eq3A_697 : vector<1000x128xi32>
    %eq3A_699 = arith.xori %not3A_692, %eq3A_698 : vector<1000x128xi1>
    %eq3A_700 = arith.constant dense<true> : vector<1000x128xi1>
    %eq3A_701 = arith.xori %eq3A_699, %eq3A_700 : vector<1000x128xi1>
    %min3A_702 = arith.minimumf %select_n3A_679, %select_n3A_690 : vector<1000x128xf32>
    %max3A_703 = arith.maximumf %select_n3A_679, %select_n3A_690 : vector<1000x128xf32>
    %select_n3A_704 = arith.select %eq3A_701, %min3A_702, %max3A_703 : vector<1000x128xi1>, vector<1000x128xf32>
    %get3A_705 = arith.constant 0 : index
    %get3A_706 = arith.constant 0 : index
    %get3A_707 = vector.load %arg1[%get3A_705, %get3A_706] : memref<1000x128xf32, #tpu.memory_space<vmem>>, vector<1000x128xf32>
    %get3A_708 = arith.constant 0 : index
    %get3A_709 = arith.constant 0 : index
    %get3A_710 = vector.load %arg4[%get3A_708, %get3A_709] : memref<128x128xf32, #tpu.memory_space<vmem>>, vector<128x128xf32>
    %dot_general3A_711 = arith.constant dense<0.000000e+00> : vector<1000x128xf32>
    %dot_general3A_712 = tpu.matmul %get3A_707, %get3A_710, %dot_general3A_711 {dimension_numbers = #tpu.dot_dimension_numbers<[1], [0], [0], [1], [0, 0, 1, 1], [], []>, precision = #tpu.contract_precision<fp32>, transpose_lhs_hint = false} : vector<1000x128xf32>, vector<128x128xf32>, vector<1000x128xf32> -> vector<1000x128xf32>
    %add3A_713 = arith.addf %select_n3A_704, %dot_general3A_712 : vector<1000x128xf32>
    %reduce_sum3A = arith.constant dense<0.000000e+00> : vector<1000xf32>
    %reduce_sum3A_714 = vector.multi_reduction <add>, %add3A_713, %reduce_sum3A [1] : vector<1000x128xf32> to vector<1000xf32>
    %broadcast_in_dim3A = vector.shape_cast %reduce_sum3A_714 : vector<1000xf32> to vector<1000x1xf32>
    %div3A = arith.constant 1.280000e+02 : f32
    %div3A_715 = vector.broadcast %div3A : f32 to vector<1000x1xf32>
    %div3A_716 = arith.divf %broadcast_in_dim3A, %div3A_715 : vector<1000x1xf32>
    %sub3A = vector.broadcast %div3A_716 : vector<1000x1xf32> to vector<1000x128xf32>
    %sub3A_717 = arith.subf %add3A_713, %sub3A : vector<1000x128xf32>
    %mul3A = arith.mulf %sub3A_717, %sub3A_717 : vector<1000x128xf32>
    %reduce_sum3A_718 = arith.constant dense<0.000000e+00> : vector<1000xf32>
    %reduce_sum3A_719 = vector.multi_reduction <add>, %mul3A, %reduce_sum3A_718 [1] : vector<1000x128xf32> to vector<1000xf32>
    %broadcast_in_dim3A_720 = vector.shape_cast %reduce_sum3A_719 : vector<1000xf32> to vector<1000x1xf32>
    %div3A_721 = arith.constant 1.280000e+02 : f32
    %div3A_722 = vector.broadcast %div3A_721 : f32 to vector<1000x1xf32>
    %div3A_723 = arith.divf %broadcast_in_dim3A_720, %div3A_722 : vector<1000x1xf32>
    %add3A_724 = arith.constant 9.99999974E-6 : f32
    %add3A_725 = vector.broadcast %add3A_724 : f32 to vector<1000x1xf32>
    %add3A_726 = arith.addf %div3A_723, %add3A_725 : vector<1000x1xf32>
    %rsqrt3A = math.rsqrt %add3A_726 : vector<1000x1xf32>
    %mul3A_727 = vector.broadcast %rsqrt3A : vector<1000x1xf32> to vector<1000x128xf32>
    %mul3A_728 = arith.mulf %sub3A_717, %mul3A_727 : vector<1000x128xf32>
    %get3A_729 = arith.constant 0 : index
    %get3A_730 = arith.constant 0 : index
    %get3A_731 = vector.load %arg5[%get3A_729, %get3A_730] : memref<1x128xf32, #tpu.memory_space<vmem>>, vector<1x128xf32>
    %mul3A_732 = vector.broadcast %get3A_731 : vector<1x128xf32> to vector<1000x128xf32>
    %mul3A_733 = arith.mulf %mul3A_728, %mul3A_732 : vector<1000x128xf32>
    %get3A_734 = arith.constant 0 : index
    %get3A_735 = arith.constant 0 : index
    %get3A_736 = vector.load %arg6[%get3A_734, %get3A_735] : memref<1x128xf32, #tpu.memory_space<vmem>>, vector<1x128xf32>
    %add3A_737 = vector.broadcast %get3A_736 : vector<1x128xf32> to vector<1000x128xf32>
    %add3A_738 = arith.addf %mul3A_733, %add3A_737 : vector<1000x128xf32>
    %get3A_739 = arith.constant 0 : index
    %get3A_740 = arith.constant 0 : index
    %get3A_741 = vector.load %arg1[%get3A_739, %get3A_740] : memref<1000x128xf32, #tpu.memory_space<vmem>>, vector<1000x128xf32>
    %add3A_742 = arith.addf %add3A_738, %get3A_741 : vector<1000x128xf32>
    %swap3A = arith.constant 0 : index
    %swap3A_743 = arith.constant 0 : index
    %swap3A_744 = vector.load %arg10[%swap3A, %swap3A_743] : memref<1000x128xf32, #tpu.memory_space<vmem>>, vector<1000x128xf32>
    tpu.vector_store %arg10[%swap3A, %swap3A_743], %add3A_742 {strides = array<i32>} : memref<1000x128xf32, #tpu.memory_space<vmem>>, vector<1000x128xf32>,
    %get3A_745 = arith.constant 0 : index
    %get3A_746 = arith.constant 0 : index
    %get3A_747 = vector.load %arg7[%get3A_745, %get3A_746] : memref<128x128xf32, #tpu.memory_space<vmem>>, vector<128x128xf32>
    %dot_general3A_748 = arith.constant dense<0.000000e+00> : vector<1000x128xf32>
    %dot_general3A_749 = tpu.matmul %add3A_742, %get3A_747, %dot_general3A_748 {dimension_numbers = #tpu.dot_dimension_numbers<[1], [0], [0], [1], [0, 0, 1, 1], [], []>, precision = #tpu.contract_precision<fp32>, transpose_lhs_hint = false} : vector<1000x128xf32>, vector<128x128xf32>, vector<1000x128xf32> -> vector<1000x128xf32>
    %get3A_750 = arith.constant 0 : index
    %get3A_751 = arith.constant 0 : index
    %get3A_752 = vector.load %arg8[%get3A_750, %get3A_751] : memref<1x128xf32, #tpu.memory_space<vmem>>, vector<1x128xf32>
    %add3A_753 = vector.broadcast %get3A_752 : vector<1x128xf32> to vector<1000x128xf32>
    %add3A_754 = arith.addf %dot_general3A_749, %add3A_753 : vector<1000x128xf32>
    %swap3A_755 = arith.constant 0 : index
    %swap3A_756 = arith.constant 0 : index
    %swap3A_757 = vector.load %arg9[%swap3A_755, %swap3A_756] : memref<1000x128xf32, #tpu.memory_space<vmem>>, vector<1000x128xf32>
    tpu.vector_store %arg9[%swap3A_755, %swap3A_756], %add3A_754 {strides = array<i32>} : memref<1000x128xf32, #tpu.memory_space<vmem>>, vector<1000x128xf32>,
    return
  }
  func.func @transform_0(%arg0: i32) -> (i32, i32) {
    %c0_i32 = arith.constant 0 : i32
    %c0_i32_0 = arith.constant 0 : i32
    return %arg0, %c0_i32 : i32, i32
  }
  func.func @transform_1(%arg0: i32) -> (i32, i32, i32) {
    %c0_i32 = arith.constant 0 : i32
    %c0_i32_0 = arith.constant 0 : i32
    %c0_i32_1 = arith.constant 0 : i32
    return %c0_i32, %arg0, %c0_i32_0 : i32, i32, i32
  }
  func.func @transform_2(%arg0: i32) -> (i32, i32) {
    %c0_i32 = arith.constant 0 : i32
    %c0_i32_0 = arith.constant 0 : i32
    %c0_i32_1 = arith.constant 0 : i32
    return %c0_i32, %c0_i32_0 : i32, i32
  }
  func.func @transform_3(%arg0: i32) -> (i32, i32) {
    %c0_i32 = arith.constant 0 : i32
    %c0_i32_0 = arith.constant 0 : i32
    %c0_i32_1 = arith.constant 0 : i32
    return %c0_i32, %c0_i32_0 : i32, i32
  }
  func.func @transform_4(%arg0: i32) -> (i32, i32) {
    %c0_i32 = arith.constant 0 : i32
    %c0_i32_0 = arith.constant 0 : i32
    %c0_i32_1 = arith.constant 0 : i32
    return %c0_i32, %c0_i32_0 : i32, i32
  }
  func.func @transform_5(%arg0: i32) -> (i32, i32) {
    %c0_i32 = arith.constant 0 : i32
    %c0_i32_0 = arith.constant 0 : i32
    %c0_i32_1 = arith.constant 0 : i32
    return %c0_i32, %c0_i32_0 : i32, i32
  }
  func.func @transform_6(%arg0: i32) -> (i32, i32) {
    %c0_i32 = arith.constant 0 : i32
    %c0_i32_0 = arith.constant 0 : i32
    %c0_i32_1 = arith.constant 0 : i32
    return %c0_i32, %c0_i32_0 : i32, i32
  }
  func.func @transform_7(%arg0: i32) -> (i32, i32) {
    %c0_i32 = arith.constant 0 : i32
    %c0_i32_0 = arith.constant 0 : i32
    %c0_i32_1 = arith.constant 0 : i32
    return %c0_i32, %c0_i32_0 : i32, i32
  }
  func.func @transform_8(%arg0: i32) -> (i32, i32) {
    %c0_i32 = arith.constant 0 : i32
    %c0_i32_0 = arith.constant 0 : i32
    return %arg0, %c0_i32 : i32, i32
  }
  func.func @transform_9(%arg0: i32) -> (i32, i32) {
    %c0_i32 = arith.constant 0 : i32
    %c0_i32_0 = arith.constant 0 : i32
    return %arg0, %c0_i32 : i32, i32
  }
}

</mosaic_0001>

<sc_bundles>
// kernel: kernel.11.cloned.1.call-start
scs
__scs_entry_jumppad:
0x0: {  	(pc) =	sbr.rel $0x88, $3  }
0x1: {  	(tag) =	ssettag $0x0;
	lr =	simm.s32 $0x1  }
0x2: {  	[smem:$0x3F99] =	sst lr;
	_ =	strace $0xD0000000  }
0x3: {  	_ = 	snop  }
0x4: {  	_ = 	snop  }
0x5: {  	_ = 	snop  }
0x6: {  	_ = 	snop  }
0x7: {  	_ = 	snop  }
__scs_overlays_trampoline_lowered:
0x8: {  	[smem:$0x3FA8] =	sst s0  }
0x9: {  	[smem:$0x3FA9] =	sst s1  }
0xa: {  	[smem:$0x3FAA] =	sst s2  }
0xb: {  	[smem:$0x3FAB] =	sst s3  }
0xc: {  	[smem:$0x3FAC] =	sst s4  }
0xd: {  	[smem:$0x3FAD] =	sst s5  }
0xe: {  	[smem:$0x3FAE] =	sst s6  }
0xf: {  	[smem:$0x3FAF] =	sst s7  }
0x10: {  	[smem:$0x3FB0] =	sst s8  }
0x11: {  	[smem:$0x3FB1] =	sst s9;
	s0 =	simm.s32 @!p0 $0x0  }
0x12: {  	s1 =	sld [smem:$0x3F97];
	s0 =	simm.s32 @p0 $0x1  }
0x13: {  	[smem:$0x3FB2] =	sst s0;
	s0 =	simm.s32 @!p1 $0x0  }
0x14: {  	s2 =	sld [smem:$0x3F96];
	s0 =	simm.s32 @p1 $0x1  }
0x15: {  	[smem:$0x3FB3] =	sst s0;
	s0 =	simm.s32 @!p2 $0x0  }
0x16: {  	s3 =	sld [smem:$0x3FDB];
	s0 =	simm.s32 @p2 $0x1  }
0x17: {  	s4 =	simm.s32 $0x1BF5;
	[smem:$0x3FB5] =	sst s0  }
0x18: {  	s0 =	sld [smem:$0x3F98];
	_ =	swait.ge [sflag:s4], $0x0  }
0x19: {  	s7 =	sld [smem:$0x3F99]  }
0x1a: {  	s8 =	sadd.s32 $0xFFFFE003, lr  }
0x1b: {  	s9 =	sadd.s32 $0xFFFFFEF7, lr;
	s5 =	simm.s32 $0xFFFFFFFF;
	p2 =	slt.u32 s8, $0xFFFFF086  }
0x1c: {  	p1 =	slt.u32 s9, $0xF7A;
	s5 =	simm.s32 @!p2 $0x0  }
0x1d: {  	s5 =	simm.s32 @p1 $0x1;
	p0 =	seq.s32 s7, s2  }
0x1e: {  	s7 =	smul.u32 @!p0 $0xF7A, s2;
	p2 =	seq.s32 @!p0 s5, $0x0  }
0x1f: {  	s9 =	smul.u32 $0xF7A, s1;
	s8 =	simm.s32 @!p0 $0x1BF5;
	p2 =	por !p2, p0  }
0x20: {  	[sflag:s8] =	ssyncset.s32 @!p0 $0xFFFFF086;
	s6 =	sadd.s32 @!p0 s3, s7;
	s7 =	simm.s32 @!p0 $0x108  }
0x21: {  	s3 =	sadd.s32 s3, s9;
	s6 =	sadd.s32 @!p0 $0x88, s6;
	s7 =	simm.s32 @p2 $0x1082  }
0x22: {  	[simem:s7], [sflag:s8] =	dma.local @!p0 [hbm:s6], $0xF7A  }
0x23: {  	s9 =	sor.u32 $0xD0000000, s2;
	s6 =	simm.s32 $0x108;
	_ =	swait.ge @!p0 [sflag:s8], $0x0  }
0x24: {  	s3 =	sadd.s32 $0x88, s3;
	s6 =	simm.s32 @!p1 $0x1082;
	[sflag:s4] =	ssyncset.s32 $0xFFFFF086  }
0x25: {  	[simem:s6], [sflag:s4] =	dma.local [hbm:s3], $0xF7A  }
0x26: {  	[smem:$0x3F99] =	sst s1;
	(tag) =	ssettag s2;
	_ =	strace s9  }
0x27: {  	s1 =	sld [smem:$0x3FA9]  }
0x28: {  	s2 =	sld [smem:$0x3FAA]  }
0x29: {  	s4 =	sld [smem:$0x3FAC]  }
0x2a: {  	p0 =	seq.s32 s5, $0x0;
	s5 =	sld [smem:$0x3FAD]  }
0x2b: {  	s6 =	sld [smem:$0x3FAE]  }
0x2c: {  	s7 =	sld [smem:$0x3FAF]  }
0x2d: {  	s3 =	simm.s32 $0x108;
	s8 =	sld [smem:$0x3FB0]  }
0x2e: {  	s3 =	simm.s32 @!p0 $0x1082;
	s9 =	sld [smem:$0x3FB1]  }
0x2f: {  	lr =	sadd.s32 s0, s3;
	s0 =	sld [smem:$0x3FA8]  }
0x30: {  	s3 =	sld [smem:$0x3FAB]  }
0x31: {  	[smem:$0x3FB4] =	sst s10  }
0x32: {  	s10 =	sld [smem:$0x3FB2];
	_ =	sdelay $0x3  }
0x33: {  	p0 =	seq.s32 s10, $0x1;
	s10 =	sld [smem:$0x3FB4];
	_ =	sdelay $0x3  }
0x34: {  	[smem:$0x3FB4] =	sst s10  }
0x35: {  	s10 =	sld [smem:$0x3FB3];
	_ =	sdelay $0x3  }
0x36: {  	p1 =	seq.s32 s10, $0x1;
	s10 =	sld [smem:$0x3FB4];
	_ =	sdelay $0x3  }
0x37: {  	[smem:$0x3FB4] =	sst s10  }
0x38: {  	s10 =	sld [smem:$0x3FB5]  }
0x39: {  	_ = 	snop;
	(pc) =	sbr.ind lr, $3  }
0x3a: {  	_ = 	snop  }
0x3b: {  	_ = 	snop  }
0x3c: {  	p2 =	seq.s32 s10, $0x1;
	s10 =	sld [smem:$0x3FB4]  }
0x3d: {  	_ =	shalt  }
0x3e: {  	_ =	shalt  }
0x3f: {  	_ =	shalt  }
0x40: {  	_ =	shalt  }
0x41: {  	_ =	shalt  }
0x42: {  	_ =	shalt  }
0x43: {  	_ =	shalt  }
0x44: {  	_ =	shalt  }
0x45: {  	_ =	shalt  }
0x46: {  	_ =	shalt  }
0x47: {  	_ =	shalt  }
0x48: {  	_ =	shalt  }
0x49: {  	_ =	shalt  }
0x4a: {  	_ =	shalt  }
0x4b: {  	_ =	shalt  }
0x4c: {  	_ =	shalt  }
0x4d: {  	_ =	shalt  }
0x4e: {  	_ =	shalt  }
0x4f: {  	_ =	shalt  }
0x50: {  	_ =	shalt  }
0x51: {  	_ =	shalt  }
0x52: {  	_ =	shalt  }
0x53: {  	_ =	shalt  }
0x54: {  	_ =	shalt  }
0x55: {  	_ =	shalt  }
0x56: {  	_ =	shalt  }
0x57: {  	_ =	shalt  }
0x58: {  	_ =	shalt  }
0x59: {  	_ =	shalt  }
0x5a: {  	_ =	shalt  }
0x5b: {  	_ =	shalt  }
0x5c: {  	_ =	shalt  }
0x5d: {  	_ =	shalt  }
0x5e: {  	_ =	shalt  }
0x5f: {  	_ =	shalt  }
0x60: {  	_ =	shalt  }
0x61: {  	_ =	shalt  }
0x62: {  	_ =	shalt  }
0x63: {  	_ =	shalt  }
0x64: {  	_ =	shalt  }
0x65: {  	_ =	shalt  }
0x66: {  	_ =	shalt  }
0x67: {  	_ =	shalt  }
0x68: {  	_ =	shalt  }
0x69: {  	_ =	shalt  }
0x6a: {  	_ =	shalt  }
0x6b: {  	_ =	shalt  }
0x6c: {  	_ =	shalt  }
0x6d: {  	_ =	shalt  }
0x6e: {  	_ =	shalt  }
0x6f: {  	_ =	shalt  }
0x70: {  	_ =	shalt  }
0x71: {  	_ =	shalt  }
0x72: {  	_ =	shalt  }
0x73: {  	_ =	shalt  }
0x74: {  	_ =	shalt  }
0x75: {  	_ =	shalt  }
0x76: {  	_ =	shalt  }
0x77: {  	_ =	shalt  }
0x78: {  	_ =	shalt  }
0x79: {  	_ =	shalt  }
0x7a: {  	_ =	shalt  }
0x7b: {  	_ =	shalt  }
0x7c: {  	_ =	shalt  }
0x7d: {  	_ =	shalt  }
0x7e: {  	_ =	shalt  }
0x7f: {  	_ =	shalt  }
0x80: {  	_ =	shalt  }
0x81: {  	_ =	shalt  }
0x82: {  	_ =	shalt  }
0x83: {  	_ =	shalt  }
0x84: {  	_ =	shalt  }
0x85: {  	_ =	shalt  }
0x86: {  	_ =	shalt  }
0x87: {  	_ =	shalt  }
.Lfunc_end0:
.L_simem_size_0:
called_computation.1_lowered:
.L_overlay_start_0:
0x88: {  	s2 =	sld [smem:$0x3FD9]  }
0x89: {  	s3 =	sld [smem:$0x3FFE];
	_ =	sdelay $0x1  }
0x8a: {  	s1 =	srdreg.scid  }
0x8b: {  	s0 =	sand.u32 $0x1, s1  }
0x8c: {  	s17 =	sshll.u32 s0, $0xA;
	s2 =	sadd.s32 s3, s2  }
0x8d: {  	s2 =	sadd.s32 s2, s17  }
0x8e: {  	[smem:$0x3FC0] =	sst s2  }
0x8f: {  	_ = 	snop  }
0x90: {  	s2 =	sld [smem:$0x3FD0];
	(tm) =	ssettm $0x1  }
0x91: {  	s18 =	sld [smem:$0x3FFB];
	_ =	sdelay $0x3  }
0x92: {  	_ =	strace s18  }
0x93: {  	s3 =	sld [smem:$0x3FFC];
	_ =	sdelay $0x3  }
0x94: {  	_ =	strace s3  }
0x95: {  	s3 =	sld [smem:$0x3FFD];
	_ =	sdelay $0x3  }
0x96: {  	_ =	strace s3  }
0x97: {  	_ =	strace $0x8FFFFFFF  }
0x98: {  	s19 =	sld [smem:$0x3FDB];
	_ =	sdelay $0x1  }
0x99: {  	s4 =	simm.s32 $_scs_section_size  }
0x9a: {  	s5 =	simm.s32 $_size__tile_overlayer_lowered;
	s6 =	simm.s32 $_tile_overlayer_lowered  }
0x9b: {  	s22 =	simm.s32 $0x1BFF;
	s21 =	sshll.u32 s6, $0x1;
	s3 =	sadd.s32 s4, s19  }
0x9c: {  	s7 =	simm.s32 $0x0;
	s20 =	sshll.u32 s5, $0x1;
	s5 =	sadd.s32 s21, s3  }
0x9d: {  	[timem:s7], [sflag:s22] =	dma.local [hbm:s5], s20  }
0x9e: {  	_ =	swait.ge [sflag:s22], s20  }
0x9f: {  	s4 =	ssub.s32 $0x0, s20;
	[sflag:s22] =	ssyncset.done $0x0  }
0xa0: {  	[sflag:s22] =	ssyncadd.s32 s4;
	_ =	sdelay $0x1  }
0xa1: {  	s23 =	simm.s32 $0x1B8B  }
0xa2: {  	_ =	swait.ge [sflag:s23], $0x1  }
0xa3: {  	[sflag:s23] =	ssyncset.done $0x0  }
0xa4: {  	s25 =	simm.s32 $0x1B8E;
	s24 =	sld [smem:$0x3FFE];
	[sflag:s23] =	ssyncadd.s32 $0xFFFFFFFF  }
0xa5: {  	s26 =	simm.s32 $execute0_lowered;
	[smem:$0x3FD2] =	sst s25  }
0xa6: {  	s5 =	sshll.u32 s26, $0x1;
	_ =	strace $0x80000049;
	[dreg:$0x1] =	wrdreg $0xFFFFFFFF  }
0xa7: {  	s28 =	simm.s32 $_size_execute0_lowered;
	s3 =	sadd.s32 s3, s5;
	[dreg:$0x0] =	wrdreg $0x0  }
0xa8: {  	s5 =	sshll.u32 s28, $0x1;
	[dreg:$0x2] =	wrdreg s3  }
0xa9: {  	[dreg:$0x3] =	wrdreg s5  }
0xaa: {  	[dreg:$0x4] =	wrdreg $0xC0  }
0xab: {  	_ =	task [dreg:s7], $0x5FFFF  }
0xac: {  	[dreg:$0x1] =	wrdreg $0xFFFFFFFF  }
0xad: {  	[dreg:$0x0] =	wrdreg $0x60  }
0xae: {  	[dreg:$0x2] =	wrdreg s2  }
0xaf: {  	[dreg:$0x3] =	wrdreg s24  }
0xb0: {  	[dreg:$0x4] =	wrdreg $0xA0000  }
0xb1: {  	[dreg:$0x5] =	wrdreg $0x9  }
0xb2: {  	_ =	task.clear_ibuf [dreg:s7], $0x6FFFF;
	_ =	strace $0x90000049  }
0xb3: {  	s29 =	simm.s32 $0x9;
	_ =	strace $0x8000004B  }
0xb4: {  	_ =	swait.ge [sflag:s29], $0x1  }
0xb5: {  	[sflag:s29] =	ssyncadd.s32 $0xFFFFFFFF  }
0xb6: {  	_ =	strace $0x9000004B  }
0xb7: {  	_ =	sfence  }
0xb8: {  	s30 =	sld [smem:$0x0];
	_ =	sdelay $0x2  }
0xb9: {  	s31 =	sshll.u32 s1, $0xD;
	s1 =	sshrl.u32 s1, $0x2  }
0xba: {  	s3 =	sand.u32 $0x4000, s31;
	s1 =	sadd.s32 s1, s30  }
0xbb: {  	s0 =	sor.u32 s3, s0;
	s1 =	sshll.u32 s1, $0x11  }
0xbc: {  	s0 =	sor.u32 s1, s0  }
0xbd: {  	s0 =	sadd.s32 $0x8F2B, s0  }
0xbe: {  	[sflag:s0] =	ssyncadd.remote.s32 $0x1  }
0xbf: {  	_ =	sfence.sel $0xFFFF  }
0xc0: {  	[dreg:$0x0] =	wrdreg $0xFFFFFFFF;
	(pc) =	sbr.abs _section_cstart, $3  }
0xc1: {  	[dreg:$0x1] =	wrdreg $0xFFFFFFFF  }
0xc2: {  	_ =	task.clear_ibuf [dreg:s7], $0x2FFFF;
	_ =	strace $0x9FFFFFFF  }
0xc3: {  	(tm) =	ssettm $0x7FFFFFFF  }
tec
execute0_lowered:
.L_overlay_start_1:
0x0: {  	(tag) =	ssettag $0x1  }
0x1: {  	s2 =	rddreg [dreg:$0x0]  }
0x2: {  	s0 =	srdreg.scid;
	s6 =	rddreg [dreg:$0x1]  }
0x3: {  	s10 =	stileid.u32;
	s3 =	rddreg [dreg:$0x2]  }
0x4: {  	s4 =	simm.s32 $0x0;
	s12 =	simm.s32 $0x9;
	s14 =	simm.s32 $0x40  }
0x5: {  	s15 =	simm.s32 $0x2000;
	s17 =	simm.s32 $0x4000;
	s19 =	simm.s32 $0x6000  }
0x6: {  	s21 =	simm.s32 $0x8000;
	s22 =	simm.s32 $0x1;
	s23 =	simm.s32 $0x2  }
0x7: {  	s24 =	simm.s32 $0x3;
	s28 =	simm.s32 $0x6;
	s29 =	simm.s32 $0x7  }
0x8: {  	s30 =	simm.s32 $0x8;
	s13 =	simm.s32 $0x1F80;
	s16 =	simm.s32 $0x0  }
0x9: {  	s0 =	sand.u32 $0x1, s0;
	s7 =	smul.u32 $0x13C00, s10;
	[smem:$0x7FF] =	sst s4  }
0xa: {  	s8 =	smul.u32 $0x4F000, s10;
	s31 =	sshll.u32 s10, $0x6;
	s1 =	sshll.u32 s0, $0x4  }
0xb: {  	s5 =	smul.u32 $0x13C000, s0;
	_ =	strace $0x8000004A;
	s0 =	ssub.s32 $0x2, s0  }
0xc: {  	s1 =	sor.u32 s10, s1;
	s25 =	sshrl.u32 s0, $0x1;
	s26 =	sshrl.u32 s8, $0x2  }
0xd: {  	s1 =	smul.u32 $0xA00, s1;
	s5 =	sadd.s32 s7, s5;
	s0 =	ssub.s32 s0, s25  }
0xe: {  	s11 =	sadd.s32 s26, s3;
	s25 =	simm.s32 $0x4;
	s26 =	simm.s32 $0x5  }
0xf: {  	s7 =	sshrl.u32 s5, $0x3;
	s5 =	sadd.s32 $0x2B800, s6;
	s10 =	smax.u32 s0, $0x1  }
0x10: {  	s11 =	sshrl.u32 s11, $0x3;
	s0 =	simm.s32 $0x1F00;
	s1 =	sadd.s32 s1, s6  }
0x11: {  	s9 =	sadd.s32 s7, s6;
	s6 =	sor.u32 $0x1C09, s31;
	s7 =	sadd.s32 $0x17800, s1  }
0x12: {  	s8 =	sadd.s32 $0x3800, s1;
	s9 =	sadd.s32 $0x2E000, s9;
	s1 =	simm.s32 $0x1E80  }
.LBB2_1:
0x13: {  	[spmem:s11], [sflag:s6] =	dma.local [hbm:s5], $0x2780  }
0x14: {  	_ =	swait.ge [sflag:s12], $0x2780  }
0x15: {  	[sflag:s12] =	ssyncset.done $0x0  }
0x16: {  	[sflag:s12] =	ssyncadd.s32 $0xFFFFD880  }
0x17: {  	[bflag:$0x0] =	sbarrier.arrive $0xFFFF  }
0x18: {  	[tilespmem:s4], [sflag:$0x9] =	stream.linear.gather [hbm4b:s7+s4], $0x1000, $0x38;
	[tilespmem:$0x1DC00] =	vst v63  }
0x19: {  	_ =	swait.ge [sflag:s12], $0x1000  }
0x1a: {  	[sflag:s12] =	ssyncset.done $0x0  }
0x1b: {  	s18 =	simm.s32 $0x1000;
	[sflag:s12] =	ssyncadd.s32 $0xFFFFF000  }
0x1c: {  	[tilespmem:s18], [sflag:$0x9] =	stream.linear.gather [hbm4b:s8+s4], $0x1000, $0x38;
	[tilespmem:$0x1DC00] =	vst v63  }
0x1d: {  	_ =	swait.ge [sflag:s12], $0x1000  }
0x1e: {  	[sflag:s12] =	ssyncset.done $0x0  }
0x1f: {  	[sflag:s12] =	ssyncadd.s32 $0xFFFFF000  }
0x20: {  	[tilespmem:s15], [sflag:$0x1] =	stream.indirect.gather [hbm4b:s2+s14], $0x80, s4, s14, $0xb8;
	[tilespmem:$0x1DC00] =	vst v63  }
0x21: {  	s20 =	simm.s32 $0x80  }
0x22: {  	[tilespmem:s17], [sflag:$0x2] =	stream.indirect.gather [hbm4b:s2+s14], $0x80, s20, s14, $0xb8;
	[tilespmem:$0x1DC00] =	vst v63  }
0x23: {  	s31 =	simm.s32 $0x100  }
0x24: {  	[tilespmem:s19], [sflag:$0x3] =	stream.indirect.gather [hbm4b:s2+s14], $0x80, s31, s14, $0xb8;
	[tilespmem:$0x1DC00] =	vst v63  }
0x25: {  	s20 =	simm.s32 $0x180  }
0x26: {  	[tilespmem:s21], [sflag:$0x4] =	stream.indirect.gather [hbm4b:s2+s14], $0x80, s20, s14, $0xb8;
	[tilespmem:$0x1DC00] =	vst v63  }
0x27: {  	_ =	swait.ge [sflag:s22], $0x2000  }
0x28: {  	[sflag:s22] =	ssyncset.done $0x0  }
0x29: {  	s31 =	simm.s32 $0x1000;
	[sflag:s22] =	ssyncadd.s32 $0xFFFFE000  }
0x2a: {  	[spmem:s3] =	stream.indirect.scatter.add.f32 [tilespmem:s15], [sflag:$0x5], $0x80, s31, s14, $0xb8;
	[tilespmem:$0x1DC00] =	vst v63  }
0x2b: {  	_ =	swait.ge [sflag:s23], $0x2000  }
0x2c: {  	[sflag:s23] =	ssyncset.done $0x0  }
0x2d: {  	s20 =	simm.s32 $0x1080;
	[sflag:s23] =	ssyncadd.s32 $0xFFFFE000  }
0x2e: {  	[spmem:s3] =	stream.indirect.scatter.add.f32 [tilespmem:s17], [sflag:$0x6], $0x80, s20, s14, $0xb8;
	[tilespmem:$0x1DC00] =	vst v63  }
0x2f: {  	_ =	swait.ge [sflag:s24], $0x2000  }
0x30: {  	[sflag:s24] =	ssyncset.done $0x0  }
0x31: {  	s31 =	simm.s32 $0x1100;
	[sflag:s24] =	ssyncadd.s32 $0xFFFFE000  }
0x32: {  	[spmem:s3] =	stream.indirect.scatter.add.f32 [tilespmem:s19], [sflag:$0x7], $0x80, s31, s14, $0xb8;
	[tilespmem:$0x1DC00] =	vst v63  }
0x33: {  	_ =	swait.ge [sflag:s25], $0x2000  }
0x34: {  	[sflag:s25] =	ssyncset.done $0x0  }
0x35: {  	s20 =	simm.s32 $0x1180;
	[sflag:s25] =	ssyncadd.s32 $0xFFFFE000  }
0x36: {  	[spmem:s3] =	stream.indirect.scatter.add.f32 [tilespmem:s21], [sflag:$0x8], $0x80, s20, s14, $0xb8;
	[tilespmem:$0x1DC00] =	vst v63  }
0x37: {  	_ =	swait.ge [sflag:s26], $0x2000  }
0x38: {  	[sflag:s26] =	ssyncset.done $0x0  }
0x39: {  	s31 =	simm.s32 $0x200;
	[sflag:s26] =	ssyncadd.s32 $0xFFFFE000  }
0x3a: {  	[tilespmem:s15], [sflag:$0x1] =	stream.indirect.gather [hbm4b:s2+s14], $0x80, s31, s14, $0xb8;
	[tilespmem:$0x1DC00] =	vst v63  }
0x3b: {  	_ =	swait.ge [sflag:s28], $0x2000  }
0x3c: {  	[sflag:s28] =	ssyncset.done $0x0  }
0x3d: {  	s20 =	simm.s32 $0x280;
	[sflag:s28] =	ssyncadd.s32 $0xFFFFE000  }
0x3e: {  	[tilespmem:s17], [sflag:$0x2] =	stream.indirect.gather [hbm4b:s2+s14], $0x80, s20, s14, $0xb8;
	[tilespmem:$0x1DC00] =	vst v63  }
0x3f: {  	_ =	swait.ge [sflag:s29], $0x2000  }
0x40: {  	[sflag:s29] =	ssyncset.done $0x0  }
0x41: {  	s31 =	simm.s32 $0x300;
	[sflag:s29] =	ssyncadd.s32 $0xFFFFE000  }
0x42: {  	[tilespmem:s19], [sflag:$0x3] =	stream.indirect.gather [hbm4b:s2+s14], $0x80, s31, s14, $0xb8;
	[tilespmem:$0x1DC00] =	vst v63  }
0x43: {  	_ =	swait.ge [sflag:s30], $0x2000  }
0x44: {  	[sflag:s30] =	ssyncset.done $0x0  }
0x45: {  	s18 =	simm.s32 $0x800;
	s20 =	simm.s32 $0x380;
	[sflag:s30] =	ssyncadd.s32 $0xFFFFE000  }
.LBB2_2:
0x46: {  	[tilespmem:s21], [sflag:$0x4] =	stream.indirect.gather [hbm4b:s2+s14], $0x80, s20, s14, $0xb8;
	[tilespmem:$0x1DC00] =	vst v63  }
0x47: {  	s20 =	smov.u32 s18  }
0x48: {  	p0 =	sne.s32 s18, $0x3000;
	s18 =	sadd.s32 $0x800, s18;
	_ =	swait.ge [sflag:s22], $0x2000  }
0x49: {  	s20 =	sshra.s32 s20, $0x2;
	[sflag:s22] =	ssyncset.done $0x0  }
0x4a: {  	s31 =	sadd.s32 $0x1000, s20;
	[sflag:s22] =	ssyncadd.s32 $0xFFFFE000  }
0x4b: {  	[spmem:s3] =	stream.indirect.scatter.add.f32 [tilespmem:s15], [sflag:$0x5], $0x80, s31, s14, $0xb8;
	[tilespmem:$0x1DC00] =	vst v63  }
0x4c: {  	_ =	swait.ge [sflag:s23], $0x2000  }
0x4d: {  	[sflag:s23] =	ssyncset.done $0x0  }
0x4e: {  	s31 =	sadd.s32 $0x1080, s20;
	[sflag:s23] =	ssyncadd.s32 $0xFFFFE000  }
0x4f: {  	[spmem:s3] =	stream.indirect.scatter.add.f32 [tilespmem:s17], [sflag:$0x6], $0x80, s31, s14, $0xb8;
	[tilespmem:$0x1DC00] =	vst v63  }
0x50: {  	_ =	swait.ge [sflag:s24], $0x2000  }
0x51: {  	[sflag:s24] =	ssyncset.done $0x0  }
0x52: {  	s31 =	sadd.s32 $0x1100, s20;
	[sflag:s24] =	ssyncadd.s32 $0xFFFFE000  }
0x53: {  	[spmem:s3] =	stream.indirect.scatter.add.f32 [tilespmem:s19], [sflag:$0x7], $0x80, s31, s14, $0xb8;
	[tilespmem:$0x1DC00] =	vst v63  }
0x54: {  	_ =	swait.ge [sflag:s25], $0x2000  }
0x55: {  	[sflag:s25] =	ssyncset.done $0x0  }
0x56: {  	s31 =	sadd.s32 $0x1180, s20;
	[sflag:s25] =	ssyncadd.s32 $0xFFFFE000  }
0x57: {  	[spmem:s3] =	stream.indirect.scatter.add.f32 [tilespmem:s21], [sflag:$0x8], $0x80, s31, s14, $0xb8;
	[tilespmem:$0x1DC00] =	vst v63  }
0x58: {  	_ =	swait.ge [sflag:s26], $0x2000  }
0x59: {  	[sflag:s26] =	ssyncset.done $0x0  }
0x5a: {  	s31 =	sadd.s32 $0x200, s20;
	[sflag:s26] =	ssyncadd.s32 $0xFFFFE000  }
0x5b: {  	[tilespmem:s15], [sflag:$0x1] =	stream.indirect.gather [hbm4b:s2+s14], $0x80, s31, s14, $0xb8;
	[tilespmem:$0x1DC00] =	vst v63  }
0x5c: {  	_ =	swait.ge [sflag:s28], $0x2000  }
0x5d: {  	[sflag:s28] =	ssyncset.done $0x0  }
0x5e: {  	s31 =	sadd.s32 $0x280, s20;
	[sflag:s28] =	ssyncadd.s32 $0xFFFFE000  }
0x5f: {  	[tilespmem:s17], [sflag:$0x2] =	stream.indirect.gather [hbm4b:s2+s14], $0x80, s31, s14, $0xb8;
	[tilespmem:$0x1DC00] =	vst v63  }
0x60: {  	_ =	swait.ge [sflag:s29], $0x2000  }
0x61: {  	[sflag:s29] =	ssyncset.done $0x0  }
.Ltmp0:
0x62: {  	s31 =	sadd.s32 $0x300, s20;
	[sflag:s29] =	ssyncadd.s32 $0xFFFFE000;
	(pc) =	sbr.rel @p0 .LBB2_2-.Ltmp0, $4  }
0x63: {  	[tilespmem:s19], [sflag:$0x3] =	stream.indirect.gather [hbm4b:s2+s14], $0x80, s31, s14, $0xb8;
	[tilespmem:$0x1DC00] =	vst v63  }
0x64: {  	_ =	swait.ge [sflag:s30], $0x2000  }
0x65: {  	[sflag:s30] =	ssyncset.done $0x0  }
0x66: {  	s20 =	sadd.s32 $0x380, s20;
	[sflag:s30] =	ssyncadd.s32 $0xFFFFE000  }
0x67: {  	[tilespmem:s21], [sflag:$0x4] =	stream.indirect.gather [hbm4b:s2+s14], $0x80, s20, s14, $0xb8;
	[tilespmem:$0x1DC00] =	vst v63  }
0x68: {  	_ =	swait.ge [sflag:s22], $0x2000  }
0x69: {  	[sflag:s22] =	ssyncset.done $0x0  }
0x6a: {  	s18 =	simm.s32 $0x1E00;
	[sflag:s22] =	ssyncadd.s32 $0xFFFFE000  }
0x6b: {  	[spmem:s3] =	stream.indirect.scatter.add.f32 [tilespmem:s15], [sflag:$0x5], $0x80, s18, s14, $0xb8;
	[tilespmem:$0x1DC00] =	vst v63  }
0x6c: {  	_ =	swait.ge [sflag:s23], $0x2000  }
0x6d: {  	[sflag:s23] =	ssyncset.done $0x0  }
0x6e: {  	[sflag:s23] =	ssyncadd.s32 $0xFFFFE000  }
0x6f: {  	[spmem:s3] =	stream.indirect.scatter.add.f32 [tilespmem:s17], [sflag:$0x6], $0x80, s1, s14, $0xb8;
	[tilespmem:$0x1DC00] =	vst v63  }
0x70: {  	_ =	swait.ge [sflag:s24], $0x2000  }
0x71: {  	[sflag:s24] =	ssyncset.done $0x0  }
0x72: {  	[sflag:s24] =	ssyncadd.s32 $0xFFFFE000  }
0x73: {  	[spmem:s3] =	stream.indirect.scatter.add.f32 [tilespmem:s19], [sflag:$0x7], $0x80, s0, s14, $0xb8;
	[tilespmem:$0x1DC00] =	vst v63  }
0x74: {  	_ =	swait.ge [sflag:s25], $0x2000  }
0x75: {  	[sflag:s25] =	ssyncset.done $0x0  }
0x76: {  	[sflag:s25] =	ssyncadd.s32 $0xFFFFE000  }
0x77: {  	[spmem:s3] =	stream.indirect.scatter.add.f32 [tilespmem:s21], [sflag:$0x8], $0x80, s13, s14, $0xb8;
	[tilespmem:$0x1DC00] =	vst v63  }
0x78: {  	_ =	swait.ge [sflag:s26], $0x2000  }
0x79: {  	[sflag:s26] =	ssyncset.done $0x0  }
0x7a: {  	[sflag:s26] =	ssyncadd.s32 $0xFFFFE000  }
0x7b: {  	_ =	swait.ge [sflag:s28], $0x2000  }
0x7c: {  	[sflag:s28] =	ssyncset.done $0x0  }
0x7d: {  	[sflag:s28] =	ssyncadd.s32 $0xFFFFE000  }
0x7e: {  	_ =	swait.ge [sflag:s29], $0x2000  }
0x7f: {  	[sflag:s29] =	ssyncset.done $0x0  }
0x80: {  	[sflag:s29] =	ssyncadd.s32 $0xFFFFE000  }
0x81: {  	_ =	swait.ge [sflag:s30], $0x2000  }
0x82: {  	s16 =	sadd.s32 $0x1, s16;
	[sflag:s30] =	ssyncset.done $0x0  }
0x83: {  	p0 =	sne.s32 s16, s10;
	[sflag:s30] =	ssyncadd.s32 $0xFFFFE000  }
.Ltmp1:
0x84: {  	[bflag:$0x0] =	sbarrier.arrive $0xFFFF;
	(pc) =	sbr.rel @p0 .LBB2_1-.Ltmp1, $4  }
0x85: {  	[hbm:s9], [sflag:s6] =	dma.local [spmem:s11], $0x2780  }
0x86: {  	_ =	swait.ge [sflag:s12], $0x2780  }
0x87: {  	[sflag:s12] =	ssyncset.done $0x0  }
0x88: {  	[sflag:s12] =	ssyncadd.s32 $0xFFFFD880  }
0x89: {  	_ =	sfence.sel $0x180000  }
0x8a: {  	[bflag:$0x0] =	sbarrier.arrive $0xFFFF  }
0x8b: {  	_ =	strace $0x9000004A  }
0x8c: {  	s0 =	stileid.u32;
	[bflag:$0x2] =	sbarrier.arrive $0xFFFF  }
0x8d: {  	p0 =	sne.s32 s0, $0x0;
	s0 =	rddreg [dreg:$0x3]  }
0x8e: {  	s0 =	sadd.s32 @!p0 $0x100000, s0  }
0x8f: {  	[sflag:s0] =	ssyncadd.tile.s32 @!p0 $0x1;
	_ =	shalt  }
.Lfunc_end2:
_tile_overlayer_lowered:
.L_overlay_start_2:
0x90: {  	(tag) =	ssettag $0x2  }
0x91: {  	s0 =	rddreg [dreg:$0x0];
	s2 =	stileid.u32  }
0x92: {  	s1 =	rddreg [dreg:$0x1];
	p0 =	sne.s32 s2, $0x0  }
0x93: {  	s3 =	rddreg [dreg:$0x2];
	[bflag:$0x3] =	sbarrier.arrive $0xFFFF;
	s2 =	simm.s32 @!p0 $0x1C09  }
0x94: {  	[timem:s3], [sflag:s2] =	dma.local @!p0 [hbm:s0], s1  }
0x95: {  	s0 =	simm.s32 @!p0 $0x9  }
0x96: {  	_ =	swait.ge @!p0 [sflag:s0], s1  }
0x97: {  	s1 =	ssub.s32 @!p0 $0x0, s1;
	[sflag:s0] =	ssyncset.done @!p0 $0x0  }
0x98: {  	[sflag:s0] =	ssyncadd.s32 @!p0 s1  }
0x99: {  	[bflag:$0x3] =	sbarrier.arrive $0xFFFF  }
0x9a: {  	_ =	shalt  }

// kernel: kernel.14.cloned.1.call-start
scs
__scs_entry_jumppad:
0x0: {  	(pc) =	sbr.rel $0x88, $3  }
0x1: {  	(tag) =	ssettag $0x0;
	lr =	simm.s32 $0x1  }
0x2: {  	[smem:$0x3F99] =	sst lr;
	_ =	strace $0xD0000000  }
0x3: {  	_ = 	snop  }
0x4: {  	_ = 	snop  }
0x5: {  	_ = 	snop  }
0x6: {  	_ = 	snop  }
0x7: {  	_ = 	snop  }
__scs_overlays_trampoline_lowered:
0x8: {  	[smem:$0x3FA8] =	sst s0  }
0x9: {  	[smem:$0x3FA9] =	sst s1  }
0xa: {  	[smem:$0x3FAA] =	sst s2  }
0xb: {  	[smem:$0x3FAB] =	sst s3  }
0xc: {  	[smem:$0x3FAC] =	sst s4  }
0xd: {  	[smem:$0x3FAD] =	sst s5  }
0xe: {  	[smem:$0x3FAE] =	sst s6  }
0xf: {  	[smem:$0x3FAF] =	sst s7  }
0x10: {  	[smem:$0x3FB0] =	sst s8  }
0x11: {  	[smem:$0x3FB1] =	sst s9;
	s0 =	simm.s32 @!p0 $0x0  }
0x12: {  	s1 =	sld [smem:$0x3F97];
	s0 =	simm.s32 @p0 $0x1  }
0x13: {  	[smem:$0x3FB2] =	sst s0;
	s0 =	simm.s32 @!p1 $0x0  }
0x14: {  	s2 =	sld [smem:$0x3F96];
	s0 =	simm.s32 @p1 $0x1  }
0x15: {  	[smem:$0x3FB3] =	sst s0;
	s0 =	simm.s32 @!p2 $0x0  }
0x16: {  	s3 =	sld [smem:$0x3FDB];
	s0 =	simm.s32 @p2 $0x1  }
0x17: {  	s4 =	simm.s32 $0x1BF5;
	[smem:$0x3FB5] =	sst s0  }
0x18: {  	s0 =	sld [smem:$0x3F98];
	_ =	swait.ge [sflag:s4], $0x0  }
0x19: {  	s7 =	sld [smem:$0x3F99]  }
0x1a: {  	s8 =	sadd.s32 $0xFFFFE003, lr  }
0x1b: {  	s9 =	sadd.s32 $0xFFFFFEF7, lr;
	s5 =	simm.s32 $0xFFFFFFFF;
	p2 =	slt.u32 s8, $0xFFFFF086  }
0x1c: {  	p1 =	slt.u32 s9, $0xF7A;
	s5 =	simm.s32 @!p2 $0x0  }
0x1d: {  	s5 =	simm.s32 @p1 $0x1;
	p0 =	seq.s32 s7, s2  }
0x1e: {  	s7 =	smul.u32 @!p0 $0xF7A, s2;
	p2 =	seq.s32 @!p0 s5, $0x0  }
0x1f: {  	s9 =	smul.u32 $0xF7A, s1;
	s8 =	simm.s32 @!p0 $0x1BF5;
	p2 =	por !p2, p0  }
0x20: {  	[sflag:s8] =	ssyncset.s32 @!p0 $0xFFFFF086;
	s6 =	sadd.s32 @!p0 s3, s7;
	s7 =	simm.s32 @!p0 $0x108  }
0x21: {  	s3 =	sadd.s32 s3, s9;
	s6 =	sadd.s32 @!p0 $0x88, s6;
	s7 =	simm.s32 @p2 $0x1082  }
0x22: {  	[simem:s7], [sflag:s8] =	dma.local @!p0 [hbm:s6], $0xF7A  }
0x23: {  	s9 =	sor.u32 $0xD0000000, s2;
	s6 =	simm.s32 $0x108;
	_ =	swait.ge @!p0 [sflag:s8], $0x0  }
0x24: {  	s3 =	sadd.s32 $0x88, s3;
	s6 =	simm.s32 @!p1 $0x1082;
	[sflag:s4] =	ssyncset.s32 $0xFFFFF086  }
0x25: {  	[simem:s6], [sflag:s4] =	dma.local [hbm:s3], $0xF7A  }
0x26: {  	[smem:$0x3F99] =	sst s1;
	(tag) =	ssettag s2;
	_ =	strace s9  }
0x27: {  	s1 =	sld [smem:$0x3FA9]  }
0x28: {  	s2 =	sld [smem:$0x3FAA]  }
0x29: {  	s4 =	sld [smem:$0x3FAC]  }
0x2a: {  	p0 =	seq.s32 s5, $0x0;
	s5 =	sld [smem:$0x3FAD]  }
0x2b: {  	s6 =	sld [smem:$0x3FAE]  }
0x2c: {  	s7 =	sld [smem:$0x3FAF]  }
0x2d: {  	s3 =	simm.s32 $0x108;
	s8 =	sld [smem:$0x3FB0]  }
0x2e: {  	s3 =	simm.s32 @!p0 $0x1082;
	s9 =	sld [smem:$0x3FB1]  }
0x2f: {  	lr =	sadd.s32 s0, s3;
	s0 =	sld [smem:$0x3FA8]  }
0x30: {  	s3 =	sld [smem:$0x3FAB]  }
0x31: {  	[smem:$0x3FB4] =	sst s10  }
0x32: {  	s10 =	sld [smem:$0x3FB2];
	_ =	sdelay $0x3  }
0x33: {  	p0 =	seq.s32 s10, $0x1;
	s10 =	sld [smem:$0x3FB4];
	_ =	sdelay $0x3  }
0x34: {  	[smem:$0x3FB4] =	sst s10  }
0x35: {  	s10 =	sld [smem:$0x3FB3];
	_ =	sdelay $0x3  }
0x36: {  	p1 =	seq.s32 s10, $0x1;
	s10 =	sld [smem:$0x3FB4];
	_ =	sdelay $0x3  }
0x37: {  	[smem:$0x3FB4] =	sst s10  }
0x38: {  	s10 =	sld [smem:$0x3FB5]  }
0x39: {  	_ = 	snop;
	(pc) =	sbr.ind lr, $3  }
0x3a: {  	_ = 	snop  }
0x3b: {  	_ = 	snop  }
0x3c: {  	p2 =	seq.s32 s10, $0x1;
	s10 =	sld [smem:$0x3FB4]  }
0x3d: {  	_ =	shalt  }
0x3e: {  	_ =	shalt  }
0x3f: {  	_ =	shalt  }
0x40: {  	_ =	shalt  }
0x41: {  	_ =	shalt  }
0x42: {  	_ =	shalt  }
0x43: {  	_ =	shalt  }
0x44: {  	_ =	shalt  }
0x45: {  	_ =	shalt  }
0x46: {  	_ =	shalt  }
0x47: {  	_ =	shalt  }
0x48: {  	_ =	shalt  }
0x49: {  	_ =	shalt  }
0x4a: {  	_ =	shalt  }
0x4b: {  	_ =	shalt  }
0x4c: {  	_ =	shalt  }
0x4d: {  	_ =	shalt  }
0x4e: {  	_ =	shalt  }
0x4f: {  	_ =	shalt  }
0x50: {  	_ =	shalt  }
0x51: {  	_ =	shalt  }
0x52: {  	_ =	shalt  }
0x53: {  	_ =	shalt  }
0x54: {  	_ =	shalt  }
0x55: {  	_ =	shalt  }
0x56: {  	_ =	shalt  }
0x57: {  	_ =	shalt  }
0x58: {  	_ =	shalt  }
0x59: {  	_ =	shalt  }
0x5a: {  	_ =	shalt  }
0x5b: {  	_ =	shalt  }
0x5c: {  	_ =	shalt  }
0x5d: {  	_ =	shalt  }
0x5e: {  	_ =	shalt  }
0x5f: {  	_ =	shalt  }
0x60: {  	_ =	shalt  }
0x61: {  	_ =	shalt  }
0x62: {  	_ =	shalt  }
0x63: {  	_ =	shalt  }
0x64: {  	_ =	shalt  }
0x65: {  	_ =	shalt  }
0x66: {  	_ =	shalt  }
0x67: {  	_ =	shalt  }
0x68: {  	_ =	shalt  }
0x69: {  	_ =	shalt  }
0x6a: {  	_ =	shalt  }
0x6b: {  	_ =	shalt  }
0x6c: {  	_ =	shalt  }
0x6d: {  	_ =	shalt  }
0x6e: {  	_ =	shalt  }
0x6f: {  	_ =	shalt  }
0x70: {  	_ =	shalt  }
0x71: {  	_ =	shalt  }
0x72: {  	_ =	shalt  }
0x73: {  	_ =	shalt  }
0x74: {  	_ =	shalt  }
0x75: {  	_ =	shalt  }
0x76: {  	_ =	shalt  }
0x77: {  	_ =	shalt  }
0x78: {  	_ =	shalt  }
0x79: {  	_ =	shalt  }
0x7a: {  	_ =	shalt  }
0x7b: {  	_ =	shalt  }
0x7c: {  	_ =	shalt  }
0x7d: {  	_ =	shalt  }
0x7e: {  	_ =	shalt  }
0x7f: {  	_ =	shalt  }
0x80: {  	_ =	shalt  }
0x81: {  	_ =	shalt  }
0x82: {  	_ =	shalt  }
0x83: {  	_ =	shalt  }
0x84: {  	_ =	shalt  }
0x85: {  	_ =	shalt  }
0x86: {  	_ =	shalt  }
0x87: {  	_ =	shalt  }
.Lfunc_end0:
.L_simem_size_0:
called_computation.2_lowered:
.L_overlay_start_0:
0x88: {  	s2 =	sld [smem:$0x3FD9]  }
0x89: {  	s3 =	sld [smem:$0x3FFE];
	_ =	sdelay $0x1  }
0x8a: {  	s1 =	srdreg.scid  }
0x8b: {  	s0 =	sand.u32 $0x1, s1  }
0x8c: {  	s17 =	sshll.u32 s0, $0xA;
	s2 =	sadd.s32 s3, s2  }
0x8d: {  	s2 =	sadd.s32 s2, s17  }
0x8e: {  	[smem:$0x3FC0] =	sst s2  }
0x8f: {  	_ = 	snop  }
0x90: {  	s2 =	sld [smem:$0x3FD0];
	(tm) =	ssettm $0x1  }
0x91: {  	s18 =	sld [smem:$0x3FFB];
	_ =	sdelay $0x3  }
0x92: {  	_ =	strace s18  }
0x93: {  	s3 =	sld [smem:$0x3FFC];
	_ =	sdelay $0x3  }
0x94: {  	_ =	strace s3  }
0x95: {  	s3 =	sld [smem:$0x3FFD];
	_ =	sdelay $0x3  }
0x96: {  	_ =	strace s3  }
0x97: {  	_ =	strace $0x8FFFFFFF  }
0x98: {  	s19 =	sld [smem:$0x3FDB];
	_ =	sdelay $0x1  }
0x99: {  	s4 =	simm.s32 $_scs_section_size  }
0x9a: {  	s5 =	simm.s32 $_size__tile_overlayer_lowered;
	s6 =	simm.s32 $_tile_overlayer_lowered  }
0x9b: {  	s22 =	simm.s32 $0x1BFF;
	s21 =	sshll.u32 s6, $0x1;
	s3 =	sadd.s32 s4, s19  }
0x9c: {  	s7 =	simm.s32 $0x0;
	s20 =	sshll.u32 s5, $0x1;
	s5 =	sadd.s32 s21, s3  }
0x9d: {  	[timem:s7], [sflag:s22] =	dma.local [hbm:s5], s20  }
0x9e: {  	_ =	swait.ge [sflag:s22], s20  }
0x9f: {  	s4 =	ssub.s32 $0x0, s20;
	[sflag:s22] =	ssyncset.done $0x0  }
0xa0: {  	[sflag:s22] =	ssyncadd.s32 s4;
	_ =	sdelay $0x1  }
0xa1: {  	s23 =	simm.s32 $0x1B8B  }
0xa2: {  	_ =	swait.ge [sflag:s23], $0x1  }
0xa3: {  	[sflag:s23] =	ssyncset.done $0x0  }
0xa4: {  	s25 =	simm.s32 $0x1B8E;
	s24 =	sld [smem:$0x3FFE];
	[sflag:s23] =	ssyncadd.s32 $0xFFFFFFFF  }
0xa5: {  	s26 =	simm.s32 $execute0_lowered;
	[smem:$0x3FD2] =	sst s25  }
0xa6: {  	s5 =	sshll.u32 s26, $0x1;
	_ =	strace $0x8000004C;
	[dreg:$0x1] =	wrdreg $0xFFFFFFFF  }
0xa7: {  	s28 =	simm.s32 $_size_execute0_lowered;
	s3 =	sadd.s32 s3, s5;
	[dreg:$0x0] =	wrdreg $0x0  }
0xa8: {  	s5 =	sshll.u32 s28, $0x1;
	[dreg:$0x2] =	wrdreg s3  }
0xa9: {  	[dreg:$0x3] =	wrdreg s5  }
0xaa: {  	[dreg:$0x4] =	wrdreg $0xC0  }
0xab: {  	_ =	task [dreg:s7], $0x5FFFF  }
0xac: {  	[dreg:$0x1] =	wrdreg $0xFFFFFFFF  }
0xad: {  	[dreg:$0x0] =	wrdreg $0x60  }
0xae: {  	[dreg:$0x2] =	wrdreg s2  }
0xaf: {  	[dreg:$0x3] =	wrdreg s24  }
0xb0: {  	[dreg:$0x4] =	wrdreg $0xA0000  }
0xb1: {  	[dreg:$0x5] =	wrdreg $0x9  }
0xb2: {  	_ =	task.clear_ibuf [dreg:s7], $0x6FFFF;
	_ =	strace $0x9000004C  }
0xb3: {  	s29 =	simm.s32 $0x9;
	_ =	strace $0x8000004E  }
0xb4: {  	_ =	swait.ge [sflag:s29], $0x1  }
0xb5: {  	[sflag:s29] =	ssyncadd.s32 $0xFFFFFFFF  }
0xb6: {  	_ =	strace $0x9000004E  }
0xb7: {  	_ =	sfence  }
0xb8: {  	s30 =	sld [smem:$0x0];
	_ =	sdelay $0x2  }
0xb9: {  	s31 =	sshll.u32 s1, $0xD;
	s1 =	sshrl.u32 s1, $0x2  }
0xba: {  	s3 =	sand.u32 $0x4000, s31;
	s1 =	sadd.s32 s1, s30  }
0xbb: {  	s0 =	sor.u32 s3, s0;
	s1 =	sshll.u32 s1, $0x11  }
0xbc: {  	s0 =	sor.u32 s1, s0  }
0xbd: {  	s0 =	sadd.s32 $0x8F2B, s0  }
0xbe: {  	[sflag:s0] =	ssyncadd.remote.s32 $0x1  }
0xbf: {  	_ =	sfence.sel $0xFFFF  }
0xc0: {  	[dreg:$0x0] =	wrdreg $0xFFFFFFFF;
	(pc) =	sbr.abs _section_cstart, $3  }
0xc1: {  	[dreg:$0x1] =	wrdreg $0xFFFFFFFF  }
0xc2: {  	_ =	task.clear_ibuf [dreg:s7], $0x2FFFF;
	_ =	strace $0x9FFFFFFF  }
0xc3: {  	(tm) =	ssettm $0x7FFFFFFF  }
tec
execute0_lowered:
.L_overlay_start_1:
0x0: {  	(tag) =	ssettag $0x1  }
0x1: {  	s2 =	rddreg [dreg:$0x0]  }
0x2: {  	s0 =	srdreg.scid;
	s6 =	rddreg [dreg:$0x1]  }
0x3: {  	s10 =	stileid.u32;
	s3 =	rddreg [dreg:$0x2]  }
0x4: {  	s4 =	simm.s32 $0x0;
	s12 =	simm.s32 $0x9;
	s14 =	simm.s32 $0x40  }
0x5: {  	s15 =	simm.s32 $0x2000;
	s17 =	simm.s32 $0x4000;
	s19 =	simm.s32 $0x6000  }
0x6: {  	s21 =	simm.s32 $0x8000;
	s22 =	simm.s32 $0x1;
	s23 =	simm.s32 $0x2  }
0x7: {  	s24 =	simm.s32 $0x3;
	s28 =	simm.s32 $0x6;
	s29 =	simm.s32 $0x7  }
0x8: {  	s30 =	simm.s32 $0x8;
	s13 =	simm.s32 $0x1F80;
	s16 =	simm.s32 $0x0  }
0x9: {  	s0 =	sand.u32 $0x1, s0;
	s7 =	smul.u32 $0x13C00, s10;
	[smem:$0x7FF] =	sst s4  }
0xa: {  	s8 =	smul.u32 $0x4F000, s10;
	s31 =	sshll.u32 s10, $0x6;
	s1 =	sshll.u32 s0, $0x4  }
0xb: {  	s5 =	smul.u32 $0x13C000, s0;
	_ =	strace $0x8000004D;
	s0 =	ssub.s32 $0x2, s0  }
0xc: {  	s1 =	sor.u32 s10, s1;
	s25 =	sshrl.u32 s0, $0x1;
	s26 =	sshrl.u32 s8, $0x2  }
0xd: {  	s1 =	smul.u32 $0xA00, s1;
	s5 =	sadd.s32 s7, s5;
	s0 =	ssub.s32 s0, s25  }
0xe: {  	s11 =	sadd.s32 s26, s3;
	s25 =	simm.s32 $0x4;
	s26 =	simm.s32 $0x5  }
0xf: {  	s7 =	sshrl.u32 s5, $0x3;
	s5 =	sadd.s32 $0x2B800, s6;
	s10 =	smax.u32 s0, $0x1  }
0x10: {  	s11 =	sshrl.u32 s11, $0x3;
	s0 =	simm.s32 $0x1F00;
	s1 =	sadd.s32 s1, s6  }
0x11: {  	s9 =	sadd.s32 s7, s6;
	s6 =	sor.u32 $0x1C09, s31;
	s7 =	sadd.s32 $0x17800, s1  }
0x12: {  	s8 =	sadd.s32 $0x3800, s1;
	s9 =	sadd.s32 $0x2E000, s9;
	s1 =	simm.s32 $0x1E80  }
.LBB2_1:
0x13: {  	[spmem:s11], [sflag:s6] =	dma.local [hbm:s5], $0x2780  }
0x14: {  	_ =	swait.ge [sflag:s12], $0x2780  }
0x15: {  	[sflag:s12] =	ssyncset.done $0x0  }
0x16: {  	[sflag:s12] =	ssyncadd.s32 $0xFFFFD880  }
0x17: {  	[bflag:$0x0] =	sbarrier.arrive $0xFFFF  }
0x18: {  	[tilespmem:s4], [sflag:$0x9] =	stream.linear.gather [hbm4b:s7+s4], $0x1000, $0x38;
	[tilespmem:$0x1DC00] =	vst v63  }
0x19: {  	_ =	swait.ge [sflag:s12], $0x1000  }
0x1a: {  	[sflag:s12] =	ssyncset.done $0x0  }
0x1b: {  	s18 =	simm.s32 $0x1000;
	[sflag:s12] =	ssyncadd.s32 $0xFFFFF000  }
0x1c: {  	[tilespmem:s18], [sflag:$0x9] =	stream.linear.gather [hbm4b:s8+s4], $0x1000, $0x38;
	[tilespmem:$0x1DC00] =	vst v63  }
0x1d: {  	_ =	swait.ge [sflag:s12], $0x1000  }
0x1e: {  	[sflag:s12] =	ssyncset.done $0x0  }
0x1f: {  	[sflag:s12] =	ssyncadd.s32 $0xFFFFF000  }
0x20: {  	[tilespmem:s15], [sflag:$0x1] =	stream.indirect.gather [hbm4b:s2+s14], $0x80, s4, s14, $0xb8;
	[tilespmem:$0x1DC00] =	vst v63  }
0x21: {  	s20 =	simm.s32 $0x80  }
0x22: {  	[tilespmem:s17], [sflag:$0x2] =	stream.indirect.gather [hbm4b:s2+s14], $0x80, s20, s14, $0xb8;
	[tilespmem:$0x1DC00] =	vst v63  }
0x23: {  	s31 =	simm.s32 $0x100  }
0x24: {  	[tilespmem:s19], [sflag:$0x3] =	stream.indirect.gather [hbm4b:s2+s14], $0x80, s31, s14, $0xb8;
	[tilespmem:$0x1DC00] =	vst v63  }
0x25: {  	s20 =	simm.s32 $0x180  }
0x26: {  	[tilespmem:s21], [sflag:$0x4] =	stream.indirect.gather [hbm4b:s2+s14], $0x80, s20, s14, $0xb8;
	[tilespmem:$0x1DC00] =	vst v63  }
0x27: {  	_ =	swait.ge [sflag:s22], $0x2000  }
0x28: {  	[sflag:s22] =	ssyncset.done $0x0  }
0x29: {  	s31 =	simm.s32 $0x1000;
	[sflag:s22] =	ssyncadd.s32 $0xFFFFE000  }
0x2a: {  	[spmem:s3] =	stream.indirect.scatter.add.f32 [tilespmem:s15], [sflag:$0x5], $0x80, s31, s14, $0xb8;
	[tilespmem:$0x1DC00] =	vst v63  }
0x2b: {  	_ =	swait.ge [sflag:s23], $0x2000  }
0x2c: {  	[sflag:s23] =	ssyncset.done $0x0  }
0x2d: {  	s20 =	simm.s32 $0x1080;
	[sflag:s23] =	ssyncadd.s32 $0xFFFFE000  }
0x2e: {  	[spmem:s3] =	stream.indirect.scatter.add.f32 [tilespmem:s17], [sflag:$0x6], $0x80, s20, s14, $0xb8;
	[tilespmem:$0x1DC00] =	vst v63  }
0x2f: {  	_ =	swait.ge [sflag:s24], $0x2000  }
0x30: {  	[sflag:s24] =	ssyncset.done $0x0  }
0x31: {  	s31 =	simm.s32 $0x1100;
	[sflag:s24] =	ssyncadd.s32 $0xFFFFE000  }
0x32: {  	[spmem:s3] =	stream.indirect.scatter.add.f32 [tilespmem:s19], [sflag:$0x7], $0x80, s31, s14, $0xb8;
	[tilespmem:$0x1DC00] =	vst v63  }
0x33: {  	_ =	swait.ge [sflag:s25], $0x2000  }
0x34: {  	[sflag:s25] =	ssyncset.done $0x0  }
0x35: {  	s20 =	simm.s32 $0x1180;
	[sflag:s25] =	ssyncadd.s32 $0xFFFFE000  }
0x36: {  	[spmem:s3] =	stream.indirect.scatter.add.f32 [tilespmem:s21], [sflag:$0x8], $0x80, s20, s14, $0xb8;
	[tilespmem:$0x1DC00] =	vst v63  }
0x37: {  	_ =	swait.ge [sflag:s26], $0x2000  }
0x38: {  	[sflag:s26] =	ssyncset.done $0x0  }
0x39: {  	s31 =	simm.s32 $0x200;
	[sflag:s26] =	ssyncadd.s32 $0xFFFFE000  }
0x3a: {  	[tilespmem:s15], [sflag:$0x1] =	stream.indirect.gather [hbm4b:s2+s14], $0x80, s31, s14, $0xb8;
	[tilespmem:$0x1DC00] =	vst v63  }
0x3b: {  	_ =	swait.ge [sflag:s28], $0x2000  }
0x3c: {  	[sflag:s28] =	ssyncset.done $0x0  }
0x3d: {  	s20 =	simm.s32 $0x280;
	[sflag:s28] =	ssyncadd.s32 $0xFFFFE000  }
0x3e: {  	[tilespmem:s17], [sflag:$0x2] =	stream.indirect.gather [hbm4b:s2+s14], $0x80, s20, s14, $0xb8;
	[tilespmem:$0x1DC00] =	vst v63  }
0x3f: {  	_ =	swait.ge [sflag:s29], $0x2000  }
0x40: {  	[sflag:s29] =	ssyncset.done $0x0  }
0x41: {  	s31 =	simm.s32 $0x300;
	[sflag:s29] =	ssyncadd.s32 $0xFFFFE000  }
0x42: {  	[tilespmem:s19], [sflag:$0x3] =	stream.indirect.gather [hbm4b:s2+s14], $0x80, s31, s14, $0xb8;
	[tilespmem:$0x1DC00] =	vst v63  }
0x43: {  	_ =	swait.ge [sflag:s30], $0x2000  }
0x44: {  	[sflag:s30] =	ssyncset.done $0x0  }
0x45: {  	s18 =	simm.s32 $0x800;
	s20 =	simm.s32 $0x380;
	[sflag:s30] =	ssyncadd.s32 $0xFFFFE000  }
.LBB2_2:
0x46: {  	[tilespmem:s21], [sflag:$0x4] =	stream.indirect.gather [hbm4b:s2+s14], $0x80, s20, s14, $0xb8;
	[tilespmem:$0x1DC00] =	vst v63  }
0x47: {  	s20 =	smov.u32 s18  }
0x48: {  	p0 =	sne.s32 s18, $0x3000;
	s18 =	sadd.s32 $0x800, s18;
	_ =	swait.ge [sflag:s22], $0x2000  }
0x49: {  	s20 =	sshra.s32 s20, $0x2;
	[sflag:s22] =	ssyncset.done $0x0  }
0x4a: {  	s31 =	sadd.s32 $0x1000, s20;
	[sflag:s22] =	ssyncadd.s32 $0xFFFFE000  }
0x4b: {  	[spmem:s3] =	stream.indirect.scatter.add.f32 [tilespmem:s15], [sflag:$0x5], $0x80, s31, s14, $0xb8;
	[tilespmem:$0x1DC00] =	vst v63  }
0x4c: {  	_ =	swait.ge [sflag:s23], $0x2000  }
0x4d: {  	[sflag:s23] =	ssyncset.done $0x0  }
0x4e: {  	s31 =	sadd.s32 $0x1080, s20;
	[sflag:s23] =	ssyncadd.s32 $0xFFFFE000  }
0x4f: {  	[spmem:s3] =	stream.indirect.scatter.add.f32 [tilespmem:s17], [sflag:$0x6], $0x80, s31, s14, $0xb8;
	[tilespmem:$0x1DC00] =	vst v63  }
0x50: {  	_ =	swait.ge [sflag:s24], $0x2000  }
0x51: {  	[sflag:s24] =	ssyncset.done $0x0  }
0x52: {  	s31 =	sadd.s32 $0x1100, s20;
	[sflag:s24] =	ssyncadd.s32 $0xFFFFE000  }
0x53: {  	[spmem:s3] =	stream.indirect.scatter.add.f32 [tilespmem:s19], [sflag:$0x7], $0x80, s31, s14, $0xb8;
	[tilespmem:$0x1DC00] =	vst v63  }
0x54: {  	_ =	swait.ge [sflag:s25], $0x2000  }
0x55: {  	[sflag:s25] =	ssyncset.done $0x0  }
0x56: {  	s31 =	sadd.s32 $0x1180, s20;
	[sflag:s25] =	ssyncadd.s32 $0xFFFFE000  }
0x57: {  	[spmem:s3] =	stream.indirect.scatter.add.f32 [tilespmem:s21], [sflag:$0x8], $0x80, s31, s14, $0xb8;
	[tilespmem:$0x1DC00] =	vst v63  }
0x58: {  	_ =	swait.ge [sflag:s26], $0x2000  }
0x59: {  	[sflag:s26] =	ssyncset.done $0x0  }
0x5a: {  	s31 =	sadd.s32 $0x200, s20;
	[sflag:s26] =	ssyncadd.s32 $0xFFFFE000  }
0x5b: {  	[tilespmem:s15], [sflag:$0x1] =	stream.indirect.gather [hbm4b:s2+s14], $0x80, s31, s14, $0xb8;
	[tilespmem:$0x1DC00] =	vst v63  }
0x5c: {  	_ =	swait.ge [sflag:s28], $0x2000  }
0x5d: {  	[sflag:s28] =	ssyncset.done $0x0  }
0x5e: {  	s31 =	sadd.s32 $0x280, s20;
	[sflag:s28] =	ssyncadd.s32 $0xFFFFE000  }
0x5f: {  	[tilespmem:s17], [sflag:$0x2] =	stream.indirect.gather [hbm4b:s2+s14], $0x80, s31, s14, $0xb8;
	[tilespmem:$0x1DC00] =	vst v63  }
0x60: {  	_ =	swait.ge [sflag:s29], $0x2000  }
0x61: {  	[sflag:s29] =	ssyncset.done $0x0  }
.Ltmp0:
0x62: {  	s31 =	sadd.s32 $0x300, s20;
	[sflag:s29] =	ssyncadd.s32 $0xFFFFE000;
	(pc) =	sbr.rel @p0 .LBB2_2-.Ltmp0, $4  }
0x63: {  	[tilespmem:s19], [sflag:$0x3] =	stream.indirect.gather [hbm4b:s2+s14], $0x80, s31, s14, $0xb8;
	[tilespmem:$0x1DC00] =	vst v63  }
0x64: {  	_ =	swait.ge [sflag:s30], $0x2000  }
0x65: {  	[sflag:s30] =	ssyncset.done $0x0  }
0x66: {  	s20 =	sadd.s32 $0x380, s20;
	[sflag:s30] =	ssyncadd.s32 $0xFFFFE000  }
0x67: {  	[tilespmem:s21], [sflag:$0x4] =	stream.indirect.gather [hbm4b:s2+s14], $0x80, s20, s14, $0xb8;
	[tilespmem:$0x1DC00] =	vst v63  }
0x68: {  	_ =	swait.ge [sflag:s22], $0x2000  }
0x69: {  	[sflag:s22] =	ssyncset.done $0x0  }
0x6a: {  	s18 =	simm.s32 $0x1E00;
	[sflag:s22] =	ssyncadd.s32 $0xFFFFE000  }
0x6b: {  	[spmem:s3] =	stream.indirect.scatter.add.f32 [tilespmem:s15], [sflag:$0x5], $0x80, s18, s14, $0xb8;
	[tilespmem:$0x1DC00] =	vst v63  }
0x6c: {  	_ =	swait.ge [sflag:s23], $0x2000  }
0x6d: {  	[sflag:s23] =	ssyncset.done $0x0  }
0x6e: {  	[sflag:s23] =	ssyncadd.s32 $0xFFFFE000  }
0x6f: {  	[spmem:s3] =	stream.indirect.scatter.add.f32 [tilespmem:s17], [sflag:$0x6], $0x80, s1, s14, $0xb8;
	[tilespmem:$0x1DC00] =	vst v63  }
0x70: {  	_ =	swait.ge [sflag:s24], $0x2000  }
0x71: {  	[sflag:s24] =	ssyncset.done $0x0  }
0x72: {  	[sflag:s24] =	ssyncadd.s32 $0xFFFFE000  }
0x73: {  	[spmem:s3] =	stream.indirect.scatter.add.f32 [tilespmem:s19], [sflag:$0x7], $0x80, s0, s14, $0xb8;
	[tilespmem:$0x1DC00] =	vst v63  }
0x74: {  	_ =	swait.ge [sflag:s25], $0x2000  }
0x75: {  	[sflag:s25] =	ssyncset.done $0x0  }
0x76: {  	[sflag:s25] =	ssyncadd.s32 $0xFFFFE000  }
0x77: {  	[spmem:s3] =	stream.indirect.scatter.add.f32 [tilespmem:s21], [sflag:$0x8], $0x80, s13, s14, $0xb8;
	[tilespmem:$0x1DC00] =	vst v63  }
0x78: {  	_ =	swait.ge [sflag:s26], $0x2000  }
0x79: {  	[sflag:s26] =	ssyncset.done $0x0  }
0x7a: {  	[sflag:s26] =	ssyncadd.s32 $0xFFFFE000  }
0x7b: {  	_ =	swait.ge [sflag:s28], $0x2000  }
0x7c: {  	[sflag:s28] =	ssyncset.done $0x0  }
0x7d: {  	[sflag:s28] =	ssyncadd.s32 $0xFFFFE000  }
0x7e: {  	_ =	swait.ge [sflag:s29], $0x2000  }
0x7f: {  	[sflag:s29] =	ssyncset.done $0x0  }
0x80: {  	[sflag:s29] =	ssyncadd.s32 $0xFFFFE000  }
0x81: {  	_ =	swait.ge [sflag:s30], $0x2000  }
0x82: {  	s16 =	sadd.s32 $0x1, s16;
	[sflag:s30] =	ssyncset.done $0x0  }
0x83: {  	p0 =	sne.s32 s16, s10;
	[sflag:s30] =	ssyncadd.s32 $0xFFFFE000  }
.Ltmp1:
0x84: {  	[bflag:$0x0] =	sbarrier.arrive $0xFFFF;
	(pc) =	sbr.rel @p0 .LBB2_1-.Ltmp1, $4  }
0x85: {  	[hbm:s9], [sflag:s6] =	dma.local [spmem:s11], $0x2780  }
0x86: {  	_ =	swait.ge [sflag:s12], $0x2780  }
0x87: {  	[sflag:s12] =	ssyncset.done $0x0  }
0x88: {  	[sflag:s12] =	ssyncadd.s32 $0xFFFFD880  }
0x89: {  	_ =	sfence.sel $0x180000  }
0x8a: {  	[bflag:$0x0] =	sbarrier.arrive $0xFFFF  }
0x8b: {  	_ =	strace $0x9000004D  }
0x8c: {  	s0 =	stileid.u32;
	[bflag:$0x2] =	sbarrier.arrive $0xFFFF  }
0x8d: {  	p0 =	sne.s32 s0, $0x0;
	s0 =	rddreg [dreg:$0x3]  }
0x8e: {  	s0 =	sadd.s32 @!p0 $0x100000, s0  }
0x8f: {  	[sflag:s0] =	ssyncadd.tile.s32 @!p0 $0x1;
	_ =	shalt  }
.Lfunc_end2:
_tile_overlayer_lowered:
.L_overlay_start_2:
0x90: {  	(tag) =	ssettag $0x2  }
0x91: {  	s0 =	rddreg [dreg:$0x0];
	s2 =	stileid.u32  }
0x92: {  	s1 =	rddreg [dreg:$0x1];
	p0 =	sne.s32 s2, $0x0  }
0x93: {  	s3 =	rddreg [dreg:$0x2];
	[bflag:$0x3] =	sbarrier.arrive $0xFFFF;
	s2 =	simm.s32 @!p0 $0x1C09  }
0x94: {  	[timem:s3], [sflag:s2] =	dma.local @!p0 [hbm:s0], s1  }
0x95: {  	s0 =	simm.s32 @!p0 $0x9  }
0x96: {  	_ =	swait.ge @!p0 [sflag:s0], s1  }
0x97: {  	s1 =	ssub.s32 @!p0 $0x0, s1;
	[sflag:s0] =	ssyncset.done @!p0 $0x0  }
0x98: {  	[sflag:s0] =	ssyncadd.s32 @!p0 s1  }
0x99: {  	[bflag:$0x3] =	sbarrier.arrive $0xFFFF  }
0x9a: {  	_ =	shalt  }

// kernel: kernel.8.cloned.1.call-start
scs
__scs_entry_jumppad:
0x0: {  	(pc) =	sbr.rel $0x88, $3  }
0x1: {  	(tag) =	ssettag $0x0;
	lr =	simm.s32 $0x1  }
0x2: {  	[smem:$0x3F99] =	sst lr;
	_ =	strace $0xD0000000  }
0x3: {  	_ = 	snop  }
0x4: {  	_ = 	snop  }
0x5: {  	_ = 	snop  }
0x6: {  	_ = 	snop  }
0x7: {  	_ = 	snop  }
__scs_overlays_trampoline_lowered:
0x8: {  	[smem:$0x3FA8] =	sst s0  }
0x9: {  	[smem:$0x3FA9] =	sst s1  }
0xa: {  	[smem:$0x3FAA] =	sst s2  }
0xb: {  	[smem:$0x3FAB] =	sst s3  }
0xc: {  	[smem:$0x3FAC] =	sst s4  }
0xd: {  	[smem:$0x3FAD] =	sst s5  }
0xe: {  	[smem:$0x3FAE] =	sst s6  }
0xf: {  	[smem:$0x3FAF] =	sst s7  }
0x10: {  	[smem:$0x3FB0] =	sst s8  }
0x11: {  	[smem:$0x3FB1] =	sst s9;
	s0 =	simm.s32 @!p0 $0x0  }
0x12: {  	s1 =	sld [smem:$0x3F97];
	s0 =	simm.s32 @p0 $0x1  }
0x13: {  	[smem:$0x3FB2] =	sst s0;
	s0 =	simm.s32 @!p1 $0x0  }
0x14: {  	s2 =	sld [smem:$0x3F96];
	s0 =	simm.s32 @p1 $0x1  }
0x15: {  	[smem:$0x3FB3] =	sst s0;
	s0 =	simm.s32 @!p2 $0x0  }
0x16: {  	s3 =	sld [smem:$0x3FDB];
	s0 =	simm.s32 @p2 $0x1  }
0x17: {  	s4 =	simm.s32 $0x1BF5;
	[smem:$0x3FB5] =	sst s0  }
0x18: {  	s0 =	sld [smem:$0x3F98];
	_ =	swait.ge [sflag:s4], $0x0  }
0x19: {  	s7 =	sld [smem:$0x3F99]  }
0x1a: {  	s8 =	sadd.s32 $0xFFFFE003, lr  }
0x1b: {  	s9 =	sadd.s32 $0xFFFFFEF7, lr;
	s5 =	simm.s32 $0xFFFFFFFF;
	p2 =	slt.u32 s8, $0xFFFFF086  }
0x1c: {  	p1 =	slt.u32 s9, $0xF7A;
	s5 =	simm.s32 @!p2 $0x0  }
0x1d: {  	s5 =	simm.s32 @p1 $0x1;
	p0 =	seq.s32 s7, s2  }
0x1e: {  	s7 =	smul.u32 @!p0 $0xF7A, s2;
	p2 =	seq.s32 @!p0 s5, $0x0  }
0x1f: {  	s9 =	smul.u32 $0xF7A, s1;
	s8 =	simm.s32 @!p0 $0x1BF5;
	p2 =	por !p2, p0  }
0x20: {  	[sflag:s8] =	ssyncset.s32 @!p0 $0xFFFFF086;
	s6 =	sadd.s32 @!p0 s3, s7;
	s7 =	simm.s32 @!p0 $0x108  }
0x21: {  	s3 =	sadd.s32 s3, s9;
	s6 =	sadd.s32 @!p0 $0x88, s6;
	s7 =	simm.s32 @p2 $0x1082  }
0x22: {  	[simem:s7], [sflag:s8] =	dma.local @!p0 [hbm:s6], $0xF7A  }
0x23: {  	s9 =	sor.u32 $0xD0000000, s2;
	s6 =	simm.s32 $0x108;
	_ =	swait.ge @!p0 [sflag:s8], $0x0  }
0x24: {  	s3 =	sadd.s32 $0x88, s3;
	s6 =	simm.s32 @!p1 $0x1082;
	[sflag:s4] =	ssyncset.s32 $0xFFFFF086  }
0x25: {  	[simem:s6], [sflag:s4] =	dma.local [hbm:s3], $0xF7A  }
0x26: {  	[smem:$0x3F99] =	sst s1;
	(tag) =	ssettag s2;
	_ =	strace s9  }
0x27: {  	s1 =	sld [smem:$0x3FA9]  }
0x28: {  	s2 =	sld [smem:$0x3FAA]  }
0x29: {  	s4 =	sld [smem:$0x3FAC]  }
0x2a: {  	p0 =	seq.s32 s5, $0x0;
	s5 =	sld [smem:$0x3FAD]  }
0x2b: {  	s6 =	sld [smem:$0x3FAE]  }
0x2c: {  	s7 =	sld [smem:$0x3FAF]  }
0x2d: {  	s3 =	simm.s32 $0x108;
	s8 =	sld [smem:$0x3FB0]  }
0x2e: {  	s3 =	simm.s32 @!p0 $0x1082;
	s9 =	sld [smem:$0x3FB1]  }
0x2f: {  	lr =	sadd.s32 s0, s3;
	s0 =	sld [smem:$0x3FA8]  }
0x30: {  	s3 =	sld [smem:$0x3FAB]  }
0x31: {  	[smem:$0x3FB4] =	sst s10  }
0x32: {  	s10 =	sld [smem:$0x3FB2];
	_ =	sdelay $0x3  }
0x33: {  	p0 =	seq.s32 s10, $0x1;
	s10 =	sld [smem:$0x3FB4];
	_ =	sdelay $0x3  }
0x34: {  	[smem:$0x3FB4] =	sst s10  }
0x35: {  	s10 =	sld [smem:$0x3FB3];
	_ =	sdelay $0x3  }
0x36: {  	p1 =	seq.s32 s10, $0x1;
	s10 =	sld [smem:$0x3FB4];
	_ =	sdelay $0x3  }
0x37: {  	[smem:$0x3FB4] =	sst s10  }
0x38: {  	s10 =	sld [smem:$0x3FB5]  }
0x39: {  	_ = 	snop;
	(pc) =	sbr.ind lr, $3  }
0x3a: {  	_ = 	snop  }
0x3b: {  	_ = 	snop  }
0x3c: {  	p2 =	seq.s32 s10, $0x1;
	s10 =	sld [smem:$0x3FB4]  }
0x3d: {  	_ =	shalt  }
0x3e: {  	_ =	shalt  }
0x3f: {  	_ =	shalt  }
0x40: {  	_ =	shalt  }
0x41: {  	_ =	shalt  }
0x42: {  	_ =	shalt  }
0x43: {  	_ =	shalt  }
0x44: {  	_ =	shalt  }
0x45: {  	_ =	shalt  }
0x46: {  	_ =	shalt  }
0x47: {  	_ =	shalt  }
0x48: {  	_ =	shalt  }
0x49: {  	_ =	shalt  }
0x4a: {  	_ =	shalt  }
0x4b: {  	_ =	shalt  }
0x4c: {  	_ =	shalt  }
0x4d: {  	_ =	shalt  }
0x4e: {  	_ =	shalt  }
0x4f: {  	_ =	shalt  }
0x50: {  	_ =	shalt  }
0x51: {  	_ =	shalt  }
0x52: {  	_ =	shalt  }
0x53: {  	_ =	shalt  }
0x54: {  	_ =	shalt  }
0x55: {  	_ =	shalt  }
0x56: {  	_ =	shalt  }
0x57: {  	_ =	shalt  }
0x58: {  	_ =	shalt  }
0x59: {  	_ =	shalt  }
0x5a: {  	_ =	shalt  }
0x5b: {  	_ =	shalt  }
0x5c: {  	_ =	shalt  }
0x5d: {  	_ =	shalt  }
0x5e: {  	_ =	shalt  }
0x5f: {  	_ =	shalt  }
0x60: {  	_ =	shalt  }
0x61: {  	_ =	shalt  }
0x62: {  	_ =	shalt  }
0x63: {  	_ =	shalt  }
0x64: {  	_ =	shalt  }
0x65: {  	_ =	shalt  }
0x66: {  	_ =	shalt  }
0x67: {  	_ =	shalt  }
0x68: {  	_ =	shalt  }
0x69: {  	_ =	shalt  }
0x6a: {  	_ =	shalt  }
0x6b: {  	_ =	shalt  }
0x6c: {  	_ =	shalt  }
0x6d: {  	_ =	shalt  }
0x6e: {  	_ =	shalt  }
0x6f: {  	_ =	shalt  }
0x70: {  	_ =	shalt  }
0x71: {  	_ =	shalt  }
0x72: {  	_ =	shalt  }
0x73: {  	_ =	shalt  }
0x74: {  	_ =	shalt  }
0x75: {  	_ =	shalt  }
0x76: {  	_ =	shalt  }
0x77: {  	_ =	shalt  }
0x78: {  	_ =	shalt  }
0x79: {  	_ =	shalt  }
0x7a: {  	_ =	shalt  }
0x7b: {  	_ =	shalt  }
0x7c: {  	_ =	shalt  }
0x7d: {  	_ =	shalt  }
0x7e: {  	_ =	shalt  }
0x7f: {  	_ =	shalt  }
0x80: {  	_ =	shalt  }
0x81: {  	_ =	shalt  }
0x82: {  	_ =	shalt  }
0x83: {  	_ =	shalt  }
0x84: {  	_ =	shalt  }
0x85: {  	_ =	shalt  }
0x86: {  	_ =	shalt  }
0x87: {  	_ =	shalt  }
.Lfunc_end0:
.L_simem_size_0:
called_computation_lowered:
.L_overlay_start_0:
0x88: {  	s2 =	sld [smem:$0x3FD9]  }
0x89: {  	s3 =	sld [smem:$0x3FFE];
	_ =	sdelay $0x1  }
0x8a: {  	s1 =	srdreg.scid  }
0x8b: {  	s0 =	sand.u32 $0x1, s1  }
0x8c: {  	s17 =	sshll.u32 s0, $0xA;
	s2 =	sadd.s32 s3, s2  }
0x8d: {  	s2 =	sadd.s32 s2, s17  }
0x8e: {  	[smem:$0x3FC0] =	sst s2  }
0x8f: {  	_ = 	snop  }
0x90: {  	s2 =	sld [smem:$0x3FC9];
	(tm) =	ssettm $0x1  }
0x91: {  	s18 =	sld [smem:$0x3FFB];
	_ =	sdelay $0x3  }
0x92: {  	_ =	strace s18  }
0x93: {  	s3 =	sld [smem:$0x3FFC];
	_ =	sdelay $0x3  }
0x94: {  	_ =	strace s3  }
0x95: {  	s3 =	sld [smem:$0x3FFD];
	_ =	sdelay $0x3  }
0x96: {  	_ =	strace s3  }
0x97: {  	_ =	strace $0x8FFFFFFF  }
0x98: {  	s19 =	sld [smem:$0x3FDB];
	_ =	sdelay $0x1  }
0x99: {  	s4 =	simm.s32 $_scs_section_size  }
0x9a: {  	s5 =	simm.s32 $_size__tile_overlayer_lowered;
	s6 =	simm.s32 $_tile_overlayer_lowered  }
0x9b: {  	s22 =	simm.s32 $0x1BFF;
	s21 =	sshll.u32 s6, $0x1;
	s3 =	sadd.s32 s4, s19  }
0x9c: {  	s7 =	simm.s32 $0x0;
	s20 =	sshll.u32 s5, $0x1;
	s5 =	sadd.s32 s21, s3  }
0x9d: {  	[timem:s7], [sflag:s22] =	dma.local [hbm:s5], s20  }
0x9e: {  	_ =	swait.ge [sflag:s22], s20  }
0x9f: {  	s4 =	ssub.s32 $0x0, s20;
	[sflag:s22] =	ssyncset.done $0x0  }
0xa0: {  	[sflag:s22] =	ssyncadd.s32 s4;
	_ =	sdelay $0x1  }
0xa1: {  	s23 =	simm.s32 $0x1B8B  }
0xa2: {  	_ =	swait.ge [sflag:s23], $0x1  }
0xa3: {  	[sflag:s23] =	ssyncset.done $0x0  }
0xa4: {  	s25 =	simm.s32 $0x1B8E;
	s24 =	sld [smem:$0x3FFE];
	[sflag:s23] =	ssyncadd.s32 $0xFFFFFFFF  }
0xa5: {  	s26 =	simm.s32 $execute0_lowered;
	[smem:$0x3FD2] =	sst s25  }
0xa6: {  	s5 =	sshll.u32 s26, $0x1;
	_ =	strace $0x80000046;
	[dreg:$0x1] =	wrdreg $0xFFFFFFFF  }
0xa7: {  	s28 =	simm.s32 $_size_execute0_lowered;
	s3 =	sadd.s32 s3, s5;
	[dreg:$0x0] =	wrdreg $0x0  }
0xa8: {  	s5 =	sshll.u32 s28, $0x1;
	[dreg:$0x2] =	wrdreg s3  }
0xa9: {  	[dreg:$0x3] =	wrdreg s5  }
0xaa: {  	[dreg:$0x4] =	wrdreg $0xC0  }
0xab: {  	_ =	task [dreg:s7], $0x5FFFF  }
0xac: {  	[dreg:$0x1] =	wrdreg $0xFFFFFFFF  }
0xad: {  	[dreg:$0x0] =	wrdreg $0x60  }
0xae: {  	[dreg:$0x2] =	wrdreg s2  }
0xaf: {  	[dreg:$0x3] =	wrdreg s24  }
0xb0: {  	[dreg:$0x4] =	wrdreg $0xA0000  }
0xb1: {  	[dreg:$0x5] =	wrdreg $0x9  }
0xb2: {  	_ =	task.clear_ibuf [dreg:s7], $0x6FFFF;
	_ =	strace $0x90000046  }
0xb3: {  	s29 =	simm.s32 $0x9;
	_ =	strace $0x80000048  }
0xb4: {  	_ =	swait.ge [sflag:s29], $0x1  }
0xb5: {  	[sflag:s29] =	ssyncadd.s32 $0xFFFFFFFF  }
0xb6: {  	_ =	strace $0x90000048  }
0xb7: {  	_ =	sfence  }
0xb8: {  	s30 =	sld [smem:$0x0];
	_ =	sdelay $0x2  }
0xb9: {  	s31 =	sshll.u32 s1, $0xD;
	s1 =	sshrl.u32 s1, $0x2  }
0xba: {  	s3 =	sand.u32 $0x4000, s31;
	s1 =	sadd.s32 s1, s30  }
0xbb: {  	s0 =	sor.u32 s3, s0;
	s1 =	sshll.u32 s1, $0x11  }
0xbc: {  	s0 =	sor.u32 s1, s0  }
0xbd: {  	s0 =	sadd.s32 $0x8F2B, s0  }
0xbe: {  	[sflag:s0] =	ssyncadd.remote.s32 $0x1  }
0xbf: {  	_ =	sfence.sel $0xFFFF  }
0xc0: {  	[dreg:$0x0] =	wrdreg $0xFFFFFFFF;
	(pc) =	sbr.abs _section_cstart, $3  }
0xc1: {  	[dreg:$0x1] =	wrdreg $0xFFFFFFFF  }
0xc2: {  	_ =	task.clear_ibuf [dreg:s7], $0x2FFFF;
	_ =	strace $0x9FFFFFFF  }
0xc3: {  	(tm) =	ssettm $0x7FFFFFFF  }
tec
execute0_lowered:
.L_overlay_start_1:
0x0: {  	(tag) =	ssettag $0x1  }
0x1: {  	s2 =	rddreg [dreg:$0x0]  }
0x2: {  	s0 =	srdreg.scid;
	s6 =	rddreg [dreg:$0x1]  }
0x3: {  	s10 =	stileid.u32;
	s3 =	rddreg [dreg:$0x2]  }
0x4: {  	s4 =	simm.s32 $0x0;
	s12 =	simm.s32 $0x9;
	s14 =	simm.s32 $0x40  }
0x5: {  	s15 =	simm.s32 $0x2000;
	s17 =	simm.s32 $0x4000;
	s19 =	simm.s32 $0x6000  }
0x6: {  	s21 =	simm.s32 $0x8000;
	s22 =	simm.s32 $0x1;
	s23 =	simm.s32 $0x2  }
0x7: {  	s24 =	simm.s32 $0x3;
	s28 =	simm.s32 $0x6;
	s29 =	simm.s32 $0x7  }
0x8: {  	s30 =	simm.s32 $0x8;
	s13 =	simm.s32 $0x1F80;
	s16 =	simm.s32 $0x0  }
0x9: {  	s0 =	sand.u32 $0x1, s0;
	s7 =	smul.u32 $0x13C00, s10;
	[smem:$0x7FF] =	sst s4  }
0xa: {  	s8 =	smul.u32 $0x4F000, s10;
	s31 =	sshll.u32 s10, $0x6;
	s1 =	sshll.u32 s0, $0x4  }
0xb: {  	s5 =	smul.u32 $0x13C000, s0;
	_ =	strace $0x80000047;
	s0 =	ssub.s32 $0x2, s0  }
0xc: {  	s1 =	sor.u32 s10, s1;
	s25 =	sshrl.u32 s0, $0x1;
	s26 =	sshrl.u32 s8, $0x2  }
0xd: {  	s1 =	smul.u32 $0xA00, s1;
	s5 =	sadd.s32 s7, s5;
	s0 =	ssub.s32 s0, s25  }
0xe: {  	s11 =	sadd.s32 s26, s3;
	s25 =	simm.s32 $0x4;
	s26 =	simm.s32 $0x5  }
0xf: {  	s7 =	sshrl.u32 s5, $0x3;
	s5 =	sadd.s32 $0x2B800, s6;
	s10 =	smax.u32 s0, $0x1  }
0x10: {  	s11 =	sshrl.u32 s11, $0x3;
	s0 =	simm.s32 $0x1F00;
	s1 =	sadd.s32 s1, s6  }
0x11: {  	s9 =	sadd.s32 s7, s6;
	s6 =	sor.u32 $0x1C09, s31;
	s7 =	sadd.s32 $0x17800, s1  }
0x12: {  	s8 =	sadd.s32 $0x3800, s1;
	s9 =	sadd.s32 $0x2E000, s9;
	s1 =	simm.s32 $0x1E80  }
.LBB2_1:
0x13: {  	[spmem:s11], [sflag:s6] =	dma.local [hbm:s5], $0x2780  }
0x14: {  	_ =	swait.ge [sflag:s12], $0x2780  }
0x15: {  	[sflag:s12] =	ssyncset.done $0x0  }
0x16: {  	[sflag:s12] =	ssyncadd.s32 $0xFFFFD880  }
0x17: {  	[bflag:$0x0] =	sbarrier.arrive $0xFFFF  }
0x18: {  	[tilespmem:s4], [sflag:$0x9] =	stream.linear.gather [hbm4b:s7+s4], $0x1000, $0x38;
	[tilespmem:$0x1DC00] =	vst v63  }
0x19: {  	_ =	swait.ge [sflag:s12], $0x1000  }
0x1a: {  	[sflag:s12] =	ssyncset.done $0x0  }
0x1b: {  	s18 =	simm.s32 $0x1000;
	[sflag:s12] =	ssyncadd.s32 $0xFFFFF000  }
0x1c: {  	[tilespmem:s18], [sflag:$0x9] =	stream.linear.gather [hbm4b:s8+s4], $0x1000, $0x38;
	[tilespmem:$0x1DC00] =	vst v63  }
0x1d: {  	_ =	swait.ge [sflag:s12], $0x1000  }
0x1e: {  	[sflag:s12] =	ssyncset.done $0x0  }
0x1f: {  	[sflag:s12] =	ssyncadd.s32 $0xFFFFF000  }
0x20: {  	[tilespmem:s15], [sflag:$0x1] =	stream.indirect.gather [hbm4b:s2+s14], $0x80, s4, s14, $0xb8;
	[tilespmem:$0x1DC00] =	vst v63  }
0x21: {  	s20 =	simm.s32 $0x80  }
0x22: {  	[tilespmem:s17], [sflag:$0x2] =	stream.indirect.gather [hbm4b:s2+s14], $0x80, s20, s14, $0xb8;
	[tilespmem:$0x1DC00] =	vst v63  }
0x23: {  	s31 =	simm.s32 $0x100  }
0x24: {  	[tilespmem:s19], [sflag:$0x3] =	stream.indirect.gather [hbm4b:s2+s14], $0x80, s31, s14, $0xb8;
	[tilespmem:$0x1DC00] =	vst v63  }
0x25: {  	s20 =	simm.s32 $0x180  }
0x26: {  	[tilespmem:s21], [sflag:$0x4] =	stream.indirect.gather [hbm4b:s2+s14], $0x80, s20, s14, $0xb8;
	[tilespmem:$0x1DC00] =	vst v63  }
0x27: {  	_ =	swait.ge [sflag:s22], $0x2000  }
0x28: {  	[sflag:s22] =	ssyncset.done $0x0  }
0x29: {  	s31 =	simm.s32 $0x1000;
	[sflag:s22] =	ssyncadd.s32 $0xFFFFE000  }
0x2a: {  	[spmem:s3] =	stream.indirect.scatter.add.f32 [tilespmem:s15], [sflag:$0x5], $0x80, s31, s14, $0xb8;
	[tilespmem:$0x1DC00] =	vst v63  }
0x2b: {  	_ =	swait.ge [sflag:s23], $0x2000  }
0x2c: {  	[sflag:s23] =	ssyncset.done $0x0  }
0x2d: {  	s20 =	simm.s32 $0x1080;
	[sflag:s23] =	ssyncadd.s32 $0xFFFFE000  }
0x2e: {  	[spmem:s3] =	stream.indirect.scatter.add.f32 [tilespmem:s17], [sflag:$0x6], $0x80, s20, s14, $0xb8;
	[tilespmem:$0x1DC00] =	vst v63  }
0x2f: {  	_ =	swait.ge [sflag:s24], $0x2000  }
0x30: {  	[sflag:s24] =	ssyncset.done $0x0  }
0x31: {  	s31 =	simm.s32 $0x1100;
	[sflag:s24] =	ssyncadd.s32 $0xFFFFE000  }
0x32: {  	[spmem:s3] =	stream.indirect.scatter.add.f32 [tilespmem:s19], [sflag:$0x7], $0x80, s31, s14, $0xb8;
	[tilespmem:$0x1DC00] =	vst v63  }
0x33: {  	_ =	swait.ge [sflag:s25], $0x2000  }
0x34: {  	[sflag:s25] =	ssyncset.done $0x0  }
0x35: {  	s20 =	simm.s32 $0x1180;
	[sflag:s25] =	ssyncadd.s32 $0xFFFFE000  }
0x36: {  	[spmem:s3] =	stream.indirect.scatter.add.f32 [tilespmem:s21], [sflag:$0x8], $0x80, s20, s14, $0xb8;
	[tilespmem:$0x1DC00] =	vst v63  }
0x37: {  	_ =	swait.ge [sflag:s26], $0x2000  }
0x38: {  	[sflag:s26] =	ssyncset.done $0x0  }
0x39: {  	s31 =	simm.s32 $0x200;
	[sflag:s26] =	ssyncadd.s32 $0xFFFFE000  }
0x3a: {  	[tilespmem:s15], [sflag:$0x1] =	stream.indirect.gather [hbm4b:s2+s14], $0x80, s31, s14, $0xb8;
	[tilespmem:$0x1DC00] =	vst v63  }
0x3b: {  	_ =	swait.ge [sflag:s28], $0x2000  }
0x3c: {  	[sflag:s28] =	ssyncset.done $0x0  }
0x3d: {  	s20 =	simm.s32 $0x280;
	[sflag:s28] =	ssyncadd.s32 $0xFFFFE000  }
0x3e: {  	[tilespmem:s17], [sflag:$0x2] =	stream.indirect.gather [hbm4b:s2+s14], $0x80, s20, s14, $0xb8;
	[tilespmem:$0x1DC00] =	vst v63  }
0x3f: {  	_ =	swait.ge [sflag:s29], $0x2000  }
0x40: {  	[sflag:s29] =	ssyncset.done $0x0  }
0x41: {  	s31 =	simm.s32 $0x300;
	[sflag:s29] =	ssyncadd.s32 $0xFFFFE000  }
0x42: {  	[tilespmem:s19], [sflag:$0x3] =	stream.indirect.gather [hbm4b:s2+s14], $0x80, s31, s14, $0xb8;
	[tilespmem:$0x1DC00] =	vst v63  }
0x43: {  	_ =	swait.ge [sflag:s30], $0x2000  }
0x44: {  	[sflag:s30] =	ssyncset.done $0x0  }
0x45: {  	s18 =	simm.s32 $0x800;
	s20 =	simm.s32 $0x380;
	[sflag:s30] =	ssyncadd.s32 $0xFFFFE000  }
.LBB2_2:
0x46: {  	[tilespmem:s21], [sflag:$0x4] =	stream.indirect.gather [hbm4b:s2+s14], $0x80, s20, s14, $0xb8;
	[tilespmem:$0x1DC00] =	vst v63  }
0x47: {  	s20 =	smov.u32 s18  }
0x48: {  	p0 =	sne.s32 s18, $0x3000;
	s18 =	sadd.s32 $0x800, s18;
	_ =	swait.ge [sflag:s22], $0x2000  }
0x49: {  	s20 =	sshra.s32 s20, $0x2;
	[sflag:s22] =	ssyncset.done $0x0  }
0x4a: {  	s31 =	sadd.s32 $0x1000, s20;
	[sflag:s22] =	ssyncadd.s32 $0xFFFFE000  }
0x4b: {  	[spmem:s3] =	stream.indirect.scatter.add.f32 [tilespmem:s15], [sflag:$0x5], $0x80, s31, s14, $0xb8;
	[tilespmem:$0x1DC00] =	vst v63  }
0x4c: {  	_ =	swait.ge [sflag:s23], $0x2000  }
0x4d: {  	[sflag:s23] =	ssyncset.done $0x0  }
0x4e: {  	s31 =	sadd.s32 $0x1080, s20;
	[sflag:s23] =	ssyncadd.s32 $0xFFFFE000  }
0x4f: {  	[spmem:s3] =	stream.indirect.scatter.add.f32 [tilespmem:s17], [sflag:$0x6], $0x80, s31, s14, $0xb8;
	[tilespmem:$0x1DC00] =	vst v63  }
0x50: {  	_ =	swait.ge [sflag:s24], $0x2000  }
0x51: {  	[sflag:s24] =	ssyncset.done $0x0  }
0x52: {  	s31 =	sadd.s32 $0x1100, s20;
	[sflag:s24] =	ssyncadd.s32 $0xFFFFE000  }
0x53: {  	[spmem:s3] =	stream.indirect.scatter.add.f32 [tilespmem:s19], [sflag:$0x7], $0x80, s31, s14, $0xb8;
	[tilespmem:$0x1DC00] =	vst v63  }
0x54: {  	_ =	swait.ge [sflag:s25], $0x2000  }
0x55: {  	[sflag:s25] =	ssyncset.done $0x0  }
0x56: {  	s31 =	sadd.s32 $0x1180, s20;
	[sflag:s25] =	ssyncadd.s32 $0xFFFFE000  }
0x57: {  	[spmem:s3] =	stream.indirect.scatter.add.f32 [tilespmem:s21], [sflag:$0x8], $0x80, s31, s14, $0xb8;
	[tilespmem:$0x1DC00] =	vst v63  }
0x58: {  	_ =	swait.ge [sflag:s26], $0x2000  }
0x59: {  	[sflag:s26] =	ssyncset.done $0x0  }
0x5a: {  	s31 =	sadd.s32 $0x200, s20;
	[sflag:s26] =	ssyncadd.s32 $0xFFFFE000  }
0x5b: {  	[tilespmem:s15], [sflag:$0x1] =	stream.indirect.gather [hbm4b:s2+s14], $0x80, s31, s14, $0xb8;
	[tilespmem:$0x1DC00] =	vst v63  }
0x5c: {  	_ =	swait.ge [sflag:s28], $0x2000  }
0x5d: {  	[sflag:s28] =	ssyncset.done $0x0  }
0x5e: {  	s31 =	sadd.s32 $0x280, s20;
	[sflag:s28] =	ssyncadd.s32 $0xFFFFE000  }
0x5f: {  	[tilespmem:s17], [sflag:$0x2] =	stream.indirect.gather [hbm4b:s2+s14], $0x80, s31, s14, $0xb8;
	[tilespmem:$0x1DC00] =	vst v63  }
0x60: {  	_ =	swait.ge [sflag:s29], $0x2000  }
0x61: {  	[sflag:s29] =	ssyncset.done $0x0  }
.Ltmp0:
0x62: {  	s31 =	sadd.s32 $0x300, s20;
	[sflag:s29] =	ssyncadd.s32 $0xFFFFE000;
	(pc) =	sbr.rel @p0 .LBB2_2-.Ltmp0, $4  }
0x63: {  	[tilespmem:s19], [sflag:$0x3] =	stream.indirect.gather [hbm4b:s2+s14], $0x80, s31, s14, $0xb8;
	[tilespmem:$0x1DC00] =	vst v63  }
0x64: {  	_ =	swait.ge [sflag:s30], $0x2000  }
0x65: {  	[sflag:s30] =	ssyncset.done $0x0  }
0x66: {  	s20 =	sadd.s32 $0x380, s20;
	[sflag:s30] =	ssyncadd.s32 $0xFFFFE000  }
0x67: {  	[tilespmem:s21], [sflag:$0x4] =	stream.indirect.gather [hbm4b:s2+s14], $0x80, s20, s14, $0xb8;
	[tilespmem:$0x1DC00] =	vst v63  }
0x68: {  	_ =	swait.ge [sflag:s22], $0x2000  }
0x69: {  	[sflag:s22] =	ssyncset.done $0x0  }
0x6a: {  	s18 =	simm.s32 $0x1E00;
	[sflag:s22] =	ssyncadd.s32 $0xFFFFE000  }
0x6b: {  	[spmem:s3] =	stream.indirect.scatter.add.f32 [tilespmem:s15], [sflag:$0x5], $0x80, s18, s14, $0xb8;
	[tilespmem:$0x1DC00] =	vst v63  }
0x6c: {  	_ =	swait.ge [sflag:s23], $0x2000  }
0x6d: {  	[sflag:s23] =	ssyncset.done $0x0  }
0x6e: {  	[sflag:s23] =	ssyncadd.s32 $0xFFFFE000  }
0x6f: {  	[spmem:s3] =	stream.indirect.scatter.add.f32 [tilespmem:s17], [sflag:$0x6], $0x80, s1, s14, $0xb8;
	[tilespmem:$0x1DC00] =	vst v63  }
0x70: {  	_ =	swait.ge [sflag:s24], $0x2000  }
0x71: {  	[sflag:s24] =	ssyncset.done $0x0  }
0x72: {  	[sflag:s24] =	ssyncadd.s32 $0xFFFFE000  }
0x73: {  	[spmem:s3] =	stream.indirect.scatter.add.f32 [tilespmem:s19], [sflag:$0x7], $0x80, s0, s14, $0xb8;
	[tilespmem:$0x1DC00] =	vst v63  }
0x74: {  	_ =	swait.ge [sflag:s25], $0x2000  }
0x75: {  	[sflag:s25] =	ssyncset.done $0x0  }
0x76: {  	[sflag:s25] =	ssyncadd.s32 $0xFFFFE000  }
0x77: {  	[spmem:s3] =	stream.indirect.scatter.add.f32 [tilespmem:s21], [sflag:$0x8], $0x80, s13, s14, $0xb8;
	[tilespmem:$0x1DC00] =	vst v63  }
0x78: {  	_ =	swait.ge [sflag:s26], $0x2000  }
0x79: {  	[sflag:s26] =	ssyncset.done $0x0  }
0x7a: {  	[sflag:s26] =	ssyncadd.s32 $0xFFFFE000  }
0x7b: {  	_ =	swait.ge [sflag:s28], $0x2000  }
0x7c: {  	[sflag:s28] =	ssyncset.done $0x0  }
0x7d: {  	[sflag:s28] =	ssyncadd.s32 $0xFFFFE000  }
0x7e: {  	_ =	swait.ge [sflag:s29], $0x2000  }
0x7f: {  	[sflag:s29] =	ssyncset.done $0x0  }
0x80: {  	[sflag:s29] =	ssyncadd.s32 $0xFFFFE000  }
0x81: {  	_ =	swait.ge [sflag:s30], $0x2000  }
0x82: {  	s16 =	sadd.s32 $0x1, s16;
	[sflag:s30] =	ssyncset.done $0x0  }
0x83: {  	p0 =	sne.s32 s16, s10;
	[sflag:s30] =	ssyncadd.s32 $0xFFFFE000  }
.Ltmp1:
0x84: {  	[bflag:$0x0] =	sbarrier.arrive $0xFFFF;
	(pc) =	sbr.rel @p0 .LBB2_1-.Ltmp1, $4  }
0x85: {  	[hbm:s9], [sflag:s6] =	dma.local [spmem:s11], $0x2780  }
0x86: {  	_ =	swait.ge [sflag:s12], $0x2780  }
0x87: {  	[sflag:s12] =	ssyncset.done $0x0  }
0x88: {  	[sflag:s12] =	ssyncadd.s32 $0xFFFFD880  }
0x89: {  	_ =	sfence.sel $0x180000  }
0x8a: {  	[bflag:$0x0] =	sbarrier.arrive $0xFFFF  }
0x8b: {  	_ =	strace $0x90000047  }
0x8c: {  	s0 =	stileid.u32;
	[bflag:$0x2] =	sbarrier.arrive $0xFFFF  }
0x8d: {  	p0 =	sne.s32 s0, $0x0;
	s0 =	rddreg [dreg:$0x3]  }
0x8e: {  	s0 =	sadd.s32 @!p0 $0x100000, s0  }
0x8f: {  	[sflag:s0] =	ssyncadd.tile.s32 @!p0 $0x1;
	_ =	shalt  }
.Lfunc_end2:
_tile_overlayer_lowered:
.L_overlay_start_2:
0x90: {  	(tag) =	ssettag $0x2  }
0x91: {  	s0 =	rddreg [dreg:$0x0];
	s2 =	stileid.u32  }
0x92: {  	s1 =	rddreg [dreg:$0x1];
	p0 =	sne.s32 s2, $0x0  }
0x93: {  	s3 =	rddreg [dreg:$0x2];
	[bflag:$0x3] =	sbarrier.arrive $0xFFFF;
	s2 =	simm.s32 @!p0 $0x1C09  }
0x94: {  	[timem:s3], [sflag:s2] =	dma.local @!p0 [hbm:s0], s1  }
0x95: {  	s0 =	simm.s32 @!p0 $0x9  }
0x96: {  	_ =	swait.ge @!p0 [sflag:s0], s1  }
0x97: {  	s1 =	ssub.s32 @!p0 $0x0, s1;
	[sflag:s0] =	ssyncset.done @!p0 $0x0  }
0x98: {  	[sflag:s0] =	ssyncadd.s32 @!p0 s1  }
0x99: {  	[bflag:$0x3] =	sbarrier.arrive $0xFFFF  }
0x9a: {  	_ =	shalt  }

</sc_bundles>
